<compile_context>
chip_gen: v7x
topology: tpu7x:2x2x1
jax: 0.10.2.dev20260603
libtpu: 0.0.44.dev20260713+nightly
codegen_flags: <defaults>
</compile_context>

<pallas_src>
import functools
import numpy as np
import jax
import jax.numpy as jnp
from jax import lax
from jax.experimental import pallas as pl
from jax.experimental.pallas import tpu as pltpu
from jax.experimental.pallas import tpu_sc as plsc

H = 4
C = 128
TE = 32
EE = 128
MEM = 128
N = 10000
E = 160000
B = 64
NODE_DIM = EE + MEM
EDGE_DIM = TE + EE
NUM_BLOCK = 3
HC = H * C

NW = 32
EB = 512
NB = 400
NBLK = N // NB
E_PAD = E + EB
PER_W = E_PAD // NW
GCH = 200
G_FULL = PER_W // GCH
G_TAIL = PER_W - G_FULL * GCH

def _sc_gather(table, idx, D):

    @functools.partial(
        pl.kernel,
        mesh=plsc.VectorSubcoreMesh(core_axis_name="c", subcore_axis_name="s"),
        out_type=jax.ShapeDtypeStruct((E_PAD, D), jnp.float32),
        scratch_types=[
            pltpu.VMEM((GCH,), jnp.int32),
            pltpu.VMEM((GCH, D), jnp.float32),
            pltpu.VMEM((G_TAIL,), jnp.int32),
            pltpu.VMEM((G_TAIL, D), jnp.float32),
            pltpu.SemaphoreType.DMA,
        ],
    )
    def k(table_hbm, idx_hbm, out_hbm, idx_v, rows_v, idx_t, rows_t, sem):
        wid = lax.axis_index("s") * 2 + lax.axis_index("c")
        base = wid * PER_W

        def body(j, carry):
            off = base + j * GCH
            pltpu.sync_copy(idx_hbm.at[pl.ds(off, GCH)], idx_v)
            pltpu.async_copy(table_hbm.at[idx_v], rows_v, sem).wait()
            pltpu.sync_copy(rows_v, out_hbm.at[pl.ds(off, GCH)])
            return carry

        lax.fori_loop(0, G_FULL, body, 0)
        toff = base + G_FULL * GCH
        pltpu.sync_copy(idx_hbm.at[pl.ds(toff, G_TAIL)], idx_t)
        pltpu.async_copy(table_hbm.at[idx_t], rows_t, sem).wait()
        pltpu.sync_copy(rows_t, out_hbm.at[pl.ds(toff, G_TAIL)])

    return k(table, idx)


def _node_ts_kernel(b_ref, t_ref, o_ref):
    bid = jax.lax.broadcasted_iota(jnp.int32, (1000, B), 1)
    sel = (b_ref[...] == bid).astype(jnp.float32)
    o_ref[...] = jnp.sum(sel * t_ref[...], axis=1, keepdims=True)


def _node_ts(batch, ts):
    return pl.pallas_call(
        _node_ts_kernel,
        grid=(N // 1000,),
        in_specs=[
            pl.BlockSpec((1000, 1), lambda i: (i, 0)),
            pl.BlockSpec((1, B), lambda i: (0, 0)),
        ],
        out_specs=pl.BlockSpec((1000, 1), lambda i: (i, 0)),
        out_shape=jax.ShapeDtypeStruct((N, 1), jnp.float32),
    )(batch.reshape(N, 1), ts.reshape(1, B))


def _proj_kernel(x_ref, wq_ref, wk_ref, wv_ref, ws_ref, bq_ref, bk_ref,
                 bv_ref, bs_ref, q_ref, k_ref, v_ref, s_ref):
    x = x_ref[...]
    f32 = jnp.float32
    q_ref[...] = jnp.dot(x, wq_ref[...], preferred_element_type=f32) + bq_ref[...]
    k_ref[...] = jnp.dot(x, wk_ref[...], preferred_element_type=f32) + bk_ref[...]
    v_ref[...] = jnp.dot(x, wv_ref[...], preferred_element_type=f32) + bv_ref[...]
    s_ref[...] = jnp.dot(x, ws_ref[...], preferred_element_type=f32) + bs_ref[...]


def _proj(x, wq, wk, wv, ws, bq, bk, bv, bs):
    ind = x.shape[1]
    blk = 1000
    wspec = pl.BlockSpec((ind, HC), lambda i: (0, 0))
    bspec = pl.BlockSpec((1, HC), lambda i: (0, 0))
    ospec = pl.BlockSpec((blk, HC), lambda i: (i, 0))
    oshape = jax.ShapeDtypeStruct((N, HC), jnp.float32)
    return pl.pallas_call(
        _proj_kernel,
        grid=(N // blk,),
        in_specs=[pl.BlockSpec((blk, ind), lambda i: (i, 0)),
                  wspec, wspec, wspec, wspec, bspec, bspec, bspec, bspec],
        out_specs=[ospec, ospec, ospec, ospec],
        out_shape=[oshape, oshape, oshape, oshape],
    )(x, wq, wk, wv, ws, bq.reshape(1, HC), bk.reshape(1, HC),
      bv.reshape(1, HC), bs.reshape(1, HC))


EB2 = 1056


def _eproj_body(ea_ref, ts_ref, tw_ref, tb_ref, wt_ref, wa_ref, be_ref, o_ref):
    ea = ea_ref[...]
    rel_t = ts_ref[...] - ea[:, EE:EE + 1]
    rel_emb = jnp.cos(rel_t * tw_ref[...] + tb_ref[...])
    o_ref[...] = (jnp.dot(rel_emb, wt_ref[...], preferred_element_type=jnp.float32)
                  + jnp.dot(ea[:, :EE], wa_ref[...], preferred_element_type=jnp.float32)
                  + be_ref[...])


def _eproj(ea_ext_s, ts_col, te_w, te_b, We, be):
    return pl.pallas_call(
        _eproj_body,
        grid=(E_PAD // EB2,),
        in_specs=[
            pl.BlockSpec((EB2, 256), lambda i: (i, 0)),
            pl.BlockSpec((EB2, 1), lambda i: (i, 0)),
            pl.BlockSpec((1, TE), lambda i: (0, 0)),
            pl.BlockSpec((1, TE), lambda i: (0, 0)),
            pl.BlockSpec((TE, HC), lambda i: (0, 0)),
            pl.BlockSpec((EE, HC), lambda i: (0, 0)),
            pl.BlockSpec((1, HC), lambda i: (0, 0)),
        ],
        out_specs=pl.BlockSpec((EB2, HC), lambda i: (i, 0)),
        out_shape=jax.ShapeDtypeStruct((E_PAD, HC), jnp.float32),
    )(ea_ext_s, ts_col, te_w.reshape(1, TE), te_b.reshape(1, TE),
      We[:TE], We[TE:], be.reshape(1, HC))


_INV_SQRT_C = np.float32(1.0 / np.sqrt(C))
_NEG = np.float32(-1e30)


def _attn_kernel(offs_ref, q_ref, s_ref, dst_ref, kg_ref, vg_ref, e_ref,
                 o_ref, adump_ref,
                 bd_ref, b1_ref, b2_ref, ba_ref, sem):
    nb = pl.program_id(0)
    off0 = offs_ref[nb]
    off1 = offs_ref[nb + 1]
    astart = (off0 // 8) * 8
    nch = (off1 - astart + EB - 1) // EB
    base = nb * NB

    lane_iota = jax.lax.broadcasted_iota(jnp.int32, (EB, NB), 1)

    def load_chunk(j, big1_src, big2_src):
        start = astart + j * EB
        cp0 = pltpu.make_async_copy(dst_ref.at[pl.ds(start, EB)], bd_ref, sem)
        cp0.start()
        cp1 = pltpu.make_async_copy(big1_src.at[pl.ds(start, EB)], b1_ref, sem)
        cp1.start()
        cp2 = pltpu.make_async_copy(big2_src.at[pl.ds(start, EB)], b2_ref, sem)
        cp2.start()
        cp0.wait(); cp1.wait(); cp2.wait()
        dl = bd_ref[...] - base
        valid = jnp.logical_and(dl >= 0, dl < NB)
        S = jnp.logical_and(dl == lane_iota, valid)
        return start, S, S.astype(jnp.float32), valid

    q_blk = q_ref[...]

    def phase_a(j, m):
        start, S, Sf, valid = load_chunk(j, kg_ref, e_ref)
        qrows = jax.lax.dot_general(Sf, q_blk, (((1,), (0,)), ((), ())),
                                    preferred_element_type=jnp.float32)
        kj = b1_ref[...] + b2_ref[...]
        prod = qrows * kj
        cols = [jnp.sum(prod[:, h * C:(h + 1) * C], axis=1, keepdims=True)
                for h in range(H)]
        alpha = jnp.concatenate(cols, axis=1) * _INV_SQRT_C
        ba_ref[...] = alpha
        cpa = pltpu.make_async_copy(ba_ref, adump_ref.at[pl.ds(start, EB)], sem)
        cpa.start(); cpa.wait()
        new_m = []
        for h in range(H):
            mh = jnp.max(jnp.where(S, alpha[:, h:h + 1], _NEG),
                         axis=0, keepdims=True)
            new_m.append(jnp.maximum(m[h], mh))
        return tuple(new_m)

    m0 = tuple(jnp.full((1, NB), _NEG, jnp.float32) for _ in range(H))
    m = lax.fori_loop(0, nch, phase_a, m0)
    mrow4 = jnp.concatenate([jnp.where(mh < np.float32(-0.9e30), 0.0, mh)
                             for mh in m], axis=0)
    eye = (jax.lax.broadcasted_iota(jnp.int32, (NB, NB), 0)
           == jax.lax.broadcasted_iota(jnp.int32, (NB, NB), 1)).astype(jnp.float32)
    m_cols = jax.lax.dot_general(eye, mrow4, (((1,), (1,)), ((), ())),
                                 preferred_element_type=jnp.float32)

    def phase_b(j, carry):
        acc, den = carry
        start, S, Sf, valid = load_chunk(j, vg_ref, e_ref)
        cpa = pltpu.make_async_copy(adump_ref.at[pl.ds(start, EB)], ba_ref, sem)
        cpa.start(); cpa.wait()
        alpha = ba_ref[...]
        mrows = jax.lax.dot_general(Sf, m_cols, (((1,), (0,)), ((), ())),
                                    preferred_element_type=jnp.float32)
        ex = jnp.exp(jnp.minimum(alpha - mrows, 0.0))
        ex = jnp.where(valid, ex, 0.0)
        vj = b1_ref[...] + b2_ref[...]
        wv = jnp.concatenate(
            [vj[:, h * C:(h + 1) * C] * ex[:, h:h + 1] for h in range(H)], axis=1)
        wv = jnp.where(valid, wv, 0.0)
        den = den + jax.lax.dot_general(Sf, ex, (((0,), (0,)), ((), ())),
                                        preferred_element_type=jnp.float32)
        acc = acc + jax.lax.dot_general(Sf, wv, (((0,), (0,)), ((), ())),
                                        preferred_element_type=jnp.float32)
        return acc, den

    acc0 = jnp.zeros((NB, HC), jnp.float32)
    den0 = jnp.zeros((NB, H), jnp.float32)
    acc, den = lax.fori_loop(0, nch, phase_b, (acc0, den0))
    deninv = 1.0 / (den + np.float32(1e-16))
    out = jnp.concatenate(
        [acc[:, h * C:(h + 1) * C] * deninv[:, h:h + 1] for h in range(H)], axis=1)
    o_ref[...] = out + s_ref[...]


def _attention(offs, q, s_skip, dsts_pad, kg, vg, e_s):
    any_spec = pl.BlockSpec(memory_space=pl.ANY)
    return pl.pallas_call(
        _attn_kernel,
        grid=(NBLK,),
        in_specs=[
            pl.BlockSpec(memory_space=pltpu.SMEM),
            pl.BlockSpec((NB, HC), lambda i: (i, 0)),
            pl.BlockSpec((NB, HC), lambda i: (i, 0)),
            any_spec, any_spec, any_spec, any_spec,
        ],
        out_specs=[pl.BlockSpec((NB, HC), lambda i: (i, 0)), any_spec],
        out_shape=[jax.ShapeDtypeStruct((N, HC), jnp.float32),
                   jax.ShapeDtypeStruct((E_PAD, H), jnp.float32)],
        scratch_shapes=[
            pltpu.VMEM((EB, 1), jnp.int32),
            pltpu.VMEM((EB, HC), jnp.float32),
            pltpu.VMEM((EB, HC), jnp.float32),
            pltpu.VMEM((EB, H), jnp.float32),
            pltpu.SemaphoreType.DMA,
        ],
    )(offs, q, s_skip, dsts_pad, kg, vg, e_s)[0]


def _out_mm_kernel(h_ref, w_ref, b_ref, o_ref):
    o_ref[...] = jnp.dot(h_ref[...], w_ref[...],
                         preferred_element_type=jnp.float32) + b_ref[...]


def _out_matmul(h, w, b):
    blk = 1000
    return pl.pallas_call(
        _out_mm_kernel,
        grid=(N // blk,),
        in_specs=[
            pl.BlockSpec((blk, HC), lambda i: (i, 0)),
            pl.BlockSpec((HC, C), lambda i: (0, 0)),
            pl.BlockSpec((1, C), lambda i: (0, 0)),
        ],
        out_specs=pl.BlockSpec((blk, C), lambda i: (i, 0)),
        out_shape=jax.ShapeDtypeStruct((N, C), jnp.float32),
    )(h, w, b.reshape(1, C))


def kernel(event_type_ids, event_src_ids, event_dst_ids, event_embeddings,
           event_timestamps, graph_batch, graph_x, edge_index, edge_attr,
           edge_last_update, memory, te_w, te_b,
           Wq0, Wk0, Wv0, Ws0, We0, bq0, bk0, bv0, bs0, be0,
           Wq1, Wk1, Wv1, Ws1, We1, bq1, bk1, bv1, bs1, be1,
           Wq2, Wk2, Wv2, Ws2, We2, bq2, bk2, bv2, bs2, be2,
           Wout, bout):
    Wq = [Wq0, Wq1, Wq2]; Wk = [Wk0, Wk1, Wk2]; Wv = [Wv0, Wv1, Wv2]
    Ws = [Ws0, Ws1, Ws2]; We = [We0, We1, We2]
    bq = [bq0, bq1, bq2]; bk = [bk0, bk1, bk2]; bv = [bv0, bv1, bv2]
    bs = [bs0, bs1, bs2]; be = [be0, be1, be2]

    src = edge_index[0]
    dst = edge_index[1]

    perm = jnp.argsort(dst)
    dsts = dst[perm]
    srcs = src[perm]
    offs = jnp.searchsorted(dsts, jnp.arange(NBLK + 1, dtype=jnp.int32) * NB,
                            side='left').astype(jnp.int32)
    pad_i = jnp.zeros((E_PAD - E,), jnp.int32)
    perm_pad = jnp.concatenate([perm.astype(jnp.int32), pad_i])
    srcs_pad = jnp.concatenate([srcs.astype(jnp.int32), pad_i])
    dsts_pad = jnp.concatenate([dsts.astype(jnp.int32),
                                jnp.full((E_PAD - E,), N, jnp.int32)])

    x = jnp.concatenate([graph_x, memory], axis=-1)

    nts = _node_ts(graph_batch, event_timestamps)
    ea_ext = jnp.concatenate(
        [edge_attr, edge_last_update[:, None], jnp.zeros((E, 127), jnp.float32)],
        axis=1)
    ea_ext_s = _sc_gather(ea_ext, perm_pad, 256)
    nts_ext = jnp.concatenate([nts, jnp.zeros((N, 127), jnp.float32)], axis=1)
    ts_col = _sc_gather(nts_ext, srcs_pad, 128)[:, :1]

    h = None
    for i in range(NUM_BLOCK):
        xin = x if i == 0 else jnp.concatenate([h, x], axis=-1)
        q, k, v, s = _proj(xin, Wq[i], Wk[i], Wv[i], Ws[i],
                           bq[i], bk[i], bv[i], bs[i])
        kg = _sc_gather(k, srcs_pad, HC)
        vg = _sc_gather(v, srcs_pad, HC)
        e_s = _eproj(ea_ext_s, ts_col, te_w, te_b, We[i], be[i])
        h = _attention(offs, q, s, dsts_pad.reshape(E_PAD, 1), kg, vg, e_s)

    return _out_matmul(h, Wout, bout)

# --- scband reference (transcript-rebuilt; emitter-appended) ---
"""Pipeline reference for scband-temporal-graph-network-17910013624784 (READ-ONLY COPY).

The authoritative reference and input builder live on the scoring server;
editing this copy changes nothing except your own understanding.
"""

import jax, jax.numpy as jnp
import numpy as np

H = 4; C = 128; TE = 32; EE = 128; MEM = 128
N = 10000; E = 160000; B = 64
NODE_DIM = EE + MEM; EDGE_DIM = TE + EE; NUM_BLOCK = 3; HC = H * C


def _init_params(key):
    params = {}
    k = [key]
    def nk():
        k[0], sub = jax.random.split(k[0])
        return sub
    params['te_w'] = jax.random.normal(nk(), (TE,), jnp.float32)
    params['te_b'] = jax.random.normal(nk(), (TE,), jnp.float32)
    for i in range(NUM_BLOCK):
        in_dim = NODE_DIM if i == 0 else NODE_DIM + HC
        s = 1.0 / np.sqrt(in_dim)
        for name in ['Wq', 'Wk', 'Wv', 'Ws']:
            params['%s%d' % (name, i)] = jax.random.normal(nk(), (in_dim, HC), jnp.float32) * s
        params['We%d' % i] = jax.random.normal(nk(), (EDGE_DIM, HC), jnp.float32) * (1.0 / np.sqrt(EDGE_DIM))
        for name in ['bq', 'bk', 'bv', 'bs', 'be']:
            params['%s%d' % (name, i)] = jnp.zeros((HC,), jnp.float32)
    params['Wout'] = jax.random.normal(nk(), (HC, C), jnp.float32) * (1.0 / np.sqrt(HC))
    params['bout'] = jnp.zeros((C,), jnp.float32)
    return params


def setup_inputs(seed: int = 0):
    key = jax.random.key(seed)
    ks = jax.random.split(key, 12)
    inp = {
        'event_type_ids': jnp.zeros((B,), jnp.int32),
        'event_src_ids': jnp.zeros((B,), jnp.int32),
        'event_dst_ids': jnp.zeros((B,), jnp.int32),
        'event_embeddings': jax.random.normal(ks[0], (B, EE), jnp.float32),
        'event_timestamps': jax.random.uniform(ks[1], (B,), jnp.float32) * 100.0,
        'graph_batch': jnp.sort(jax.random.randint(ks[2], (N,), 0, B, dtype=jnp.int32)),
        'graph_x': jax.random.normal(ks[3], (N, EE), jnp.float32),
        'edge_index': jax.random.randint(ks[4], (2, E), 0, N, dtype=jnp.int32),
        'edge_attr': jax.random.normal(ks[5], (E, EE), jnp.float32),
        'edge_last_update': jax.random.uniform(ks[6], (E,), jnp.float32) * 100.0,
        'memory': jax.random.normal(ks[7], (N, MEM), jnp.float32),
    }
    inp.update(_init_params(ks[8]))
    return inp


def _time_encode(t, w, b):
    return jnp.cos(t[..., None] * w + b)


def _transformer_conv(x, edge_index, edge_attr, p, i):
    # PyG TransformerConv semantics: per-edge attention with edge features added
    # to both keys and values, segment-softmax over incoming edges per dst node,
    # concat heads, plus root (skip) linear.
    src, dst = edge_index[0], edge_index[1]
    n = x.shape[0]
    q = (x @ p['Wq%d' % i] + p['bq%d' % i]).reshape(n, H, C)
    k = (x @ p['Wk%d' % i] + p['bk%d' % i]).reshape(n, H, C)
    v = (x @ p['Wv%d' % i] + p['bv%d' % i]).reshape(n, H, C)
    e = (edge_attr @ p['We%d' % i] + p['be%d' % i]).reshape(-1, H, C)
    k_j = k[src] + e
    v_j = v[src] + e
    alpha = (q[dst] * k_j).sum(-1) / np.sqrt(C)  # (E, H)
    amax = jax.ops.segment_max(alpha, dst, num_segments=n)
    amax = jnp.where(jnp.isfinite(amax), amax, 0.0)
    ex = jnp.exp(alpha - amax[dst])
    den = jax.ops.segment_sum(ex, dst, num_segments=n)
    w = ex / (den[dst] + 1e-16)
    out = jax.ops.segment_sum(v_j * w[..., None], dst, num_segments=n).reshape(n, HC)
    return out + x @ p['Ws%d' % i] + p['bs%d' % i]


def _forward(fl, edge_index, graph_batch):
    # get_edge_timestamps: timestamps[batch[edge_index[0]]]
    edge_ts = fl['event_timestamps'][graph_batch[edge_index[0]]]
    rel_t = edge_ts - fl['edge_last_update']
    rel_emb = _time_encode(rel_t, fl['te_w'], fl['te_b'])  # (E, TE)
    x = jnp.concatenate([fl['graph_x'], fl['memory']], axis=-1)  # (N, 256)
    edge_attr = jnp.concatenate([rel_emb, fl['edge_attr']], axis=-1)  # (E, 160)
    h = _transformer_conv(x, edge_index, edge_attr, fl, 0)
    for i in range(1, NUM_BLOCK):
        h = _transformer_conv(jnp.concatenate([h, x], axis=-1), edge_index, edge_attr, fl, i)
    return h @ fl['Wout'] + fl['bout']


def reference(event_type_ids, event_src_ids, event_dst_ids, event_embeddings,
              event_timestamps, graph_batch, graph_x, edge_index, edge_attr,
              edge_last_update, memory, te_w, te_b,
              Wq0, Wk0, Wv0, Ws0, We0, bq0, bk0, bv0, bs0, be0,
              Wq1, Wk1, Wv1, Ws1, We1, bq1, bk1, bv1, bs1, be1,
              Wq2, Wk2, Wv2, Ws2, We2, bq2, bk2, bv2, bs2, be2,
              Wout, bout):
    # All events are pad (event_type_ids == 0), so update_batched_graph_memory is
    # identity: updated graph == input graph, updated memory == input memory.
    # The graded computation is the node-embedding path (TransformerConvStack).
    inp = {
        'event_type_ids': event_type_ids,
        'event_src_ids': event_src_ids,
        'event_dst_ids': event_dst_ids,
        'event_embeddings': event_embeddings,
        'event_timestamps': event_timestamps,
        'graph_batch': graph_batch,
        'graph_x': graph_x,
        'edge_index': edge_index,
        'edge_attr': edge_attr,
        'edge_last_update': edge_last_update,
        'memory': memory,
        'te_w': te_w, 'te_b': te_b,
        'Wq0': Wq0, 'Wk0': Wk0, 'Wv0': Wv0, 'Ws0': Ws0, 'We0': We0,
        'bq0': bq0, 'bk0': bk0, 'bv0': bv0, 'bs0': bs0, 'be0': be0,
        'Wq1': Wq1, 'Wk1': Wk1, 'Wv1': Wv1, 'Ws1': Ws1, 'We1': We1,
        'bq1': bq1, 'bk1': bk1, 'bv1': bv1, 'bs1': bs1, 'be1': be1,
        'Wq2': Wq2, 'Wk2': Wk2, 'Wv2': Wv2, 'Ws2': Ws2, 'We2': We2,
        'bq2': bq2, 'bk2': bk2, 'bv2': bv2, 'bs2': bs2, 'be2': be2,
        'Wout': Wout, 'bout': bout,
    }
    return _forward(inp, inp['edge_index'], inp['graph_batch'])

if __name__ == "__main__":
    import jax
    _d = setup_inputs()
    print(jax.jit(kernel)(*tuple(_d.values())))

</pallas_src>

<mosaic_0001>
#map = affine_map<(d0, d1) -> (0, 0)>
#map1 = affine_map<(d0, d1) -> (0)>
module attributes {stable_mosaic.version = 14 : i64} {
  func.func @k(%arg0: i32, %arg1: i32, %arg2: memref<160000x256xf32, #tpu.memory_space<hbm>>, %arg3: memref<160512xi32, #tpu.memory_space<hbm>>, %arg4: memref<160512x256xf32, #tpu.memory_space<hbm>>, %arg5: memref<200xi32, #tpu.memory_space<vmem>>, %arg6: memref<200x256xf32, #tpu.memory_space<vmem>>, %arg7: memref<16xi32, #tpu.memory_space<vmem>>, %arg8: memref<16x256xf32, #tpu.memory_space<vmem>>, %arg9: memref<!tpu.dma_semaphore, #tpu.memory_space<semaphore_mem>>) attributes {dimension_semantics = [#tpu.dimension_semantics<core_parallel>, #tpu.dimension_semantics<subcore_parallel>], iteration_bounds = array<i64: 2, 16>, scalar_prefetch = 0 : i64, scratch_operands = 5 : i64, tpu.core_type = #tpu.core_type<sc_vector_subcore>, window_params = [{transform_indices = #map}, {transform_indices = #map1}, {transform_indices = #map}]} {
    %mul3A = arith.constant 2 : i32
    %mul3A_0 = arith.muli %arg1, %mul3A : i32
    %add3A = arith.addi %mul3A_0, %arg0 : i32
    %mul3A_1 = arith.constant 5016 : i32
    %mul3A_2 = arith.muli %add3A, %mul3A_1 : i32
    %scan3A = arith.constant 0 : i32
    %scan3A_3 = arith.constant 0 : i32
    %scan3A_4 = arith.constant 25 : i32
    %scan3A_5 = arith.addi %scan3A_3, %scan3A_4 : i32
    %scan3A_6 = arith.constant 1 : i32
    scf.for %scan3A_14 = %scan3A_3 to %scan3A_5 step %scan3A_6  : i32 {
      %mul3A_15 = arith.constant 200 : i32
      %mul3A_16 = arith.muli %scan3A_14, %mul3A_15 : i32
      %add3A_17 = arith.addi %mul3A_2, %mul3A_16 : i32
      "tpu.region"() ({
        %run_scoped3A = tpu.sem_alloc : memref<!tpu.dma_semaphore, #tpu.memory_space<semaphore_mem>>
        %dma_start3A_24 = tpu.memref_slice %arg3[%add3A_17] : memref<160512xi32, #tpu.memory_space<hbm>> -> memref<200xi32, #tpu.memory_space<hbm>>
        %dma_start3A_25 = tpu.memref_slice %arg3[%add3A_17] : memref<160512xi32, #tpu.memory_space<hbm>> -> memref<200xi32, #tpu.memory_space<hbm>>
        tpu.enqueue_dma source(%dma_start3A_25 : memref<200xi32, #tpu.memory_space<hbm>>) target(%arg5 : memref<200xi32, #tpu.memory_space<vmem>>) target_semaphore(%run_scoped3A : memref<!tpu.dma_semaphore, #tpu.memory_space<semaphore_mem>>)
        %dma_wait3A_26 = tpu.memref_slice %arg3[%add3A_17] : memref<160512xi32, #tpu.memory_space<hbm>> -> memref<200xi32, #tpu.memory_space<hbm>>
        %dma_wait3A_27 = tpu.memref_slice %arg3[%add3A_17] : memref<160512xi32, #tpu.memory_space<hbm>> -> memref<200xi32, #tpu.memory_space<hbm>>
        tpu.wait_dma2 semaphore(%run_scoped3A : memref<!tpu.dma_semaphore, #tpu.memory_space<semaphore_mem>>) src(%dma_wait3A_27 : memref<200xi32, #tpu.memory_space<hbm>>) dst(%arg5 : memref<200xi32, #tpu.memory_space<vmem>>)
        tpu.yield
      }) : () -> ()
      %dma_start3A_18 = arith.constant 0 : i32
      %dma_start3A_19 = arith.constant 0 : i32
      %dma_start3A_20 = tpu.memref_slice %arg2[%dma_start3A_18, %dma_start3A_19] : memref<160000x256xf32, #tpu.memory_space<hbm>> -> memref<160000x256xf32, #tpu.memory_space<hbm>>
      tpu.enqueue_indirect_dma source(%dma_start3A_20 : memref<160000x256xf32, #tpu.memory_space<hbm>>) target(%arg6 : memref<200x256xf32, #tpu.memory_space<vmem>>) offsets(%arg5 : memref<200xi32, #tpu.memory_space<vmem>>) semaphore(%arg9 : memref<!tpu.dma_semaphore, #tpu.memory_space<semaphore_mem>>)
      %dma_wait3A_21 = arith.constant 0 : i32
      %dma_wait3A_22 = arith.constant 0 : i32
      %dma_wait3A_23 = tpu.memref_slice %arg2[%dma_wait3A_21, %dma_wait3A_22] : memref<160000x256xf32, #tpu.memory_space<hbm>> -> memref<160000x256xf32, #tpu.memory_space<hbm>>
      tpu.wait_indirect_dma semaphore(%arg9 : memref<!tpu.dma_semaphore, #tpu.memory_space<semaphore_mem>>) src(%dma_wait3A_23 : memref<160000x256xf32, #tpu.memory_space<hbm>>) dst(%arg6 : memref<200x256xf32, #tpu.memory_space<vmem>>)
      "tpu.region"() ({
        %run_scoped3A = tpu.sem_alloc : memref<!tpu.dma_semaphore, #tpu.memory_space<semaphore_mem>>
        %dma_start3A_24 = arith.constant 0 : i32
        %dma_start3A_25 = tpu.memref_slice %arg4[%add3A_17, %dma_start3A_24] : memref<160512x256xf32, #tpu.memory_space<hbm>> -> memref<200x256xf32, #tpu.memory_space<hbm>>
        %dma_start3A_26 = arith.constant 0 : i32
        %dma_start3A_27 = tpu.memref_slice %arg4[%add3A_17, %dma_start3A_26] : memref<160512x256xf32, #tpu.memory_space<hbm>> -> memref<200x256xf32, #tpu.memory_space<hbm>>
        tpu.enqueue_dma source(%arg6 : memref<200x256xf32, #tpu.memory_space<vmem>>) target(%dma_start3A_27 : memref<200x256xf32, #tpu.memory_space<hbm>>) target_semaphore(%run_scoped3A : memref<!tpu.dma_semaphore, #tpu.memory_space<semaphore_mem>>)
        %dma_wait3A_28 = arith.constant 0 : i32
        %dma_wait3A_29 = tpu.memref_slice %arg4[%add3A_17, %dma_wait3A_28] : memref<160512x256xf32, #tpu.memory_space<hbm>> -> memref<200x256xf32, #tpu.memory_space<hbm>>
        %dma_wait3A_30 = arith.constant 0 : i32
        %dma_wait3A_31 = tpu.memref_slice %arg4[%add3A_17, %dma_wait3A_30] : memref<160512x256xf32, #tpu.memory_space<hbm>> -> memref<200x256xf32, #tpu.memory_space<hbm>>
        tpu.wait_dma2 semaphore(%run_scoped3A : memref<!tpu.dma_semaphore, #tpu.memory_space<semaphore_mem>>) src(%arg6 : memref<200x256xf32, #tpu.memory_space<vmem>>) dst(%dma_wait3A_31 : memref<200x256xf32, #tpu.memory_space<hbm>>)
        tpu.yield
      }) : () -> ()
    }
    %scan3A_7 = arith.constant 25 : i32
    %add3A_8 = arith.constant 5000 : i32
    %add3A_9 = arith.addi %mul3A_2, %add3A_8 : i32
    "tpu.region"() ({
      %run_scoped3A = tpu.sem_alloc : memref<!tpu.dma_semaphore, #tpu.memory_space<semaphore_mem>>
      %dma_start3A_14 = tpu.memref_slice %arg3[%add3A_9] : memref<160512xi32, #tpu.memory_space<hbm>> -> memref<16xi32, #tpu.memory_space<hbm>>
      %dma_start3A_15 = tpu.memref_slice %arg3[%add3A_9] : memref<160512xi32, #tpu.memory_space<hbm>> -> memref<16xi32, #tpu.memory_space<hbm>>
      tpu.enqueue_dma source(%dma_start3A_15 : memref<16xi32, #tpu.memory_space<hbm>>) target(%arg7 : memref<16xi32, #tpu.memory_space<vmem>>) target_semaphore(%run_scoped3A : memref<!tpu.dma_semaphore, #tpu.memory_space<semaphore_mem>>)
      %dma_wait3A_16 = tpu.memref_slice %arg3[%add3A_9] : memref<160512xi32, #tpu.memory_space<hbm>> -> memref<16xi32, #tpu.memory_space<hbm>>
      %dma_wait3A_17 = tpu.memref_slice %arg3[%add3A_9] : memref<160512xi32, #tpu.memory_space<hbm>> -> memref<16xi32, #tpu.memory_space<hbm>>
      tpu.wait_dma2 semaphore(%run_scoped3A : memref<!tpu.dma_semaphore, #tpu.memory_space<semaphore_mem>>) src(%dma_wait3A_17 : memref<16xi32, #tpu.memory_space<hbm>>) dst(%arg7 : memref<16xi32, #tpu.memory_space<vmem>>)
      tpu.yield
    }) : () -> ()
    %dma_start3A = arith.constant 0 : i32
    %dma_start3A_10 = arith.constant 0 : i32
    %dma_start3A_11 = tpu.memref_slice %arg2[%dma_start3A, %dma_start3A_10] : memref<160000x256xf32, #tpu.memory_space<hbm>> -> memref<160000x256xf32, #tpu.memory_space<hbm>>
    tpu.enqueue_indirect_dma source(%dma_start3A_11 : memref<160000x256xf32, #tpu.memory_space<hbm>>) target(%arg8 : memref<16x256xf32, #tpu.memory_space<vmem>>) offsets(%arg7 : memref<16xi32, #tpu.memory_space<vmem>>) semaphore(%arg9 : memref<!tpu.dma_semaphore, #tpu.memory_space<semaphore_mem>>)
    %dma_wait3A = arith.constant 0 : i32
    %dma_wait3A_12 = arith.constant 0 : i32
    %dma_wait3A_13 = tpu.memref_slice %arg2[%dma_wait3A, %dma_wait3A_12] : memref<160000x256xf32, #tpu.memory_space<hbm>> -> memref<160000x256xf32, #tpu.memory_space<hbm>>
    tpu.wait_indirect_dma semaphore(%arg9 : memref<!tpu.dma_semaphore, #tpu.memory_space<semaphore_mem>>) src(%dma_wait3A_13 : memref<160000x256xf32, #tpu.memory_space<hbm>>) dst(%arg8 : memref<16x256xf32, #tpu.memory_space<vmem>>)
    "tpu.region"() ({
      %run_scoped3A = tpu.sem_alloc : memref<!tpu.dma_semaphore, #tpu.memory_space<semaphore_mem>>
      %dma_start3A_14 = arith.constant 0 : i32
      %dma_start3A_15 = tpu.memref_slice %arg4[%add3A_9, %dma_start3A_14] : memref<160512x256xf32, #tpu.memory_space<hbm>> -> memref<16x256xf32, #tpu.memory_space<hbm>>
      %dma_start3A_16 = arith.constant 0 : i32
      %dma_start3A_17 = tpu.memref_slice %arg4[%add3A_9, %dma_start3A_16] : memref<160512x256xf32, #tpu.memory_space<hbm>> -> memref<16x256xf32, #tpu.memory_space<hbm>>
      tpu.enqueue_dma source(%arg8 : memref<16x256xf32, #tpu.memory_space<vmem>>) target(%dma_start3A_17 : memref<16x256xf32, #tpu.memory_space<hbm>>) target_semaphore(%run_scoped3A : memref<!tpu.dma_semaphore, #tpu.memory_space<semaphore_mem>>)
      %dma_wait3A_18 = arith.constant 0 : i32
      %dma_wait3A_19 = tpu.memref_slice %arg4[%add3A_9, %dma_wait3A_18] : memref<160512x256xf32, #tpu.memory_space<hbm>> -> memref<16x256xf32, #tpu.memory_space<hbm>>
      %dma_wait3A_20 = arith.constant 0 : i32
      %dma_wait3A_21 = tpu.memref_slice %arg4[%add3A_9, %dma_wait3A_20] : memref<160512x256xf32, #tpu.memory_space<hbm>> -> memref<16x256xf32, #tpu.memory_space<hbm>>
      tpu.wait_dma2 semaphore(%run_scoped3A : memref<!tpu.dma_semaphore, #tpu.memory_space<semaphore_mem>>) src(%arg8 : memref<16x256xf32, #tpu.memory_space<vmem>>) dst(%dma_wait3A_21 : memref<16x256xf32, #tpu.memory_space<hbm>>)
      tpu.yield
    }) : () -> ()
    return
  }
}

#map = affine_map<(d0, d1) -> (0, 0)>
#map1 = affine_map<(d0, d1) -> (0)>
module attributes {stable_mosaic.version = 14 : i64} {
  func.func @k(%arg0: i32, %arg1: i32, %arg2: memref<10000x128xf32, #tpu.memory_space<hbm>>, %arg3: memref<160512xi32, #tpu.memory_space<hbm>>, %arg4: memref<160512x128xf32, #tpu.memory_space<hbm>>, %arg5: memref<200xi32, #tpu.memory_space<vmem>>, %arg6: memref<200x128xf32, #tpu.memory_space<vmem>>, %arg7: memref<16xi32, #tpu.memory_space<vmem>>, %arg8: memref<16x128xf32, #tpu.memory_space<vmem>>, %arg9: memref<!tpu.dma_semaphore, #tpu.memory_space<semaphore_mem>>) attributes {dimension_semantics = [#tpu.dimension_semantics<core_parallel>, #tpu.dimension_semantics<subcore_parallel>], iteration_bounds = array<i64: 2, 16>, scalar_prefetch = 0 : i64, scratch_operands = 5 : i64, tpu.core_type = #tpu.core_type<sc_vector_subcore>, window_params = [{transform_indices = #map}, {transform_indices = #map1}, {transform_indices = #map}]} {
    %mul3A = arith.constant 2 : i32
    %mul3A_0 = arith.muli %arg1, %mul3A : i32
    %add3A = arith.addi %mul3A_0, %arg0 : i32
    %mul3A_1 = arith.constant 5016 : i32
    %mul3A_2 = arith.muli %add3A, %mul3A_1 : i32
    %scan3A = arith.constant 0 : i32
    %scan3A_3 = arith.constant 0 : i32
    %scan3A_4 = arith.constant 25 : i32
    %scan3A_5 = arith.addi %scan3A_3, %scan3A_4 : i32
    %scan3A_6 = arith.constant 1 : i32
    scf.for %scan3A_14 = %scan3A_3 to %scan3A_5 step %scan3A_6  : i32 {
      %mul3A_15 = arith.constant 200 : i32
      %mul3A_16 = arith.muli %scan3A_14, %mul3A_15 : i32
      %add3A_17 = arith.addi %mul3A_2, %mul3A_16 : i32
      "tpu.region"() ({
        %run_scoped3A = tpu.sem_alloc : memref<!tpu.dma_semaphore, #tpu.memory_space<semaphore_mem>>
        %dma_start3A_24 = tpu.memref_slice %arg3[%add3A_17] : memref<160512xi32, #tpu.memory_space<hbm>> -> memref<200xi32, #tpu.memory_space<hbm>>
        %dma_start3A_25 = tpu.memref_slice %arg3[%add3A_17] : memref<160512xi32, #tpu.memory_space<hbm>> -> memref<200xi32, #tpu.memory_space<hbm>>
        tpu.enqueue_dma source(%dma_start3A_25 : memref<200xi32, #tpu.memory_space<hbm>>) target(%arg5 : memref<200xi32, #tpu.memory_space<vmem>>) target_semaphore(%run_scoped3A : memref<!tpu.dma_semaphore, #tpu.memory_space<semaphore_mem>>)
        %dma_wait3A_26 = tpu.memref_slice %arg3[%add3A_17] : memref<160512xi32, #tpu.memory_space<hbm>> -> memref<200xi32, #tpu.memory_space<hbm>>
        %dma_wait3A_27 = tpu.memref_slice %arg3[%add3A_17] : memref<160512xi32, #tpu.memory_space<hbm>> -> memref<200xi32, #tpu.memory_space<hbm>>
        tpu.wait_dma2 semaphore(%run_scoped3A : memref<!tpu.dma_semaphore, #tpu.memory_space<semaphore_mem>>) src(%dma_wait3A_27 : memref<200xi32, #tpu.memory_space<hbm>>) dst(%arg5 : memref<200xi32, #tpu.memory_space<vmem>>)
        tpu.yield
      }) : () -> ()
      %dma_start3A_18 = arith.constant 0 : i32
      %dma_start3A_19 = arith.constant 0 : i32
      %dma_start3A_20 = tpu.memref_slice %arg2[%dma_start3A_18, %dma_start3A_19] : memref<10000x128xf32, #tpu.memory_space<hbm>> -> memref<10000x128xf32, #tpu.memory_space<hbm>>
      tpu.enqueue_indirect_dma source(%dma_start3A_20 : memref<10000x128xf32, #tpu.memory_space<hbm>>) target(%arg6 : memref<200x128xf32, #tpu.memory_space<vmem>>) offsets(%arg5 : memref<200xi32, #tpu.memory_space<vmem>>) semaphore(%arg9 : memref<!tpu.dma_semaphore, #tpu.memory_space<semaphore_mem>>)
      %dma_wait3A_21 = arith.constant 0 : i32
      %dma_wait3A_22 = arith.constant 0 : i32
      %dma_wait3A_23 = tpu.memref_slice %arg2[%dma_wait3A_21, %dma_wait3A_22] : memref<10000x128xf32, #tpu.memory_space<hbm>> -> memref<10000x128xf32, #tpu.memory_space<hbm>>
      tpu.wait_indirect_dma semaphore(%arg9 : memref<!tpu.dma_semaphore, #tpu.memory_space<semaphore_mem>>) src(%dma_wait3A_23 : memref<10000x128xf32, #tpu.memory_space<hbm>>) dst(%arg6 : memref<200x128xf32, #tpu.memory_space<vmem>>)
      "tpu.region"() ({
        %run_scoped3A = tpu.sem_alloc : memref<!tpu.dma_semaphore, #tpu.memory_space<semaphore_mem>>
        %dma_start3A_24 = arith.constant 0 : i32
        %dma_start3A_25 = tpu.memref_slice %arg4[%add3A_17, %dma_start3A_24] : memref<160512x128xf32, #tpu.memory_space<hbm>> -> memref<200x128xf32, #tpu.memory_space<hbm>>
        %dma_start3A_26 = arith.constant 0 : i32
        %dma_start3A_27 = tpu.memref_slice %arg4[%add3A_17, %dma_start3A_26] : memref<160512x128xf32, #tpu.memory_space<hbm>> -> memref<200x128xf32, #tpu.memory_space<hbm>>
        tpu.enqueue_dma source(%arg6 : memref<200x128xf32, #tpu.memory_space<vmem>>) target(%dma_start3A_27 : memref<200x128xf32, #tpu.memory_space<hbm>>) target_semaphore(%run_scoped3A : memref<!tpu.dma_semaphore, #tpu.memory_space<semaphore_mem>>)
        %dma_wait3A_28 = arith.constant 0 : i32
        %dma_wait3A_29 = tpu.memref_slice %arg4[%add3A_17, %dma_wait3A_28] : memref<160512x128xf32, #tpu.memory_space<hbm>> -> memref<200x128xf32, #tpu.memory_space<hbm>>
        %dma_wait3A_30 = arith.constant 0 : i32
        %dma_wait3A_31 = tpu.memref_slice %arg4[%add3A_17, %dma_wait3A_30] : memref<160512x128xf32, #tpu.memory_space<hbm>> -> memref<200x128xf32, #tpu.memory_space<hbm>>
        tpu.wait_dma2 semaphore(%run_scoped3A : memref<!tpu.dma_semaphore, #tpu.memory_space<semaphore_mem>>) src(%arg6 : memref<200x128xf32, #tpu.memory_space<vmem>>) dst(%dma_wait3A_31 : memref<200x128xf32, #tpu.memory_space<hbm>>)
        tpu.yield
      }) : () -> ()
    }
    %scan3A_7 = arith.constant 25 : i32
    %add3A_8 = arith.constant 5000 : i32
    %add3A_9 = arith.addi %mul3A_2, %add3A_8 : i32
    "tpu.region"() ({
      %run_scoped3A = tpu.sem_alloc : memref<!tpu.dma_semaphore, #tpu.memory_space<semaphore_mem>>
      %dma_start3A_14 = tpu.memref_slice %arg3[%add3A_9] : memref<160512xi32, #tpu.memory_space<hbm>> -> memref<16xi32, #tpu.memory_space<hbm>>
      %dma_start3A_15 = tpu.memref_slice %arg3[%add3A_9] : memref<160512xi32, #tpu.memory_space<hbm>> -> memref<16xi32, #tpu.memory_space<hbm>>
      tpu.enqueue_dma source(%dma_start3A_15 : memref<16xi32, #tpu.memory_space<hbm>>) target(%arg7 : memref<16xi32, #tpu.memory_space<vmem>>) target_semaphore(%run_scoped3A : memref<!tpu.dma_semaphore, #tpu.memory_space<semaphore_mem>>)
      %dma_wait3A_16 = tpu.memref_slice %arg3[%add3A_9] : memref<160512xi32, #tpu.memory_space<hbm>> -> memref<16xi32, #tpu.memory_space<hbm>>
      %dma_wait3A_17 = tpu.memref_slice %arg3[%add3A_9] : memref<160512xi32, #tpu.memory_space<hbm>> -> memref<16xi32, #tpu.memory_space<hbm>>
      tpu.wait_dma2 semaphore(%run_scoped3A : memref<!tpu.dma_semaphore, #tpu.memory_space<semaphore_mem>>) src(%dma_wait3A_17 : memref<16xi32, #tpu.memory_space<hbm>>) dst(%arg7 : memref<16xi32, #tpu.memory_space<vmem>>)
      tpu.yield
    }) : () -> ()
    %dma_start3A = arith.constant 0 : i32
    %dma_start3A_10 = arith.constant 0 : i32
    %dma_start3A_11 = tpu.memref_slice %arg2[%dma_start3A, %dma_start3A_10] : memref<10000x128xf32, #tpu.memory_space<hbm>> -> memref<10000x128xf32, #tpu.memory_space<hbm>>
    tpu.enqueue_indirect_dma source(%dma_start3A_11 : memref<10000x128xf32, #tpu.memory_space<hbm>>) target(%arg8 : memref<16x128xf32, #tpu.memory_space<vmem>>) offsets(%arg7 : memref<16xi32, #tpu.memory_space<vmem>>) semaphore(%arg9 : memref<!tpu.dma_semaphore, #tpu.memory_space<semaphore_mem>>)
    %dma_wait3A = arith.constant 0 : i32
    %dma_wait3A_12 = arith.constant 0 : i32
    %dma_wait3A_13 = tpu.memref_slice %arg2[%dma_wait3A, %dma_wait3A_12] : memref<10000x128xf32, #tpu.memory_space<hbm>> -> memref<10000x128xf32, #tpu.memory_space<hbm>>
    tpu.wait_indirect_dma semaphore(%arg9 : memref<!tpu.dma_semaphore, #tpu.memory_space<semaphore_mem>>) src(%dma_wait3A_13 : memref<10000x128xf32, #tpu.memory_space<hbm>>) dst(%arg8 : memref<16x128xf32, #tpu.memory_space<vmem>>)
    "tpu.region"() ({
      %run_scoped3A = tpu.sem_alloc : memref<!tpu.dma_semaphore, #tpu.memory_space<semaphore_mem>>
      %dma_start3A_14 = arith.constant 0 : i32
      %dma_start3A_15 = tpu.memref_slice %arg4[%add3A_9, %dma_start3A_14] : memref<160512x128xf32, #tpu.memory_space<hbm>> -> memref<16x128xf32, #tpu.memory_space<hbm>>
      %dma_start3A_16 = arith.constant 0 : i32
      %dma_start3A_17 = tpu.memref_slice %arg4[%add3A_9, %dma_start3A_16] : memref<160512x128xf32, #tpu.memory_space<hbm>> -> memref<16x128xf32, #tpu.memory_space<hbm>>
      tpu.enqueue_dma source(%arg8 : memref<16x128xf32, #tpu.memory_space<vmem>>) target(%dma_start3A_17 : memref<16x128xf32, #tpu.memory_space<hbm>>) target_semaphore(%run_scoped3A : memref<!tpu.dma_semaphore, #tpu.memory_space<semaphore_mem>>)
      %dma_wait3A_18 = arith.constant 0 : i32
      %dma_wait3A_19 = tpu.memref_slice %arg4[%add3A_9, %dma_wait3A_18] : memref<160512x128xf32, #tpu.memory_space<hbm>> -> memref<16x128xf32, #tpu.memory_space<hbm>>
      %dma_wait3A_20 = arith.constant 0 : i32
      %dma_wait3A_21 = tpu.memref_slice %arg4[%add3A_9, %dma_wait3A_20] : memref<160512x128xf32, #tpu.memory_space<hbm>> -> memref<16x128xf32, #tpu.memory_space<hbm>>
      tpu.wait_dma2 semaphore(%run_scoped3A : memref<!tpu.dma_semaphore, #tpu.memory_space<semaphore_mem>>) src(%arg8 : memref<16x128xf32, #tpu.memory_space<vmem>>) dst(%dma_wait3A_21 : memref<16x128xf32, #tpu.memory_space<hbm>>)
      tpu.yield
    }) : () -> ()
    return
  }
}

#map = affine_map<(d0, d1) -> (0, 0)>
#map1 = affine_map<(d0, d1) -> (0)>
module attributes {stable_mosaic.version = 14 : i64} {
  func.func @k(%arg0: i32, %arg1: i32, %arg2: memref<10000x512xf32, #tpu.memory_space<hbm>>, %arg3: memref<160512xi32, #tpu.memory_space<hbm>>, %arg4: memref<160512x512xf32, #tpu.memory_space<hbm>>, %arg5: memref<200xi32, #tpu.memory_space<vmem>>, %arg6: memref<200x512xf32, #tpu.memory_space<vmem>>, %arg7: memref<16xi32, #tpu.memory_space<vmem>>, %arg8: memref<16x512xf32, #tpu.memory_space<vmem>>, %arg9: memref<!tpu.dma_semaphore, #tpu.memory_space<semaphore_mem>>) attributes {dimension_semantics = [#tpu.dimension_semantics<core_parallel>, #tpu.dimension_semantics<subcore_parallel>], iteration_bounds = array<i64: 2, 16>, scalar_prefetch = 0 : i64, scratch_operands = 5 : i64, tpu.core_type = #tpu.core_type<sc_vector_subcore>, window_params = [{transform_indices = #map}, {transform_indices = #map1}, {transform_indices = #map}]} {
    %mul3A = arith.constant 2 : i32
    %mul3A_0 = arith.muli %arg1, %mul3A : i32
    %add3A = arith.addi %mul3A_0, %arg0 : i32
    %mul3A_1 = arith.constant 5016 : i32
    %mul3A_2 = arith.muli %add3A, %mul3A_1 : i32
    %scan3A = arith.constant 0 : i32
    %scan3A_3 = arith.constant 0 : i32
    %scan3A_4 = arith.constant 25 : i32
    %scan3A_5 = arith.addi %scan3A_3, %scan3A_4 : i32
    %scan3A_6 = arith.constant 1 : i32
    scf.for %scan3A_14 = %scan3A_3 to %scan3A_5 step %scan3A_6  : i32 {
      %mul3A_15 = arith.constant 200 : i32
      %mul3A_16 = arith.muli %scan3A_14, %mul3A_15 : i32
      %add3A_17 = arith.addi %mul3A_2, %mul3A_16 : i32
      "tpu.region"() ({
        %run_scoped3A = tpu.sem_alloc : memref<!tpu.dma_semaphore, #tpu.memory_space<semaphore_mem>>
        %dma_start3A_24 = tpu.memref_slice %arg3[%add3A_17] : memref<160512xi32, #tpu.memory_space<hbm>> -> memref<200xi32, #tpu.memory_space<hbm>>
        %dma_start3A_25 = tpu.memref_slice %arg3[%add3A_17] : memref<160512xi32, #tpu.memory_space<hbm>> -> memref<200xi32, #tpu.memory_space<hbm>>
        tpu.enqueue_dma source(%dma_start3A_25 : memref<200xi32, #tpu.memory_space<hbm>>) target(%arg5 : memref<200xi32, #tpu.memory_space<vmem>>) target_semaphore(%run_scoped3A : memref<!tpu.dma_semaphore, #tpu.memory_space<semaphore_mem>>)
        %dma_wait3A_26 = tpu.memref_slice %arg3[%add3A_17] : memref<160512xi32, #tpu.memory_space<hbm>> -> memref<200xi32, #tpu.memory_space<hbm>>
        %dma_wait3A_27 = tpu.memref_slice %arg3[%add3A_17] : memref<160512xi32, #tpu.memory_space<hbm>> -> memref<200xi32, #tpu.memory_space<hbm>>
        tpu.wait_dma2 semaphore(%run_scoped3A : memref<!tpu.dma_semaphore, #tpu.memory_space<semaphore_mem>>) src(%dma_wait3A_27 : memref<200xi32, #tpu.memory_space<hbm>>) dst(%arg5 : memref<200xi32, #tpu.memory_space<vmem>>)
        tpu.yield
      }) : () -> ()
      %dma_start3A_18 = arith.constant 0 : i32
      %dma_start3A_19 = arith.constant 0 : i32
      %dma_start3A_20 = tpu.memref_slice %arg2[%dma_start3A_18, %dma_start3A_19] : memref<10000x512xf32, #tpu.memory_space<hbm>> -> memref<10000x512xf32, #tpu.memory_space<hbm>>
      tpu.enqueue_indirect_dma source(%dma_start3A_20 : memref<10000x512xf32, #tpu.memory_space<hbm>>) target(%arg6 : memref<200x512xf32, #tpu.memory_space<vmem>>) offsets(%arg5 : memref<200xi32, #tpu.memory_space<vmem>>) semaphore(%arg9 : memref<!tpu.dma_semaphore, #tpu.memory_space<semaphore_mem>>)
      %dma_wait3A_21 = arith.constant 0 : i32
      %dma_wait3A_22 = arith.constant 0 : i32
      %dma_wait3A_23 = tpu.memref_slice %arg2[%dma_wait3A_21, %dma_wait3A_22] : memref<10000x512xf32, #tpu.memory_space<hbm>> -> memref<10000x512xf32, #tpu.memory_space<hbm>>
      tpu.wait_indirect_dma semaphore(%arg9 : memref<!tpu.dma_semaphore, #tpu.memory_space<semaphore_mem>>) src(%dma_wait3A_23 : memref<10000x512xf32, #tpu.memory_space<hbm>>) dst(%arg6 : memref<200x512xf32, #tpu.memory_space<vmem>>)
      "tpu.region"() ({
        %run_scoped3A = tpu.sem_alloc : memref<!tpu.dma_semaphore, #tpu.memory_space<semaphore_mem>>
        %dma_start3A_24 = arith.constant 0 : i32
        %dma_start3A_25 = tpu.memref_slice %arg4[%add3A_17, %dma_start3A_24] : memref<160512x512xf32, #tpu.memory_space<hbm>> -> memref<200x512xf32, #tpu.memory_space<hbm>>
        %dma_start3A_26 = arith.constant 0 : i32
        %dma_start3A_27 = tpu.memref_slice %arg4[%add3A_17, %dma_start3A_26] : memref<160512x512xf32, #tpu.memory_space<hbm>> -> memref<200x512xf32, #tpu.memory_space<hbm>>
        tpu.enqueue_dma source(%arg6 : memref<200x512xf32, #tpu.memory_space<vmem>>) target(%dma_start3A_27 : memref<200x512xf32, #tpu.memory_space<hbm>>) target_semaphore(%run_scoped3A : memref<!tpu.dma_semaphore, #tpu.memory_space<semaphore_mem>>)
        %dma_wait3A_28 = arith.constant 0 : i32
        %dma_wait3A_29 = tpu.memref_slice %arg4[%add3A_17, %dma_wait3A_28] : memref<160512x512xf32, #tpu.memory_space<hbm>> -> memref<200x512xf32, #tpu.memory_space<hbm>>
        %dma_wait3A_30 = arith.constant 0 : i32
        %dma_wait3A_31 = tpu.memref_slice %arg4[%add3A_17, %dma_wait3A_30] : memref<160512x512xf32, #tpu.memory_space<hbm>> -> memref<200x512xf32, #tpu.memory_space<hbm>>
        tpu.wait_dma2 semaphore(%run_scoped3A : memref<!tpu.dma_semaphore, #tpu.memory_space<semaphore_mem>>) src(%arg6 : memref<200x512xf32, #tpu.memory_space<vmem>>) dst(%dma_wait3A_31 : memref<200x512xf32, #tpu.memory_space<hbm>>)
        tpu.yield
      }) : () -> ()
    }
    %scan3A_7 = arith.constant 25 : i32
    %add3A_8 = arith.constant 5000 : i32
    %add3A_9 = arith.addi %mul3A_2, %add3A_8 : i32
    "tpu.region"() ({
      %run_scoped3A = tpu.sem_alloc : memref<!tpu.dma_semaphore, #tpu.memory_space<semaphore_mem>>
      %dma_start3A_14 = tpu.memref_slice %arg3[%add3A_9] : memref<160512xi32, #tpu.memory_space<hbm>> -> memref<16xi32, #tpu.memory_space<hbm>>
      %dma_start3A_15 = tpu.memref_slice %arg3[%add3A_9] : memref<160512xi32, #tpu.memory_space<hbm>> -> memref<16xi32, #tpu.memory_space<hbm>>
      tpu.enqueue_dma source(%dma_start3A_15 : memref<16xi32, #tpu.memory_space<hbm>>) target(%arg7 : memref<16xi32, #tpu.memory_space<vmem>>) target_semaphore(%run_scoped3A : memref<!tpu.dma_semaphore, #tpu.memory_space<semaphore_mem>>)
      %dma_wait3A_16 = tpu.memref_slice %arg3[%add3A_9] : memref<160512xi32, #tpu.memory_space<hbm>> -> memref<16xi32, #tpu.memory_space<hbm>>
      %dma_wait3A_17 = tpu.memref_slice %arg3[%add3A_9] : memref<160512xi32, #tpu.memory_space<hbm>> -> memref<16xi32, #tpu.memory_space<hbm>>
      tpu.wait_dma2 semaphore(%run_scoped3A : memref<!tpu.dma_semaphore, #tpu.memory_space<semaphore_mem>>) src(%dma_wait3A_17 : memref<16xi32, #tpu.memory_space<hbm>>) dst(%arg7 : memref<16xi32, #tpu.memory_space<vmem>>)
      tpu.yield
    }) : () -> ()
    %dma_start3A = arith.constant 0 : i32
    %dma_start3A_10 = arith.constant 0 : i32
    %dma_start3A_11 = tpu.memref_slice %arg2[%dma_start3A, %dma_start3A_10] : memref<10000x512xf32, #tpu.memory_space<hbm>> -> memref<10000x512xf32, #tpu.memory_space<hbm>>
    tpu.enqueue_indirect_dma source(%dma_start3A_11 : memref<10000x512xf32, #tpu.memory_space<hbm>>) target(%arg8 : memref<16x512xf32, #tpu.memory_space<vmem>>) offsets(%arg7 : memref<16xi32, #tpu.memory_space<vmem>>) semaphore(%arg9 : memref<!tpu.dma_semaphore, #tpu.memory_space<semaphore_mem>>)
    %dma_wait3A = arith.constant 0 : i32
    %dma_wait3A_12 = arith.constant 0 : i32
    %dma_wait3A_13 = tpu.memref_slice %arg2[%dma_wait3A, %dma_wait3A_12] : memref<10000x512xf32, #tpu.memory_space<hbm>> -> memref<10000x512xf32, #tpu.memory_space<hbm>>
    tpu.wait_indirect_dma semaphore(%arg9 : memref<!tpu.dma_semaphore, #tpu.memory_space<semaphore_mem>>) src(%dma_wait3A_13 : memref<10000x512xf32, #tpu.memory_space<hbm>>) dst(%arg8 : memref<16x512xf32, #tpu.memory_space<vmem>>)
    "tpu.region"() ({
      %run_scoped3A = tpu.sem_alloc : memref<!tpu.dma_semaphore, #tpu.memory_space<semaphore_mem>>
      %dma_start3A_14 = arith.constant 0 : i32
      %dma_start3A_15 = tpu.memref_slice %arg4[%add3A_9, %dma_start3A_14] : memref<160512x512xf32, #tpu.memory_space<hbm>> -> memref<16x512xf32, #tpu.memory_space<hbm>>
      %dma_start3A_16 = arith.constant 0 : i32
      %dma_start3A_17 = tpu.memref_slice %arg4[%add3A_9, %dma_start3A_16] : memref<160512x512xf32, #tpu.memory_space<hbm>> -> memref<16x512xf32, #tpu.memory_space<hbm>>
      tpu.enqueue_dma source(%arg8 : memref<16x512xf32, #tpu.memory_space<vmem>>) target(%dma_start3A_17 : memref<16x512xf32, #tpu.memory_space<hbm>>) target_semaphore(%run_scoped3A : memref<!tpu.dma_semaphore, #tpu.memory_space<semaphore_mem>>)
      %dma_wait3A_18 = arith.constant 0 : i32
      %dma_wait3A_19 = tpu.memref_slice %arg4[%add3A_9, %dma_wait3A_18] : memref<160512x512xf32, #tpu.memory_space<hbm>> -> memref<16x512xf32, #tpu.memory_space<hbm>>
      %dma_wait3A_20 = arith.constant 0 : i32
      %dma_wait3A_21 = tpu.memref_slice %arg4[%add3A_9, %dma_wait3A_20] : memref<160512x512xf32, #tpu.memory_space<hbm>> -> memref<16x512xf32, #tpu.memory_space<hbm>>
      tpu.wait_dma2 semaphore(%run_scoped3A : memref<!tpu.dma_semaphore, #tpu.memory_space<semaphore_mem>>) src(%arg8 : memref<16x512xf32, #tpu.memory_space<vmem>>) dst(%dma_wait3A_21 : memref<16x512xf32, #tpu.memory_space<hbm>>)
      tpu.yield
    }) : () -> ()
    return
  }
}

#map = affine_map<(d0, d1) -> (0, 0)>
#map1 = affine_map<(d0, d1) -> (0)>
module attributes {stable_mosaic.version = 14 : i64} {
  func.func @k(%arg0: i32, %arg1: i32, %arg2: memref<10000x512xf32, #tpu.memory_space<hbm>>, %arg3: memref<160512xi32, #tpu.memory_space<hbm>>, %arg4: memref<160512x512xf32, #tpu.memory_space<hbm>>, %arg5: memref<200xi32, #tpu.memory_space<vmem>>, %arg6: memref<200x512xf32, #tpu.memory_space<vmem>>, %arg7: memref<16xi32, #tpu.memory_space<vmem>>, %arg8: memref<16x512xf32, #tpu.memory_space<vmem>>, %arg9: memref<!tpu.dma_semaphore, #tpu.memory_space<semaphore_mem>>) attributes {dimension_semantics = [#tpu.dimension_semantics<core_parallel>, #tpu.dimension_semantics<subcore_parallel>], iteration_bounds = array<i64: 2, 16>, scalar_prefetch = 0 : i64, scratch_operands = 5 : i64, tpu.core_type = #tpu.core_type<sc_vector_subcore>, window_params = [{transform_indices = #map}, {transform_indices = #map1}, {transform_indices = #map}]} {
    %mul3A = arith.constant 2 : i32
    %mul3A_0 = arith.muli %arg1, %mul3A : i32
    %add3A = arith.addi %mul3A_0, %arg0 : i32
    %mul3A_1 = arith.constant 5016 : i32
    %mul3A_2 = arith.muli %add3A, %mul3A_1 : i32
    %scan3A = arith.constant 0 : i32
    %scan3A_3 = arith.constant 0 : i32
    %scan3A_4 = arith.constant 25 : i32
    %scan3A_5 = arith.addi %scan3A_3, %scan3A_4 : i32
    %scan3A_6 = arith.constant 1 : i32
    scf.for %scan3A_14 = %scan3A_3 to %scan3A_5 step %scan3A_6  : i32 {
      %mul3A_15 = arith.constant 200 : i32
      %mul3A_16 = arith.muli %scan3A_14, %mul3A_15 : i32
      %add3A_17 = arith.addi %mul3A_2, %mul3A_16 : i32
      "tpu.region"() ({
        %run_scoped3A = tpu.sem_alloc : memref<!tpu.dma_semaphore, #tpu.memory_space<semaphore_mem>>
        %dma_start3A_24 = tpu.memref_slice %arg3[%add3A_17] : memref<160512xi32, #tpu.memory_space<hbm>> -> memref<200xi32, #tpu.memory_space<hbm>>
        %dma_start3A_25 = tpu.memref_slice %arg3[%add3A_17] : memref<160512xi32, #tpu.memory_space<hbm>> -> memref<200xi32, #tpu.memory_space<hbm>>
        tpu.enqueue_dma source(%dma_start3A_25 : memref<200xi32, #tpu.memory_space<hbm>>) target(%arg5 : memref<200xi32, #tpu.memory_space<vmem>>) target_semaphore(%run_scoped3A : memref<!tpu.dma_semaphore, #tpu.memory_space<semaphore_mem>>)
        %dma_wait3A_26 = tpu.memref_slice %arg3[%add3A_17] : memref<160512xi32, #tpu.memory_space<hbm>> -> memref<200xi32, #tpu.memory_space<hbm>>
        %dma_wait3A_27 = tpu.memref_slice %arg3[%add3A_17] : memref<160512xi32, #tpu.memory_space<hbm>> -> memref<200xi32, #tpu.memory_space<hbm>>
        tpu.wait_dma2 semaphore(%run_scoped3A : memref<!tpu.dma_semaphore, #tpu.memory_space<semaphore_mem>>) src(%dma_wait3A_27 : memref<200xi32, #tpu.memory_space<hbm>>) dst(%arg5 : memref<200xi32, #tpu.memory_space<vmem>>)
        tpu.yield
      }) : () -> ()
      %dma_start3A_18 = arith.constant 0 : i32
      %dma_start3A_19 = arith.constant 0 : i32
      %dma_start3A_20 = tpu.memref_slice %arg2[%dma_start3A_18, %dma_start3A_19] : memref<10000x512xf32, #tpu.memory_space<hbm>> -> memref<10000x512xf32, #tpu.memory_space<hbm>>
      tpu.enqueue_indirect_dma source(%dma_start3A_20 : memref<10000x512xf32, #tpu.memory_space<hbm>>) target(%arg6 : memref<200x512xf32, #tpu.memory_space<vmem>>) offsets(%arg5 : memref<200xi32, #tpu.memory_space<vmem>>) semaphore(%arg9 : memref<!tpu.dma_semaphore, #tpu.memory_space<semaphore_mem>>)
      %dma_wait3A_21 = arith.constant 0 : i32
      %dma_wait3A_22 = arith.constant 0 : i32
      %dma_wait3A_23 = tpu.memref_slice %arg2[%dma_wait3A_21, %dma_wait3A_22] : memref<10000x512xf32, #tpu.memory_space<hbm>> -> memref<10000x512xf32, #tpu.memory_space<hbm>>
      tpu.wait_indirect_dma semaphore(%arg9 : memref<!tpu.dma_semaphore, #tpu.memory_space<semaphore_mem>>) src(%dma_wait3A_23 : memref<10000x512xf32, #tpu.memory_space<hbm>>) dst(%arg6 : memref<200x512xf32, #tpu.memory_space<vmem>>)
      "tpu.region"() ({
        %run_scoped3A = tpu.sem_alloc : memref<!tpu.dma_semaphore, #tpu.memory_space<semaphore_mem>>
        %dma_start3A_24 = arith.constant 0 : i32
        %dma_start3A_25 = tpu.memref_slice %arg4[%add3A_17, %dma_start3A_24] : memref<160512x512xf32, #tpu.memory_space<hbm>> -> memref<200x512xf32, #tpu.memory_space<hbm>>
        %dma_start3A_26 = arith.constant 0 : i32
        %dma_start3A_27 = tpu.memref_slice %arg4[%add3A_17, %dma_start3A_26] : memref<160512x512xf32, #tpu.memory_space<hbm>> -> memref<200x512xf32, #tpu.memory_space<hbm>>
        tpu.enqueue_dma source(%arg6 : memref<200x512xf32, #tpu.memory_space<vmem>>) target(%dma_start3A_27 : memref<200x512xf32, #tpu.memory_space<hbm>>) target_semaphore(%run_scoped3A : memref<!tpu.dma_semaphore, #tpu.memory_space<semaphore_mem>>)
        %dma_wait3A_28 = arith.constant 0 : i32
        %dma_wait3A_29 = tpu.memref_slice %arg4[%add3A_17, %dma_wait3A_28] : memref<160512x512xf32, #tpu.memory_space<hbm>> -> memref<200x512xf32, #tpu.memory_space<hbm>>
        %dma_wait3A_30 = arith.constant 0 : i32
        %dma_wait3A_31 = tpu.memref_slice %arg4[%add3A_17, %dma_wait3A_30] : memref<160512x512xf32, #tpu.memory_space<hbm>> -> memref<200x512xf32, #tpu.memory_space<hbm>>
        tpu.wait_dma2 semaphore(%run_scoped3A : memref<!tpu.dma_semaphore, #tpu.memory_space<semaphore_mem>>) src(%arg6 : memref<200x512xf32, #tpu.memory_space<vmem>>) dst(%dma_wait3A_31 : memref<200x512xf32, #tpu.memory_space<hbm>>)
        tpu.yield
      }) : () -> ()
    }
    %scan3A_7 = arith.constant 25 : i32
    %add3A_8 = arith.constant 5000 : i32
    %add3A_9 = arith.addi %mul3A_2, %add3A_8 : i32
    "tpu.region"() ({
      %run_scoped3A = tpu.sem_alloc : memref<!tpu.dma_semaphore, #tpu.memory_space<semaphore_mem>>
      %dma_start3A_14 = tpu.memref_slice %arg3[%add3A_9] : memref<160512xi32, #tpu.memory_space<hbm>> -> memref<16xi32, #tpu.memory_space<hbm>>
      %dma_start3A_15 = tpu.memref_slice %arg3[%add3A_9] : memref<160512xi32, #tpu.memory_space<hbm>> -> memref<16xi32, #tpu.memory_space<hbm>>
      tpu.enqueue_dma source(%dma_start3A_15 : memref<16xi32, #tpu.memory_space<hbm>>) target(%arg7 : memref<16xi32, #tpu.memory_space<vmem>>) target_semaphore(%run_scoped3A : memref<!tpu.dma_semaphore, #tpu.memory_space<semaphore_mem>>)
      %dma_wait3A_16 = tpu.memref_slice %arg3[%add3A_9] : memref<160512xi32, #tpu.memory_space<hbm>> -> memref<16xi32, #tpu.memory_space<hbm>>
      %dma_wait3A_17 = tpu.memref_slice %arg3[%add3A_9] : memref<160512xi32, #tpu.memory_space<hbm>> -> memref<16xi32, #tpu.memory_space<hbm>>
      tpu.wait_dma2 semaphore(%run_scoped3A : memref<!tpu.dma_semaphore, #tpu.memory_space<semaphore_mem>>) src(%dma_wait3A_17 : memref<16xi32, #tpu.memory_space<hbm>>) dst(%arg7 : memref<16xi32, #tpu.memory_space<vmem>>)
      tpu.yield
    }) : () -> ()
    %dma_start3A = arith.constant 0 : i32
    %dma_start3A_10 = arith.constant 0 : i32
    %dma_start3A_11 = tpu.memref_slice %arg2[%dma_start3A, %dma_start3A_10] : memref<10000x512xf32, #tpu.memory_space<hbm>> -> memref<10000x512xf32, #tpu.memory_space<hbm>>
    tpu.enqueue_indirect_dma source(%dma_start3A_11 : memref<10000x512xf32, #tpu.memory_space<hbm>>) target(%arg8 : memref<16x512xf32, #tpu.memory_space<vmem>>) offsets(%arg7 : memref<16xi32, #tpu.memory_space<vmem>>) semaphore(%arg9 : memref<!tpu.dma_semaphore, #tpu.memory_space<semaphore_mem>>)
    %dma_wait3A = arith.constant 0 : i32
    %dma_wait3A_12 = arith.constant 0 : i32
    %dma_wait3A_13 = tpu.memref_slice %arg2[%dma_wait3A, %dma_wait3A_12] : memref<10000x512xf32, #tpu.memory_space<hbm>> -> memref<10000x512xf32, #tpu.memory_space<hbm>>
    tpu.wait_indirect_dma semaphore(%arg9 : memref<!tpu.dma_semaphore, #tpu.memory_space<semaphore_mem>>) src(%dma_wait3A_13 : memref<10000x512xf32, #tpu.memory_space<hbm>>) dst(%arg8 : memref<16x512xf32, #tpu.memory_space<vmem>>)
    "tpu.region"() ({
      %run_scoped3A = tpu.sem_alloc : memref<!tpu.dma_semaphore, #tpu.memory_space<semaphore_mem>>
      %dma_start3A_14 = arith.constant 0 : i32
      %dma_start3A_15 = tpu.memref_slice %arg4[%add3A_9, %dma_start3A_14] : memref<160512x512xf32, #tpu.memory_space<hbm>> -> memref<16x512xf32, #tpu.memory_space<hbm>>
      %dma_start3A_16 = arith.constant 0 : i32
      %dma_start3A_17 = tpu.memref_slice %arg4[%add3A_9, %dma_start3A_16] : memref<160512x512xf32, #tpu.memory_space<hbm>> -> memref<16x512xf32, #tpu.memory_space<hbm>>
      tpu.enqueue_dma source(%arg8 : memref<16x512xf32, #tpu.memory_space<vmem>>) target(%dma_start3A_17 : memref<16x512xf32, #tpu.memory_space<hbm>>) target_semaphore(%run_scoped3A : memref<!tpu.dma_semaphore, #tpu.memory_space<semaphore_mem>>)
      %dma_wait3A_18 = arith.constant 0 : i32
      %dma_wait3A_19 = tpu.memref_slice %arg4[%add3A_9, %dma_wait3A_18] : memref<160512x512xf32, #tpu.memory_space<hbm>> -> memref<16x512xf32, #tpu.memory_space<hbm>>
      %dma_wait3A_20 = arith.constant 0 : i32
      %dma_wait3A_21 = tpu.memref_slice %arg4[%add3A_9, %dma_wait3A_20] : memref<160512x512xf32, #tpu.memory_space<hbm>> -> memref<16x512xf32, #tpu.memory_space<hbm>>
      tpu.wait_dma2 semaphore(%run_scoped3A : memref<!tpu.dma_semaphore, #tpu.memory_space<semaphore_mem>>) src(%arg8 : memref<16x512xf32, #tpu.memory_space<vmem>>) dst(%dma_wait3A_21 : memref<16x512xf32, #tpu.memory_space<hbm>>)
      tpu.yield
    }) : () -> ()
    return
  }
}

#map = affine_map<(d0, d1) -> (0, 0)>
#map1 = affine_map<(d0, d1) -> (0)>
module attributes {stable_mosaic.version = 14 : i64} {
  func.func @k(%arg0: i32, %arg1: i32, %arg2: memref<10000x512xf32, #tpu.memory_space<hbm>>, %arg3: memref<160512xi32, #tpu.memory_space<hbm>>, %arg4: memref<160512x512xf32, #tpu.memory_space<hbm>>, %arg5: memref<200xi32, #tpu.memory_space<vmem>>, %arg6: memref<200x512xf32, #tpu.memory_space<vmem>>, %arg7: memref<16xi32, #tpu.memory_space<vmem>>, %arg8: memref<16x512xf32, #tpu.memory_space<vmem>>, %arg9: memref<!tpu.dma_semaphore, #tpu.memory_space<semaphore_mem>>) attributes {dimension_semantics = [#tpu.dimension_semantics<core_parallel>, #tpu.dimension_semantics<subcore_parallel>], iteration_bounds = array<i64: 2, 16>, scalar_prefetch = 0 : i64, scratch_operands = 5 : i64, tpu.core_type = #tpu.core_type<sc_vector_subcore>, window_params = [{transform_indices = #map}, {transform_indices = #map1}, {transform_indices = #map}]} {
    %mul3A = arith.constant 2 : i32
    %mul3A_0 = arith.muli %arg1, %mul3A : i32
    %add3A = arith.addi %mul3A_0, %arg0 : i32
    %mul3A_1 = arith.constant 5016 : i32
    %mul3A_2 = arith.muli %add3A, %mul3A_1 : i32
    %scan3A = arith.constant 0 : i32
    %scan3A_3 = arith.constant 0 : i32
    %scan3A_4 = arith.constant 25 : i32
    %scan3A_5 = arith.addi %scan3A_3, %scan3A_4 : i32
    %scan3A_6 = arith.constant 1 : i32
    scf.for %scan3A_14 = %scan3A_3 to %scan3A_5 step %scan3A_6  : i32 {
      %mul3A_15 = arith.constant 200 : i32
      %mul3A_16 = arith.muli %scan3A_14, %mul3A_15 : i32
      %add3A_17 = arith.addi %mul3A_2, %mul3A_16 : i32
      "tpu.region"() ({
        %run_scoped3A = tpu.sem_alloc : memref<!tpu.dma_semaphore, #tpu.memory_space<semaphore_mem>>
        %dma_start3A_24 = tpu.memref_slice %arg3[%add3A_17] : memref<160512xi32, #tpu.memory_space<hbm>> -> memref<200xi32, #tpu.memory_space<hbm>>
        %dma_start3A_25 = tpu.memref_slice %arg3[%add3A_17] : memref<160512xi32, #tpu.memory_space<hbm>> -> memref<200xi32, #tpu.memory_space<hbm>>
        tpu.enqueue_dma source(%dma_start3A_25 : memref<200xi32, #tpu.memory_space<hbm>>) target(%arg5 : memref<200xi32, #tpu.memory_space<vmem>>) target_semaphore(%run_scoped3A : memref<!tpu.dma_semaphore, #tpu.memory_space<semaphore_mem>>)
        %dma_wait3A_26 = tpu.memref_slice %arg3[%add3A_17] : memref<160512xi32, #tpu.memory_space<hbm>> -> memref<200xi32, #tpu.memory_space<hbm>>
        %dma_wait3A_27 = tpu.memref_slice %arg3[%add3A_17] : memref<160512xi32, #tpu.memory_space<hbm>> -> memref<200xi32, #tpu.memory_space<hbm>>
        tpu.wait_dma2 semaphore(%run_scoped3A : memref<!tpu.dma_semaphore, #tpu.memory_space<semaphore_mem>>) src(%dma_wait3A_27 : memref<200xi32, #tpu.memory_space<hbm>>) dst(%arg5 : memref<200xi32, #tpu.memory_space<vmem>>)
        tpu.yield
      }) : () -> ()
      %dma_start3A_18 = arith.constant 0 : i32
      %dma_start3A_19 = arith.constant 0 : i32
      %dma_start3A_20 = tpu.memref_slice %arg2[%dma_start3A_18, %dma_start3A_19] : memref<10000x512xf32, #tpu.memory_space<hbm>> -> memref<10000x512xf32, #tpu.memory_space<hbm>>
      tpu.enqueue_indirect_dma source(%dma_start3A_20 : memref<10000x512xf32, #tpu.memory_space<hbm>>) target(%arg6 : memref<200x512xf32, #tpu.memory_space<vmem>>) offsets(%arg5 : memref<200xi32, #tpu.memory_space<vmem>>) semaphore(%arg9 : memref<!tpu.dma_semaphore, #tpu.memory_space<semaphore_mem>>)
      %dma_wait3A_21 = arith.constant 0 : i32
      %dma_wait3A_22 = arith.constant 0 : i32
      %dma_wait3A_23 = tpu.memref_slice %arg2[%dma_wait3A_21, %dma_wait3A_22] : memref<10000x512xf32, #tpu.memory_space<hbm>> -> memref<10000x512xf32, #tpu.memory_space<hbm>>
      tpu.wait_indirect_dma semaphore(%arg9 : memref<!tpu.dma_semaphore, #tpu.memory_space<semaphore_mem>>) src(%dma_wait3A_23 : memref<10000x512xf32, #tpu.memory_space<hbm>>) dst(%arg6 : memref<200x512xf32, #tpu.memory_space<vmem>>)
      "tpu.region"() ({
        %run_scoped3A = tpu.sem_alloc : memref<!tpu.dma_semaphore, #tpu.memory_space<semaphore_mem>>
        %dma_start3A_24 = arith.constant 0 : i32
        %dma_start3A_25 = tpu.memref_slice %arg4[%add3A_17, %dma_start3A_24] : memref<160512x512xf32, #tpu.memory_space<hbm>> -> memref<200x512xf32, #tpu.memory_space<hbm>>
        %dma_start3A_26 = arith.constant 0 : i32
        %dma_start3A_27 = tpu.memref_slice %arg4[%add3A_17, %dma_start3A_26] : memref<160512x512xf32, #tpu.memory_space<hbm>> -> memref<200x512xf32, #tpu.memory_space<hbm>>
        tpu.enqueue_dma source(%arg6 : memref<200x512xf32, #tpu.memory_space<vmem>>) target(%dma_start3A_27 : memref<200x512xf32, #tpu.memory_space<hbm>>) target_semaphore(%run_scoped3A : memref<!tpu.dma_semaphore, #tpu.memory_space<semaphore_mem>>)
        %dma_wait3A_28 = arith.constant 0 : i32
        %dma_wait3A_29 = tpu.memref_slice %arg4[%add3A_17, %dma_wait3A_28] : memref<160512x512xf32, #tpu.memory_space<hbm>> -> memref<200x512xf32, #tpu.memory_space<hbm>>
        %dma_wait3A_30 = arith.constant 0 : i32
        %dma_wait3A_31 = tpu.memref_slice %arg4[%add3A_17, %dma_wait3A_30] : memref<160512x512xf32, #tpu.memory_space<hbm>> -> memref<200x512xf32, #tpu.memory_space<hbm>>
        tpu.wait_dma2 semaphore(%run_scoped3A : memref<!tpu.dma_semaphore, #tpu.memory_space<semaphore_mem>>) src(%arg6 : memref<200x512xf32, #tpu.memory_space<vmem>>) dst(%dma_wait3A_31 : memref<200x512xf32, #tpu.memory_space<hbm>>)
        tpu.yield
      }) : () -> ()
    }
    %scan3A_7 = arith.constant 25 : i32
    %add3A_8 = arith.constant 5000 : i32
    %add3A_9 = arith.addi %mul3A_2, %add3A_8 : i32
    "tpu.region"() ({
      %run_scoped3A = tpu.sem_alloc : memref<!tpu.dma_semaphore, #tpu.memory_space<semaphore_mem>>
      %dma_start3A_14 = tpu.memref_slice %arg3[%add3A_9] : memref<160512xi32, #tpu.memory_space<hbm>> -> memref<16xi32, #tpu.memory_space<hbm>>
      %dma_start3A_15 = tpu.memref_slice %arg3[%add3A_9] : memref<160512xi32, #tpu.memory_space<hbm>> -> memref<16xi32, #tpu.memory_space<hbm>>
      tpu.enqueue_dma source(%dma_start3A_15 : memref<16xi32, #tpu.memory_space<hbm>>) target(%arg7 : memref<16xi32, #tpu.memory_space<vmem>>) target_semaphore(%run_scoped3A : memref<!tpu.dma_semaphore, #tpu.memory_space<semaphore_mem>>)
      %dma_wait3A_16 = tpu.memref_slice %arg3[%add3A_9] : memref<160512xi32, #tpu.memory_space<hbm>> -> memref<16xi32, #tpu.memory_space<hbm>>
      %dma_wait3A_17 = tpu.memref_slice %arg3[%add3A_9] : memref<160512xi32, #tpu.memory_space<hbm>> -> memref<16xi32, #tpu.memory_space<hbm>>
      tpu.wait_dma2 semaphore(%run_scoped3A : memref<!tpu.dma_semaphore, #tpu.memory_space<semaphore_mem>>) src(%dma_wait3A_17 : memref<16xi32, #tpu.memory_space<hbm>>) dst(%arg7 : memref<16xi32, #tpu.memory_space<vmem>>)
      tpu.yield
    }) : () -> ()
    %dma_start3A = arith.constant 0 : i32
    %dma_start3A_10 = arith.constant 0 : i32
    %dma_start3A_11 = tpu.memref_slice %arg2[%dma_start3A, %dma_start3A_10] : memref<10000x512xf32, #tpu.memory_space<hbm>> -> memref<10000x512xf32, #tpu.memory_space<hbm>>
    tpu.enqueue_indirect_dma source(%dma_start3A_11 : memref<10000x512xf32, #tpu.memory_space<hbm>>) target(%arg8 : memref<16x512xf32, #tpu.memory_space<vmem>>) offsets(%arg7 : memref<16xi32, #tpu.memory_space<vmem>>) semaphore(%arg9 : memref<!tpu.dma_semaphore, #tpu.memory_space<semaphore_mem>>)
    %dma_wait3A = arith.constant 0 : i32
    %dma_wait3A_12 = arith.constant 0 : i32
    %dma_wait3A_13 = tpu.memref_slice %arg2[%dma_wait3A, %dma_wait3A_12] : memref<10000x512xf32, #tpu.memory_space<hbm>> -> memref<10000x512xf32, #tpu.memory_space<hbm>>
    tpu.wait_indirect_dma semaphore(%arg9 : memref<!tpu.dma_semaphore, #tpu.memory_space<semaphore_mem>>) src(%dma_wait3A_13 : memref<10000x512xf32, #tpu.memory_space<hbm>>) dst(%arg8 : memref<16x512xf32, #tpu.memory_space<vmem>>)
    "tpu.region"() ({
      %run_scoped3A = tpu.sem_alloc : memref<!tpu.dma_semaphore, #tpu.memory_space<semaphore_mem>>
      %dma_start3A_14 = arith.constant 0 : i32
      %dma_start3A_15 = tpu.memref_slice %arg4[%add3A_9, %dma_start3A_14] : memref<160512x512xf32, #tpu.memory_space<hbm>> -> memref<16x512xf32, #tpu.memory_space<hbm>>
      %dma_start3A_16 = arith.constant 0 : i32
      %dma_start3A_17 = tpu.memref_slice %arg4[%add3A_9, %dma_start3A_16] : memref<160512x512xf32, #tpu.memory_space<hbm>> -> memref<16x512xf32, #tpu.memory_space<hbm>>
      tpu.enqueue_dma source(%arg8 : memref<16x512xf32, #tpu.memory_space<vmem>>) target(%dma_start3A_17 : memref<16x512xf32, #tpu.memory_space<hbm>>) target_semaphore(%run_scoped3A : memref<!tpu.dma_semaphore, #tpu.memory_space<semaphore_mem>>)
      %dma_wait3A_18 = arith.constant 0 : i32
      %dma_wait3A_19 = tpu.memref_slice %arg4[%add3A_9, %dma_wait3A_18] : memref<160512x512xf32, #tpu.memory_space<hbm>> -> memref<16x512xf32, #tpu.memory_space<hbm>>
      %dma_wait3A_20 = arith.constant 0 : i32
      %dma_wait3A_21 = tpu.memref_slice %arg4[%add3A_9, %dma_wait3A_20] : memref<160512x512xf32, #tpu.memory_space<hbm>> -> memref<16x512xf32, #tpu.memory_space<hbm>>
      tpu.wait_dma2 semaphore(%run_scoped3A : memref<!tpu.dma_semaphore, #tpu.memory_space<semaphore_mem>>) src(%arg8 : memref<16x512xf32, #tpu.memory_space<vmem>>) dst(%dma_wait3A_21 : memref<16x512xf32, #tpu.memory_space<hbm>>)
      tpu.yield
    }) : () -> ()
    return
  }
}

#map = affine_map<(d0, d1) -> (0, 0)>
#map1 = affine_map<(d0, d1) -> (0)>
module attributes {stable_mosaic.version = 14 : i64} {
  func.func @k(%arg0: i32, %arg1: i32, %arg2: memref<10000x512xf32, #tpu.memory_space<hbm>>, %arg3: memref<160512xi32, #tpu.memory_space<hbm>>, %arg4: memref<160512x512xf32, #tpu.memory_space<hbm>>, %arg5: memref<200xi32, #tpu.memory_space<vmem>>, %arg6: memref<200x512xf32, #tpu.memory_space<vmem>>, %arg7: memref<16xi32, #tpu.memory_space<vmem>>, %arg8: memref<16x512xf32, #tpu.memory_space<vmem>>, %arg9: memref<!tpu.dma_semaphore, #tpu.memory_space<semaphore_mem>>) attributes {dimension_semantics = [#tpu.dimension_semantics<core_parallel>, #tpu.dimension_semantics<subcore_parallel>], iteration_bounds = array<i64: 2, 16>, scalar_prefetch = 0 : i64, scratch_operands = 5 : i64, tpu.core_type = #tpu.core_type<sc_vector_subcore>, window_params = [{transform_indices = #map}, {transform_indices = #map1}, {transform_indices = #map}]} {
    %mul3A = arith.constant 2 : i32
    %mul3A_0 = arith.muli %arg1, %mul3A : i32
    %add3A = arith.addi %mul3A_0, %arg0 : i32
    %mul3A_1 = arith.constant 5016 : i32
    %mul3A_2 = arith.muli %add3A, %mul3A_1 : i32
    %scan3A = arith.constant 0 : i32
    %scan3A_3 = arith.constant 0 : i32
    %scan3A_4 = arith.constant 25 : i32
    %scan3A_5 = arith.addi %scan3A_3, %scan3A_4 : i32
    %scan3A_6 = arith.constant 1 : i32
    scf.for %scan3A_14 = %scan3A_3 to %scan3A_5 step %scan3A_6  : i32 {
      %mul3A_15 = arith.constant 200 : i32
      %mul3A_16 = arith.muli %scan3A_14, %mul3A_15 : i32
      %add3A_17 = arith.addi %mul3A_2, %mul3A_16 : i32
      "tpu.region"() ({
        %run_scoped3A = tpu.sem_alloc : memref<!tpu.dma_semaphore, #tpu.memory_space<semaphore_mem>>
        %dma_start3A_24 = tpu.memref_slice %arg3[%add3A_17] : memref<160512xi32, #tpu.memory_space<hbm>> -> memref<200xi32, #tpu.memory_space<hbm>>
        %dma_start3A_25 = tpu.memref_slice %arg3[%add3A_17] : memref<160512xi32, #tpu.memory_space<hbm>> -> memref<200xi32, #tpu.memory_space<hbm>>
        tpu.enqueue_dma source(%dma_start3A_25 : memref<200xi32, #tpu.memory_space<hbm>>) target(%arg5 : memref<200xi32, #tpu.memory_space<vmem>>) target_semaphore(%run_scoped3A : memref<!tpu.dma_semaphore, #tpu.memory_space<semaphore_mem>>)
        %dma_wait3A_26 = tpu.memref_slice %arg3[%add3A_17] : memref<160512xi32, #tpu.memory_space<hbm>> -> memref<200xi32, #tpu.memory_space<hbm>>
        %dma_wait3A_27 = tpu.memref_slice %arg3[%add3A_17] : memref<160512xi32, #tpu.memory_space<hbm>> -> memref<200xi32, #tpu.memory_space<hbm>>
        tpu.wait_dma2 semaphore(%run_scoped3A : memref<!tpu.dma_semaphore, #tpu.memory_space<semaphore_mem>>) src(%dma_wait3A_27 : memref<200xi32, #tpu.memory_space<hbm>>) dst(%arg5 : memref<200xi32, #tpu.memory_space<vmem>>)
        tpu.yield
      }) : () -> ()
      %dma_start3A_18 = arith.constant 0 : i32
      %dma_start3A_19 = arith.constant 0 : i32
      %dma_start3A_20 = tpu.memref_slice %arg2[%dma_start3A_18, %dma_start3A_19] : memref<10000x512xf32, #tpu.memory_space<hbm>> -> memref<10000x512xf32, #tpu.memory_space<hbm>>
      tpu.enqueue_indirect_dma source(%dma_start3A_20 : memref<10000x512xf32, #tpu.memory_space<hbm>>) target(%arg6 : memref<200x512xf32, #tpu.memory_space<vmem>>) offsets(%arg5 : memref<200xi32, #tpu.memory_space<vmem>>) semaphore(%arg9 : memref<!tpu.dma_semaphore, #tpu.memory_space<semaphore_mem>>)
      %dma_wait3A_21 = arith.constant 0 : i32
      %dma_wait3A_22 = arith.constant 0 : i32
      %dma_wait3A_23 = tpu.memref_slice %arg2[%dma_wait3A_21, %dma_wait3A_22] : memref<10000x512xf32, #tpu.memory_space<hbm>> -> memref<10000x512xf32, #tpu.memory_space<hbm>>
      tpu.wait_indirect_dma semaphore(%arg9 : memref<!tpu.dma_semaphore, #tpu.memory_space<semaphore_mem>>) src(%dma_wait3A_23 : memref<10000x512xf32, #tpu.memory_space<hbm>>) dst(%arg6 : memref<200x512xf32, #tpu.memory_space<vmem>>)
      "tpu.region"() ({
        %run_scoped3A = tpu.sem_alloc : memref<!tpu.dma_semaphore, #tpu.memory_space<semaphore_mem>>
        %dma_start3A_24 = arith.constant 0 : i32
        %dma_start3A_25 = tpu.memref_slice %arg4[%add3A_17, %dma_start3A_24] : memref<160512x512xf32, #tpu.memory_space<hbm>> -> memref<200x512xf32, #tpu.memory_space<hbm>>
        %dma_start3A_26 = arith.constant 0 : i32
        %dma_start3A_27 = tpu.memref_slice %arg4[%add3A_17, %dma_start3A_26] : memref<160512x512xf32, #tpu.memory_space<hbm>> -> memref<200x512xf32, #tpu.memory_space<hbm>>
        tpu.enqueue_dma source(%arg6 : memref<200x512xf32, #tpu.memory_space<vmem>>) target(%dma_start3A_27 : memref<200x512xf32, #tpu.memory_space<hbm>>) target_semaphore(%run_scoped3A : memref<!tpu.dma_semaphore, #tpu.memory_space<semaphore_mem>>)
        %dma_wait3A_28 = arith.constant 0 : i32
        %dma_wait3A_29 = tpu.memref_slice %arg4[%add3A_17, %dma_wait3A_28] : memref<160512x512xf32, #tpu.memory_space<hbm>> -> memref<200x512xf32, #tpu.memory_space<hbm>>
        %dma_wait3A_30 = arith.constant 0 : i32
        %dma_wait3A_31 = tpu.memref_slice %arg4[%add3A_17, %dma_wait3A_30] : memref<160512x512xf32, #tpu.memory_space<hbm>> -> memref<200x512xf32, #tpu.memory_space<hbm>>
        tpu.wait_dma2 semaphore(%run_scoped3A : memref<!tpu.dma_semaphore, #tpu.memory_space<semaphore_mem>>) src(%arg6 : memref<200x512xf32, #tpu.memory_space<vmem>>) dst(%dma_wait3A_31 : memref<200x512xf32, #tpu.memory_space<hbm>>)
        tpu.yield
      }) : () -> ()
    }
    %scan3A_7 = arith.constant 25 : i32
    %add3A_8 = arith.constant 5000 : i32
    %add3A_9 = arith.addi %mul3A_2, %add3A_8 : i32
    "tpu.region"() ({
      %run_scoped3A = tpu.sem_alloc : memref<!tpu.dma_semaphore, #tpu.memory_space<semaphore_mem>>
      %dma_start3A_14 = tpu.memref_slice %arg3[%add3A_9] : memref<160512xi32, #tpu.memory_space<hbm>> -> memref<16xi32, #tpu.memory_space<hbm>>
      %dma_start3A_15 = tpu.memref_slice %arg3[%add3A_9] : memref<160512xi32, #tpu.memory_space<hbm>> -> memref<16xi32, #tpu.memory_space<hbm>>
      tpu.enqueue_dma source(%dma_start3A_15 : memref<16xi32, #tpu.memory_space<hbm>>) target(%arg7 : memref<16xi32, #tpu.memory_space<vmem>>) target_semaphore(%run_scoped3A : memref<!tpu.dma_semaphore, #tpu.memory_space<semaphore_mem>>)
      %dma_wait3A_16 = tpu.memref_slice %arg3[%add3A_9] : memref<160512xi32, #tpu.memory_space<hbm>> -> memref<16xi32, #tpu.memory_space<hbm>>
      %dma_wait3A_17 = tpu.memref_slice %arg3[%add3A_9] : memref<160512xi32, #tpu.memory_space<hbm>> -> memref<16xi32, #tpu.memory_space<hbm>>
      tpu.wait_dma2 semaphore(%run_scoped3A : memref<!tpu.dma_semaphore, #tpu.memory_space<semaphore_mem>>) src(%dma_wait3A_17 : memref<16xi32, #tpu.memory_space<hbm>>) dst(%arg7 : memref<16xi32, #tpu.memory_space<vmem>>)
      tpu.yield
    }) : () -> ()
    %dma_start3A = arith.constant 0 : i32
    %dma_start3A_10 = arith.constant 0 : i32
    %dma_start3A_11 = tpu.memref_slice %arg2[%dma_start3A, %dma_start3A_10] : memref<10000x512xf32, #tpu.memory_space<hbm>> -> memref<10000x512xf32, #tpu.memory_space<hbm>>
    tpu.enqueue_indirect_dma source(%dma_start3A_11 : memref<10000x512xf32, #tpu.memory_space<hbm>>) target(%arg8 : memref<16x512xf32, #tpu.memory_space<vmem>>) offsets(%arg7 : memref<16xi32, #tpu.memory_space<vmem>>) semaphore(%arg9 : memref<!tpu.dma_semaphore, #tpu.memory_space<semaphore_mem>>)
    %dma_wait3A = arith.constant 0 : i32
    %dma_wait3A_12 = arith.constant 0 : i32
    %dma_wait3A_13 = tpu.memref_slice %arg2[%dma_wait3A, %dma_wait3A_12] : memref<10000x512xf32, #tpu.memory_space<hbm>> -> memref<10000x512xf32, #tpu.memory_space<hbm>>
    tpu.wait_indirect_dma semaphore(%arg9 : memref<!tpu.dma_semaphore, #tpu.memory_space<semaphore_mem>>) src(%dma_wait3A_13 : memref<10000x512xf32, #tpu.memory_space<hbm>>) dst(%arg8 : memref<16x512xf32, #tpu.memory_space<vmem>>)
    "tpu.region"() ({
      %run_scoped3A = tpu.sem_alloc : memref<!tpu.dma_semaphore, #tpu.memory_space<semaphore_mem>>
      %dma_start3A_14 = arith.constant 0 : i32
      %dma_start3A_15 = tpu.memref_slice %arg4[%add3A_9, %dma_start3A_14] : memref<160512x512xf32, #tpu.memory_space<hbm>> -> memref<16x512xf32, #tpu.memory_space<hbm>>
      %dma_start3A_16 = arith.constant 0 : i32
      %dma_start3A_17 = tpu.memref_slice %arg4[%add3A_9, %dma_start3A_16] : memref<160512x512xf32, #tpu.memory_space<hbm>> -> memref<16x512xf32, #tpu.memory_space<hbm>>
      tpu.enqueue_dma source(%arg8 : memref<16x512xf32, #tpu.memory_space<vmem>>) target(%dma_start3A_17 : memref<16x512xf32, #tpu.memory_space<hbm>>) target_semaphore(%run_scoped3A : memref<!tpu.dma_semaphore, #tpu.memory_space<semaphore_mem>>)
      %dma_wait3A_18 = arith.constant 0 : i32
      %dma_wait3A_19 = tpu.memref_slice %arg4[%add3A_9, %dma_wait3A_18] : memref<160512x512xf32, #tpu.memory_space<hbm>> -> memref<16x512xf32, #tpu.memory_space<hbm>>
      %dma_wait3A_20 = arith.constant 0 : i32
      %dma_wait3A_21 = tpu.memref_slice %arg4[%add3A_9, %dma_wait3A_20] : memref<160512x512xf32, #tpu.memory_space<hbm>> -> memref<16x512xf32, #tpu.memory_space<hbm>>
      tpu.wait_dma2 semaphore(%run_scoped3A : memref<!tpu.dma_semaphore, #tpu.memory_space<semaphore_mem>>) src(%arg8 : memref<16x512xf32, #tpu.memory_space<vmem>>) dst(%dma_wait3A_21 : memref<16x512xf32, #tpu.memory_space<hbm>>)
      tpu.yield
    }) : () -> ()
    return
  }
}

#map = affine_map<(d0, d1) -> (0, 0)>
#map1 = affine_map<(d0, d1) -> (0)>
module attributes {stable_mosaic.version = 14 : i64} {
  func.func @k(%arg0: i32, %arg1: i32, %arg2: memref<10000x512xf32, #tpu.memory_space<hbm>>, %arg3: memref<160512xi32, #tpu.memory_space<hbm>>, %arg4: memref<160512x512xf32, #tpu.memory_space<hbm>>, %arg5: memref<200xi32, #tpu.memory_space<vmem>>, %arg6: memref<200x512xf32, #tpu.memory_space<vmem>>, %arg7: memref<16xi32, #tpu.memory_space<vmem>>, %arg8: memref<16x512xf32, #tpu.memory_space<vmem>>, %arg9: memref<!tpu.dma_semaphore, #tpu.memory_space<semaphore_mem>>) attributes {dimension_semantics = [#tpu.dimension_semantics<core_parallel>, #tpu.dimension_semantics<subcore_parallel>], iteration_bounds = array<i64: 2, 16>, scalar_prefetch = 0 : i64, scratch_operands = 5 : i64, tpu.core_type = #tpu.core_type<sc_vector_subcore>, window_params = [{transform_indices = #map}, {transform_indices = #map1}, {transform_indices = #map}]} {
    %mul3A = arith.constant 2 : i32
    %mul3A_0 = arith.muli %arg1, %mul3A : i32
    %add3A = arith.addi %mul3A_0, %arg0 : i32
    %mul3A_1 = arith.constant 5016 : i32
    %mul3A_2 = arith.muli %add3A, %mul3A_1 : i32
    %scan3A = arith.constant 0 : i32
    %scan3A_3 = arith.constant 0 : i32
    %scan3A_4 = arith.constant 25 : i32
    %scan3A_5 = arith.addi %scan3A_3, %scan3A_4 : i32
    %scan3A_6 = arith.constant 1 : i32
    scf.for %scan3A_14 = %scan3A_3 to %scan3A_5 step %scan3A_6  : i32 {
      %mul3A_15 = arith.constant 200 : i32
      %mul3A_16 = arith.muli %scan3A_14, %mul3A_15 : i32
      %add3A_17 = arith.addi %mul3A_2, %mul3A_16 : i32
      "tpu.region"() ({
        %run_scoped3A = tpu.sem_alloc : memref<!tpu.dma_semaphore, #tpu.memory_space<semaphore_mem>>
        %dma_start3A_24 = tpu.memref_slice %arg3[%add3A_17] : memref<160512xi32, #tpu.memory_space<hbm>> -> memref<200xi32, #tpu.memory_space<hbm>>
        %dma_start3A_25 = tpu.memref_slice %arg3[%add3A_17] : memref<160512xi32, #tpu.memory_space<hbm>> -> memref<200xi32, #tpu.memory_space<hbm>>
        tpu.enqueue_dma source(%dma_start3A_25 : memref<200xi32, #tpu.memory_space<hbm>>) target(%arg5 : memref<200xi32, #tpu.memory_space<vmem>>) target_semaphore(%run_scoped3A : memref<!tpu.dma_semaphore, #tpu.memory_space<semaphore_mem>>)
        %dma_wait3A_26 = tpu.memref_slice %arg3[%add3A_17] : memref<160512xi32, #tpu.memory_space<hbm>> -> memref<200xi32, #tpu.memory_space<hbm>>
        %dma_wait3A_27 = tpu.memref_slice %arg3[%add3A_17] : memref<160512xi32, #tpu.memory_space<hbm>> -> memref<200xi32, #tpu.memory_space<hbm>>
        tpu.wait_dma2 semaphore(%run_scoped3A : memref<!tpu.dma_semaphore, #tpu.memory_space<semaphore_mem>>) src(%dma_wait3A_27 : memref<200xi32, #tpu.memory_space<hbm>>) dst(%arg5 : memref<200xi32, #tpu.memory_space<vmem>>)
        tpu.yield
      }) : () -> ()
      %dma_start3A_18 = arith.constant 0 : i32
      %dma_start3A_19 = arith.constant 0 : i32
      %dma_start3A_20 = tpu.memref_slice %arg2[%dma_start3A_18, %dma_start3A_19] : memref<10000x512xf32, #tpu.memory_space<hbm>> -> memref<10000x512xf32, #tpu.memory_space<hbm>>
      tpu.enqueue_indirect_dma source(%dma_start3A_20 : memref<10000x512xf32, #tpu.memory_space<hbm>>) target(%arg6 : memref<200x512xf32, #tpu.memory_space<vmem>>) offsets(%arg5 : memref<200xi32, #tpu.memory_space<vmem>>) semaphore(%arg9 : memref<!tpu.dma_semaphore, #tpu.memory_space<semaphore_mem>>)
      %dma_wait3A_21 = arith.constant 0 : i32
      %dma_wait3A_22 = arith.constant 0 : i32
      %dma_wait3A_23 = tpu.memref_slice %arg2[%dma_wait3A_21, %dma_wait3A_22] : memref<10000x512xf32, #tpu.memory_space<hbm>> -> memref<10000x512xf32, #tpu.memory_space<hbm>>
      tpu.wait_indirect_dma semaphore(%arg9 : memref<!tpu.dma_semaphore, #tpu.memory_space<semaphore_mem>>) src(%dma_wait3A_23 : memref<10000x512xf32, #tpu.memory_space<hbm>>) dst(%arg6 : memref<200x512xf32, #tpu.memory_space<vmem>>)
      "tpu.region"() ({
        %run_scoped3A = tpu.sem_alloc : memref<!tpu.dma_semaphore, #tpu.memory_space<semaphore_mem>>
        %dma_start3A_24 = arith.constant 0 : i32
        %dma_start3A_25 = tpu.memref_slice %arg4[%add3A_17, %dma_start3A_24] : memref<160512x512xf32, #tpu.memory_space<hbm>> -> memref<200x512xf32, #tpu.memory_space<hbm>>
        %dma_start3A_26 = arith.constant 0 : i32
        %dma_start3A_27 = tpu.memref_slice %arg4[%add3A_17, %dma_start3A_26] : memref<160512x512xf32, #tpu.memory_space<hbm>> -> memref<200x512xf32, #tpu.memory_space<hbm>>
        tpu.enqueue_dma source(%arg6 : memref<200x512xf32, #tpu.memory_space<vmem>>) target(%dma_start3A_27 : memref<200x512xf32, #tpu.memory_space<hbm>>) target_semaphore(%run_scoped3A : memref<!tpu.dma_semaphore, #tpu.memory_space<semaphore_mem>>)
        %dma_wait3A_28 = arith.constant 0 : i32
        %dma_wait3A_29 = tpu.memref_slice %arg4[%add3A_17, %dma_wait3A_28] : memref<160512x512xf32, #tpu.memory_space<hbm>> -> memref<200x512xf32, #tpu.memory_space<hbm>>
        %dma_wait3A_30 = arith.constant 0 : i32
        %dma_wait3A_31 = tpu.memref_slice %arg4[%add3A_17, %dma_wait3A_30] : memref<160512x512xf32, #tpu.memory_space<hbm>> -> memref<200x512xf32, #tpu.memory_space<hbm>>
        tpu.wait_dma2 semaphore(%run_scoped3A : memref<!tpu.dma_semaphore, #tpu.memory_space<semaphore_mem>>) src(%arg6 : memref<200x512xf32, #tpu.memory_space<vmem>>) dst(%dma_wait3A_31 : memref<200x512xf32, #tpu.memory_space<hbm>>)
        tpu.yield
      }) : () -> ()
    }
    %scan3A_7 = arith.constant 25 : i32
    %add3A_8 = arith.constant 5000 : i32
    %add3A_9 = arith.addi %mul3A_2, %add3A_8 : i32
    "tpu.region"() ({
      %run_scoped3A = tpu.sem_alloc : memref<!tpu.dma_semaphore, #tpu.memory_space<semaphore_mem>>
      %dma_start3A_14 = tpu.memref_slice %arg3[%add3A_9] : memref<160512xi32, #tpu.memory_space<hbm>> -> memref<16xi32, #tpu.memory_space<hbm>>
      %dma_start3A_15 = tpu.memref_slice %arg3[%add3A_9] : memref<160512xi32, #tpu.memory_space<hbm>> -> memref<16xi32, #tpu.memory_space<hbm>>
      tpu.enqueue_dma source(%dma_start3A_15 : memref<16xi32, #tpu.memory_space<hbm>>) target(%arg7 : memref<16xi32, #tpu.memory_space<vmem>>) target_semaphore(%run_scoped3A : memref<!tpu.dma_semaphore, #tpu.memory_space<semaphore_mem>>)
      %dma_wait3A_16 = tpu.memref_slice %arg3[%add3A_9] : memref<160512xi32, #tpu.memory_space<hbm>> -> memref<16xi32, #tpu.memory_space<hbm>>
      %dma_wait3A_17 = tpu.memref_slice %arg3[%add3A_9] : memref<160512xi32, #tpu.memory_space<hbm>> -> memref<16xi32, #tpu.memory_space<hbm>>
      tpu.wait_dma2 semaphore(%run_scoped3A : memref<!tpu.dma_semaphore, #tpu.memory_space<semaphore_mem>>) src(%dma_wait3A_17 : memref<16xi32, #tpu.memory_space<hbm>>) dst(%arg7 : memref<16xi32, #tpu.memory_space<vmem>>)
      tpu.yield
    }) : () -> ()
    %dma_start3A = arith.constant 0 : i32
    %dma_start3A_10 = arith.constant 0 : i32
    %dma_start3A_11 = tpu.memref_slice %arg2[%dma_start3A, %dma_start3A_10] : memref<10000x512xf32, #tpu.memory_space<hbm>> -> memref<10000x512xf32, #tpu.memory_space<hbm>>
    tpu.enqueue_indirect_dma source(%dma_start3A_11 : memref<10000x512xf32, #tpu.memory_space<hbm>>) target(%arg8 : memref<16x512xf32, #tpu.memory_space<vmem>>) offsets(%arg7 : memref<16xi32, #tpu.memory_space<vmem>>) semaphore(%arg9 : memref<!tpu.dma_semaphore, #tpu.memory_space<semaphore_mem>>)
    %dma_wait3A = arith.constant 0 : i32
    %dma_wait3A_12 = arith.constant 0 : i32
    %dma_wait3A_13 = tpu.memref_slice %arg2[%dma_wait3A, %dma_wait3A_12] : memref<10000x512xf32, #tpu.memory_space<hbm>> -> memref<10000x512xf32, #tpu.memory_space<hbm>>
    tpu.wait_indirect_dma semaphore(%arg9 : memref<!tpu.dma_semaphore, #tpu.memory_space<semaphore_mem>>) src(%dma_wait3A_13 : memref<10000x512xf32, #tpu.memory_space<hbm>>) dst(%arg8 : memref<16x512xf32, #tpu.memory_space<vmem>>)
    "tpu.region"() ({
      %run_scoped3A = tpu.sem_alloc : memref<!tpu.dma_semaphore, #tpu.memory_space<semaphore_mem>>
      %dma_start3A_14 = arith.constant 0 : i32
      %dma_start3A_15 = tpu.memref_slice %arg4[%add3A_9, %dma_start3A_14] : memref<160512x512xf32, #tpu.memory_space<hbm>> -> memref<16x512xf32, #tpu.memory_space<hbm>>
      %dma_start3A_16 = arith.constant 0 : i32
      %dma_start3A_17 = tpu.memref_slice %arg4[%add3A_9, %dma_start3A_16] : memref<160512x512xf32, #tpu.memory_space<hbm>> -> memref<16x512xf32, #tpu.memory_space<hbm>>
      tpu.enqueue_dma source(%arg8 : memref<16x512xf32, #tpu.memory_space<vmem>>) target(%dma_start3A_17 : memref<16x512xf32, #tpu.memory_space<hbm>>) target_semaphore(%run_scoped3A : memref<!tpu.dma_semaphore, #tpu.memory_space<semaphore_mem>>)
      %dma_wait3A_18 = arith.constant 0 : i32
      %dma_wait3A_19 = tpu.memref_slice %arg4[%add3A_9, %dma_wait3A_18] : memref<160512x512xf32, #tpu.memory_space<hbm>> -> memref<16x512xf32, #tpu.memory_space<hbm>>
      %dma_wait3A_20 = arith.constant 0 : i32
      %dma_wait3A_21 = tpu.memref_slice %arg4[%add3A_9, %dma_wait3A_20] : memref<160512x512xf32, #tpu.memory_space<hbm>> -> memref<16x512xf32, #tpu.memory_space<hbm>>
      tpu.wait_dma2 semaphore(%run_scoped3A : memref<!tpu.dma_semaphore, #tpu.memory_space<semaphore_mem>>) src(%arg8 : memref<16x512xf32, #tpu.memory_space<vmem>>) dst(%dma_wait3A_21 : memref<16x512xf32, #tpu.memory_space<hbm>>)
      tpu.yield
    }) : () -> ()
    return
  }
}

#map = affine_map<(d0, d1) -> (0, 0)>
#map1 = affine_map<(d0, d1) -> (0)>
module attributes {stable_mosaic.version = 14 : i64} {
  func.func @k(%arg0: i32, %arg1: i32, %arg2: memref<10000x512xf32, #tpu.memory_space<hbm>>, %arg3: memref<160512xi32, #tpu.memory_space<hbm>>, %arg4: memref<160512x512xf32, #tpu.memory_space<hbm>>, %arg5: memref<200xi32, #tpu.memory_space<vmem>>, %arg6: memref<200x512xf32, #tpu.memory_space<vmem>>, %arg7: memref<16xi32, #tpu.memory_space<vmem>>, %arg8: memref<16x512xf32, #tpu.memory_space<vmem>>, %arg9: memref<!tpu.dma_semaphore, #tpu.memory_space<semaphore_mem>>) attributes {dimension_semantics = [#tpu.dimension_semantics<core_parallel>, #tpu.dimension_semantics<subcore_parallel>], iteration_bounds = array<i64: 2, 16>, scalar_prefetch = 0 : i64, scratch_operands = 5 : i64, tpu.core_type = #tpu.core_type<sc_vector_subcore>, window_params = [{transform_indices = #map}, {transform_indices = #map1}, {transform_indices = #map}]} {
    %mul3A = arith.constant 2 : i32
    %mul3A_0 = arith.muli %arg1, %mul3A : i32
    %add3A = arith.addi %mul3A_0, %arg0 : i32
    %mul3A_1 = arith.constant 5016 : i32
    %mul3A_2 = arith.muli %add3A, %mul3A_1 : i32
    %scan3A = arith.constant 0 : i32
    %scan3A_3 = arith.constant 0 : i32
    %scan3A_4 = arith.constant 25 : i32
    %scan3A_5 = arith.addi %scan3A_3, %scan3A_4 : i32
    %scan3A_6 = arith.constant 1 : i32
    scf.for %scan3A_14 = %scan3A_3 to %scan3A_5 step %scan3A_6  : i32 {
      %mul3A_15 = arith.constant 200 : i32
      %mul3A_16 = arith.muli %scan3A_14, %mul3A_15 : i32
      %add3A_17 = arith.addi %mul3A_2, %mul3A_16 : i32
      "tpu.region"() ({
        %run_scoped3A = tpu.sem_alloc : memref<!tpu.dma_semaphore, #tpu.memory_space<semaphore_mem>>
        %dma_start3A_24 = tpu.memref_slice %arg3[%add3A_17] : memref<160512xi32, #tpu.memory_space<hbm>> -> memref<200xi32, #tpu.memory_space<hbm>>
        %dma_start3A_25 = tpu.memref_slice %arg3[%add3A_17] : memref<160512xi32, #tpu.memory_space<hbm>> -> memref<200xi32, #tpu.memory_space<hbm>>
        tpu.enqueue_dma source(%dma_start3A_25 : memref<200xi32, #tpu.memory_space<hbm>>) target(%arg5 : memref<200xi32, #tpu.memory_space<vmem>>) target_semaphore(%run_scoped3A : memref<!tpu.dma_semaphore, #tpu.memory_space<semaphore_mem>>)
        %dma_wait3A_26 = tpu.memref_slice %arg3[%add3A_17] : memref<160512xi32, #tpu.memory_space<hbm>> -> memref<200xi32, #tpu.memory_space<hbm>>
        %dma_wait3A_27 = tpu.memref_slice %arg3[%add3A_17] : memref<160512xi32, #tpu.memory_space<hbm>> -> memref<200xi32, #tpu.memory_space<hbm>>
        tpu.wait_dma2 semaphore(%run_scoped3A : memref<!tpu.dma_semaphore, #tpu.memory_space<semaphore_mem>>) src(%dma_wait3A_27 : memref<200xi32, #tpu.memory_space<hbm>>) dst(%arg5 : memref<200xi32, #tpu.memory_space<vmem>>)
        tpu.yield
      }) : () -> ()
      %dma_start3A_18 = arith.constant 0 : i32
      %dma_start3A_19 = arith.constant 0 : i32
      %dma_start3A_20 = tpu.memref_slice %arg2[%dma_start3A_18, %dma_start3A_19] : memref<10000x512xf32, #tpu.memory_space<hbm>> -> memref<10000x512xf32, #tpu.memory_space<hbm>>
      tpu.enqueue_indirect_dma source(%dma_start3A_20 : memref<10000x512xf32, #tpu.memory_space<hbm>>) target(%arg6 : memref<200x512xf32, #tpu.memory_space<vmem>>) offsets(%arg5 : memref<200xi32, #tpu.memory_space<vmem>>) semaphore(%arg9 : memref<!tpu.dma_semaphore, #tpu.memory_space<semaphore_mem>>)
      %dma_wait3A_21 = arith.constant 0 : i32
      %dma_wait3A_22 = arith.constant 0 : i32
      %dma_wait3A_23 = tpu.memref_slice %arg2[%dma_wait3A_21, %dma_wait3A_22] : memref<10000x512xf32, #tpu.memory_space<hbm>> -> memref<10000x512xf32, #tpu.memory_space<hbm>>
      tpu.wait_indirect_dma semaphore(%arg9 : memref<!tpu.dma_semaphore, #tpu.memory_space<semaphore_mem>>) src(%dma_wait3A_23 : memref<10000x512xf32, #tpu.memory_space<hbm>>) dst(%arg6 : memref<200x512xf32, #tpu.memory_space<vmem>>)
      "tpu.region"() ({
        %run_scoped3A = tpu.sem_alloc : memref<!tpu.dma_semaphore, #tpu.memory_space<semaphore_mem>>
        %dma_start3A_24 = arith.constant 0 : i32
        %dma_start3A_25 = tpu.memref_slice %arg4[%add3A_17, %dma_start3A_24] : memref<160512x512xf32, #tpu.memory_space<hbm>> -> memref<200x512xf32, #tpu.memory_space<hbm>>
        %dma_start3A_26 = arith.constant 0 : i32
        %dma_start3A_27 = tpu.memref_slice %arg4[%add3A_17, %dma_start3A_26] : memref<160512x512xf32, #tpu.memory_space<hbm>> -> memref<200x512xf32, #tpu.memory_space<hbm>>
        tpu.enqueue_dma source(%arg6 : memref<200x512xf32, #tpu.memory_space<vmem>>) target(%dma_start3A_27 : memref<200x512xf32, #tpu.memory_space<hbm>>) target_semaphore(%run_scoped3A : memref<!tpu.dma_semaphore, #tpu.memory_space<semaphore_mem>>)
        %dma_wait3A_28 = arith.constant 0 : i32
        %dma_wait3A_29 = tpu.memref_slice %arg4[%add3A_17, %dma_wait3A_28] : memref<160512x512xf32, #tpu.memory_space<hbm>> -> memref<200x512xf32, #tpu.memory_space<hbm>>
        %dma_wait3A_30 = arith.constant 0 : i32
        %dma_wait3A_31 = tpu.memref_slice %arg4[%add3A_17, %dma_wait3A_30] : memref<160512x512xf32, #tpu.memory_space<hbm>> -> memref<200x512xf32, #tpu.memory_space<hbm>>
        tpu.wait_dma2 semaphore(%run_scoped3A : memref<!tpu.dma_semaphore, #tpu.memory_space<semaphore_mem>>) src(%arg6 : memref<200x512xf32, #tpu.memory_space<vmem>>) dst(%dma_wait3A_31 : memref<200x512xf32, #tpu.memory_space<hbm>>)
        tpu.yield
      }) : () -> ()
    }
    %scan3A_7 = arith.constant 25 : i32
    %add3A_8 = arith.constant 5000 : i32
    %add3A_9 = arith.addi %mul3A_2, %add3A_8 : i32
    "tpu.region"() ({
      %run_scoped3A = tpu.sem_alloc : memref<!tpu.dma_semaphore, #tpu.memory_space<semaphore_mem>>
      %dma_start3A_14 = tpu.memref_slice %arg3[%add3A_9] : memref<160512xi32, #tpu.memory_space<hbm>> -> memref<16xi32, #tpu.memory_space<hbm>>
      %dma_start3A_15 = tpu.memref_slice %arg3[%add3A_9] : memref<160512xi32, #tpu.memory_space<hbm>> -> memref<16xi32, #tpu.memory_space<hbm>>
      tpu.enqueue_dma source(%dma_start3A_15 : memref<16xi32, #tpu.memory_space<hbm>>) target(%arg7 : memref<16xi32, #tpu.memory_space<vmem>>) target_semaphore(%run_scoped3A : memref<!tpu.dma_semaphore, #tpu.memory_space<semaphore_mem>>)
      %dma_wait3A_16 = tpu.memref_slice %arg3[%add3A_9] : memref<160512xi32, #tpu.memory_space<hbm>> -> memref<16xi32, #tpu.memory_space<hbm>>
      %dma_wait3A_17 = tpu.memref_slice %arg3[%add3A_9] : memref<160512xi32, #tpu.memory_space<hbm>> -> memref<16xi32, #tpu.memory_space<hbm>>
      tpu.wait_dma2 semaphore(%run_scoped3A : memref<!tpu.dma_semaphore, #tpu.memory_space<semaphore_mem>>) src(%dma_wait3A_17 : memref<16xi32, #tpu.memory_space<hbm>>) dst(%arg7 : memref<16xi32, #tpu.memory_space<vmem>>)
      tpu.yield
    }) : () -> ()
    %dma_start3A = arith.constant 0 : i32
    %dma_start3A_10 = arith.constant 0 : i32
    %dma_start3A_11 = tpu.memref_slice %arg2[%dma_start3A, %dma_start3A_10] : memref<10000x512xf32, #tpu.memory_space<hbm>> -> memref<10000x512xf32, #tpu.memory_space<hbm>>
    tpu.enqueue_indirect_dma source(%dma_start3A_11 : memref<10000x512xf32, #tpu.memory_space<hbm>>) target(%arg8 : memref<16x512xf32, #tpu.memory_space<vmem>>) offsets(%arg7 : memref<16xi32, #tpu.memory_space<vmem>>) semaphore(%arg9 : memref<!tpu.dma_semaphore, #tpu.memory_space<semaphore_mem>>)
    %dma_wait3A = arith.constant 0 : i32
    %dma_wait3A_12 = arith.constant 0 : i32
    %dma_wait3A_13 = tpu.memref_slice %arg2[%dma_wait3A, %dma_wait3A_12] : memref<10000x512xf32, #tpu.memory_space<hbm>> -> memref<10000x512xf32, #tpu.memory_space<hbm>>
    tpu.wait_indirect_dma semaphore(%arg9 : memref<!tpu.dma_semaphore, #tpu.memory_space<semaphore_mem>>) src(%dma_wait3A_13 : memref<10000x512xf32, #tpu.memory_space<hbm>>) dst(%arg8 : memref<16x512xf32, #tpu.memory_space<vmem>>)
    "tpu.region"() ({
      %run_scoped3A = tpu.sem_alloc : memref<!tpu.dma_semaphore, #tpu.memory_space<semaphore_mem>>
      %dma_start3A_14 = arith.constant 0 : i32
      %dma_start3A_15 = tpu.memref_slice %arg4[%add3A_9, %dma_start3A_14] : memref<160512x512xf32, #tpu.memory_space<hbm>> -> memref<16x512xf32, #tpu.memory_space<hbm>>
      %dma_start3A_16 = arith.constant 0 : i32
      %dma_start3A_17 = tpu.memref_slice %arg4[%add3A_9, %dma_start3A_16] : memref<160512x512xf32, #tpu.memory_space<hbm>> -> memref<16x512xf32, #tpu.memory_space<hbm>>
      tpu.enqueue_dma source(%arg8 : memref<16x512xf32, #tpu.memory_space<vmem>>) target(%dma_start3A_17 : memref<16x512xf32, #tpu.memory_space<hbm>>) target_semaphore(%run_scoped3A : memref<!tpu.dma_semaphore, #tpu.memory_space<semaphore_mem>>)
      %dma_wait3A_18 = arith.constant 0 : i32
      %dma_wait3A_19 = tpu.memref_slice %arg4[%add3A_9, %dma_wait3A_18] : memref<160512x512xf32, #tpu.memory_space<hbm>> -> memref<16x512xf32, #tpu.memory_space<hbm>>
      %dma_wait3A_20 = arith.constant 0 : i32
      %dma_wait3A_21 = tpu.memref_slice %arg4[%add3A_9, %dma_wait3A_20] : memref<160512x512xf32, #tpu.memory_space<hbm>> -> memref<16x512xf32, #tpu.memory_space<hbm>>
      tpu.wait_dma2 semaphore(%run_scoped3A : memref<!tpu.dma_semaphore, #tpu.memory_space<semaphore_mem>>) src(%arg8 : memref<16x512xf32, #tpu.memory_space<vmem>>) dst(%dma_wait3A_21 : memref<16x512xf32, #tpu.memory_space<hbm>>)
      tpu.yield
    }) : () -> ()
    return
  }
}

module attributes {stable_mosaic.version = 14 : i64} {
  func.func @_node_ts_kernel(%arg0: i32, %arg1: memref<1000x1xi32, #tpu.memory_space<vmem>>, %arg2: memref<1x64xf32, #tpu.memory_space<vmem>>, %arg3: memref<1000x1xf32, #tpu.memory_space<vmem>>) attributes {dimension_semantics = [#tpu.dimension_semantics<arbitrary>], iteration_bounds = array<i64: 10>, scalar_prefetch = 0 : i64, scratch_operands = 0 : i64, tpu.core_type = #tpu.core_type<tc>, window_params = [{transform_indices = @transform_0, window_bounds = array<i64: 1000, 1>}, {pipeline_mode = #tpu.pipeline_mode<synchronous>, transform_indices = @transform_1, window_bounds = array<i64: 1, 64>}, {transform_indices = @transform_2, window_bounds = array<i64: 1000, 1>}]} {
    %iota3A = tpu.iota {dimensions = array<i32: 1>} : vector<1000x64xi32>
    %get3A = arith.constant 0 : index
    %get3A_0 = arith.constant 0 : index
    %get3A_1 = vector.load %arg1[%get3A, %get3A_0] : memref<1000x1xi32, #tpu.memory_space<vmem>>, vector<1000x1xi32>
    %eq3A = vector.broadcast %get3A_1 : vector<1000x1xi32> to vector<1000x64xi32>
    %eq3A_2 = arith.cmpi eq, %eq3A, %iota3A : vector<1000x64xi32>
    %convert_element_type3A = arith.extui %eq3A_2 : vector<1000x64xi1> to vector<1000x64xi32>
    %convert_element_type3A_3 = arith.sitofp %convert_element_type3A : vector<1000x64xi32> to vector<1000x64xf32>
    %get3A_4 = arith.constant 0 : index
    %get3A_5 = arith.constant 0 : index
    %get3A_6 = vector.load %arg2[%get3A_4, %get3A_5] : memref<1x64xf32, #tpu.memory_space<vmem>>, vector<1x64xf32>
    %mul3A = vector.broadcast %get3A_6 : vector<1x64xf32> to vector<1000x64xf32>
    %mul3A_7 = arith.mulf %convert_element_type3A_3, %mul3A : vector<1000x64xf32>
    %reduce_sum3A = arith.constant dense<0.000000e+00> : vector<1000xf32>
    %reduce_sum3A_8 = vector.multi_reduction <add>, %mul3A_7, %reduce_sum3A [1] : vector<1000x64xf32> to vector<1000xf32>
    %broadcast_in_dim3A = vector.shape_cast %reduce_sum3A_8 : vector<1000xf32> to vector<1000x1xf32>
    %swap3A = arith.constant 0 : index
    %swap3A_9 = arith.constant 0 : index
    %swap3A_10 = vector.load %arg3[%swap3A, %swap3A_9] : memref<1000x1xf32, #tpu.memory_space<vmem>>, vector<1000x1xf32>
    tpu.vector_store %arg3[%swap3A, %swap3A_9], %broadcast_in_dim3A {strides = array<i32>} : memref<1000x1xf32, #tpu.memory_space<vmem>>, vector<1000x1xf32>,
    return
  }
  func.func @transform_0(%arg0: i32) -> (i32, i32) {
    %c0_i32 = arith.constant 0 : i32
    %c0_i32_0 = arith.constant 0 : i32
    return %arg0, %c0_i32 : i32, i32
  }
  func.func @transform_1(%arg0: i32) -> (i32, i32) {
    %c0_i32 = arith.constant 0 : i32
    %c0_i32_0 = arith.constant 0 : i32
    %c0_i32_1 = arith.constant 0 : i32
    return %c0_i32, %c0_i32_0 : i32, i32
  }
  func.func @transform_2(%arg0: i32) -> (i32, i32) {
    %c0_i32 = arith.constant 0 : i32
    %c0_i32_0 = arith.constant 0 : i32
    return %arg0, %c0_i32 : i32, i32
  }
}

module attributes {stable_mosaic.version = 14 : i64} {
  func.func @_proj_kernel(%arg0: i32, %arg1: memref<1000x256xf32, #tpu.memory_space<vmem>>, %arg2: memref<256x512xf32, #tpu.memory_space<vmem>>, %arg3: memref<256x512xf32, #tpu.memory_space<vmem>>, %arg4: memref<256x512xf32, #tpu.memory_space<vmem>>, %arg5: memref<256x512xf32, #tpu.memory_space<vmem>>, %arg6: memref<1x512xf32, #tpu.memory_space<vmem>>, %arg7: memref<1x512xf32, #tpu.memory_space<vmem>>, %arg8: memref<1x512xf32, #tpu.memory_space<vmem>>, %arg9: memref<1x512xf32, #tpu.memory_space<vmem>>, %arg10: memref<1000x512xf32, #tpu.memory_space<vmem>>, %arg11: memref<1000x512xf32, #tpu.memory_space<vmem>>, %arg12: memref<1000x512xf32, #tpu.memory_space<vmem>>, %arg13: memref<1000x512xf32, #tpu.memory_space<vmem>>) attributes {dimension_semantics = [#tpu.dimension_semantics<arbitrary>], iteration_bounds = array<i64: 10>, scalar_prefetch = 0 : i64, scratch_operands = 0 : i64, tpu.core_type = #tpu.core_type<tc>, window_params = [{transform_indices = @transform_0, window_bounds = array<i64: 1000, 256>}, {pipeline_mode = #tpu.pipeline_mode<synchronous>, transform_indices = @transform_1, window_bounds = array<i64: 256, 512>}, {pipeline_mode = #tpu.pipeline_mode<synchronous>, transform_indices = @transform_2, window_bounds = array<i64: 256, 512>}, {pipeline_mode = #tpu.pipeline_mode<synchronous>, transform_indices = @transform_3, window_bounds = array<i64: 256, 512>}, {pipeline_mode = #tpu.pipeline_mode<synchronous>, transform_indices = @transform_4, window_bounds = array<i64: 256, 512>}, {pipeline_mode = #tpu.pipeline_mode<synchronous>, transform_indices = @transform_5, window_bounds = array<i64: 1, 512>}, {pipeline_mode = #tpu.pipeline_mode<synchronous>, transform_indices = @transform_6, window_bounds = array<i64: 1, 512>}, {pipeline_mode = #tpu.pipeline_mode<synchronous>, transform_indices = @transform_7, window_bounds = array<i64: 1, 512>}, {pipeline_mode = #tpu.pipeline_mode<synchronous>, transform_indices = @transform_8, window_bounds = array<i64: 1, 512>}, {transform_indices = @transform_9, window_bounds = array<i64: 1000, 512>}, {transform_indices = @transform_10, window_bounds = array<i64: 1000, 512>}, {transform_indices = @transform_11, window_bounds = array<i64: 1000, 512>}, {transform_indices = @transform_12, window_bounds = array<i64: 1000, 512>}]} {
    %get3A = arith.constant 0 : index
    %get3A_0 = arith.constant 0 : index
    %get3A_1 = vector.load %arg1[%get3A, %get3A_0] : memref<1000x256xf32, #tpu.memory_space<vmem>>, vector<1000x256xf32>
    %get3A_2 = arith.constant 0 : index
    %get3A_3 = arith.constant 0 : index
    %get3A_4 = vector.load %arg2[%get3A_2, %get3A_3] : memref<256x512xf32, #tpu.memory_space<vmem>>, vector<256x512xf32>
    %dot_general3A = arith.constant dense<0.000000e+00> : vector<1000x512xf32>
    %dot_general3A_5 = tpu.matmul %get3A_1, %get3A_4, %dot_general3A {dimension_numbers = #tpu.dot_dimension_numbers<[1], [0], [0], [1], [0, 0, 1, 1], [], []>, transpose_lhs_hint = false} : vector<1000x256xf32>, vector<256x512xf32>, vector<1000x512xf32> -> vector<1000x512xf32>
    %get3A_6 = arith.constant 0 : index
    %get3A_7 = arith.constant 0 : index
    %get3A_8 = vector.load %arg6[%get3A_6, %get3A_7] : memref<1x512xf32, #tpu.memory_space<vmem>>, vector<1x512xf32>
    %add3A = vector.broadcast %get3A_8 : vector<1x512xf32> to vector<1000x512xf32>
    %add3A_9 = arith.addf %dot_general3A_5, %add3A : vector<1000x512xf32>
    %swap3A = arith.constant 0 : index
    %swap3A_10 = arith.constant 0 : index
    %swap3A_11 = vector.load %arg10[%swap3A, %swap3A_10] : memref<1000x512xf32, #tpu.memory_space<vmem>>, vector<1000x512xf32>
    tpu.vector_store %arg10[%swap3A, %swap3A_10], %add3A_9 {strides = array<i32>} : memref<1000x512xf32, #tpu.memory_space<vmem>>, vector<1000x512xf32>,
    %get3A_12 = arith.constant 0 : index
    %get3A_13 = arith.constant 0 : index
    %get3A_14 = vector.load %arg3[%get3A_12, %get3A_13] : memref<256x512xf32, #tpu.memory_space<vmem>>, vector<256x512xf32>
    %dot_general3A_15 = arith.constant dense<0.000000e+00> : vector<1000x512xf32>
    %dot_general3A_16 = tpu.matmul %get3A_1, %get3A_14, %dot_general3A_15 {dimension_numbers = #tpu.dot_dimension_numbers<[1], [0], [0], [1], [0, 0, 1, 1], [], []>, transpose_lhs_hint = false} : vector<1000x256xf32>, vector<256x512xf32>, vector<1000x512xf32> -> vector<1000x512xf32>
    %get3A_17 = arith.constant 0 : index
    %get3A_18 = arith.constant 0 : index
    %get3A_19 = vector.load %arg7[%get3A_17, %get3A_18] : memref<1x512xf32, #tpu.memory_space<vmem>>, vector<1x512xf32>
    %add3A_20 = vector.broadcast %get3A_19 : vector<1x512xf32> to vector<1000x512xf32>
    %add3A_21 = arith.addf %dot_general3A_16, %add3A_20 : vector<1000x512xf32>
    %swap3A_22 = arith.constant 0 : index
    %swap3A_23 = arith.constant 0 : index
    %swap3A_24 = vector.load %arg11[%swap3A_22, %swap3A_23] : memref<1000x512xf32, #tpu.memory_space<vmem>>, vector<1000x512xf32>
    tpu.vector_store %arg11[%swap3A_22, %swap3A_23], %add3A_21 {strides = array<i32>} : memref<1000x512xf32, #tpu.memory_space<vmem>>, vector<1000x512xf32>,
    %get3A_25 = arith.constant 0 : index
    %get3A_26 = arith.constant 0 : index
    %get3A_27 = vector.load %arg4[%get3A_25, %get3A_26] : memref<256x512xf32, #tpu.memory_space<vmem>>, vector<256x512xf32>
    %dot_general3A_28 = arith.constant dense<0.000000e+00> : vector<1000x512xf32>
    %dot_general3A_29 = tpu.matmul %get3A_1, %get3A_27, %dot_general3A_28 {dimension_numbers = #tpu.dot_dimension_numbers<[1], [0], [0], [1], [0, 0, 1, 1], [], []>, transpose_lhs_hint = false} : vector<1000x256xf32>, vector<256x512xf32>, vector<1000x512xf32> -> vector<1000x512xf32>
    %get3A_30 = arith.constant 0 : index
    %get3A_31 = arith.constant 0 : index
    %get3A_32 = vector.load %arg8[%get3A_30, %get3A_31] : memref<1x512xf32, #tpu.memory_space<vmem>>, vector<1x512xf32>
    %add3A_33 = vector.broadcast %get3A_32 : vector<1x512xf32> to vector<1000x512xf32>
    %add3A_34 = arith.addf %dot_general3A_29, %add3A_33 : vector<1000x512xf32>
    %swap3A_35 = arith.constant 0 : index
    %swap3A_36 = arith.constant 0 : index
    %swap3A_37 = vector.load %arg12[%swap3A_35, %swap3A_36] : memref<1000x512xf32, #tpu.memory_space<vmem>>, vector<1000x512xf32>
    tpu.vector_store %arg12[%swap3A_35, %swap3A_36], %add3A_34 {strides = array<i32>} : memref<1000x512xf32, #tpu.memory_space<vmem>>, vector<1000x512xf32>,
    %get3A_38 = arith.constant 0 : index
    %get3A_39 = arith.constant 0 : index
    %get3A_40 = vector.load %arg5[%get3A_38, %get3A_39] : memref<256x512xf32, #tpu.memory_space<vmem>>, vector<256x512xf32>
    %dot_general3A_41 = arith.constant dense<0.000000e+00> : vector<1000x512xf32>
    %dot_general3A_42 = tpu.matmul %get3A_1, %get3A_40, %dot_general3A_41 {dimension_numbers = #tpu.dot_dimension_numbers<[1], [0], [0], [1], [0, 0, 1, 1], [], []>, transpose_lhs_hint = false} : vector<1000x256xf32>, vector<256x512xf32>, vector<1000x512xf32> -> vector<1000x512xf32>
    %get3A_43 = arith.constant 0 : index
    %get3A_44 = arith.constant 0 : index
    %get3A_45 = vector.load %arg9[%get3A_43, %get3A_44] : memref<1x512xf32, #tpu.memory_space<vmem>>, vector<1x512xf32>
    %add3A_46 = vector.broadcast %get3A_45 : vector<1x512xf32> to vector<1000x512xf32>
    %add3A_47 = arith.addf %dot_general3A_42, %add3A_46 : vector<1000x512xf32>
    %swap3A_48 = arith.constant 0 : index
    %swap3A_49 = arith.constant 0 : index
    %swap3A_50 = vector.load %arg13[%swap3A_48, %swap3A_49] : memref<1000x512xf32, #tpu.memory_space<vmem>>, vector<1000x512xf32>
    tpu.vector_store %arg13[%swap3A_48, %swap3A_49], %add3A_47 {strides = array<i32>} : memref<1000x512xf32, #tpu.memory_space<vmem>>, vector<1000x512xf32>,
    return
  }
  func.func @transform_0(%arg0: i32) -> (i32, i32) {
    %c0_i32 = arith.constant 0 : i32
    %c0_i32_0 = arith.constant 0 : i32
    return %arg0, %c0_i32 : i32, i32
  }
  func.func @transform_1(%arg0: i32) -> (i32, i32) {
    %c0_i32 = arith.constant 0 : i32
    %c0_i32_0 = arith.constant 0 : i32
    %c0_i32_1 = arith.constant 0 : i32
    return %c0_i32, %c0_i32_0 : i32, i32
  }
  func.func @transform_2(%arg0: i32) -> (i32, i32) {
    %c0_i32 = arith.constant 0 : i32
    %c0_i32_0 = arith.constant 0 : i32
    %c0_i32_1 = arith.constant 0 : i32
    return %c0_i32, %c0_i32_0 : i32, i32
  }
  func.func @transform_3(%arg0: i32) -> (i32, i32) {
    %c0_i32 = arith.constant 0 : i32
    %c0_i32_0 = arith.constant 0 : i32
    %c0_i32_1 = arith.constant 0 : i32
    return %c0_i32, %c0_i32_0 : i32, i32
  }
  func.func @transform_4(%arg0: i32) -> (i32, i32) {
    %c0_i32 = arith.constant 0 : i32
    %c0_i32_0 = arith.constant 0 : i32
    %c0_i32_1 = arith.constant 0 : i32
    return %c0_i32, %c0_i32_0 : i32, i32
  }
  func.func @transform_5(%arg0: i32) -> (i32, i32) {
    %c0_i32 = arith.constant 0 : i32
    %c0_i32_0 = arith.constant 0 : i32
    %c0_i32_1 = arith.constant 0 : i32
    return %c0_i32, %c0_i32_0 : i32, i32
  }
  func.func @transform_6(%arg0: i32) -> (i32, i32) {
    %c0_i32 = arith.constant 0 : i32
    %c0_i32_0 = arith.constant 0 : i32
    %c0_i32_1 = arith.constant 0 : i32
    return %c0_i32, %c0_i32_0 : i32, i32
  }
  func.func @transform_7(%arg0: i32) -> (i32, i32) {
    %c0_i32 = arith.constant 0 : i32
    %c0_i32_0 = arith.constant 0 : i32
    %c0_i32_1 = arith.constant 0 : i32
    return %c0_i32, %c0_i32_0 : i32, i32
  }
  func.func @transform_8(%arg0: i32) -> (i32, i32) {
    %c0_i32 = arith.constant 0 : i32
    %c0_i32_0 = arith.constant 0 : i32
    %c0_i32_1 = arith.constant 0 : i32
    return %c0_i32, %c0_i32_0 : i32, i32
  }
  func.func @transform_9(%arg0: i32) -> (i32, i32) {
    %c0_i32 = arith.constant 0 : i32
    %c0_i32_0 = arith.constant 0 : i32
    return %arg0, %c0_i32 : i32, i32
  }
  func.func @transform_10(%arg0: i32) -> (i32, i32) {
    %c0_i32 = arith.constant 0 : i32
    %c0_i32_0 = arith.constant 0 : i32
    return %arg0, %c0_i32 : i32, i32
  }
  func.func @transform_11(%arg0: i32) -> (i32, i32) {
    %c0_i32 = arith.constant 0 : i32
    %c0_i32_0 = arith.constant 0 : i32
    return %arg0, %c0_i32 : i32, i32
  }
  func.func @transform_12(%arg0: i32) -> (i32, i32) {
    %c0_i32 = arith.constant 0 : i32
    %c0_i32_0 = arith.constant 0 : i32
    return %arg0, %c0_i32 : i32, i32
  }
}

module attributes {stable_mosaic.version = 14 : i64} {
  func.func @_eproj_body(%arg0: i32, %arg1: memref<1056x256xf32, #tpu.memory_space<vmem>>, %arg2: memref<1056x1xf32, #tpu.memory_space<vmem>>, %arg3: memref<1x32xf32, #tpu.memory_space<vmem>>, %arg4: memref<1x32xf32, #tpu.memory_space<vmem>>, %arg5: memref<32x512xf32, #tpu.memory_space<vmem>>, %arg6: memref<128x512xf32, #tpu.memory_space<vmem>>, %arg7: memref<1x512xf32, #tpu.memory_space<vmem>>, %arg8: memref<1056x512xf32, #tpu.memory_space<vmem>>) attributes {dimension_semantics = [#tpu.dimension_semantics<arbitrary>], iteration_bounds = array<i64: 152>, scalar_prefetch = 0 : i64, scratch_operands = 0 : i64, tpu.core_type = #tpu.core_type<tc>, window_params = [{transform_indices = @transform_0, window_bounds = array<i64: 1056, 256>}, {transform_indices = @transform_1, window_bounds = array<i64: 1056, 1>}, {pipeline_mode = #tpu.pipeline_mode<synchronous>, transform_indices = @transform_2, window_bounds = array<i64: 1, 32>}, {pipeline_mode = #tpu.pipeline_mode<synchronous>, transform_indices = @transform_3, window_bounds = array<i64: 1, 32>}, {pipeline_mode = #tpu.pipeline_mode<synchronous>, transform_indices = @transform_4, window_bounds = array<i64: 32, 512>}, {pipeline_mode = #tpu.pipeline_mode<synchronous>, transform_indices = @transform_5, window_bounds = array<i64: 128, 512>}, {pipeline_mode = #tpu.pipeline_mode<synchronous>, transform_indices = @transform_6, window_bounds = array<i64: 1, 512>}, {transform_indices = @transform_7, window_bounds = array<i64: 1056, 512>}]} {
    %get3A = arith.constant 0 : index
    %get3A_0 = arith.constant 0 : index
    %get3A_1 = vector.load %arg1[%get3A, %get3A_0] : memref<1056x256xf32, #tpu.memory_space<vmem>>, vector<1056x256xf32>
    %get3A_2 = arith.constant 0 : index
    %get3A_3 = arith.constant 0 : index
    %get3A_4 = vector.load %arg2[%get3A_2, %get3A_3] : memref<1056x1xf32, #tpu.memory_space<vmem>>, vector<1056x1xf32>
    %slice3A = vector.extract_strided_slice %get3A_1 {offsets = [0, 128], sizes = [1056, 1], strides = [1, 1]} : vector<1056x256xf32> to vector<1056x1xf32>
    %sub3A = arith.subf %get3A_4, %slice3A : vector<1056x1xf32>
    %get3A_5 = arith.constant 0 : index
    %get3A_6 = arith.constant 0 : index
    %get3A_7 = vector.load %arg3[%get3A_5, %get3A_6] : memref<1x32xf32, #tpu.memory_space<vmem>>, vector<1x32xf32>
    %mul3A = vector.broadcast %sub3A : vector<1056x1xf32> to vector<1056x32xf32>
    %mul3A_8 = vector.broadcast %get3A_7 : vector<1x32xf32> to vector<1056x32xf32>
    %mul3A_9 = arith.mulf %mul3A, %mul3A_8 : vector<1056x32xf32>
    %get3A_10 = arith.constant 0 : index
    %get3A_11 = arith.constant 0 : index
    %get3A_12 = vector.load %arg4[%get3A_10, %get3A_11] : memref<1x32xf32, #tpu.memory_space<vmem>>, vector<1x32xf32>
    %add3A = vector.broadcast %get3A_12 : vector<1x32xf32> to vector<1056x32xf32>
    %add3A_13 = arith.addf %mul3A_9, %add3A : vector<1056x32xf32>
    %cos3A = math.cos %add3A_13 : vector<1056x32xf32>
    %get3A_14 = arith.constant 0 : index
    %get3A_15 = arith.constant 0 : index
    %get3A_16 = vector.load %arg5[%get3A_14, %get3A_15] : memref<32x512xf32, #tpu.memory_space<vmem>>, vector<32x512xf32>
    %dot_general3A = arith.constant dense<0.000000e+00> : vector<1056x512xf32>
    %dot_general3A_17 = tpu.matmul %cos3A, %get3A_16, %dot_general3A {dimension_numbers = #tpu.dot_dimension_numbers<[1], [0], [0], [1], [0, 0, 1, 1], [], []>, transpose_lhs_hint = false} : vector<1056x32xf32>, vector<32x512xf32>, vector<1056x512xf32> -> vector<1056x512xf32>
    %slice3A_18 = vector.extract_strided_slice %get3A_1 {offsets = [0, 0], sizes = [1056, 128], strides = [1, 1]} : vector<1056x256xf32> to vector<1056x128xf32>
    %get3A_19 = arith.constant 0 : index
    %get3A_20 = arith.constant 0 : index
    %get3A_21 = vector.load %arg6[%get3A_19, %get3A_20] : memref<128x512xf32, #tpu.memory_space<vmem>>, vector<128x512xf32>
    %dot_general3A_22 = arith.constant dense<0.000000e+00> : vector<1056x512xf32>
    %dot_general3A_23 = tpu.matmul %slice3A_18, %get3A_21, %dot_general3A_22 {dimension_numbers = #tpu.dot_dimension_numbers<[1], [0], [0], [1], [0, 0, 1, 1], [], []>, transpose_lhs_hint = false} : vector<1056x128xf32>, vector<128x512xf32>, vector<1056x512xf32> -> vector<1056x512xf32>
    %add3A_24 = arith.addf %dot_general3A_17, %dot_general3A_23 : vector<1056x512xf32>
    %get3A_25 = arith.constant 0 : index
    %get3A_26 = arith.constant 0 : index
    %get3A_27 = vector.load %arg7[%get3A_25, %get3A_26] : memref<1x512xf32, #tpu.memory_space<vmem>>, vector<1x512xf32>
    %add3A_28 = vector.broadcast %get3A_27 : vector<1x512xf32> to vector<1056x512xf32>
    %add3A_29 = arith.addf %add3A_24, %add3A_28 : vector<1056x512xf32>
    %swap3A = arith.constant 0 : index
    %swap3A_30 = arith.constant 0 : index
    %swap3A_31 = vector.load %arg8[%swap3A, %swap3A_30] : memref<1056x512xf32, #tpu.memory_space<vmem>>, vector<1056x512xf32>
    tpu.vector_store %arg8[%swap3A, %swap3A_30], %add3A_29 {strides = array<i32>} : memref<1056x512xf32, #tpu.memory_space<vmem>>, vector<1056x512xf32>,
    return
  }
  func.func @transform_0(%arg0: i32) -> (i32, i32) {
    %c0_i32 = arith.constant 0 : i32
    %c0_i32_0 = arith.constant 0 : i32
    return %arg0, %c0_i32 : i32, i32
  }
  func.func @transform_1(%arg0: i32) -> (i32, i32) {
    %c0_i32 = arith.constant 0 : i32
    %c0_i32_0 = arith.constant 0 : i32
    return %arg0, %c0_i32 : i32, i32
  }
  func.func @transform_2(%arg0: i32) -> (i32, i32) {
    %c0_i32 = arith.constant 0 : i32
    %c0_i32_0 = arith.constant 0 : i32
    %c0_i32_1 = arith.constant 0 : i32
    return %c0_i32, %c0_i32_0 : i32, i32
  }
  func.func @transform_3(%arg0: i32) -> (i32, i32) {
    %c0_i32 = arith.constant 0 : i32
    %c0_i32_0 = arith.constant 0 : i32
    %c0_i32_1 = arith.constant 0 : i32
    return %c0_i32, %c0_i32_0 : i32, i32
  }
  func.func @transform_4(%arg0: i32) -> (i32, i32) {
    %c0_i32 = arith.constant 0 : i32
    %c0_i32_0 = arith.constant 0 : i32
    %c0_i32_1 = arith.constant 0 : i32
    return %c0_i32, %c0_i32_0 : i32, i32
  }
  func.func @transform_5(%arg0: i32) -> (i32, i32) {
    %c0_i32 = arith.constant 0 : i32
    %c0_i32_0 = arith.constant 0 : i32
    %c0_i32_1 = arith.constant 0 : i32
    return %c0_i32, %c0_i32_0 : i32, i32
  }
  func.func @transform_6(%arg0: i32) -> (i32, i32) {
    %c0_i32 = arith.constant 0 : i32
    %c0_i32_0 = arith.constant 0 : i32
    %c0_i32_1 = arith.constant 0 : i32
    return %c0_i32, %c0_i32_0 : i32, i32
  }
  func.func @transform_7(%arg0: i32) -> (i32, i32) {
    %c0_i32 = arith.constant 0 : i32
    %c0_i32_0 = arith.constant 0 : i32
    return %arg0, %c0_i32 : i32, i32
  }
}

module attributes {stable_mosaic.version = 14 : i64} {
  func.func @_attn_kernel(%arg0: i32, %arg1: memref<26xi32, #tpu.memory_space<smem>>, %arg2: memref<400x512xf32, #tpu.memory_space<vmem>>, %arg3: memref<400x512xf32, #tpu.memory_space<vmem>>, %arg4: memref<160512x1xi32, #tpu.memory_space<any>>, %arg5: memref<160512x512xf32, #tpu.memory_space<any>>, %arg6: memref<160512x512xf32, #tpu.memory_space<any>>, %arg7: memref<160512x512xf32, #tpu.memory_space<any>>, %arg8: memref<400x512xf32, #tpu.memory_space<vmem>>, %arg9: memref<160512x4xf32, #tpu.memory_space<any>>, %arg10: memref<512x1xi32, #tpu.memory_space<vmem>>, %arg11: memref<512x512xf32, #tpu.memory_space<vmem>>, %arg12: memref<512x512xf32, #tpu.memory_space<vmem>>, %arg13: memref<512x4xf32, #tpu.memory_space<vmem>>, %arg14: memref<!tpu.dma_semaphore, #tpu.memory_space<semaphore_mem>>) attributes {dimension_semantics = [#tpu.dimension_semantics<arbitrary>], iteration_bounds = array<i64: 25>, scalar_prefetch = 0 : i64, scratch_operands = 5 : i64, tpu.core_type = #tpu.core_type<tc>, window_params = [{transform_indices = @transform_0, window_bounds = array<i64: 26>}, {transform_indices = @transform_1, window_bounds = array<i64: 400, 512>}, {transform_indices = @transform_2, window_bounds = array<i64: 400, 512>}, {}, {}, {}, {}, {transform_indices = @transform_7, window_bounds = array<i64: 400, 512>}, {}]} {
    %get3A = arith.index_cast %arg0 : i32 to index
    %get3A_0 = memref.load %arg1[%get3A] : memref<26xi32, #tpu.memory_space<smem>>
    %add3A = arith.constant 1 : i32
    %add3A_1 = arith.addi %arg0, %add3A : i32
    %get3A_2 = arith.index_cast %add3A_1 : i32 to index
    %get3A_3 = memref.load %arg1[%get3A_2] : memref<26xi32, #tpu.memory_space<smem>>
    %jit3A = arith.constant 8 : i32
    %div3A = arith.divsi %get3A_0, %jit3A : i32
    %sign3A = arith.constant 0 : i32
    %sign3A_4 = arith.cmpi sgt, %get3A_0, %sign3A : i32
    %sign3A_5 = arith.extui %sign3A_4 : i1 to i32
    %sign3A_6 = arith.constant 0 : i32
    %sign3A_7 = arith.cmpi slt, %get3A_0, %sign3A_6 : i32
    %sign3A_8 = arith.extui %sign3A_7 : i1 to i32
    %sign3A_9 = arith.subi %sign3A_5, %sign3A_8 : i32
    %sign3A_10 = arith.constant 0 : i32
    %sign3A_11 = arith.cmpi sgt, %jit3A, %sign3A_10 : i32
    %sign3A_12 = arith.extui %sign3A_11 : i1 to i32
    %sign3A_13 = arith.constant 0 : i32
    %sign3A_14 = arith.cmpi slt, %jit3A, %sign3A_13 : i32
    %sign3A_15 = arith.extui %sign3A_14 : i1 to i32
    %sign3A_16 = arith.subi %sign3A_12, %sign3A_15 : i32
    %ne3A = arith.cmpi ne, %sign3A_9, %sign3A_16 : i32
    %rem3A = arith.remsi %get3A_0, %jit3A : i32
    %ne3A_17 = arith.constant 0 : i32
    %ne3A_18 = arith.cmpi ne, %rem3A, %ne3A_17 : i32
    %and3A = arith.andi %ne3A, %ne3A_18 : i1
    %sub3A = arith.constant 1 : i32
    %sub3A_19 = arith.subi %div3A, %sub3A : i32
    %select_n3A = arith.select %and3A, %sub3A_19, %div3A : i32
    %mul3A = arith.constant 8 : i32
    %mul3A_20 = arith.muli %select_n3A, %mul3A : i32
    %sub3A_21 = arith.subi %get3A_3, %mul3A_20 : i32
    %add3A_22 = arith.constant 512 : i32
    %add3A_23 = arith.addi %sub3A_21, %add3A_22 : i32
    %sub3A_24 = arith.constant 1 : i32
    %sub3A_25 = arith.subi %add3A_23, %sub3A_24 : i32
    %jit3A_26 = arith.constant 512 : i32
    %div3A_27 = arith.divsi %sub3A_25, %jit3A_26 : i32
    %sign3A_28 = arith.constant 0 : i32
    %sign3A_29 = arith.cmpi sgt, %sub3A_25, %sign3A_28 : i32
    %sign3A_30 = arith.extui %sign3A_29 : i1 to i32
    %sign3A_31 = arith.constant 0 : i32
    %sign3A_32 = arith.cmpi slt, %sub3A_25, %sign3A_31 : i32
    %sign3A_33 = arith.extui %sign3A_32 : i1 to i32
    %sign3A_34 = arith.subi %sign3A_30, %sign3A_33 : i32
    %sign3A_35 = arith.constant 0 : i32
    %sign3A_36 = arith.cmpi sgt, %jit3A_26, %sign3A_35 : i32
    %sign3A_37 = arith.extui %sign3A_36 : i1 to i32
    %sign3A_38 = arith.constant 0 : i32
    %sign3A_39 = arith.cmpi slt, %jit3A_26, %sign3A_38 : i32
    %sign3A_40 = arith.extui %sign3A_39 : i1 to i32
    %sign3A_41 = arith.subi %sign3A_37, %sign3A_40 : i32
    %ne3A_42 = arith.cmpi ne, %sign3A_34, %sign3A_41 : i32
    %rem3A_43 = arith.remsi %sub3A_25, %jit3A_26 : i32
    %ne3A_44 = arith.constant 0 : i32
    %ne3A_45 = arith.cmpi ne, %rem3A_43, %ne3A_44 : i32
    %and3A_46 = arith.andi %ne3A_42, %ne3A_45 : i1
    %sub3A_47 = arith.constant 1 : i32
    %sub3A_48 = arith.subi %div3A_27, %sub3A_47 : i32
    %select_n3A_49 = arith.select %and3A_46, %sub3A_48, %div3A_27 : i32
    %mul3A_50 = arith.constant 400 : i32
    %mul3A_51 = arith.muli %arg0, %mul3A_50 : i32
    %iota3A = tpu.iota {dimensions = array<i32: 1>} : vector<512x400xi32>
    %get3A_52 = arith.constant 0 : index
    %get3A_53 = arith.constant 0 : index
    %get3A_54 = vector.load %arg2[%get3A_52, %get3A_53] : memref<400x512xf32, #tpu.memory_space<vmem>>, vector<400x512xf32>
    %broadcast_in_dim3A = arith.constant -1.000000e+30 : f32
    %broadcast_in_dim3A_55 = vector.broadcast %broadcast_in_dim3A : f32 to vector<1x400xf32>
    %broadcast_in_dim3A_56 = arith.constant -1.000000e+30 : f32
    %broadcast_in_dim3A_57 = vector.broadcast %broadcast_in_dim3A_56 : f32 to vector<1x400xf32>
    %broadcast_in_dim3A_58 = arith.constant -1.000000e+30 : f32
    %broadcast_in_dim3A_59 = vector.broadcast %broadcast_in_dim3A_58 : f32 to vector<1x400xf32>
    %broadcast_in_dim3A_60 = arith.constant -1.000000e+30 : f32
    %broadcast_in_dim3A_61 = vector.broadcast %broadcast_in_dim3A_60 : f32 to vector<1x400xf32>
    %while3A = arith.constant 0 : i32
    %while3A_62 = arith.subi %select_n3A_49, %while3A : i32
    %while3A_63 = arith.addi %while3A, %while3A_62 : i32
    %while3A_64 = arith.constant 1 : i32
    %while3A_65 = arith.divsi %while3A_62, %while3A_64 : i32
    %while3A_66 = arith.muli %while3A_65, %while3A_64 : i32
    %while3A_67 = arith.addi %while3A, %while3A_66 : i32
    %while3A_68 = arith.constant 1 : i32
    %while3A_69:4 = scf.for %while3A_142 = %while3A to %while3A_67 step %while3A_68 iter_args(%while3A_143 = %broadcast_in_dim3A_55, %while3A_144 = %broadcast_in_dim3A_57, %while3A_145 = %broadcast_in_dim3A_59, %while3A_146 = %broadcast_in_dim3A_61) -> (vector<1x400xf32>, vector<1x400xf32>, vector<1x400xf32>, vector<1x400xf32>)  : i32 {
      %mul3A_147 = arith.constant 512 : i32
      %mul3A_148 = arith.muli %while3A_142, %mul3A_147 : i32
      %add3A_149 = arith.addi %mul3A_20, %mul3A_148 : i32
      %dma_start3A = arith.constant 0 : i32
      %dma_start3A_150 = tpu.memref_slice %arg4[%add3A_149, %dma_start3A] : memref<160512x1xi32, #tpu.memory_space<any>> -> memref<512x1xi32, #tpu.memory_space<any>>
      tpu.enqueue_dma source(%dma_start3A_150 : memref<512x1xi32, #tpu.memory_space<any>>) target(%arg10 : memref<512x1xi32, #tpu.memory_space<vmem>>) target_semaphore(%arg14 : memref<!tpu.dma_semaphore, #tpu.memory_space<semaphore_mem>>)
      %dma_start3A_151 = arith.constant 0 : i32
      %dma_start3A_152 = tpu.memref_slice %arg5[%add3A_149, %dma_start3A_151] : memref<160512x512xf32, #tpu.memory_space<any>> -> memref<512x512xf32, #tpu.memory_space<any>>
      tpu.enqueue_dma source(%dma_start3A_152 : memref<512x512xf32, #tpu.memory_space<any>>) target(%arg11 : memref<512x512xf32, #tpu.memory_space<vmem>>) target_semaphore(%arg14 : memref<!tpu.dma_semaphore, #tpu.memory_space<semaphore_mem>>)
      %dma_start3A_153 = arith.constant 0 : i32
      %dma_start3A_154 = tpu.memref_slice %arg7[%add3A_149, %dma_start3A_153] : memref<160512x512xf32, #tpu.memory_space<any>> -> memref<512x512xf32, #tpu.memory_space<any>>
      tpu.enqueue_dma source(%dma_start3A_154 : memref<512x512xf32, #tpu.memory_space<any>>) target(%arg12 : memref<512x512xf32, #tpu.memory_space<vmem>>) target_semaphore(%arg14 : memref<!tpu.dma_semaphore, #tpu.memory_space<semaphore_mem>>)
      %dma_wait3A = arith.constant 0 : i32
      %dma_wait3A_155 = tpu.memref_slice %arg4[%add3A_149, %dma_wait3A] : memref<160512x1xi32, #tpu.memory_space<any>> -> memref<512x1xi32, #tpu.memory_space<any>>
      tpu.wait_dma2 semaphore(%arg14 : memref<!tpu.dma_semaphore, #tpu.memory_space<semaphore_mem>>) src(%dma_wait3A_155 : memref<512x1xi32, #tpu.memory_space<any>>) dst(%arg10 : memref<512x1xi32, #tpu.memory_space<vmem>>)
      %dma_wait3A_156 = arith.constant 0 : i32
      %dma_wait3A_157 = tpu.memref_slice %arg5[%add3A_149, %dma_wait3A_156] : memref<160512x512xf32, #tpu.memory_space<any>> -> memref<512x512xf32, #tpu.memory_space<any>>
      tpu.wait_dma2 semaphore(%arg14 : memref<!tpu.dma_semaphore, #tpu.memory_space<semaphore_mem>>) src(%dma_wait3A_157 : memref<512x512xf32, #tpu.memory_space<any>>) dst(%arg11 : memref<512x512xf32, #tpu.memory_space<vmem>>)
      %dma_wait3A_158 = arith.constant 0 : i32
      %dma_wait3A_159 = tpu.memref_slice %arg7[%add3A_149, %dma_wait3A_158] : memref<160512x512xf32, #tpu.memory_space<any>> -> memref<512x512xf32, #tpu.memory_space<any>>
      tpu.wait_dma2 semaphore(%arg14 : memref<!tpu.dma_semaphore, #tpu.memory_space<semaphore_mem>>) src(%dma_wait3A_159 : memref<512x512xf32, #tpu.memory_space<any>>) dst(%arg12 : memref<512x512xf32, #tpu.memory_space<vmem>>)
      %get3A_160 = arith.constant 0 : index
      %get3A_161 = arith.constant 0 : index
      %get3A_162 = vector.load %arg10[%get3A_160, %get3A_161] : memref<512x1xi32, #tpu.memory_space<vmem>>, vector<512x1xi32>
      %sub3A_163 = vector.broadcast %mul3A_51 : i32 to vector<512x1xi32>
      %sub3A_164 = arith.subi %get3A_162, %sub3A_163 : vector<512x1xi32>
      %ge3A = arith.constant 0 : i32
      %ge3A_165 = vector.broadcast %ge3A : i32 to vector<512x1xi32>
      %ge3A_166 = arith.cmpi sge, %sub3A_164, %ge3A_165 : vector<512x1xi32>
      %lt3A_167 = arith.constant 400 : i32
      %lt3A_168 = vector.broadcast %lt3A_167 : i32 to vector<512x1xi32>
      %lt3A_169 = arith.cmpi slt, %sub3A_164, %lt3A_168 : vector<512x1xi32>
      %and3A_170 = arith.andi %ge3A_166, %lt3A_169 : vector<512x1xi1>
      %eq3A_171 = vector.broadcast %sub3A_164 : vector<512x1xi32> to vector<512x400xi32>
      %eq3A_172 = arith.cmpi eq, %eq3A_171, %iota3A : vector<512x400xi32>
      %and3A_173 = vector.broadcast %and3A_170 : vector<512x1xi1> to vector<512x400xi1>
      %and3A_174 = arith.andi %eq3A_172, %and3A_173 : vector<512x400xi1>
      %convert_element_type3A_175 = arith.extui %and3A_174 : vector<512x400xi1> to vector<512x400xi32>
      %convert_element_type3A_176 = arith.sitofp %convert_element_type3A_175 : vector<512x400xi32> to vector<512x400xf32>
      %dot_general3A_177 = arith.constant dense<0.000000e+00> : vector<512x512xf32>
      %dot_general3A_178 = tpu.matmul %convert_element_type3A_176, %get3A_54, %dot_general3A_177 {dimension_numbers = #tpu.dot_dimension_numbers<[1], [0], [0], [1], [0, 0, 1, 1], [], []>, transpose_lhs_hint = false} : vector<512x400xf32>, vector<400x512xf32>, vector<512x512xf32> -> vector<512x512xf32>
      %get3A_179 = arith.constant 0 : index
      %get3A_180 = arith.constant 0 : index
      %get3A_181 = vector.load %arg11[%get3A_179, %get3A_180] : memref<512x512xf32, #tpu.memory_space<vmem>>, vector<512x512xf32>
      %get3A_182 = arith.constant 0 : index
      %get3A_183 = arith.constant 0 : index
      %get3A_184 = vector.load %arg12[%get3A_182, %get3A_183] : memref<512x512xf32, #tpu.memory_space<vmem>>, vector<512x512xf32>
      %add3A_185 = arith.addf %get3A_181, %get3A_184 : vector<512x512xf32>
      %mul3A_186 = arith.mulf %dot_general3A_178, %add3A_185 : vector<512x512xf32>
      %slice3A_187 = vector.extract_strided_slice %mul3A_186 {offsets = [0, 0], sizes = [512, 128], strides = [1, 1]} : vector<512x512xf32> to vector<512x128xf32>
      %reduce_sum3A = arith.constant dense<0.000000e+00> : vector<512xf32>
      %reduce_sum3A_188 = vector.multi_reduction <add>, %slice3A_187, %reduce_sum3A [1] : vector<512x128xf32> to vector<512xf32>
      %broadcast_in_dim3A_189 = vector.shape_cast %reduce_sum3A_188 : vector<512xf32> to vector<512x1xf32>
      %slice3A_190 = vector.extract_strided_slice %mul3A_186 {offsets = [0, 128], sizes = [512, 128], strides = [1, 1]} : vector<512x512xf32> to vector<512x128xf32>
      %reduce_sum3A_191 = arith.constant dense<0.000000e+00> : vector<512xf32>
      %reduce_sum3A_192 = vector.multi_reduction <add>, %slice3A_190, %reduce_sum3A_191 [1] : vector<512x128xf32> to vector<512xf32>
      %broadcast_in_dim3A_193 = vector.shape_cast %reduce_sum3A_192 : vector<512xf32> to vector<512x1xf32>
      %slice3A_194 = vector.extract_strided_slice %mul3A_186 {offsets = [0, 256], sizes = [512, 128], strides = [1, 1]} : vector<512x512xf32> to vector<512x128xf32>
      %reduce_sum3A_195 = arith.constant dense<0.000000e+00> : vector<512xf32>
      %reduce_sum3A_196 = vector.multi_reduction <add>, %slice3A_194, %reduce_sum3A_195 [1] : vector<512x128xf32> to vector<512xf32>
      %broadcast_in_dim3A_197 = vector.shape_cast %reduce_sum3A_196 : vector<512xf32> to vector<512x1xf32>
      %slice3A_198 = vector.extract_strided_slice %mul3A_186 {offsets = [0, 384], sizes = [512, 128], strides = [1, 1]} : vector<512x512xf32> to vector<512x128xf32>
      %reduce_sum3A_199 = arith.constant dense<0.000000e+00> : vector<512xf32>
      %reduce_sum3A_200 = vector.multi_reduction <add>, %slice3A_198, %reduce_sum3A_199 [1] : vector<512x128xf32> to vector<512xf32>
      %broadcast_in_dim3A_201 = vector.shape_cast %reduce_sum3A_200 : vector<512xf32> to vector<512x1xf32>
      %concatenate3A_202 = tpu.concatenate %broadcast_in_dim3A_189, %broadcast_in_dim3A_193, %broadcast_in_dim3A_197, %broadcast_in_dim3A_201 in 1 : vector<512x1xf32>, vector<512x1xf32>, vector<512x1xf32>, vector<512x1xf32> -> vector<512x4xf32>
      %mul3A_203 = arith.constant 0.0883883461 : f32
      %mul3A_204 = vector.broadcast %mul3A_203 : f32 to vector<512x4xf32>
      %mul3A_205 = arith.mulf %concatenate3A_202, %mul3A_204 : vector<512x4xf32>
      %swap3A_206 = arith.constant 0 : index
      %swap3A_207 = arith.constant 0 : index
      %swap3A_208 = vector.load %arg13[%swap3A_206, %swap3A_207] : memref<512x4xf32, #tpu.memory_space<vmem>>, vector<512x4xf32>
      tpu.vector_store %arg13[%swap3A_206, %swap3A_207], %mul3A_205 {strides = array<i32>} : memref<512x4xf32, #tpu.memory_space<vmem>>, vector<512x4xf32>,
      %dma_start3A_209 = arith.constant 0 : i32
      %dma_start3A_210 = tpu.memref_slice %arg9[%add3A_149, %dma_start3A_209] : memref<160512x4xf32, #tpu.memory_space<any>> -> memref<512x4xf32, #tpu.memory_space<any>>
      tpu.enqueue_dma source(%arg13 : memref<512x4xf32, #tpu.memory_space<vmem>>) target(%dma_start3A_210 : memref<512x4xf32, #tpu.memory_space<any>>) target_semaphore(%arg14 : memref<!tpu.dma_semaphore, #tpu.memory_space<semaphore_mem>>)
      %dma_wait3A_211 = arith.constant 0 : i32
      %dma_wait3A_212 = tpu.memref_slice %arg9[%add3A_149, %dma_wait3A_211] : memref<160512x4xf32, #tpu.memory_space<any>> -> memref<512x4xf32, #tpu.memory_space<any>>
      tpu.wait_dma2 semaphore(%arg14 : memref<!tpu.dma_semaphore, #tpu.memory_space<semaphore_mem>>) src(%arg13 : memref<512x4xf32, #tpu.memory_space<vmem>>) dst(%dma_wait3A_212 : memref<512x4xf32, #tpu.memory_space<any>>)
      %slice3A_213 = vector.extract_strided_slice %mul3A_205 {offsets = [0, 0], sizes = [512, 1], strides = [1, 1]} : vector<512x4xf32> to vector<512x1xf32>
      %jit3A_214 = arith.constant -1.000000e+30 : f32
      %broadcast_in_dim3A_215 = vector.shape_cast %slice3A_213 : vector<512x1xf32> to vector<512x1xf32>
      %broadcast_in_dim3A_216 = vector.broadcast %broadcast_in_dim3A_215 : vector<512x1xf32> to vector<512x400xf32>
      %broadcast_in_dim3A_217 = vector.broadcast %jit3A_214 : f32 to vector<512x400xf32>
      %select_n3A_218 = arith.select %and3A_174, %broadcast_in_dim3A_216, %broadcast_in_dim3A_217 : vector<512x400xi1>, vector<512x400xf32>
      %reduce_max3A = arith.constant dense<0xFF800000> : vector<400xf32>
      %reduce_max3A_219 = vector.multi_reduction <maximumf>, %select_n3A_218, %reduce_max3A [0] : vector<512x400xf32> to vector<400xf32>
      %broadcast_in_dim3A_220 = vector.shape_cast %reduce_max3A_219 : vector<400xf32> to vector<1x400xf32>
      %max3A = arith.maximumf %while3A_143, %broadcast_in_dim3A_220 : vector<1x400xf32>
      %slice3A_221 = vector.extract_strided_slice %mul3A_205 {offsets = [0, 1], sizes = [512, 1], strides = [1, 1]} : vector<512x4xf32> to vector<512x1xf32>
      %jit3A_222 = arith.constant -1.000000e+30 : f32
      %broadcast_in_dim3A_223 = vector.shape_cast %slice3A_221 : vector<512x1xf32> to vector<512x1xf32>
      %broadcast_in_dim3A_224 = vector.broadcast %broadcast_in_dim3A_223 : vector<512x1xf32> to vector<512x400xf32>
      %broadcast_in_dim3A_225 = vector.broadcast %jit3A_222 : f32 to vector<512x400xf32>
      %select_n3A_226 = arith.select %and3A_174, %broadcast_in_dim3A_224, %broadcast_in_dim3A_225 : vector<512x400xi1>, vector<512x400xf32>
      %reduce_max3A_227 = arith.constant dense<0xFF800000> : vector<400xf32>
      %reduce_max3A_228 = vector.multi_reduction <maximumf>, %select_n3A_226, %reduce_max3A_227 [0] : vector<512x400xf32> to vector<400xf32>
      %broadcast_in_dim3A_229 = vector.shape_cast %reduce_max3A_228 : vector<400xf32> to vector<1x400xf32>
      %max3A_230 = arith.maximumf %while3A_144, %broadcast_in_dim3A_229 : vector<1x400xf32>
      %slice3A_231 = vector.extract_strided_slice %mul3A_205 {offsets = [0, 2], sizes = [512, 1], strides = [1, 1]} : vector<512x4xf32> to vector<512x1xf32>
      %jit3A_232 = arith.constant -1.000000e+30 : f32
      %broadcast_in_dim3A_233 = vector.shape_cast %slice3A_231 : vector<512x1xf32> to vector<512x1xf32>
      %broadcast_in_dim3A_234 = vector.broadcast %broadcast_in_dim3A_233 : vector<512x1xf32> to vector<512x400xf32>
      %broadcast_in_dim3A_235 = vector.broadcast %jit3A_232 : f32 to vector<512x400xf32>
      %select_n3A_236 = arith.select %and3A_174, %broadcast_in_dim3A_234, %broadcast_in_dim3A_235 : vector<512x400xi1>, vector<512x400xf32>
      %reduce_max3A_237 = arith.constant dense<0xFF800000> : vector<400xf32>
      %reduce_max3A_238 = vector.multi_reduction <maximumf>, %select_n3A_236, %reduce_max3A_237 [0] : vector<512x400xf32> to vector<400xf32>
      %broadcast_in_dim3A_239 = vector.shape_cast %reduce_max3A_238 : vector<400xf32> to vector<1x400xf32>
      %max3A_240 = arith.maximumf %while3A_145, %broadcast_in_dim3A_239 : vector<1x400xf32>
      %slice3A_241 = vector.extract_strided_slice %mul3A_205 {offsets = [0, 3], sizes = [512, 1], strides = [1, 1]} : vector<512x4xf32> to vector<512x1xf32>
      %jit3A_242 = arith.constant -1.000000e+30 : f32
      %broadcast_in_dim3A_243 = vector.shape_cast %slice3A_241 : vector<512x1xf32> to vector<512x1xf32>
      %broadcast_in_dim3A_244 = vector.broadcast %broadcast_in_dim3A_243 : vector<512x1xf32> to vector<512x400xf32>
      %broadcast_in_dim3A_245 = vector.broadcast %jit3A_242 : f32 to vector<512x400xf32>
      %select_n3A_246 = arith.select %and3A_174, %broadcast_in_dim3A_244, %broadcast_in_dim3A_245 : vector<512x400xi1>, vector<512x400xf32>
      %reduce_max3A_247 = arith.constant dense<0xFF800000> : vector<400xf32>
      %reduce_max3A_248 = vector.multi_reduction <maximumf>, %select_n3A_246, %reduce_max3A_247 [0] : vector<512x400xf32> to vector<400xf32>
      %broadcast_in_dim3A_249 = vector.shape_cast %reduce_max3A_248 : vector<400xf32> to vector<1x400xf32>
      %max3A_250 = arith.maximumf %while3A_146, %broadcast_in_dim3A_249 : vector<1x400xf32>
      scf.yield %max3A, %max3A_230, %max3A_240, %max3A_250 : vector<1x400xf32>, vector<1x400xf32>, vector<1x400xf32>, vector<1x400xf32>
    }
    %while3A_70 = arith.constant 1 : i32
    %while3A_71:4 = scf.for %while3A_142 = %while3A_67 to %while3A_63 step %while3A_70 iter_args(%while3A_143 = %while3A_69#0, %while3A_144 = %while3A_69#1, %while3A_145 = %while3A_69#2, %while3A_146 = %while3A_69#3) -> (vector<1x400xf32>, vector<1x400xf32>, vector<1x400xf32>, vector<1x400xf32>)  : i32 {
      %mul3A_147 = arith.constant 512 : i32
      %mul3A_148 = arith.muli %while3A_142, %mul3A_147 : i32
      %add3A_149 = arith.addi %mul3A_20, %mul3A_148 : i32
      %dma_start3A = arith.constant 0 : i32
      %dma_start3A_150 = tpu.memref_slice %arg4[%add3A_149, %dma_start3A] : memref<160512x1xi32, #tpu.memory_space<any>> -> memref<512x1xi32, #tpu.memory_space<any>>
      tpu.enqueue_dma source(%dma_start3A_150 : memref<512x1xi32, #tpu.memory_space<any>>) target(%arg10 : memref<512x1xi32, #tpu.memory_space<vmem>>) target_semaphore(%arg14 : memref<!tpu.dma_semaphore, #tpu.memory_space<semaphore_mem>>)
      %dma_start3A_151 = arith.constant 0 : i32
      %dma_start3A_152 = tpu.memref_slice %arg5[%add3A_149, %dma_start3A_151] : memref<160512x512xf32, #tpu.memory_space<any>> -> memref<512x512xf32, #tpu.memory_space<any>>
      tpu.enqueue_dma source(%dma_start3A_152 : memref<512x512xf32, #tpu.memory_space<any>>) target(%arg11 : memref<512x512xf32, #tpu.memory_space<vmem>>) target_semaphore(%arg14 : memref<!tpu.dma_semaphore, #tpu.memory_space<semaphore_mem>>)
      %dma_start3A_153 = arith.constant 0 : i32
      %dma_start3A_154 = tpu.memref_slice %arg7[%add3A_149, %dma_start3A_153] : memref<160512x512xf32, #tpu.memory_space<any>> -> memref<512x512xf32, #tpu.memory_space<any>>
      tpu.enqueue_dma source(%dma_start3A_154 : memref<512x512xf32, #tpu.memory_space<any>>) target(%arg12 : memref<512x512xf32, #tpu.memory_space<vmem>>) target_semaphore(%arg14 : memref<!tpu.dma_semaphore, #tpu.memory_space<semaphore_mem>>)
      %dma_wait3A = arith.constant 0 : i32
      %dma_wait3A_155 = tpu.memref_slice %arg4[%add3A_149, %dma_wait3A] : memref<160512x1xi32, #tpu.memory_space<any>> -> memref<512x1xi32, #tpu.memory_space<any>>
      tpu.wait_dma2 semaphore(%arg14 : memref<!tpu.dma_semaphore, #tpu.memory_space<semaphore_mem>>) src(%dma_wait3A_155 : memref<512x1xi32, #tpu.memory_space<any>>) dst(%arg10 : memref<512x1xi32, #tpu.memory_space<vmem>>)
      %dma_wait3A_156 = arith.constant 0 : i32
      %dma_wait3A_157 = tpu.memref_slice %arg5[%add3A_149, %dma_wait3A_156] : memref<160512x512xf32, #tpu.memory_space<any>> -> memref<512x512xf32, #tpu.memory_space<any>>
      tpu.wait_dma2 semaphore(%arg14 : memref<!tpu.dma_semaphore, #tpu.memory_space<semaphore_mem>>) src(%dma_wait3A_157 : memref<512x512xf32, #tpu.memory_space<any>>) dst(%arg11 : memref<512x512xf32, #tpu.memory_space<vmem>>)
      %dma_wait3A_158 = arith.constant 0 : i32
      %dma_wait3A_159 = tpu.memref_slice %arg7[%add3A_149, %dma_wait3A_158] : memref<160512x512xf32, #tpu.memory_space<any>> -> memref<512x512xf32, #tpu.memory_space<any>>
      tpu.wait_dma2 semaphore(%arg14 : memref<!tpu.dma_semaphore, #tpu.memory_space<semaphore_mem>>) src(%dma_wait3A_159 : memref<512x512xf32, #tpu.memory_space<any>>) dst(%arg12 : memref<512x512xf32, #tpu.memory_space<vmem>>)
      %get3A_160 = arith.constant 0 : index
      %get3A_161 = arith.constant 0 : index
      %get3A_162 = vector.load %arg10[%get3A_160, %get3A_161] : memref<512x1xi32, #tpu.memory_space<vmem>>, vector<512x1xi32>
      %sub3A_163 = vector.broadcast %mul3A_51 : i32 to vector<512x1xi32>
      %sub3A_164 = arith.subi %get3A_162, %sub3A_163 : vector<512x1xi32>
      %ge3A = arith.constant 0 : i32
      %ge3A_165 = vector.broadcast %ge3A : i32 to vector<512x1xi32>
      %ge3A_166 = arith.cmpi sge, %sub3A_164, %ge3A_165 : vector<512x1xi32>
      %lt3A_167 = arith.constant 400 : i32
      %lt3A_168 = vector.broadcast %lt3A_167 : i32 to vector<512x1xi32>
      %lt3A_169 = arith.cmpi slt, %sub3A_164, %lt3A_168 : vector<512x1xi32>
      %and3A_170 = arith.andi %ge3A_166, %lt3A_169 : vector<512x1xi1>
      %eq3A_171 = vector.broadcast %sub3A_164 : vector<512x1xi32> to vector<512x400xi32>
      %eq3A_172 = arith.cmpi eq, %eq3A_171, %iota3A : vector<512x400xi32>
      %and3A_173 = vector.broadcast %and3A_170 : vector<512x1xi1> to vector<512x400xi1>
      %and3A_174 = arith.andi %eq3A_172, %and3A_173 : vector<512x400xi1>
      %convert_element_type3A_175 = arith.extui %and3A_174 : vector<512x400xi1> to vector<512x400xi32>
      %convert_element_type3A_176 = arith.sitofp %convert_element_type3A_175 : vector<512x400xi32> to vector<512x400xf32>
      %dot_general3A_177 = arith.constant dense<0.000000e+00> : vector<512x512xf32>
      %dot_general3A_178 = tpu.matmul %convert_element_type3A_176, %get3A_54, %dot_general3A_177 {dimension_numbers = #tpu.dot_dimension_numbers<[1], [0], [0], [1], [0, 0, 1, 1], [], []>, transpose_lhs_hint = false} : vector<512x400xf32>, vector<400x512xf32>, vector<512x512xf32> -> vector<512x512xf32>
      %get3A_179 = arith.constant 0 : index
      %get3A_180 = arith.constant 0 : index
      %get3A_181 = vector.load %arg11[%get3A_179, %get3A_180] : memref<512x512xf32, #tpu.memory_space<vmem>>, vector<512x512xf32>
      %get3A_182 = arith.constant 0 : index
      %get3A_183 = arith.constant 0 : index
      %get3A_184 = vector.load %arg12[%get3A_182, %get3A_183] : memref<512x512xf32, #tpu.memory_space<vmem>>, vector<512x512xf32>
      %add3A_185 = arith.addf %get3A_181, %get3A_184 : vector<512x512xf32>
      %mul3A_186 = arith.mulf %dot_general3A_178, %add3A_185 : vector<512x512xf32>
      %slice3A_187 = vector.extract_strided_slice %mul3A_186 {offsets = [0, 0], sizes = [512, 128], strides = [1, 1]} : vector<512x512xf32> to vector<512x128xf32>
      %reduce_sum3A = arith.constant dense<0.000000e+00> : vector<512xf32>
      %reduce_sum3A_188 = vector.multi_reduction <add>, %slice3A_187, %reduce_sum3A [1] : vector<512x128xf32> to vector<512xf32>
      %broadcast_in_dim3A_189 = vector.shape_cast %reduce_sum3A_188 : vector<512xf32> to vector<512x1xf32>
      %slice3A_190 = vector.extract_strided_slice %mul3A_186 {offsets = [0, 128], sizes = [512, 128], strides = [1, 1]} : vector<512x512xf32> to vector<512x128xf32>
      %reduce_sum3A_191 = arith.constant dense<0.000000e+00> : vector<512xf32>
      %reduce_sum3A_192 = vector.multi_reduction <add>, %slice3A_190, %reduce_sum3A_191 [1] : vector<512x128xf32> to vector<512xf32>
      %broadcast_in_dim3A_193 = vector.shape_cast %reduce_sum3A_192 : vector<512xf32> to vector<512x1xf32>
      %slice3A_194 = vector.extract_strided_slice %mul3A_186 {offsets = [0, 256], sizes = [512, 128], strides = [1, 1]} : vector<512x512xf32> to vector<512x128xf32>
      %reduce_sum3A_195 = arith.constant dense<0.000000e+00> : vector<512xf32>
      %reduce_sum3A_196 = vector.multi_reduction <add>, %slice3A_194, %reduce_sum3A_195 [1] : vector<512x128xf32> to vector<512xf32>
      %broadcast_in_dim3A_197 = vector.shape_cast %reduce_sum3A_196 : vector<512xf32> to vector<512x1xf32>
      %slice3A_198 = vector.extract_strided_slice %mul3A_186 {offsets = [0, 384], sizes = [512, 128], strides = [1, 1]} : vector<512x512xf32> to vector<512x128xf32>
      %reduce_sum3A_199 = arith.constant dense<0.000000e+00> : vector<512xf32>
      %reduce_sum3A_200 = vector.multi_reduction <add>, %slice3A_198, %reduce_sum3A_199 [1] : vector<512x128xf32> to vector<512xf32>
      %broadcast_in_dim3A_201 = vector.shape_cast %reduce_sum3A_200 : vector<512xf32> to vector<512x1xf32>
      %concatenate3A_202 = tpu.concatenate %broadcast_in_dim3A_189, %broadcast_in_dim3A_193, %broadcast_in_dim3A_197, %broadcast_in_dim3A_201 in 1 : vector<512x1xf32>, vector<512x1xf32>, vector<512x1xf32>, vector<512x1xf32> -> vector<512x4xf32>
      %mul3A_203 = arith.constant 0.0883883461 : f32
      %mul3A_204 = vector.broadcast %mul3A_203 : f32 to vector<512x4xf32>
      %mul3A_205 = arith.mulf %concatenate3A_202, %mul3A_204 : vector<512x4xf32>
      %swap3A_206 = arith.constant 0 : index
      %swap3A_207 = arith.constant 0 : index
      %swap3A_208 = vector.load %arg13[%swap3A_206, %swap3A_207] : memref<512x4xf32, #tpu.memory_space<vmem>>, vector<512x4xf32>
      tpu.vector_store %arg13[%swap3A_206, %swap3A_207], %mul3A_205 {strides = array<i32>} : memref<512x4xf32, #tpu.memory_space<vmem>>, vector<512x4xf32>,
      %dma_start3A_209 = arith.constant 0 : i32
      %dma_start3A_210 = tpu.memref_slice %arg9[%add3A_149, %dma_start3A_209] : memref<160512x4xf32, #tpu.memory_space<any>> -> memref<512x4xf32, #tpu.memory_space<any>>
      tpu.enqueue_dma source(%arg13 : memref<512x4xf32, #tpu.memory_space<vmem>>) target(%dma_start3A_210 : memref<512x4xf32, #tpu.memory_space<any>>) target_semaphore(%arg14 : memref<!tpu.dma_semaphore, #tpu.memory_space<semaphore_mem>>)
      %dma_wait3A_211 = arith.constant 0 : i32
      %dma_wait3A_212 = tpu.memref_slice %arg9[%add3A_149, %dma_wait3A_211] : memref<160512x4xf32, #tpu.memory_space<any>> -> memref<512x4xf32, #tpu.memory_space<any>>
      tpu.wait_dma2 semaphore(%arg14 : memref<!tpu.dma_semaphore, #tpu.memory_space<semaphore_mem>>) src(%arg13 : memref<512x4xf32, #tpu.memory_space<vmem>>) dst(%dma_wait3A_212 : memref<512x4xf32, #tpu.memory_space<any>>)
      %slice3A_213 = vector.extract_strided_slice %mul3A_205 {offsets = [0, 0], sizes = [512, 1], strides = [1, 1]} : vector<512x4xf32> to vector<512x1xf32>
      %jit3A_214 = arith.constant -1.000000e+30 : f32
      %broadcast_in_dim3A_215 = vector.shape_cast %slice3A_213 : vector<512x1xf32> to vector<512x1xf32>
      %broadcast_in_dim3A_216 = vector.broadcast %broadcast_in_dim3A_215 : vector<512x1xf32> to vector<512x400xf32>
      %broadcast_in_dim3A_217 = vector.broadcast %jit3A_214 : f32 to vector<512x400xf32>
      %select_n3A_218 = arith.select %and3A_174, %broadcast_in_dim3A_216, %broadcast_in_dim3A_217 : vector<512x400xi1>, vector<512x400xf32>
      %reduce_max3A = arith.constant dense<0xFF800000> : vector<400xf32>
      %reduce_max3A_219 = vector.multi_reduction <maximumf>, %select_n3A_218, %reduce_max3A [0] : vector<512x400xf32> to vector<400xf32>
      %broadcast_in_dim3A_220 = vector.shape_cast %reduce_max3A_219 : vector<400xf32> to vector<1x400xf32>
      %max3A = arith.maximumf %while3A_143, %broadcast_in_dim3A_220 : vector<1x400xf32>
      %slice3A_221 = vector.extract_strided_slice %mul3A_205 {offsets = [0, 1], sizes = [512, 1], strides = [1, 1]} : vector<512x4xf32> to vector<512x1xf32>
      %jit3A_222 = arith.constant -1.000000e+30 : f32
      %broadcast_in_dim3A_223 = vector.shape_cast %slice3A_221 : vector<512x1xf32> to vector<512x1xf32>
      %broadcast_in_dim3A_224 = vector.broadcast %broadcast_in_dim3A_223 : vector<512x1xf32> to vector<512x400xf32>
      %broadcast_in_dim3A_225 = vector.broadcast %jit3A_222 : f32 to vector<512x400xf32>
      %select_n3A_226 = arith.select %and3A_174, %broadcast_in_dim3A_224, %broadcast_in_dim3A_225 : vector<512x400xi1>, vector<512x400xf32>
      %reduce_max3A_227 = arith.constant dense<0xFF800000> : vector<400xf32>
      %reduce_max3A_228 = vector.multi_reduction <maximumf>, %select_n3A_226, %reduce_max3A_227 [0] : vector<512x400xf32> to vector<400xf32>
      %broadcast_in_dim3A_229 = vector.shape_cast %reduce_max3A_228 : vector<400xf32> to vector<1x400xf32>
      %max3A_230 = arith.maximumf %while3A_144, %broadcast_in_dim3A_229 : vector<1x400xf32>
      %slice3A_231 = vector.extract_strided_slice %mul3A_205 {offsets = [0, 2], sizes = [512, 1], strides = [1, 1]} : vector<512x4xf32> to vector<512x1xf32>
      %jit3A_232 = arith.constant -1.000000e+30 : f32
      %broadcast_in_dim3A_233 = vector.shape_cast %slice3A_231 : vector<512x1xf32> to vector<512x1xf32>
      %broadcast_in_dim3A_234 = vector.broadcast %broadcast_in_dim3A_233 : vector<512x1xf32> to vector<512x400xf32>
      %broadcast_in_dim3A_235 = vector.broadcast %jit3A_232 : f32 to vector<512x400xf32>
      %select_n3A_236 = arith.select %and3A_174, %broadcast_in_dim3A_234, %broadcast_in_dim3A_235 : vector<512x400xi1>, vector<512x400xf32>
      %reduce_max3A_237 = arith.constant dense<0xFF800000> : vector<400xf32>
      %reduce_max3A_238 = vector.multi_reduction <maximumf>, %select_n3A_236, %reduce_max3A_237 [0] : vector<512x400xf32> to vector<400xf32>
      %broadcast_in_dim3A_239 = vector.shape_cast %reduce_max3A_238 : vector<400xf32> to vector<1x400xf32>
      %max3A_240 = arith.maximumf %while3A_145, %broadcast_in_dim3A_239 : vector<1x400xf32>
      %slice3A_241 = vector.extract_strided_slice %mul3A_205 {offsets = [0, 3], sizes = [512, 1], strides = [1, 1]} : vector<512x4xf32> to vector<512x1xf32>
      %jit3A_242 = arith.constant -1.000000e+30 : f32
      %broadcast_in_dim3A_243 = vector.shape_cast %slice3A_241 : vector<512x1xf32> to vector<512x1xf32>
      %broadcast_in_dim3A_244 = vector.broadcast %broadcast_in_dim3A_243 : vector<512x1xf32> to vector<512x400xf32>
      %broadcast_in_dim3A_245 = vector.broadcast %jit3A_242 : f32 to vector<512x400xf32>
      %select_n3A_246 = arith.select %and3A_174, %broadcast_in_dim3A_244, %broadcast_in_dim3A_245 : vector<512x400xi1>, vector<512x400xf32>
      %reduce_max3A_247 = arith.constant dense<0xFF800000> : vector<400xf32>
      %reduce_max3A_248 = vector.multi_reduction <maximumf>, %select_n3A_246, %reduce_max3A_247 [0] : vector<512x400xf32> to vector<400xf32>
      %broadcast_in_dim3A_249 = vector.shape_cast %reduce_max3A_248 : vector<400xf32> to vector<1x400xf32>
      %max3A_250 = arith.maximumf %while3A_146, %broadcast_in_dim3A_249 : vector<1x400xf32>
      scf.yield %max3A, %max3A_230, %max3A_240, %max3A_250 : vector<1x400xf32>, vector<1x400xf32>, vector<1x400xf32>, vector<1x400xf32>
    }
    %lt3A = arith.constant -9.000000e+29 : f32
    %lt3A_72 = vector.broadcast %lt3A : f32 to vector<1x400xf32>
    %lt3A_73 = arith.cmpf olt, %while3A_71#0, %lt3A_72 : vector<1x400xf32>
    %jit3A_74 = arith.constant 0.000000e+00 : f32
    %broadcast_in_dim3A_75 = vector.broadcast %jit3A_74 : f32 to vector<1x400xf32>
    %select_n3A_76 = arith.select %lt3A_73, %broadcast_in_dim3A_75, %while3A_71#0 : vector<1x400xi1>, vector<1x400xf32>
    %lt3A_77 = arith.constant -9.000000e+29 : f32
    %lt3A_78 = vector.broadcast %lt3A_77 : f32 to vector<1x400xf32>
    %lt3A_79 = arith.cmpf olt, %while3A_71#1, %lt3A_78 : vector<1x400xf32>
    %jit3A_80 = arith.constant 0.000000e+00 : f32
    %broadcast_in_dim3A_81 = vector.broadcast %jit3A_80 : f32 to vector<1x400xf32>
    %select_n3A_82 = arith.select %lt3A_79, %broadcast_in_dim3A_81, %while3A_71#1 : vector<1x400xi1>, vector<1x400xf32>
    %lt3A_83 = arith.constant -9.000000e+29 : f32
    %lt3A_84 = vector.broadcast %lt3A_83 : f32 to vector<1x400xf32>
    %lt3A_85 = arith.cmpf olt, %while3A_71#2, %lt3A_84 : vector<1x400xf32>
    %jit3A_86 = arith.constant 0.000000e+00 : f32
    %broadcast_in_dim3A_87 = vector.broadcast %jit3A_86 : f32 to vector<1x400xf32>
    %select_n3A_88 = arith.select %lt3A_85, %broadcast_in_dim3A_87, %while3A_71#2 : vector<1x400xi1>, vector<1x400xf32>
    %lt3A_89 = arith.constant -9.000000e+29 : f32
    %lt3A_90 = vector.broadcast %lt3A_89 : f32 to vector<1x400xf32>
    %lt3A_91 = arith.cmpf olt, %while3A_71#3, %lt3A_90 : vector<1x400xf32>
    %jit3A_92 = arith.constant 0.000000e+00 : f32
    %broadcast_in_dim3A_93 = vector.broadcast %jit3A_92 : f32 to vector<1x400xf32>
    %select_n3A_94 = arith.select %lt3A_91, %broadcast_in_dim3A_93, %while3A_71#3 : vector<1x400xi1>, vector<1x400xf32>
    %concatenate3A = tpu.concatenate %select_n3A_76, %select_n3A_82, %select_n3A_88, %select_n3A_94 in 0 : vector<1x400xf32>, vector<1x400xf32>, vector<1x400xf32>, vector<1x400xf32> -> vector<4x400xf32>
    %iota3A_95 = tpu.iota {dimensions = array<i32: 0>} : vector<400x400xi32>
    %iota3A_96 = tpu.iota {dimensions = array<i32: 1>} : vector<400x400xi32>
    %eq3A = arith.cmpi eq, %iota3A_95, %iota3A_96 : vector<400x400xi32>
    %convert_element_type3A = arith.extui %eq3A : vector<400x400xi1> to vector<400x400xi32>
    %convert_element_type3A_97 = arith.sitofp %convert_element_type3A : vector<400x400xi32> to vector<400x400xf32>
    %dot_general3A = arith.constant dense<0.000000e+00> : vector<400x4xf32>
    %dot_general3A_98 = tpu.matmul %convert_element_type3A_97, %concatenate3A, %dot_general3A {dimension_numbers = #tpu.dot_dimension_numbers<[1], [1], [0], [0], [0, 0, 1, 0], [], []>, transpose_lhs_hint = false} : vector<400x400xf32>, vector<4x400xf32>, vector<400x4xf32> -> vector<400x4xf32>
    %broadcast_in_dim3A_99 = arith.constant 0.000000e+00 : f32
    %broadcast_in_dim3A_100 = vector.broadcast %broadcast_in_dim3A_99 : f32 to vector<400x512xf32>
    %broadcast_in_dim3A_101 = arith.constant 0.000000e+00 : f32
    %broadcast_in_dim3A_102 = vector.broadcast %broadcast_in_dim3A_101 : f32 to vector<400x4xf32>
    %while3A_103 = arith.constant 0 : i32
    %while3A_104 = arith.subi %select_n3A_49, %while3A_103 : i32
    %while3A_105 = arith.addi %while3A_103, %while3A_104 : i32
    %while3A_106 = arith.constant 1 : i32
    %while3A_107 = arith.divsi %while3A_104, %while3A_106 : i32
    %while3A_108 = arith.muli %while3A_107, %while3A_106 : i32
    %while3A_109 = arith.addi %while3A_103, %while3A_108 : i32
    %while3A_110 = arith.constant 1 : i32
    %while3A_111:2 = scf.for %while3A_142 = %while3A_103 to %while3A_109 step %while3A_110 iter_args(%while3A_143 = %broadcast_in_dim3A_100, %while3A_144 = %broadcast_in_dim3A_102) -> (vector<400x512xf32>, vector<400x4xf32>)  : i32 {
      %mul3A_145 = arith.constant 512 : i32
      %mul3A_146 = arith.muli %while3A_142, %mul3A_145 : i32
      %add3A_147 = arith.addi %mul3A_20, %mul3A_146 : i32
      %dma_start3A = arith.constant 0 : i32
      %dma_start3A_148 = tpu.memref_slice %arg4[%add3A_147, %dma_start3A] : memref<160512x1xi32, #tpu.memory_space<any>> -> memref<512x1xi32, #tpu.memory_space<any>>
      tpu.enqueue_dma source(%dma_start3A_148 : memref<512x1xi32, #tpu.memory_space<any>>) target(%arg10 : memref<512x1xi32, #tpu.memory_space<vmem>>) target_semaphore(%arg14 : memref<!tpu.dma_semaphore, #tpu.memory_space<semaphore_mem>>)
      %dma_start3A_149 = arith.constant 0 : i32
      %dma_start3A_150 = tpu.memref_slice %arg6[%add3A_147, %dma_start3A_149] : memref<160512x512xf32, #tpu.memory_space<any>> -> memref<512x512xf32, #tpu.memory_space<any>>
      tpu.enqueue_dma source(%dma_start3A_150 : memref<512x512xf32, #tpu.memory_space<any>>) target(%arg11 : memref<512x512xf32, #tpu.memory_space<vmem>>) target_semaphore(%arg14 : memref<!tpu.dma_semaphore, #tpu.memory_space<semaphore_mem>>)
      %dma_start3A_151 = arith.constant 0 : i32
      %dma_start3A_152 = tpu.memref_slice %arg7[%add3A_147, %dma_start3A_151] : memref<160512x512xf32, #tpu.memory_space<any>> -> memref<512x512xf32, #tpu.memory_space<any>>
      tpu.enqueue_dma source(%dma_start3A_152 : memref<512x512xf32, #tpu.memory_space<any>>) target(%arg12 : memref<512x512xf32, #tpu.memory_space<vmem>>) target_semaphore(%arg14 : memref<!tpu.dma_semaphore, #tpu.memory_space<semaphore_mem>>)
      %dma_wait3A = arith.constant 0 : i32
      %dma_wait3A_153 = tpu.memref_slice %arg4[%add3A_147, %dma_wait3A] : memref<160512x1xi32, #tpu.memory_space<any>> -> memref<512x1xi32, #tpu.memory_space<any>>
      tpu.wait_dma2 semaphore(%arg14 : memref<!tpu.dma_semaphore, #tpu.memory_space<semaphore_mem>>) src(%dma_wait3A_153 : memref<512x1xi32, #tpu.memory_space<any>>) dst(%arg10 : memref<512x1xi32, #tpu.memory_space<vmem>>)
      %dma_wait3A_154 = arith.constant 0 : i32
      %dma_wait3A_155 = tpu.memref_slice %arg6[%add3A_147, %dma_wait3A_154] : memref<160512x512xf32, #tpu.memory_space<any>> -> memref<512x512xf32, #tpu.memory_space<any>>
      tpu.wait_dma2 semaphore(%arg14 : memref<!tpu.dma_semaphore, #tpu.memory_space<semaphore_mem>>) src(%dma_wait3A_155 : memref<512x512xf32, #tpu.memory_space<any>>) dst(%arg11 : memref<512x512xf32, #tpu.memory_space<vmem>>)
      %dma_wait3A_156 = arith.constant 0 : i32
      %dma_wait3A_157 = tpu.memref_slice %arg7[%add3A_147, %dma_wait3A_156] : memref<160512x512xf32, #tpu.memory_space<any>> -> memref<512x512xf32, #tpu.memory_space<any>>
      tpu.wait_dma2 semaphore(%arg14 : memref<!tpu.dma_semaphore, #tpu.memory_space<semaphore_mem>>) src(%dma_wait3A_157 : memref<512x512xf32, #tpu.memory_space<any>>) dst(%arg12 : memref<512x512xf32, #tpu.memory_space<vmem>>)
      %get3A_158 = arith.constant 0 : index
      %get3A_159 = arith.constant 0 : index
      %get3A_160 = vector.load %arg10[%get3A_158, %get3A_159] : memref<512x1xi32, #tpu.memory_space<vmem>>, vector<512x1xi32>
      %sub3A_161 = vector.broadcast %mul3A_51 : i32 to vector<512x1xi32>
      %sub3A_162 = arith.subi %get3A_160, %sub3A_161 : vector<512x1xi32>
      %ge3A = arith.constant 0 : i32
      %ge3A_163 = vector.broadcast %ge3A : i32 to vector<512x1xi32>
      %ge3A_164 = arith.cmpi sge, %sub3A_162, %ge3A_163 : vector<512x1xi32>
      %lt3A_165 = arith.constant 400 : i32
      %lt3A_166 = vector.broadcast %lt3A_165 : i32 to vector<512x1xi32>
      %lt3A_167 = arith.cmpi slt, %sub3A_162, %lt3A_166 : vector<512x1xi32>
      %and3A_168 = arith.andi %ge3A_164, %lt3A_167 : vector<512x1xi1>
      %eq3A_169 = vector.broadcast %sub3A_162 : vector<512x1xi32> to vector<512x400xi32>
      %eq3A_170 = arith.cmpi eq, %eq3A_169, %iota3A : vector<512x400xi32>
      %and3A_171 = vector.broadcast %and3A_168 : vector<512x1xi1> to vector<512x400xi1>
      %and3A_172 = arith.andi %eq3A_170, %and3A_171 : vector<512x400xi1>
      %convert_element_type3A_173 = arith.extui %and3A_172 : vector<512x400xi1> to vector<512x400xi32>
      %convert_element_type3A_174 = arith.sitofp %convert_element_type3A_173 : vector<512x400xi32> to vector<512x400xf32>
      %dma_start3A_175 = arith.constant 0 : i32
      %dma_start3A_176 = tpu.memref_slice %arg9[%add3A_147, %dma_start3A_175] : memref<160512x4xf32, #tpu.memory_space<any>> -> memref<512x4xf32, #tpu.memory_space<any>>
      tpu.enqueue_dma source(%dma_start3A_176 : memref<512x4xf32, #tpu.memory_space<any>>) target(%arg13 : memref<512x4xf32, #tpu.memory_space<vmem>>) target_semaphore(%arg14 : memref<!tpu.dma_semaphore, #tpu.memory_space<semaphore_mem>>)
      %dma_wait3A_177 = arith.constant 0 : i32
      %dma_wait3A_178 = tpu.memref_slice %arg9[%add3A_147, %dma_wait3A_177] : memref<160512x4xf32, #tpu.memory_space<any>> -> memref<512x4xf32, #tpu.memory_space<any>>
      tpu.wait_dma2 semaphore(%arg14 : memref<!tpu.dma_semaphore, #tpu.memory_space<semaphore_mem>>) src(%dma_wait3A_178 : memref<512x4xf32, #tpu.memory_space<any>>) dst(%arg13 : memref<512x4xf32, #tpu.memory_space<vmem>>)
      %get3A_179 = arith.constant 0 : index
      %get3A_180 = arith.constant 0 : index
      %get3A_181 = vector.load %arg13[%get3A_179, %get3A_180] : memref<512x4xf32, #tpu.memory_space<vmem>>, vector<512x4xf32>
      %dot_general3A_182 = arith.constant dense<0.000000e+00> : vector<512x4xf32>
      %dot_general3A_183 = tpu.matmul %convert_element_type3A_174, %dot_general3A_98, %dot_general3A_182 {dimension_numbers = #tpu.dot_dimension_numbers<[1], [0], [0], [1], [0, 0, 1, 1], [], []>, transpose_lhs_hint = false} : vector<512x400xf32>, vector<400x4xf32>, vector<512x4xf32> -> vector<512x4xf32>
      %sub3A_184 = arith.subf %get3A_181, %dot_general3A_183 : vector<512x4xf32>
      %min3A = arith.constant 0.000000e+00 : f32
      %min3A_185 = vector.broadcast %min3A : f32 to vector<512x4xf32>
      %min3A_186 = arith.minimumf %sub3A_184, %min3A_185 : vector<512x4xf32>
      %exp3A = math.exp %min3A_186 : vector<512x4xf32>
      %jit3A_187 = arith.constant 0.000000e+00 : f32
      %broadcast_in_dim3A_188 = vector.shape_cast %and3A_168 : vector<512x1xi1> to vector<512x1xi1>
      %broadcast_in_dim3A_189 = vector.broadcast %broadcast_in_dim3A_188 : vector<512x1xi1> to vector<512x4xi1>
      %broadcast_in_dim3A_190 = vector.broadcast %jit3A_187 : f32 to vector<512x4xf32>
      %select_n3A_191 = arith.select %broadcast_in_dim3A_189, %exp3A, %broadcast_in_dim3A_190 : vector<512x4xi1>, vector<512x4xf32>
      %get3A_192 = arith.constant 0 : index
      %get3A_193 = arith.constant 0 : index
      %get3A_194 = vector.load %arg11[%get3A_192, %get3A_193] : memref<512x512xf32, #tpu.memory_space<vmem>>, vector<512x512xf32>
      %get3A_195 = arith.constant 0 : index
      %get3A_196 = arith.constant 0 : index
      %get3A_197 = vector.load %arg12[%get3A_195, %get3A_196] : memref<512x512xf32, #tpu.memory_space<vmem>>, vector<512x512xf32>
      %add3A_198 = arith.addf %get3A_194, %get3A_197 : vector<512x512xf32>
      %slice3A_199 = vector.extract_strided_slice %add3A_198 {offsets = [0, 0], sizes = [512, 128], strides = [1, 1]} : vector<512x512xf32> to vector<512x128xf32>
      %slice3A_200 = vector.extract_strided_slice %select_n3A_191 {offsets = [0, 0], sizes = [512, 1], strides = [1, 1]} : vector<512x4xf32> to vector<512x1xf32>
      %mul3A_201 = vector.broadcast %slice3A_200 : vector<512x1xf32> to vector<512x128xf32>
      %mul3A_202 = arith.mulf %slice3A_199, %mul3A_201 : vector<512x128xf32>
      %slice3A_203 = vector.extract_strided_slice %add3A_198 {offsets = [0, 128], sizes = [512, 128], strides = [1, 1]} : vector<512x512xf32> to vector<512x128xf32>
      %slice3A_204 = vector.extract_strided_slice %select_n3A_191 {offsets = [0, 1], sizes = [512, 1], strides = [1, 1]} : vector<512x4xf32> to vector<512x1xf32>
      %mul3A_205 = vector.broadcast %slice3A_204 : vector<512x1xf32> to vector<512x128xf32>
      %mul3A_206 = arith.mulf %slice3A_203, %mul3A_205 : vector<512x128xf32>
      %slice3A_207 = vector.extract_strided_slice %add3A_198 {offsets = [0, 256], sizes = [512, 128], strides = [1, 1]} : vector<512x512xf32> to vector<512x128xf32>
      %slice3A_208 = vector.extract_strided_slice %select_n3A_191 {offsets = [0, 2], sizes = [512, 1], strides = [1, 1]} : vector<512x4xf32> to vector<512x1xf32>
      %mul3A_209 = vector.broadcast %slice3A_208 : vector<512x1xf32> to vector<512x128xf32>
      %mul3A_210 = arith.mulf %slice3A_207, %mul3A_209 : vector<512x128xf32>
      %slice3A_211 = vector.extract_strided_slice %add3A_198 {offsets = [0, 384], sizes = [512, 128], strides = [1, 1]} : vector<512x512xf32> to vector<512x128xf32>
      %slice3A_212 = vector.extract_strided_slice %select_n3A_191 {offsets = [0, 3], sizes = [512, 1], strides = [1, 1]} : vector<512x4xf32> to vector<512x1xf32>
      %mul3A_213 = vector.broadcast %slice3A_212 : vector<512x1xf32> to vector<512x128xf32>
      %mul3A_214 = arith.mulf %slice3A_211, %mul3A_213 : vector<512x128xf32>
      %concatenate3A_215 = tpu.concatenate %mul3A_202, %mul3A_206, %mul3A_210, %mul3A_214 in 1 : vector<512x128xf32>, vector<512x128xf32>, vector<512x128xf32>, vector<512x128xf32> -> vector<512x512xf32>
      %jit3A_216 = arith.constant 0.000000e+00 : f32
      %broadcast_in_dim3A_217 = vector.shape_cast %and3A_168 : vector<512x1xi1> to vector<512x1xi1>
      %broadcast_in_dim3A_218 = vector.broadcast %broadcast_in_dim3A_217 : vector<512x1xi1> to vector<512x512xi1>
      %broadcast_in_dim3A_219 = vector.broadcast %jit3A_216 : f32 to vector<512x512xf32>
      %select_n3A_220 = arith.select %broadcast_in_dim3A_218, %concatenate3A_215, %broadcast_in_dim3A_219 : vector<512x512xi1>, vector<512x512xf32>
      %dot_general3A_221 = arith.constant dense<0.000000e+00> : vector<400x4xf32>
      %dot_general3A_222 = tpu.matmul %convert_element_type3A_174, %select_n3A_191, %dot_general3A_221 {dimension_numbers = #tpu.dot_dimension_numbers<[0], [0], [1], [1], [0, 1, 1, 1], [], []>, transpose_lhs_hint = false} : vector<512x400xf32>, vector<512x4xf32>, vector<400x4xf32> -> vector<400x4xf32>
      %add3A_223 = arith.addf %while3A_144, %dot_general3A_222 : vector<400x4xf32>
      %dot_general3A_224 = arith.constant dense<0.000000e+00> : vector<400x512xf32>
      %dot_general3A_225 = tpu.matmul %convert_element_type3A_174, %select_n3A_220, %dot_general3A_224 {dimension_numbers = #tpu.dot_dimension_numbers<[0], [0], [1], [1], [0, 1, 1, 1], [], []>, transpose_lhs_hint = false} : vector<512x400xf32>, vector<512x512xf32>, vector<400x512xf32> -> vector<400x512xf32>
      %add3A_226 = arith.addf %while3A_143, %dot_general3A_225 : vector<400x512xf32>
      scf.yield %add3A_226, %add3A_223 : vector<400x512xf32>, vector<400x4xf32>
    }
    %while3A_112 = arith.constant 1 : i32
    %while3A_113:2 = scf.for %while3A_142 = %while3A_109 to %while3A_105 step %while3A_112 iter_args(%while3A_143 = %while3A_111#0, %while3A_144 = %while3A_111#1) -> (vector<400x512xf32>, vector<400x4xf32>)  : i32 {
      %mul3A_145 = arith.constant 512 : i32
      %mul3A_146 = arith.muli %while3A_142, %mul3A_145 : i32
      %add3A_147 = arith.addi %mul3A_20, %mul3A_146 : i32
      %dma_start3A = arith.constant 0 : i32
      %dma_start3A_148 = tpu.memref_slice %arg4[%add3A_147, %dma_start3A] : memref<160512x1xi32, #tpu.memory_space<any>> -> memref<512x1xi32, #tpu.memory_space<any>>
      tpu.enqueue_dma source(%dma_start3A_148 : memref<512x1xi32, #tpu.memory_space<any>>) target(%arg10 : memref<512x1xi32, #tpu.memory_space<vmem>>) target_semaphore(%arg14 : memref<!tpu.dma_semaphore, #tpu.memory_space<semaphore_mem>>)
      %dma_start3A_149 = arith.constant 0 : i32
      %dma_start3A_150 = tpu.memref_slice %arg6[%add3A_147, %dma_start3A_149] : memref<160512x512xf32, #tpu.memory_space<any>> -> memref<512x512xf32, #tpu.memory_space<any>>
      tpu.enqueue_dma source(%dma_start3A_150 : memref<512x512xf32, #tpu.memory_space<any>>) target(%arg11 : memref<512x512xf32, #tpu.memory_space<vmem>>) target_semaphore(%arg14 : memref<!tpu.dma_semaphore, #tpu.memory_space<semaphore_mem>>)
      %dma_start3A_151 = arith.constant 0 : i32
      %dma_start3A_152 = tpu.memref_slice %arg7[%add3A_147, %dma_start3A_151] : memref<160512x512xf32, #tpu.memory_space<any>> -> memref<512x512xf32, #tpu.memory_space<any>>
      tpu.enqueue_dma source(%dma_start3A_152 : memref<512x512xf32, #tpu.memory_space<any>>) target(%arg12 : memref<512x512xf32, #tpu.memory_space<vmem>>) target_semaphore(%arg14 : memref<!tpu.dma_semaphore, #tpu.memory_space<semaphore_mem>>)
      %dma_wait3A = arith.constant 0 : i32
      %dma_wait3A_153 = tpu.memref_slice %arg4[%add3A_147, %dma_wait3A] : memref<160512x1xi32, #tpu.memory_space<any>> -> memref<512x1xi32, #tpu.memory_space<any>>
      tpu.wait_dma2 semaphore(%arg14 : memref<!tpu.dma_semaphore, #tpu.memory_space<semaphore_mem>>) src(%dma_wait3A_153 : memref<512x1xi32, #tpu.memory_space<any>>) dst(%arg10 : memref<512x1xi32, #tpu.memory_space<vmem>>)
      %dma_wait3A_154 = arith.constant 0 : i32
      %dma_wait3A_155 = tpu.memref_slice %arg6[%add3A_147, %dma_wait3A_154] : memref<160512x512xf32, #tpu.memory_space<any>> -> memref<512x512xf32, #tpu.memory_space<any>>
      tpu.wait_dma2 semaphore(%arg14 : memref<!tpu.dma_semaphore, #tpu.memory_space<semaphore_mem>>) src(%dma_wait3A_155 : memref<512x512xf32, #tpu.memory_space<any>>) dst(%arg11 : memref<512x512xf32, #tpu.memory_space<vmem>>)
      %dma_wait3A_156 = arith.constant 0 : i32
      %dma_wait3A_157 = tpu.memref_slice %arg7[%add3A_147, %dma_wait3A_156] : memref<160512x512xf32, #tpu.memory_space<any>> -> memref<512x512xf32, #tpu.memory_space<any>>
      tpu.wait_dma2 semaphore(%arg14 : memref<!tpu.dma_semaphore, #tpu.memory_space<semaphore_mem>>) src(%dma_wait3A_157 : memref<512x512xf32, #tpu.memory_space<any>>) dst(%arg12 : memref<512x512xf32, #tpu.memory_space<vmem>>)
      %get3A_158 = arith.constant 0 : index
      %get3A_159 = arith.constant 0 : index
      %get3A_160 = vector.load %arg10[%get3A_158, %get3A_159] : memref<512x1xi32, #tpu.memory_space<vmem>>, vector<512x1xi32>
      %sub3A_161 = vector.broadcast %mul3A_51 : i32 to vector<512x1xi32>
      %sub3A_162 = arith.subi %get3A_160, %sub3A_161 : vector<512x1xi32>
      %ge3A = arith.constant 0 : i32
      %ge3A_163 = vector.broadcast %ge3A : i32 to vector<512x1xi32>
      %ge3A_164 = arith.cmpi sge, %sub3A_162, %ge3A_163 : vector<512x1xi32>
      %lt3A_165 = arith.constant 400 : i32
      %lt3A_166 = vector.broadcast %lt3A_165 : i32 to vector<512x1xi32>
      %lt3A_167 = arith.cmpi slt, %sub3A_162, %lt3A_166 : vector<512x1xi32>
      %and3A_168 = arith.andi %ge3A_164, %lt3A_167 : vector<512x1xi1>
      %eq3A_169 = vector.broadcast %sub3A_162 : vector<512x1xi32> to vector<512x400xi32>
      %eq3A_170 = arith.cmpi eq, %eq3A_169, %iota3A : vector<512x400xi32>
      %and3A_171 = vector.broadcast %and3A_168 : vector<512x1xi1> to vector<512x400xi1>
      %and3A_172 = arith.andi %eq3A_170, %and3A_171 : vector<512x400xi1>
      %convert_element_type3A_173 = arith.extui %and3A_172 : vector<512x400xi1> to vector<512x400xi32>
      %convert_element_type3A_174 = arith.sitofp %convert_element_type3A_173 : vector<512x400xi32> to vector<512x400xf32>
      %dma_start3A_175 = arith.constant 0 : i32
      %dma_start3A_176 = tpu.memref_slice %arg9[%add3A_147, %dma_start3A_175] : memref<160512x4xf32, #tpu.memory_space<any>> -> memref<512x4xf32, #tpu.memory_space<any>>
      tpu.enqueue_dma source(%dma_start3A_176 : memref<512x4xf32, #tpu.memory_space<any>>) target(%arg13 : memref<512x4xf32, #tpu.memory_space<vmem>>) target_semaphore(%arg14 : memref<!tpu.dma_semaphore, #tpu.memory_space<semaphore_mem>>)
      %dma_wait3A_177 = arith.constant 0 : i32
      %dma_wait3A_178 = tpu.memref_slice %arg9[%add3A_147, %dma_wait3A_177] : memref<160512x4xf32, #tpu.memory_space<any>> -> memref<512x4xf32, #tpu.memory_space<any>>
      tpu.wait_dma2 semaphore(%arg14 : memref<!tpu.dma_semaphore, #tpu.memory_space<semaphore_mem>>) src(%dma_wait3A_178 : memref<512x4xf32, #tpu.memory_space<any>>) dst(%arg13 : memref<512x4xf32, #tpu.memory_space<vmem>>)
      %get3A_179 = arith.constant 0 : index
      %get3A_180 = arith.constant 0 : index
      %get3A_181 = vector.load %arg13[%get3A_179, %get3A_180] : memref<512x4xf32, #tpu.memory_space<vmem>>, vector<512x4xf32>
      %dot_general3A_182 = arith.constant dense<0.000000e+00> : vector<512x4xf32>
      %dot_general3A_183 = tpu.matmul %convert_element_type3A_174, %dot_general3A_98, %dot_general3A_182 {dimension_numbers = #tpu.dot_dimension_numbers<[1], [0], [0], [1], [0, 0, 1, 1], [], []>, transpose_lhs_hint = false} : vector<512x400xf32>, vector<400x4xf32>, vector<512x4xf32> -> vector<512x4xf32>
      %sub3A_184 = arith.subf %get3A_181, %dot_general3A_183 : vector<512x4xf32>
      %min3A = arith.constant 0.000000e+00 : f32
      %min3A_185 = vector.broadcast %min3A : f32 to vector<512x4xf32>
      %min3A_186 = arith.minimumf %sub3A_184, %min3A_185 : vector<512x4xf32>
      %exp3A = math.exp %min3A_186 : vector<512x4xf32>
      %jit3A_187 = arith.constant 0.000000e+00 : f32
      %broadcast_in_dim3A_188 = vector.shape_cast %and3A_168 : vector<512x1xi1> to vector<512x1xi1>
      %broadcast_in_dim3A_189 = vector.broadcast %broadcast_in_dim3A_188 : vector<512x1xi1> to vector<512x4xi1>
      %broadcast_in_dim3A_190 = vector.broadcast %jit3A_187 : f32 to vector<512x4xf32>
      %select_n3A_191 = arith.select %broadcast_in_dim3A_189, %exp3A, %broadcast_in_dim3A_190 : vector<512x4xi1>, vector<512x4xf32>
      %get3A_192 = arith.constant 0 : index
      %get3A_193 = arith.constant 0 : index
      %get3A_194 = vector.load %arg11[%get3A_192, %get3A_193] : memref<512x512xf32, #tpu.memory_space<vmem>>, vector<512x512xf32>
      %get3A_195 = arith.constant 0 : index
      %get3A_196 = arith.constant 0 : index
      %get3A_197 = vector.load %arg12[%get3A_195, %get3A_196] : memref<512x512xf32, #tpu.memory_space<vmem>>, vector<512x512xf32>
      %add3A_198 = arith.addf %get3A_194, %get3A_197 : vector<512x512xf32>
      %slice3A_199 = vector.extract_strided_slice %add3A_198 {offsets = [0, 0], sizes = [512, 128], strides = [1, 1]} : vector<512x512xf32> to vector<512x128xf32>
      %slice3A_200 = vector.extract_strided_slice %select_n3A_191 {offsets = [0, 0], sizes = [512, 1], strides = [1, 1]} : vector<512x4xf32> to vector<512x1xf32>
      %mul3A_201 = vector.broadcast %slice3A_200 : vector<512x1xf32> to vector<512x128xf32>
      %mul3A_202 = arith.mulf %slice3A_199, %mul3A_201 : vector<512x128xf32>
      %slice3A_203 = vector.extract_strided_slice %add3A_198 {offsets = [0, 128], sizes = [512, 128], strides = [1, 1]} : vector<512x512xf32> to vector<512x128xf32>
      %slice3A_204 = vector.extract_strided_slice %select_n3A_191 {offsets = [0, 1], sizes = [512, 1], strides = [1, 1]} : vector<512x4xf32> to vector<512x1xf32>
      %mul3A_205 = vector.broadcast %slice3A_204 : vector<512x1xf32> to vector<512x128xf32>
      %mul3A_206 = arith.mulf %slice3A_203, %mul3A_205 : vector<512x128xf32>
      %slice3A_207 = vector.extract_strided_slice %add3A_198 {offsets = [0, 256], sizes = [512, 128], strides = [1, 1]} : vector<512x512xf32> to vector<512x128xf32>
      %slice3A_208 = vector.extract_strided_slice %select_n3A_191 {offsets = [0, 2], sizes = [512, 1], strides = [1, 1]} : vector<512x4xf32> to vector<512x1xf32>
      %mul3A_209 = vector.broadcast %slice3A_208 : vector<512x1xf32> to vector<512x128xf32>
      %mul3A_210 = arith.mulf %slice3A_207, %mul3A_209 : vector<512x128xf32>
      %slice3A_211 = vector.extract_strided_slice %add3A_198 {offsets = [0, 384], sizes = [512, 128], strides = [1, 1]} : vector<512x512xf32> to vector<512x128xf32>
      %slice3A_212 = vector.extract_strided_slice %select_n3A_191 {offsets = [0, 3], sizes = [512, 1], strides = [1, 1]} : vector<512x4xf32> to vector<512x1xf32>
      %mul3A_213 = vector.broadcast %slice3A_212 : vector<512x1xf32> to vector<512x128xf32>
      %mul3A_214 = arith.mulf %slice3A_211, %mul3A_213 : vector<512x128xf32>
      %concatenate3A_215 = tpu.concatenate %mul3A_202, %mul3A_206, %mul3A_210, %mul3A_214 in 1 : vector<512x128xf32>, vector<512x128xf32>, vector<512x128xf32>, vector<512x128xf32> -> vector<512x512xf32>
      %jit3A_216 = arith.constant 0.000000e+00 : f32
      %broadcast_in_dim3A_217 = vector.shape_cast %and3A_168 : vector<512x1xi1> to vector<512x1xi1>
      %broadcast_in_dim3A_218 = vector.broadcast %broadcast_in_dim3A_217 : vector<512x1xi1> to vector<512x512xi1>
      %broadcast_in_dim3A_219 = vector.broadcast %jit3A_216 : f32 to vector<512x512xf32>
      %select_n3A_220 = arith.select %broadcast_in_dim3A_218, %concatenate3A_215, %broadcast_in_dim3A_219 : vector<512x512xi1>, vector<512x512xf32>
      %dot_general3A_221 = arith.constant dense<0.000000e+00> : vector<400x4xf32>
      %dot_general3A_222 = tpu.matmul %convert_element_type3A_174, %select_n3A_191, %dot_general3A_221 {dimension_numbers = #tpu.dot_dimension_numbers<[0], [0], [1], [1], [0, 1, 1, 1], [], []>, transpose_lhs_hint = false} : vector<512x400xf32>, vector<512x4xf32>, vector<400x4xf32> -> vector<400x4xf32>
      %add3A_223 = arith.addf %while3A_144, %dot_general3A_222 : vector<400x4xf32>
      %dot_general3A_224 = arith.constant dense<0.000000e+00> : vector<400x512xf32>
      %dot_general3A_225 = tpu.matmul %convert_element_type3A_174, %select_n3A_220, %dot_general3A_224 {dimension_numbers = #tpu.dot_dimension_numbers<[0], [0], [1], [1], [0, 1, 1, 1], [], []>, transpose_lhs_hint = false} : vector<512x400xf32>, vector<512x512xf32>, vector<400x512xf32> -> vector<400x512xf32>
      %add3A_226 = arith.addf %while3A_143, %dot_general3A_225 : vector<400x512xf32>
      scf.yield %add3A_226, %add3A_223 : vector<400x512xf32>, vector<400x4xf32>
    }
    %add3A_114 = arith.constant 1.000000e-16 : f32
    %add3A_115 = vector.broadcast %add3A_114 : f32 to vector<400x4xf32>
    %add3A_116 = arith.addf %while3A_113#1, %add3A_115 : vector<400x4xf32>
    %div3A_117 = arith.constant 1.000000e+00 : f32
    %div3A_118 = vector.broadcast %div3A_117 : f32 to vector<400x4xf32>
    %div3A_119 = arith.divf %div3A_118, %add3A_116 : vector<400x4xf32>
    %slice3A = vector.extract_strided_slice %while3A_113#0 {offsets = [0, 0], sizes = [400, 128], strides = [1, 1]} : vector<400x512xf32> to vector<400x128xf32>
    %slice3A_120 = vector.extract_strided_slice %div3A_119 {offsets = [0, 0], sizes = [400, 1], strides = [1, 1]} : vector<400x4xf32> to vector<400x1xf32>
    %mul3A_121 = vector.broadcast %slice3A_120 : vector<400x1xf32> to vector<400x128xf32>
    %mul3A_122 = arith.mulf %slice3A, %mul3A_121 : vector<400x128xf32>
    %slice3A_123 = vector.extract_strided_slice %while3A_113#0 {offsets = [0, 128], sizes = [400, 128], strides = [1, 1]} : vector<400x512xf32> to vector<400x128xf32>
    %slice3A_124 = vector.extract_strided_slice %div3A_119 {offsets = [0, 1], sizes = [400, 1], strides = [1, 1]} : vector<400x4xf32> to vector<400x1xf32>
    %mul3A_125 = vector.broadcast %slice3A_124 : vector<400x1xf32> to vector<400x128xf32>
    %mul3A_126 = arith.mulf %slice3A_123, %mul3A_125 : vector<400x128xf32>
    %slice3A_127 = vector.extract_strided_slice %while3A_113#0 {offsets = [0, 256], sizes = [400, 128], strides = [1, 1]} : vector<400x512xf32> to vector<400x128xf32>
    %slice3A_128 = vector.extract_strided_slice %div3A_119 {offsets = [0, 2], sizes = [400, 1], strides = [1, 1]} : vector<400x4xf32> to vector<400x1xf32>
    %mul3A_129 = vector.broadcast %slice3A_128 : vector<400x1xf32> to vector<400x128xf32>
    %mul3A_130 = arith.mulf %slice3A_127, %mul3A_129 : vector<400x128xf32>
    %slice3A_131 = vector.extract_strided_slice %while3A_113#0 {offsets = [0, 384], sizes = [400, 128], strides = [1, 1]} : vector<400x512xf32> to vector<400x128xf32>
    %slice3A_132 = vector.extract_strided_slice %div3A_119 {offsets = [0, 3], sizes = [400, 1], strides = [1, 1]} : vector<400x4xf32> to vector<400x1xf32>
    %mul3A_133 = vector.broadcast %slice3A_132 : vector<400x1xf32> to vector<400x128xf32>
    %mul3A_134 = arith.mulf %slice3A_131, %mul3A_133 : vector<400x128xf32>
    %concatenate3A_135 = tpu.concatenate %mul3A_122, %mul3A_126, %mul3A_130, %mul3A_134 in 1 : vector<400x128xf32>, vector<400x128xf32>, vector<400x128xf32>, vector<400x128xf32> -> vector<400x512xf32>
    %get3A_136 = arith.constant 0 : index
    %get3A_137 = arith.constant 0 : index
    %get3A_138 = vector.load %arg3[%get3A_136, %get3A_137] : memref<400x512xf32, #tpu.memory_space<vmem>>, vector<400x512xf32>
    %add3A_139 = arith.addf %concatenate3A_135, %get3A_138 : vector<400x512xf32>
    %swap3A = arith.constant 0 : index
    %swap3A_140 = arith.constant 0 : index
    %swap3A_141 = vector.load %arg8[%swap3A, %swap3A_140] : memref<400x512xf32, #tpu.memory_space<vmem>>, vector<400x512xf32>
    tpu.vector_store %arg8[%swap3A, %swap3A_140], %add3A_139 {strides = array<i32>} : memref<400x512xf32, #tpu.memory_space<vmem>>, vector<400x512xf32>,
    return
  }
  func.func @transform_0(%arg0: i32) -> i32 {
    %c0_i32 = arith.constant 0 : i32
    %c0_i32_0 = arith.constant 0 : i32
    return %c0_i32 : i32
  }
  func.func @transform_1(%arg0: i32) -> (i32, i32) {
    %c0_i32 = arith.constant 0 : i32
    %c0_i32_0 = arith.constant 0 : i32
    return %arg0, %c0_i32 : i32, i32
  }
  func.func @transform_2(%arg0: i32) -> (i32, i32) {
    %c0_i32 = arith.constant 0 : i32
    %c0_i32_0 = arith.constant 0 : i32
    return %arg0, %c0_i32 : i32, i32
  }
  func.func @transform_7(%arg0: i32) -> (i32, i32) {
    %c0_i32 = arith.constant 0 : i32
    %c0_i32_0 = arith.constant 0 : i32
    return %arg0, %c0_i32 : i32, i32
  }
}

module attributes {stable_mosaic.version = 14 : i64} {
  func.func @_proj_kernel(%arg0: i32, %arg1: memref<1000x768xf32, #tpu.memory_space<vmem>>, %arg2: memref<768x512xf32, #tpu.memory_space<vmem>>, %arg3: memref<768x512xf32, #tpu.memory_space<vmem>>, %arg4: memref<768x512xf32, #tpu.memory_space<vmem>>, %arg5: memref<768x512xf32, #tpu.memory_space<vmem>>, %arg6: memref<1x512xf32, #tpu.memory_space<vmem>>, %arg7: memref<1x512xf32, #tpu.memory_space<vmem>>, %arg8: memref<1x512xf32, #tpu.memory_space<vmem>>, %arg9: memref<1x512xf32, #tpu.memory_space<vmem>>, %arg10: memref<1000x512xf32, #tpu.memory_space<vmem>>, %arg11: memref<1000x512xf32, #tpu.memory_space<vmem>>, %arg12: memref<1000x512xf32, #tpu.memory_space<vmem>>, %arg13: memref<1000x512xf32, #tpu.memory_space<vmem>>) attributes {dimension_semantics = [#tpu.dimension_semantics<arbitrary>], iteration_bounds = array<i64: 10>, scalar_prefetch = 0 : i64, scratch_operands = 0 : i64, tpu.core_type = #tpu.core_type<tc>, window_params = [{transform_indices = @transform_0, window_bounds = array<i64: 1000, 768>}, {pipeline_mode = #tpu.pipeline_mode<synchronous>, transform_indices = @transform_1, window_bounds = array<i64: 768, 512>}, {pipeline_mode = #tpu.pipeline_mode<synchronous>, transform_indices = @transform_2, window_bounds = array<i64: 768, 512>}, {pipeline_mode = #tpu.pipeline_mode<synchronous>, transform_indices = @transform_3, window_bounds = array<i64: 768, 512>}, {pipeline_mode = #tpu.pipeline_mode<synchronous>, transform_indices = @transform_4, window_bounds = array<i64: 768, 512>}, {pipeline_mode = #tpu.pipeline_mode<synchronous>, transform_indices = @transform_5, window_bounds = array<i64: 1, 512>}, {pipeline_mode = #tpu.pipeline_mode<synchronous>, transform_indices = @transform_6, window_bounds = array<i64: 1, 512>}, {pipeline_mode = #tpu.pipeline_mode<synchronous>, transform_indices = @transform_7, window_bounds = array<i64: 1, 512>}, {pipeline_mode = #tpu.pipeline_mode<synchronous>, transform_indices = @transform_8, window_bounds = array<i64: 1, 512>}, {transform_indices = @transform_9, window_bounds = array<i64: 1000, 512>}, {transform_indices = @transform_10, window_bounds = array<i64: 1000, 512>}, {transform_indices = @transform_11, window_bounds = array<i64: 1000, 512>}, {transform_indices = @transform_12, window_bounds = array<i64: 1000, 512>}]} {
    %get3A = arith.constant 0 : index
    %get3A_0 = arith.constant 0 : index
    %get3A_1 = vector.load %arg1[%get3A, %get3A_0] : memref<1000x768xf32, #tpu.memory_space<vmem>>, vector<1000x768xf32>
    %get3A_2 = arith.constant 0 : index
    %get3A_3 = arith.constant 0 : index
    %get3A_4 = vector.load %arg2[%get3A_2, %get3A_3] : memref<768x512xf32, #tpu.memory_space<vmem>>, vector<768x512xf32>
    %dot_general3A = arith.constant dense<0.000000e+00> : vector<1000x512xf32>
    %dot_general3A_5 = tpu.matmul %get3A_1, %get3A_4, %dot_general3A {dimension_numbers = #tpu.dot_dimension_numbers<[1], [0], [0], [1], [0, 0, 1, 1], [], []>, transpose_lhs_hint = false} : vector<1000x768xf32>, vector<768x512xf32>, vector<1000x512xf32> -> vector<1000x512xf32>
    %get3A_6 = arith.constant 0 : index
    %get3A_7 = arith.constant 0 : index
    %get3A_8 = vector.load %arg6[%get3A_6, %get3A_7] : memref<1x512xf32, #tpu.memory_space<vmem>>, vector<1x512xf32>
    %add3A = vector.broadcast %get3A_8 : vector<1x512xf32> to vector<1000x512xf32>
    %add3A_9 = arith.addf %dot_general3A_5, %add3A : vector<1000x512xf32>
    %swap3A = arith.constant 0 : index
    %swap3A_10 = arith.constant 0 : index
    %swap3A_11 = vector.load %arg10[%swap3A, %swap3A_10] : memref<1000x512xf32, #tpu.memory_space<vmem>>, vector<1000x512xf32>
    tpu.vector_store %arg10[%swap3A, %swap3A_10], %add3A_9 {strides = array<i32>} : memref<1000x512xf32, #tpu.memory_space<vmem>>, vector<1000x512xf32>,
    %get3A_12 = arith.constant 0 : index
    %get3A_13 = arith.constant 0 : index
    %get3A_14 = vector.load %arg3[%get3A_12, %get3A_13] : memref<768x512xf32, #tpu.memory_space<vmem>>, vector<768x512xf32>
    %dot_general3A_15 = arith.constant dense<0.000000e+00> : vector<1000x512xf32>
    %dot_general3A_16 = tpu.matmul %get3A_1, %get3A_14, %dot_general3A_15 {dimension_numbers = #tpu.dot_dimension_numbers<[1], [0], [0], [1], [0, 0, 1, 1], [], []>, transpose_lhs_hint = false} : vector<1000x768xf32>, vector<768x512xf32>, vector<1000x512xf32> -> vector<1000x512xf32>
    %get3A_17 = arith.constant 0 : index
    %get3A_18 = arith.constant 0 : index
    %get3A_19 = vector.load %arg7[%get3A_17, %get3A_18] : memref<1x512xf32, #tpu.memory_space<vmem>>, vector<1x512xf32>
    %add3A_20 = vector.broadcast %get3A_19 : vector<1x512xf32> to vector<1000x512xf32>
    %add3A_21 = arith.addf %dot_general3A_16, %add3A_20 : vector<1000x512xf32>
    %swap3A_22 = arith.constant 0 : index
    %swap3A_23 = arith.constant 0 : index
    %swap3A_24 = vector.load %arg11[%swap3A_22, %swap3A_23] : memref<1000x512xf32, #tpu.memory_space<vmem>>, vector<1000x512xf32>
    tpu.vector_store %arg11[%swap3A_22, %swap3A_23], %add3A_21 {strides = array<i32>} : memref<1000x512xf32, #tpu.memory_space<vmem>>, vector<1000x512xf32>,
    %get3A_25 = arith.constant 0 : index
    %get3A_26 = arith.constant 0 : index
    %get3A_27 = vector.load %arg4[%get3A_25, %get3A_26] : memref<768x512xf32, #tpu.memory_space<vmem>>, vector<768x512xf32>
    %dot_general3A_28 = arith.constant dense<0.000000e+00> : vector<1000x512xf32>
    %dot_general3A_29 = tpu.matmul %get3A_1, %get3A_27, %dot_general3A_28 {dimension_numbers = #tpu.dot_dimension_numbers<[1], [0], [0], [1], [0, 0, 1, 1], [], []>, transpose_lhs_hint = false} : vector<1000x768xf32>, vector<768x512xf32>, vector<1000x512xf32> -> vector<1000x512xf32>
    %get3A_30 = arith.constant 0 : index
    %get3A_31 = arith.constant 0 : index
    %get3A_32 = vector.load %arg8[%get3A_30, %get3A_31] : memref<1x512xf32, #tpu.memory_space<vmem>>, vector<1x512xf32>
    %add3A_33 = vector.broadcast %get3A_32 : vector<1x512xf32> to vector<1000x512xf32>
    %add3A_34 = arith.addf %dot_general3A_29, %add3A_33 : vector<1000x512xf32>
    %swap3A_35 = arith.constant 0 : index
    %swap3A_36 = arith.constant 0 : index
    %swap3A_37 = vector.load %arg12[%swap3A_35, %swap3A_36] : memref<1000x512xf32, #tpu.memory_space<vmem>>, vector<1000x512xf32>
    tpu.vector_store %arg12[%swap3A_35, %swap3A_36], %add3A_34 {strides = array<i32>} : memref<1000x512xf32, #tpu.memory_space<vmem>>, vector<1000x512xf32>,
    %get3A_38 = arith.constant 0 : index
    %get3A_39 = arith.constant 0 : index
    %get3A_40 = vector.load %arg5[%get3A_38, %get3A_39] : memref<768x512xf32, #tpu.memory_space<vmem>>, vector<768x512xf32>
    %dot_general3A_41 = arith.constant dense<0.000000e+00> : vector<1000x512xf32>
    %dot_general3A_42 = tpu.matmul %get3A_1, %get3A_40, %dot_general3A_41 {dimension_numbers = #tpu.dot_dimension_numbers<[1], [0], [0], [1], [0, 0, 1, 1], [], []>, transpose_lhs_hint = false} : vector<1000x768xf32>, vector<768x512xf32>, vector<1000x512xf32> -> vector<1000x512xf32>
    %get3A_43 = arith.constant 0 : index
    %get3A_44 = arith.constant 0 : index
    %get3A_45 = vector.load %arg9[%get3A_43, %get3A_44] : memref<1x512xf32, #tpu.memory_space<vmem>>, vector<1x512xf32>
    %add3A_46 = vector.broadcast %get3A_45 : vector<1x512xf32> to vector<1000x512xf32>
    %add3A_47 = arith.addf %dot_general3A_42, %add3A_46 : vector<1000x512xf32>
    %swap3A_48 = arith.constant 0 : index
    %swap3A_49 = arith.constant 0 : index
    %swap3A_50 = vector.load %arg13[%swap3A_48, %swap3A_49] : memref<1000x512xf32, #tpu.memory_space<vmem>>, vector<1000x512xf32>
    tpu.vector_store %arg13[%swap3A_48, %swap3A_49], %add3A_47 {strides = array<i32>} : memref<1000x512xf32, #tpu.memory_space<vmem>>, vector<1000x512xf32>,
    return
  }
  func.func @transform_0(%arg0: i32) -> (i32, i32) {
    %c0_i32 = arith.constant 0 : i32
    %c0_i32_0 = arith.constant 0 : i32
    return %arg0, %c0_i32 : i32, i32
  }
  func.func @transform_1(%arg0: i32) -> (i32, i32) {
    %c0_i32 = arith.constant 0 : i32
    %c0_i32_0 = arith.constant 0 : i32
    %c0_i32_1 = arith.constant 0 : i32
    return %c0_i32, %c0_i32_0 : i32, i32
  }
  func.func @transform_2(%arg0: i32) -> (i32, i32) {
    %c0_i32 = arith.constant 0 : i32
    %c0_i32_0 = arith.constant 0 : i32
    %c0_i32_1 = arith.constant 0 : i32
    return %c0_i32, %c0_i32_0 : i32, i32
  }
  func.func @transform_3(%arg0: i32) -> (i32, i32) {
    %c0_i32 = arith.constant 0 : i32
    %c0_i32_0 = arith.constant 0 : i32
    %c0_i32_1 = arith.constant 0 : i32
    return %c0_i32, %c0_i32_0 : i32, i32
  }
  func.func @transform_4(%arg0: i32) -> (i32, i32) {
    %c0_i32 = arith.constant 0 : i32
    %c0_i32_0 = arith.constant 0 : i32
    %c0_i32_1 = arith.constant 0 : i32
    return %c0_i32, %c0_i32_0 : i32, i32
  }
  func.func @transform_5(%arg0: i32) -> (i32, i32) {
    %c0_i32 = arith.constant 0 : i32
    %c0_i32_0 = arith.constant 0 : i32
    %c0_i32_1 = arith.constant 0 : i32
    return %c0_i32, %c0_i32_0 : i32, i32
  }
  func.func @transform_6(%arg0: i32) -> (i32, i32) {
    %c0_i32 = arith.constant 0 : i32
    %c0_i32_0 = arith.constant 0 : i32
    %c0_i32_1 = arith.constant 0 : i32
    return %c0_i32, %c0_i32_0 : i32, i32
  }
  func.func @transform_7(%arg0: i32) -> (i32, i32) {
    %c0_i32 = arith.constant 0 : i32
    %c0_i32_0 = arith.constant 0 : i32
    %c0_i32_1 = arith.constant 0 : i32
    return %c0_i32, %c0_i32_0 : i32, i32
  }
  func.func @transform_8(%arg0: i32) -> (i32, i32) {
    %c0_i32 = arith.constant 0 : i32
    %c0_i32_0 = arith.constant 0 : i32
    %c0_i32_1 = arith.constant 0 : i32
    return %c0_i32, %c0_i32_0 : i32, i32
  }
  func.func @transform_9(%arg0: i32) -> (i32, i32) {
    %c0_i32 = arith.constant 0 : i32
    %c0_i32_0 = arith.constant 0 : i32
    return %arg0, %c0_i32 : i32, i32
  }
  func.func @transform_10(%arg0: i32) -> (i32, i32) {
    %c0_i32 = arith.constant 0 : i32
    %c0_i32_0 = arith.constant 0 : i32
    return %arg0, %c0_i32 : i32, i32
  }
  func.func @transform_11(%arg0: i32) -> (i32, i32) {
    %c0_i32 = arith.constant 0 : i32
    %c0_i32_0 = arith.constant 0 : i32
    return %arg0, %c0_i32 : i32, i32
  }
  func.func @transform_12(%arg0: i32) -> (i32, i32) {
    %c0_i32 = arith.constant 0 : i32
    %c0_i32_0 = arith.constant 0 : i32
    return %arg0, %c0_i32 : i32, i32
  }
}

module attributes {stable_mosaic.version = 14 : i64} {
  func.func @_out_mm_kernel(%arg0: i32, %arg1: memref<1000x512xf32, #tpu.memory_space<vmem>>, %arg2: memref<512x128xf32, #tpu.memory_space<vmem>>, %arg3: memref<1x128xf32, #tpu.memory_space<vmem>>, %arg4: memref<1000x128xf32, #tpu.memory_space<vmem>>) attributes {dimension_semantics = [#tpu.dimension_semantics<arbitrary>], iteration_bounds = array<i64: 10>, scalar_prefetch = 0 : i64, scratch_operands = 0 : i64, tpu.core_type = #tpu.core_type<tc>, window_params = [{transform_indices = @transform_0, window_bounds = array<i64: 1000, 512>}, {pipeline_mode = #tpu.pipeline_mode<synchronous>, transform_indices = @transform_1, window_bounds = array<i64: 512, 128>}, {pipeline_mode = #tpu.pipeline_mode<synchronous>, transform_indices = @transform_2, window_bounds = array<i64: 1, 128>}, {transform_indices = @transform_3, window_bounds = array<i64: 1000, 128>}]} {
    %get3A = arith.constant 0 : index
    %get3A_0 = arith.constant 0 : index
    %get3A_1 = vector.load %arg1[%get3A, %get3A_0] : memref<1000x512xf32, #tpu.memory_space<vmem>>, vector<1000x512xf32>
    %get3A_2 = arith.constant 0 : index
    %get3A_3 = arith.constant 0 : index
    %get3A_4 = vector.load %arg2[%get3A_2, %get3A_3] : memref<512x128xf32, #tpu.memory_space<vmem>>, vector<512x128xf32>
    %dot_general3A = arith.constant dense<0.000000e+00> : vector<1000x128xf32>
    %dot_general3A_5 = tpu.matmul %get3A_1, %get3A_4, %dot_general3A {dimension_numbers = #tpu.dot_dimension_numbers<[1], [0], [0], [1], [0, 0, 1, 1], [], []>, transpose_lhs_hint = false} : vector<1000x512xf32>, vector<512x128xf32>, vector<1000x128xf32> -> vector<1000x128xf32>
    %get3A_6 = arith.constant 0 : index
    %get3A_7 = arith.constant 0 : index
    %get3A_8 = vector.load %arg3[%get3A_6, %get3A_7] : memref<1x128xf32, #tpu.memory_space<vmem>>, vector<1x128xf32>
    %add3A = vector.broadcast %get3A_8 : vector<1x128xf32> to vector<1000x128xf32>
    %add3A_9 = arith.addf %dot_general3A_5, %add3A : vector<1000x128xf32>
    %swap3A = arith.constant 0 : index
    %swap3A_10 = arith.constant 0 : index
    %swap3A_11 = vector.load %arg4[%swap3A, %swap3A_10] : memref<1000x128xf32, #tpu.memory_space<vmem>>, vector<1000x128xf32>
    tpu.vector_store %arg4[%swap3A, %swap3A_10], %add3A_9 {strides = array<i32>} : memref<1000x128xf32, #tpu.memory_space<vmem>>, vector<1000x128xf32>,
    return
  }
  func.func @transform_0(%arg0: i32) -> (i32, i32) {
    %c0_i32 = arith.constant 0 : i32
    %c0_i32_0 = arith.constant 0 : i32
    return %arg0, %c0_i32 : i32, i32
  }
  func.func @transform_1(%arg0: i32) -> (i32, i32) {
    %c0_i32 = arith.constant 0 : i32
    %c0_i32_0 = arith.constant 0 : i32
    %c0_i32_1 = arith.constant 0 : i32
    return %c0_i32, %c0_i32_0 : i32, i32
  }
  func.func @transform_2(%arg0: i32) -> (i32, i32) {
    %c0_i32 = arith.constant 0 : i32
    %c0_i32_0 = arith.constant 0 : i32
    %c0_i32_1 = arith.constant 0 : i32
    return %c0_i32, %c0_i32_0 : i32, i32
  }
  func.func @transform_3(%arg0: i32) -> (i32, i32) {
    %c0_i32 = arith.constant 0 : i32
    %c0_i32_0 = arith.constant 0 : i32
    return %arg0, %c0_i32 : i32, i32
  }
}

</mosaic_0001>

<sc_bundles>
// kernel: gather_offload_async_start.1
scs
__scs_entry_jumppad:
0x0: {  	(pc) =	sbr.rel $0x88, $3  }
0x1: {  	(tag) =	ssettag $0x0;
	lr =	simm.s32 $0x1  }
0x2: {  	[smem:$0x3F78] =	sst lr;
	_ =	strace $0xD0000000  }
0x3: {  	_ = 	snop  }
0x4: {  	_ = 	snop  }
0x5: {  	_ = 	snop  }
0x6: {  	_ = 	snop  }
0x7: {  	_ = 	snop  }
__scs_overlays_trampoline_lowered:
0x8: {  	[smem:$0x3F87] =	sst s0  }
0x9: {  	[smem:$0x3F88] =	sst s1  }
0xa: {  	[smem:$0x3F89] =	sst s2  }
0xb: {  	[smem:$0x3F8A] =	sst s3  }
0xc: {  	[smem:$0x3F8B] =	sst s4  }
0xd: {  	[smem:$0x3F8C] =	sst s5  }
0xe: {  	[smem:$0x3F8D] =	sst s6  }
0xf: {  	[smem:$0x3F8E] =	sst s7  }
0x10: {  	[smem:$0x3F8F] =	sst s8  }
0x11: {  	[smem:$0x3F90] =	sst s9;
	s0 =	simm.s32 @!p0 $0x0  }
0x12: {  	s1 =	sld [smem:$0x3F76];
	s0 =	simm.s32 @p0 $0x1  }
0x13: {  	[smem:$0x3F91] =	sst s0;
	s0 =	simm.s32 @!p1 $0x0  }
0x14: {  	s2 =	sld [smem:$0x3F75];
	s0 =	simm.s32 @p1 $0x1  }
0x15: {  	[smem:$0x3F92] =	sst s0;
	s0 =	simm.s32 @!p2 $0x0  }
0x16: {  	s3 =	sld [smem:$0x3FDB];
	s0 =	simm.s32 @p2 $0x1  }
0x17: {  	s4 =	simm.s32 $0x1BF5;
	[smem:$0x3F94] =	sst s0  }
0x18: {  	s0 =	sld [smem:$0x3F77];
	_ =	swait.ge [sflag:s4], $0x0  }
0x19: {  	s7 =	sld [smem:$0x3F78]  }
0x1a: {  	s8 =	sadd.s32 $0xFFFFE003, lr  }
0x1b: {  	s9 =	sadd.s32 $0xFFFFFEF7, lr;
	s5 =	simm.s32 $0xFFFFFFFF;
	p2 =	slt.u32 s8, $0xFFFFF086  }
0x1c: {  	p1 =	slt.u32 s9, $0xF7A;
	s5 =	simm.s32 @!p2 $0x0  }
0x1d: {  	s5 =	simm.s32 @p1 $0x1;
	p0 =	seq.s32 s7, s2  }
0x1e: {  	s7 =	smul.u32 @!p0 $0xF7A, s2;
	p2 =	seq.s32 @!p0 s5, $0x0  }
0x1f: {  	s9 =	smul.u32 $0xF7A, s1;
	s8 =	simm.s32 @!p0 $0x1BF5;
	p2 =	por !p2, p0  }
0x20: {  	[sflag:s8] =	ssyncset.s32 @!p0 $0xFFFFF086;
	s6 =	sadd.s32 @!p0 s3, s7;
	s7 =	simm.s32 @!p0 $0x108  }
0x21: {  	s3 =	sadd.s32 s3, s9;
	s6 =	sadd.s32 @!p0 $0x88, s6;
	s7 =	simm.s32 @p2 $0x1082  }
0x22: {  	[simem:s7], [sflag:s8] =	dma.local @!p0 [hbm:s6], $0xF7A  }
0x23: {  	s9 =	sor.u32 $0xD0000000, s2;
	s6 =	simm.s32 $0x108;
	_ =	swait.ge @!p0 [sflag:s8], $0x0  }
0x24: {  	s3 =	sadd.s32 $0x88, s3;
	s6 =	simm.s32 @!p1 $0x1082;
	[sflag:s4] =	ssyncset.s32 $0xFFFFF086  }
0x25: {  	[simem:s6], [sflag:s4] =	dma.local [hbm:s3], $0xF7A  }
0x26: {  	[smem:$0x3F78] =	sst s1;
	(tag) =	ssettag s2;
	_ =	strace s9  }
0x27: {  	s1 =	sld [smem:$0x3F88]  }
0x28: {  	s2 =	sld [smem:$0x3F89]  }
0x29: {  	s4 =	sld [smem:$0x3F8B]  }
0x2a: {  	p0 =	seq.s32 s5, $0x0;
	s5 =	sld [smem:$0x3F8C]  }
0x2b: {  	s6 =	sld [smem:$0x3F8D]  }
0x2c: {  	s7 =	sld [smem:$0x3F8E]  }
0x2d: {  	s3 =	simm.s32 $0x108;
	s8 =	sld [smem:$0x3F8F]  }
0x2e: {  	s3 =	simm.s32 @!p0 $0x1082;
	s9 =	sld [smem:$0x3F90]  }
0x2f: {  	lr =	sadd.s32 s0, s3;
	s0 =	sld [smem:$0x3F87]  }
0x30: {  	s3 =	sld [smem:$0x3F8A]  }
0x31: {  	[smem:$0x3F93] =	sst s10  }
0x32: {  	s10 =	sld [smem:$0x3F91];
	_ =	sdelay $0x3  }
0x33: {  	p0 =	seq.s32 s10, $0x1;
	s10 =	sld [smem:$0x3F93];
	_ =	sdelay $0x3  }
0x34: {  	[smem:$0x3F93] =	sst s10  }
0x35: {  	s10 =	sld [smem:$0x3F92];
	_ =	sdelay $0x3  }
0x36: {  	p1 =	seq.s32 s10, $0x1;
	s10 =	sld [smem:$0x3F93];
	_ =	sdelay $0x3  }
0x37: {  	[smem:$0x3F93] =	sst s10  }
0x38: {  	s10 =	sld [smem:$0x3F94]  }
0x39: {  	_ = 	snop;
	(pc) =	sbr.ind lr, $3  }
0x3a: {  	_ = 	snop  }
0x3b: {  	_ = 	snop  }
0x3c: {  	p2 =	seq.s32 s10, $0x1;
	s10 =	sld [smem:$0x3F93]  }
0x3d: {  	_ =	shalt  }
0x3e: {  	_ =	shalt  }
0x3f: {  	_ =	shalt  }
0x40: {  	_ =	shalt  }
0x41: {  	_ =	shalt  }
0x42: {  	_ =	shalt  }
0x43: {  	_ =	shalt  }
0x44: {  	_ =	shalt  }
0x45: {  	_ =	shalt  }
0x46: {  	_ =	shalt  }
0x47: {  	_ =	shalt  }
0x48: {  	_ =	shalt  }
0x49: {  	_ =	shalt  }
0x4a: {  	_ =	shalt  }
0x4b: {  	_ =	shalt  }
0x4c: {  	_ =	shalt  }
0x4d: {  	_ =	shalt  }
0x4e: {  	_ =	shalt  }
0x4f: {  	_ =	shalt  }
0x50: {  	_ =	shalt  }
0x51: {  	_ =	shalt  }
0x52: {  	_ =	shalt  }
0x53: {  	_ =	shalt  }
0x54: {  	_ =	shalt  }
0x55: {  	_ =	shalt  }
0x56: {  	_ =	shalt  }
0x57: {  	_ =	shalt  }
0x58: {  	_ =	shalt  }
0x59: {  	_ =	shalt  }
0x5a: {  	_ =	shalt  }
0x5b: {  	_ =	shalt  }
0x5c: {  	_ =	shalt  }
0x5d: {  	_ =	shalt  }
0x5e: {  	_ =	shalt  }
0x5f: {  	_ =	shalt  }
0x60: {  	_ =	shalt  }
0x61: {  	_ =	shalt  }
0x62: {  	_ =	shalt  }
0x63: {  	_ =	shalt  }
0x64: {  	_ =	shalt  }
0x65: {  	_ =	shalt  }
0x66: {  	_ =	shalt  }
0x67: {  	_ =	shalt  }
0x68: {  	_ =	shalt  }
0x69: {  	_ =	shalt  }
0x6a: {  	_ =	shalt  }
0x6b: {  	_ =	shalt  }
0x6c: {  	_ =	shalt  }
0x6d: {  	_ =	shalt  }
0x6e: {  	_ =	shalt  }
0x6f: {  	_ =	shalt  }
0x70: {  	_ =	shalt  }
0x71: {  	_ =	shalt  }
0x72: {  	_ =	shalt  }
0x73: {  	_ =	shalt  }
0x74: {  	_ =	shalt  }
0x75: {  	_ =	shalt  }
0x76: {  	_ =	shalt  }
0x77: {  	_ =	shalt  }
0x78: {  	_ =	shalt  }
0x79: {  	_ =	shalt  }
0x7a: {  	_ =	shalt  }
0x7b: {  	_ =	shalt  }
0x7c: {  	_ =	shalt  }
0x7d: {  	_ =	shalt  }
0x7e: {  	_ =	shalt  }
0x7f: {  	_ =	shalt  }
0x80: {  	_ =	shalt  }
0x81: {  	_ =	shalt  }
0x82: {  	_ =	shalt  }
0x83: {  	_ =	shalt  }
0x84: {  	_ =	shalt  }
0x85: {  	_ =	shalt  }
0x86: {  	_ =	shalt  }
0x87: {  	_ =	shalt  }
.Lfunc_end0:
.L_simem_size_0:
called_computation.1_lowered:
.L_overlay_start_0:
0x88: {  	s2 =	sld [smem:$0x3FD9]  }
0x89: {  	s3 =	sld [smem:$0x3FFE];
	_ =	sdelay $0x1  }
0x8a: {  	s1 =	srdreg.scid  }
0x8b: {  	s0 =	sand.u32 $0x1, s1  }
0x8c: {  	s16 =	sshll.u32 s0, $0xA;
	s2 =	sadd.s32 s3, s2  }
0x8d: {  	s2 =	sadd.s32 s2, s16  }
0x8e: {  	[smem:$0x3F9F] =	sst s2  }
0x8f: {  	_ = 	snop  }
0x90: {  	(tm) =	ssettm $0x1  }
0x91: {  	s17 =	sld [smem:$0x3FFB];
	_ =	sdelay $0x3  }
0x92: {  	_ =	strace s17  }
0x93: {  	s2 =	sld [smem:$0x3FFC];
	_ =	sdelay $0x3  }
0x94: {  	_ =	strace s2  }
0x95: {  	s2 =	sld [smem:$0x3FFD];
	_ =	sdelay $0x3  }
0x96: {  	_ =	strace s2  }
0x97: {  	_ =	strace $0x8FFFFFFF  }
0x98: {  	s18 =	sld [smem:$0x3FDB];
	_ =	sdelay $0x1  }
0x99: {  	s19 =	simm.s32 $_scs_section_size  }
0x9a: {  	s4 =	simm.s32 $_size__tile_overlayer_lowered;
	s5 =	simm.s32 $_tile_overlayer_lowered  }
0x9b: {  	s22 =	simm.s32 $0x1BFF;
	s21 =	sshll.u32 s5, $0x1;
	s2 =	sadd.s32 s19, s18  }
0x9c: {  	s6 =	simm.s32 $0x0;
	s20 =	sshll.u32 s4, $0x1;
	s4 =	sadd.s32 s21, s2  }
0x9d: {  	[timem:s6], [sflag:s22] =	dma.local [hbm:s4], s20  }
0x9e: {  	_ =	swait.ge [sflag:s22], s20  }
0x9f: {  	s3 =	ssub.s32 $0x0, s20;
	[sflag:s22] =	ssyncset.done $0x0  }
0xa0: {  	[sflag:s22] =	ssyncadd.s32 s3;
	_ =	sdelay $0x1  }
0xa1: {  	s23 =	simm.s32 $0x1B8B  }
0xa2: {  	_ =	swait.ge [sflag:s23], $0x1  }
0xa3: {  	[sflag:s23] =	ssyncset.done $0x0  }
0xa4: {  	s25 =	simm.s32 $0x1B8E;
	s24 =	sld [smem:$0x3FFE];
	[sflag:s23] =	ssyncadd.s32 $0xFFFFFFFF  }
0xa5: {  	s26 =	simm.s32 $execute0_lowered;
	[smem:$0x3FD2] =	sst s25  }
0xa6: {  	s4 =	sshll.u32 s26, $0x1;
	_ =	strace $0x80000046;
	[dreg:$0x1] =	wrdreg $0xFFFFFFFF  }
0xa7: {  	s28 =	simm.s32 $_size_execute0_lowered;
	s2 =	sadd.s32 s2, s4;
	[dreg:$0x0] =	wrdreg $0x0  }
0xa8: {  	s4 =	sshll.u32 s28, $0x1;
	[dreg:$0x2] =	wrdreg s2  }
0xa9: {  	[dreg:$0x3] =	wrdreg s4  }
0xaa: {  	[dreg:$0x4] =	wrdreg $0xC0  }
0xab: {  	_ =	task [dreg:s6], $0x5FFFF  }
0xac: {  	[dreg:$0x1] =	wrdreg $0xFFFFFFFF  }
0xad: {  	[dreg:$0x0] =	wrdreg $0x60  }
0xae: {  	[dreg:$0x2] =	wrdreg s24  }
0xaf: {  	[dreg:$0x3] =	wrdreg $0xB  }
0xb0: {  	_ =	task.clear_ibuf [dreg:s6], $0x4FFFF;
	_ =	strace $0x90000046  }
0xb1: {  	s29 =	simm.s32 $0xB;
	_ =	strace $0x80000048  }
0xb2: {  	_ =	swait.ge [sflag:s29], $0x1  }
0xb3: {  	[sflag:s29] =	ssyncadd.s32 $0xFFFFFFFF  }
0xb4: {  	_ =	strace $0x90000048  }
0xb5: {  	_ =	sfence  }
0xb6: {  	s30 =	sld [smem:$0x0];
	_ =	sdelay $0x2  }
0xb7: {  	s31 =	sshll.u32 s1, $0xD;
	s1 =	sshrl.u32 s1, $0x2  }
0xb8: {  	s3 =	sand.u32 $0x4000, s31;
	s1 =	sadd.s32 s1, s30  }
0xb9: {  	s0 =	sor.u32 s3, s0;
	s1 =	sshll.u32 s1, $0x11  }
0xba: {  	s0 =	sor.u32 s1, s0  }
0xbb: {  	s0 =	sadd.s32 $0x8F2B, s0  }
0xbc: {  	[sflag:s0] =	ssyncadd.remote.s32 $0x1  }
0xbd: {  	_ =	sfence.sel $0xFFFF  }
0xbe: {  	[dreg:$0x0] =	wrdreg $0xFFFFFFFF;
	(pc) =	sbr.abs _section_cstart, $3  }
0xbf: {  	[dreg:$0x1] =	wrdreg $0xFFFFFFFF  }
0xc0: {  	_ =	task.clear_ibuf [dreg:s6], $0x2FFFF;
	_ =	strace $0x9FFFFFFF  }
0xc1: {  	(tm) =	ssettm $0x7FFFFFFF  }
tec
execute0_lowered:
.L_overlay_start_1:
0x0: {  	(tag) =	ssettag $0x1  }
0x1: {  	s8 =	rddreg [dreg:$0x0]  }
0x2: {  	s0 =	rddreg [dreg:$0x1];
	_ =	strace $0x80000047;
	s1 =	stileid.u32  }
0x3: {  	s3 =	srdreg.scid;
	s4 =	simm.s32 $0x1;
	s7 =	simm.s32 $0x1  }
0x4: {  	s9 =	simm.s32 $0x1;
	s10 =	simm.s32 $0x3;
	s13 =	simm.s32 $0x0  }
0x5: {  	s12 =	simm.s32 $0x0;
	s5 =	sand.u32 $0x1, s3;
	s6 =	sshll.u32 s1, $0x1  }
0x6: {  	s2 =	sadd.s32 $0x9400, s8;
	s3 =	sadd.s32 $0x13400, s8;
	s5 =	sor.u32 s6, s5  }
.Ltmp0:
0x7: {  	[sflag:s4] =	ssyncpa.u1 $0x0;
	p0 =	slt.u32 s5, $0x9;
	(pc) =	sbr.rel .LBB2_1-.Ltmp0, $4  }
0x8: {  	s6 =	simm.s32 $0x2;
	s7 =	simm.s32 @!p0 $0x0;
	p0 =	sne.s32 s5, $0x8  }
0x9: {  	[sflag:s6] =	ssyncpa.u1 $0x0;
	s5 =	smul.u32 $0xFA0, s5;
	s9 =	simm.s32 @!p0 $0x0  }
0xa: {  	s8 =	sadd.s32 $0x28E400, s8;
	[sflag:s10] =	ssyncpa.u1 $0x0;
	s7 =	sadd.s32 s9, s7  }
0xb: {  	vm0 =	vmmov $0xffff;
	s10 =	simm.s32 $0x0;
	s11 =	smov.u32 s5;
	s9 =	sadd.s32 $0x1, s7  }
.LBB2_4:
0xc: {  	v2 =	vnsel vm1, $0x0, v2  }
0xd: {  	vm1 =	vgt.s32 v0, $0x0;
	v2 =	vmin.u32 v2, $0x270FF  }
0xe: {  	v0 =	vnsel vm1, $0x0, v0  }
0xf: {  	v0 =	vmin.u32 v0, $0x270FF  }
0x10: {  	[tilespmem:s18], [sflag:$0x1] =	stream.indirect_vreg.gather [hbm4b:s2+s10], $0x1, v1, vm0, $0x4038;
	[tilespmem:$0x3E80] =	vst v63  }
0x11: {  	(ifvalue) =	ssetifvalue $0x7FFFFFFF  }
0x12: {  	[tilespmem:s15], [sflag:$0x1] =	stream.indirect_vreg.gather [hbm4b:s2+s10], $0x1, v2, vm0, $0x4038;
	[tilespmem:$0x3E80] =	vst v63  }
0x13: {  	s29 =	sadd.s32 $0x10, s15;
	(ifvalue) =	ssetifvalue $0x7FFFFFFF  }
0x14: {  	[tilespmem:s29], [sflag:$0x1] =	stream.indirect_vreg.gather [hbm4b:s2+s10], $0x1, v0, vm0, $0x4038;
	[tilespmem:$0x3E80] =	vst v63  }
0x15: {  	_ =	swait.ge [sflag:s4], $0xFA0  }
0x16: {  	s30 =	sshrl.u32 s13, $0x3;
	[sflag:s4] =	ssyncset.done $0x0  }
0x17: {  	s31 =	sand.u32 $0x7, s13;
	s15 =	sadd.s32 s8, s30;
	[sflag:s4] =	ssyncadd.s32 $0xFFFFF060  }
0x18: {  	[hbm4b:s15+s31] =	stream.linear.scatter [tilespmem:s14], [sflag:$0x3], $0xFA0, $0x38;
	[tilespmem:$0x3E80] =	vst v63  }
.LBB2_5:
0x19: {  	s15 =	sadd.s32 $0x1F400, s11  }
0x1a: {  	p1 =	sgt.s32 s15, $0x270FF  }
0x1b: {  	s15 =	smov.u32 @p1 s5;
	p1 =	sne.s32 s12, s9  }
.Ltmp1:
0x1c: {  	p0 =	slt.u32 s12, $0x2;
	(pc) =	sbr.rel @!p1 .LBB2_6-.Ltmp1, $4  }
0x1d: {  	s14 =	simm.s32 @!p0 $0x3  }
0x1e: {  	_ =	swait.ge @!p0 [sflag:s14], $0xFA0  }
0x1f: {  	s16 =	sadd.s32 $0x1, s12;
	s13 =	smov.u32 s11;
	[sflag:s14] =	ssyncset.done @!p0 $0x0  }
0x20: {  	s12 =	smov.u32 s16;
	s11 =	smov.u32 s15;
	[sflag:s14] =	ssyncadd.s32 @!p0 $0xFFFFF060  }
.LBB2_1:
0x21: {  	p0 =	sge.u32 s12, s7  }
0x22: {  	s14 =	sxor.u32 @!p0 $0x1, s12  }
0x23: {  	s14 =	smul.u32 @!p0 $0x3E80, s14  }
0x24: {  	s31 =	sadd.s32 $0xFFFFFFFF, s12;
	s15 =	sshrl.u32 @!p0 s11, $0x3  }
0x25: {  	s16 =	sand.u32 @!p0 $0x7, s11;
	s15 =	sadd.s32 @!p0 s3, s15;
	s14 =	sshra.s32 @!p0 s14, $0x2  }
0x26: {  	[tilespmem:s14], [sflag:$0x2] =	stream.linear.gather @!p0 [hbm4b:s15+s16], $0xFA0, $0x38;
	[tilespmem:$0x3E80] =	vst v63  }
0x27: {  	p0 =	sge.u32 s31, s7  }
.Ltmp2:
0x28: {  	_ = 	snop;
	(pc) =	sbr.rel @p0 .LBB2_5-.Ltmp2, $1  }
0x29: {  	_ =	sdelay $0x3  }
0x2a: {  	s14 =	sand.u32 $0x1, s12  }
0x2b: {  	_ =	swait.ge [sflag:s6], $0xFA0;
	p0 =	seq.s32 s14, $0x1;
	s14 =	simm.s32 $0xFA0  }
0x2c: {  	[sflag:s6] =	ssyncset.done $0x0;
	s14 =	simm.s32 @!p0 $0x0  }
0x2d: {  	[sflag:s6] =	ssyncadd.s32 $0xFFFFF060;
	(ifvalue) =	ssetifvalue $0x7FFFFFFF;
	v0 =	vld.msk [tilespmem:s14+$0x0 ss:$0x1], $0xffff;
	_ =	sdelay $0x4  }
0x2e: {  	s15 =	sadd.s32 $0x10, s14;
	vm1 =	vgt.s32 v0, $0x0  }
0x2f: {  	v2 =	vld.msk [tilespmem:s15+$0x0 ss:$0x1], $0xffff;
	v1 =	vnsel vm1, $0x0, v0  }
0x30: {  	v1 =	vmin.u32 v1, $0x270FF;
	_ =	sdelay $0x2  }
0x31: {  	s17 =	simm.s32 $0x20;
	s14 =	sadd.s32 $0x1F40, s14;
	s16 =	sadd.s32 $0x10, s15  }
0x32: {  	s15 =	sadd.s32 $0x10, s14;
	s18 =	smov.u32 s14;
	v0 =	vld.msk [tilespmem:s16+$0x0 ss:$0x1], $0xffff;
	vm1 =	vgt.s32 v2, $0x0;
	(ifvalue) =	ssetifvalue $0x7FFFFFFF  }
.LBB2_3:
0x33: {  	[tilespmem:s18], [sflag:$0x1] =	stream.indirect_vreg.gather [hbm4b:s2+s10], $0x1, v1, vm0, $0x4038;
	[tilespmem:$0x3E80] =	vst v63  }
0x34: {  	s17 =	sadd.s32 $0x10, s17  }
0x35: {  	v2 =	vnsel vm1, $0x0, v2;
	p0 =	slt.u32 s17, $0xF90  }
.Ltmp3:
0x36: {  	s18 =	smov.u32 s15;
	v1 =	vmin.u32 v2, $0x270FF;
	(pc) =	sbr.rel @p0 .LBB2_3-.Ltmp3, $3  }
0x37: {  	_ =	sdelay $0x1  }
0x38: {  	s16 =	sadd.s32 $0x10, s16  }
0x39: {  	vm1 =	vgt.s32 v0, $0x0;
	s15 =	sadd.s32 $0x10, s15;
	v2 =	vmov v0;
	(ifvalue) =	ssetifvalue $0x7FFFFFFF;
	v0 =	vld.msk [tilespmem:s16+$0x0 ss:$0x1], $0xffff  }
.Ltmp4:
0x3a: {  	_ = 	snop;
	(pc) =	sbr.rel .LBB2_4-.Ltmp4, $1  }
0x3b: {  	_ =	sdelay $0x3  }
.LBB2_6:
0x3c: {  	_ =	sfence.sel $0x180000  }
0x3d: {  	s2 =	simm.s32 $0x2;
	[bflag:$0x0] =	sbarrier.arrive $0xFFFF  }
0x3e: {  	s30 =	simm.s32 $0x3;
	[sflag:s2] =	ssyncpa.u1 $0x1  }
0x3f: {  	s31 =	simm.s32 $0x1;
	[sflag:s30] =	ssyncpa.u1 $0x1  }
0x40: {  	[sflag:s31] =	ssyncpa.u1 $0x1  }
0x41: {  	p0 =	sne.s32 s1, $0x0;
	_ =	strace $0x90000047  }
0x42: {  	s0 =	sadd.s32 @!p0 $0x100000, s0;
	[bflag:$0x2] =	sbarrier.arrive $0xFFFF  }
0x43: {  	[sflag:s0] =	ssyncadd.tile.s32 @!p0 $0x1;
	_ =	shalt  }
.Lfunc_end2:
_tile_overlayer_lowered:
.L_overlay_start_2:
0x44: {  	(tag) =	ssettag $0x2  }
0x45: {  	s0 =	rddreg [dreg:$0x0];
	s2 =	stileid.u32  }
0x46: {  	s1 =	rddreg [dreg:$0x1];
	p0 =	sne.s32 s2, $0x0  }
0x47: {  	s3 =	rddreg [dreg:$0x2];
	[bflag:$0x3] =	sbarrier.arrive $0xFFFF;
	s2 =	simm.s32 @!p0 $0x1C01  }
0x48: {  	[timem:s3], [sflag:s2] =	dma.local @!p0 [hbm:s0], s1  }
0x49: {  	s0 =	simm.s32 @!p0 $0x1  }
0x4a: {  	_ =	swait.ge @!p0 [sflag:s0], s1  }
0x4b: {  	s1 =	ssub.s32 @!p0 $0x0, s1;
	[sflag:s0] =	ssyncset.done @!p0 $0x0  }
0x4c: {  	[sflag:s0] =	ssyncadd.s32 @!p0 s1  }
0x4d: {  	[bflag:$0x3] =	sbarrier.arrive $0xFFFF  }
0x4e: {  	_ =	shalt  }

// kernel: gather_offload_async_start
scs
__scs_entry_jumppad:
0x0: {  	(pc) =	sbr.rel $0x88, $3  }
0x1: {  	(tag) =	ssettag $0x0;
	lr =	simm.s32 $0x1  }
0x2: {  	[smem:$0x3F78] =	sst lr;
	_ =	strace $0xD0000000  }
0x3: {  	_ = 	snop  }
0x4: {  	_ = 	snop  }
0x5: {  	_ = 	snop  }
0x6: {  	_ = 	snop  }
0x7: {  	_ = 	snop  }
__scs_overlays_trampoline_lowered:
0x8: {  	[smem:$0x3F87] =	sst s0  }
0x9: {  	[smem:$0x3F88] =	sst s1  }
0xa: {  	[smem:$0x3F89] =	sst s2  }
0xb: {  	[smem:$0x3F8A] =	sst s3  }
0xc: {  	[smem:$0x3F8B] =	sst s4  }
0xd: {  	[smem:$0x3F8C] =	sst s5  }
0xe: {  	[smem:$0x3F8D] =	sst s6  }
0xf: {  	[smem:$0x3F8E] =	sst s7  }
0x10: {  	[smem:$0x3F8F] =	sst s8  }
0x11: {  	[smem:$0x3F90] =	sst s9;
	s0 =	simm.s32 @!p0 $0x0  }
0x12: {  	s1 =	sld [smem:$0x3F76];
	s0 =	simm.s32 @p0 $0x1  }
0x13: {  	[smem:$0x3F91] =	sst s0;
	s0 =	simm.s32 @!p1 $0x0  }
0x14: {  	s2 =	sld [smem:$0x3F75];
	s0 =	simm.s32 @p1 $0x1  }
0x15: {  	[smem:$0x3F92] =	sst s0;
	s0 =	simm.s32 @!p2 $0x0  }
0x16: {  	s3 =	sld [smem:$0x3FDB];
	s0 =	simm.s32 @p2 $0x1  }
0x17: {  	s4 =	simm.s32 $0x1BF5;
	[smem:$0x3F94] =	sst s0  }
0x18: {  	s0 =	sld [smem:$0x3F77];
	_ =	swait.ge [sflag:s4], $0x0  }
0x19: {  	s7 =	sld [smem:$0x3F78]  }
0x1a: {  	s8 =	sadd.s32 $0xFFFFE003, lr  }
0x1b: {  	s9 =	sadd.s32 $0xFFFFFEF7, lr;
	s5 =	simm.s32 $0xFFFFFFFF;
	p2 =	slt.u32 s8, $0xFFFFF086  }
0x1c: {  	p1 =	slt.u32 s9, $0xF7A;
	s5 =	simm.s32 @!p2 $0x0  }
0x1d: {  	s5 =	simm.s32 @p1 $0x1;
	p0 =	seq.s32 s7, s2  }
0x1e: {  	s7 =	smul.u32 @!p0 $0xF7A, s2;
	p2 =	seq.s32 @!p0 s5, $0x0  }
0x1f: {  	s9 =	smul.u32 $0xF7A, s1;
	s8 =	simm.s32 @!p0 $0x1BF5;
	p2 =	por !p2, p0  }
0x20: {  	[sflag:s8] =	ssyncset.s32 @!p0 $0xFFFFF086;
	s6 =	sadd.s32 @!p0 s3, s7;
	s7 =	simm.s32 @!p0 $0x108  }
0x21: {  	s3 =	sadd.s32 s3, s9;
	s6 =	sadd.s32 @!p0 $0x88, s6;
	s7 =	simm.s32 @p2 $0x1082  }
0x22: {  	[simem:s7], [sflag:s8] =	dma.local @!p0 [hbm:s6], $0xF7A  }
0x23: {  	s9 =	sor.u32 $0xD0000000, s2;
	s6 =	simm.s32 $0x108;
	_ =	swait.ge @!p0 [sflag:s8], $0x0  }
0x24: {  	s3 =	sadd.s32 $0x88, s3;
	s6 =	simm.s32 @!p1 $0x1082;
	[sflag:s4] =	ssyncset.s32 $0xFFFFF086  }
0x25: {  	[simem:s6], [sflag:s4] =	dma.local [hbm:s3], $0xF7A  }
0x26: {  	[smem:$0x3F78] =	sst s1;
	(tag) =	ssettag s2;
	_ =	strace s9  }
0x27: {  	s1 =	sld [smem:$0x3F88]  }
0x28: {  	s2 =	sld [smem:$0x3F89]  }
0x29: {  	s4 =	sld [smem:$0x3F8B]  }
0x2a: {  	p0 =	seq.s32 s5, $0x0;
	s5 =	sld [smem:$0x3F8C]  }
0x2b: {  	s6 =	sld [smem:$0x3F8D]  }
0x2c: {  	s7 =	sld [smem:$0x3F8E]  }
0x2d: {  	s3 =	simm.s32 $0x108;
	s8 =	sld [smem:$0x3F8F]  }
0x2e: {  	s3 =	simm.s32 @!p0 $0x1082;
	s9 =	sld [smem:$0x3F90]  }
0x2f: {  	lr =	sadd.s32 s0, s3;
	s0 =	sld [smem:$0x3F87]  }
0x30: {  	s3 =	sld [smem:$0x3F8A]  }
0x31: {  	[smem:$0x3F93] =	sst s10  }
0x32: {  	s10 =	sld [smem:$0x3F91];
	_ =	sdelay $0x3  }
0x33: {  	p0 =	seq.s32 s10, $0x1;
	s10 =	sld [smem:$0x3F93];
	_ =	sdelay $0x3  }
0x34: {  	[smem:$0x3F93] =	sst s10  }
0x35: {  	s10 =	sld [smem:$0x3F92];
	_ =	sdelay $0x3  }
0x36: {  	p1 =	seq.s32 s10, $0x1;
	s10 =	sld [smem:$0x3F93];
	_ =	sdelay $0x3  }
0x37: {  	[smem:$0x3F93] =	sst s10  }
0x38: {  	s10 =	sld [smem:$0x3F94]  }
0x39: {  	_ = 	snop;
	(pc) =	sbr.ind lr, $3  }
0x3a: {  	_ = 	snop  }
0x3b: {  	_ = 	snop  }
0x3c: {  	p2 =	seq.s32 s10, $0x1;
	s10 =	sld [smem:$0x3F93]  }
0x3d: {  	_ =	shalt  }
0x3e: {  	_ =	shalt  }
0x3f: {  	_ =	shalt  }
0x40: {  	_ =	shalt  }
0x41: {  	_ =	shalt  }
0x42: {  	_ =	shalt  }
0x43: {  	_ =	shalt  }
0x44: {  	_ =	shalt  }
0x45: {  	_ =	shalt  }
0x46: {  	_ =	shalt  }
0x47: {  	_ =	shalt  }
0x48: {  	_ =	shalt  }
0x49: {  	_ =	shalt  }
0x4a: {  	_ =	shalt  }
0x4b: {  	_ =	shalt  }
0x4c: {  	_ =	shalt  }
0x4d: {  	_ =	shalt  }
0x4e: {  	_ =	shalt  }
0x4f: {  	_ =	shalt  }
0x50: {  	_ =	shalt  }
0x51: {  	_ =	shalt  }
0x52: {  	_ =	shalt  }
0x53: {  	_ =	shalt  }
0x54: {  	_ =	shalt  }
0x55: {  	_ =	shalt  }
0x56: {  	_ =	shalt  }
0x57: {  	_ =	shalt  }
0x58: {  	_ =	shalt  }
0x59: {  	_ =	shalt  }
0x5a: {  	_ =	shalt  }
0x5b: {  	_ =	shalt  }
0x5c: {  	_ =	shalt  }
0x5d: {  	_ =	shalt  }
0x5e: {  	_ =	shalt  }
0x5f: {  	_ =	shalt  }
0x60: {  	_ =	shalt  }
0x61: {  	_ =	shalt  }
0x62: {  	_ =	shalt  }
0x63: {  	_ =	shalt  }
0x64: {  	_ =	shalt  }
0x65: {  	_ =	shalt  }
0x66: {  	_ =	shalt  }
0x67: {  	_ =	shalt  }
0x68: {  	_ =	shalt  }
0x69: {  	_ =	shalt  }
0x6a: {  	_ =	shalt  }
0x6b: {  	_ =	shalt  }
0x6c: {  	_ =	shalt  }
0x6d: {  	_ =	shalt  }
0x6e: {  	_ =	shalt  }
0x6f: {  	_ =	shalt  }
0x70: {  	_ =	shalt  }
0x71: {  	_ =	shalt  }
0x72: {  	_ =	shalt  }
0x73: {  	_ =	shalt  }
0x74: {  	_ =	shalt  }
0x75: {  	_ =	shalt  }
0x76: {  	_ =	shalt  }
0x77: {  	_ =	shalt  }
0x78: {  	_ =	shalt  }
0x79: {  	_ =	shalt  }
0x7a: {  	_ =	shalt  }
0x7b: {  	_ =	shalt  }
0x7c: {  	_ =	shalt  }
0x7d: {  	_ =	shalt  }
0x7e: {  	_ =	shalt  }
0x7f: {  	_ =	shalt  }
0x80: {  	_ =	shalt  }
0x81: {  	_ =	shalt  }
0x82: {  	_ =	shalt  }
0x83: {  	_ =	shalt  }
0x84: {  	_ =	shalt  }
0x85: {  	_ =	shalt  }
0x86: {  	_ =	shalt  }
0x87: {  	_ =	shalt  }
.Lfunc_end0:
.L_simem_size_0:
called_computation_lowered:
.L_overlay_start_0:
0x88: {  	s2 =	sld [smem:$0x3FD9]  }
0x89: {  	s3 =	sld [smem:$0x3FFE];
	_ =	sdelay $0x1  }
0x8a: {  	s1 =	srdreg.scid  }
0x8b: {  	s0 =	sand.u32 $0x1, s1  }
0x8c: {  	s17 =	sshll.u32 s0, $0xA;
	s2 =	sadd.s32 s3, s2  }
0x8d: {  	s2 =	sadd.s32 s2, s17  }
0x8e: {  	[smem:$0x3F9F] =	sst s2  }
0x8f: {  	_ = 	snop  }
0x90: {  	(tm) =	ssettm $0x1  }
0x91: {  	s18 =	sld [smem:$0x3FFB];
	_ =	sdelay $0x3  }
0x92: {  	_ =	strace s18  }
0x93: {  	s2 =	sld [smem:$0x3FFC];
	_ =	sdelay $0x3  }
0x94: {  	_ =	strace s2  }
0x95: {  	s2 =	sld [smem:$0x3FFD];
	_ =	sdelay $0x3  }
0x96: {  	_ =	strace s2  }
0x97: {  	_ =	strace $0x8FFFFFFF  }
0x98: {  	s19 =	sld [smem:$0x3FDB];
	_ =	sdelay $0x1  }
0x99: {  	s20 =	simm.s32 $_scs_section_size  }
0x9a: {  	s4 =	simm.s32 $_size__tile_overlayer_lowered;
	s5 =	simm.s32 $_tile_overlayer_lowered  }
0x9b: {  	s6 =	simm.s32 $0x1BFF;
	s21 =	sshll.u32 s5, $0x1;
	s3 =	sadd.s32 s20, s19  }
0x9c: {  	s22 =	simm.s32 $0x0;
	s4 =	sshll.u32 s4, $0x1;
	s5 =	sadd.s32 s21, s3  }
0x9d: {  	[timem:s22], [sflag:s6] =	dma.local [hbm:s5], s4  }
0x9e: {  	_ =	swait.ge [sflag:s6], s4  }
0x9f: {  	s4 =	ssub.s32 $0x0, s4;
	[sflag:s6] =	ssyncset.done $0x0  }
0xa0: {  	[sflag:s6] =	ssyncadd.s32 s4;
	_ =	sdelay $0x1  }
0xa1: {  	s23 =	simm.s32 $0x1B8B  }
0xa2: {  	_ =	swait.ge [sflag:s23], $0x1  }
0xa3: {  	[sflag:s23] =	ssyncset.done $0x0  }
0xa4: {  	[sflag:s23] =	ssyncadd.s32 $0xFFFFFFFF  }
0xa5: {  	s4 =	sld [smem:$0x0]  }
0xa6: {  	s5 =	sand.u32 $0xFFFFFFFE, s1  }
0xa7: {  	p0 =	sne.s32 s1, s5  }
0xa8: {  	s5 =	sshll.u32 @p0 s5, $0xE  }
0xa9: {  	s5 =	sadd.s32 @p0 $0x11B8D, s5;
	s6 =	sshll.u32 @p0 s4, $0x11  }
0xaa: {  	s5 =	sor.u32 @p0 s6, s5  }
0xab: {  	[sflag:s5] =	ssyncadd.remote.s32 @p0 $0x1;
	_ =	sdelay $0x1  }
0xac: {  	s5 =	simm.s32 @p0 $0x1B8D  }
0xad: {  	_ =	swait.eq @p0 [sflag:s5], $0x1  }
0xae: {  	[sflag:s5] =	ssyncadd.s32 @p0 $0xFFFFFFFF  }
0xaf: {  	s6 =	sshll.u32 @!p0 s1, $0xE  }
0xb0: {  	s6 =	sor.u32 @!p0 $0x4000, s6;
	s5 =	simm.s32 @!p0 $0x1B8D  }
0xb1: {  	s4 =	sshll.u32 @!p0 s4, $0x11;
	s6 =	sadd.s32 @!p0 $0x11B8D, s6;
	_ =	swait.eq @!p0 [sflag:s5], $0x1  }
0xb2: {  	s4 =	sor.u32 @!p0 s4, s6;
	[sflag:s5] =	ssyncadd.s32 @!p0 $0xFFFFFFFF  }
0xb3: {  	s25 =	simm.s32 $0x1B8E;
	s24 =	sld [smem:$0x3FFE];
	[sflag:s4] =	ssyncadd.remote.s32 @!p0 $0x1  }
0xb4: {  	s26 =	simm.s32 $execute0_lowered;
	[smem:$0x3FD2] =	sst s25  }
0xb5: {  	s5 =	sshll.u32 s26, $0x1;
	_ =	strace $0x80000049;
	[dreg:$0x1] =	wrdreg $0xFFFFFFFF  }
0xb6: {  	s28 =	simm.s32 $_size_execute0_lowered;
	s3 =	sadd.s32 s3, s5;
	[dreg:$0x0] =	wrdreg $0x0  }
0xb7: {  	s5 =	sshll.u32 s28, $0x1;
	[dreg:$0x2] =	wrdreg s3  }
0xb8: {  	[dreg:$0x3] =	wrdreg s5  }
0xb9: {  	[dreg:$0x4] =	wrdreg $0xC0  }
0xba: {  	_ =	task [dreg:s22], $0x5FFFF  }
0xbb: {  	[dreg:$0x1] =	wrdreg $0xFFFFFFFF  }
0xbc: {  	[dreg:$0x0] =	wrdreg $0x60  }
0xbd: {  	[dreg:$0x2] =	wrdreg s24  }
0xbe: {  	[dreg:$0x3] =	wrdreg $0x9  }
0xbf: {  	_ =	task.clear_ibuf [dreg:s22], $0x4FFFF;
	_ =	strace $0x90000049  }
0xc0: {  	s29 =	simm.s32 $0x9;
	_ =	strace $0x8000004B  }
0xc1: {  	_ =	swait.ge [sflag:s29], $0x1  }
0xc2: {  	[sflag:s29] =	ssyncadd.s32 $0xFFFFFFFF  }
0xc3: {  	_ =	strace $0x9000004B  }
0xc4: {  	_ =	sfence  }
0xc5: {  	s30 =	sld [smem:$0x0];
	_ =	sdelay $0x2  }
0xc6: {  	s31 =	sshll.u32 s1, $0xD;
	s1 =	sshrl.u32 s1, $0x2  }
0xc7: {  	s4 =	sand.u32 $0x4000, s31;
	s1 =	sadd.s32 s1, s30  }
0xc8: {  	s0 =	sor.u32 s4, s0;
	s1 =	sshll.u32 s1, $0x11  }
0xc9: {  	s0 =	sor.u32 s1, s0  }
0xca: {  	s0 =	sadd.s32 $0x8F2B, s0  }
0xcb: {  	[sflag:s0] =	ssyncadd.remote.s32 $0x1  }
0xcc: {  	_ =	sfence.sel $0xFFFF  }
0xcd: {  	[dreg:$0x0] =	wrdreg $0xFFFFFFFF;
	(pc) =	sbr.abs _section_cstart, $3  }
0xce: {  	[dreg:$0x1] =	wrdreg $0xFFFFFFFF  }
0xcf: {  	_ =	task.clear_ibuf [dreg:s22], $0x2FFFF;
	_ =	strace $0x9FFFFFFF  }
0xd0: {  	(tm) =	ssettm $0x7FFFFFFF  }
0xd1: {  	_ =	shalt  }
tec
execute0_lowered:
.L_overlay_start_1:
0x0: {  	(tag) =	ssettag $0x1  }
0x1: {  	s8 =	rddreg [dreg:$0x0]  }
0x2: {  	s0 =	rddreg [dreg:$0x1];
	_ =	strace $0x8000004A;
	s1 =	stileid.u32  }
0x3: {  	s3 =	srdreg.scid;
	s4 =	simm.s32 $0x1;
	s7 =	simm.s32 $0x1  }
0x4: {  	s9 =	simm.s32 $0x1;
	s10 =	simm.s32 $0x3;
	s13 =	simm.s32 $0x0  }
0x5: {  	s12 =	simm.s32 $0x0;
	s5 =	sand.u32 $0x1, s3;
	s6 =	sshll.u32 s1, $0x1  }
0x6: {  	s2 =	sadd.s32 $0xE400, s8;
	s3 =	sadd.s32 $0x13400, s8;
	s5 =	sor.u32 s6, s5  }
.Ltmp0:
0x7: {  	[sflag:s4] =	ssyncpa.u1 $0x0;
	p0 =	slt.u32 s5, $0x9;
	(pc) =	sbr.rel .LBB2_1-.Ltmp0, $4  }
0x8: {  	s6 =	simm.s32 $0x2;
	s7 =	simm.s32 @!p0 $0x0;
	p0 =	sne.s32 s5, $0x8  }
0x9: {  	[sflag:s6] =	ssyncpa.u1 $0x0;
	s5 =	smul.u32 $0xFA0, s5;
	s9 =	simm.s32 @!p0 $0x0  }
0xa: {  	s8 =	sadd.s32 $0x293400, s8;
	[sflag:s10] =	ssyncpa.u1 $0x0;
	s7 =	sadd.s32 s9, s7  }
0xb: {  	vm0 =	vmmov $0xffff;
	s10 =	simm.s32 $0x0;
	s11 =	smov.u32 s5;
	s9 =	sadd.s32 $0x1, s7  }
.LBB2_4:
0xc: {  	v2 =	vnsel vm1, $0x0, v2  }
0xd: {  	vm1 =	vgt.s32 v0, $0x0;
	v2 =	vmin.u32 v2, $0x270FF  }
0xe: {  	v0 =	vnsel vm1, $0x0, v0  }
0xf: {  	v0 =	vmin.u32 v0, $0x270FF  }
0x10: {  	[tilespmem:s18], [sflag:$0x1] =	stream.indirect_vreg.gather [hbm4b:s2+s10], $0x1, v1, vm0, $0x4038;
	[tilespmem:$0x3E80] =	vst v63  }
0x11: {  	(ifvalue) =	ssetifvalue $0x7FFFFFFF  }
0x12: {  	[tilespmem:s15], [sflag:$0x1] =	stream.indirect_vreg.gather [hbm4b:s2+s10], $0x1, v2, vm0, $0x4038;
	[tilespmem:$0x3E80] =	vst v63  }
0x13: {  	s29 =	sadd.s32 $0x10, s15;
	(ifvalue) =	ssetifvalue $0x7FFFFFFF  }
0x14: {  	[tilespmem:s29], [sflag:$0x1] =	stream.indirect_vreg.gather [hbm4b:s2+s10], $0x1, v0, vm0, $0x4038;
	[tilespmem:$0x3E80] =	vst v63  }
0x15: {  	_ =	swait.ge [sflag:s4], $0xFA0  }
0x16: {  	s30 =	sshrl.u32 s13, $0x3;
	[sflag:s4] =	ssyncset.done $0x0  }
0x17: {  	s31 =	sand.u32 $0x7, s13;
	s15 =	sadd.s32 s8, s30;
	[sflag:s4] =	ssyncadd.s32 $0xFFFFF060  }
0x18: {  	[hbm4b:s15+s31] =	stream.linear.scatter [tilespmem:s14], [sflag:$0x3], $0xFA0, $0x38;
	[tilespmem:$0x3E80] =	vst v63  }
.LBB2_5:
0x19: {  	s15 =	sadd.s32 $0x1F400, s11  }
0x1a: {  	p1 =	sgt.s32 s15, $0x270FF  }
0x1b: {  	s15 =	smov.u32 @p1 s5;
	p1 =	sne.s32 s12, s9  }
.Ltmp1:
0x1c: {  	p0 =	slt.u32 s12, $0x2;
	(pc) =	sbr.rel @!p1 .LBB2_6-.Ltmp1, $4  }
0x1d: {  	s14 =	simm.s32 @!p0 $0x3  }
0x1e: {  	_ =	swait.ge @!p0 [sflag:s14], $0xFA0  }
0x1f: {  	s16 =	sadd.s32 $0x1, s12;
	s13 =	smov.u32 s11;
	[sflag:s14] =	ssyncset.done @!p0 $0x0  }
0x20: {  	s12 =	smov.u32 s16;
	s11 =	smov.u32 s15;
	[sflag:s14] =	ssyncadd.s32 @!p0 $0xFFFFF060  }
.LBB2_1:
0x21: {  	p0 =	sge.u32 s12, s7  }
0x22: {  	s14 =	sxor.u32 @!p0 $0x1, s12  }
0x23: {  	s14 =	smul.u32 @!p0 $0x3E80, s14  }
0x24: {  	s31 =	sadd.s32 $0xFFFFFFFF, s12;
	s15 =	sshrl.u32 @!p0 s11, $0x3  }
0x25: {  	s16 =	sand.u32 @!p0 $0x7, s11;
	s15 =	sadd.s32 @!p0 s3, s15;
	s14 =	sshra.s32 @!p0 s14, $0x2  }
0x26: {  	[tilespmem:s14], [sflag:$0x2] =	stream.linear.gather @!p0 [hbm4b:s15+s16], $0xFA0, $0x38;
	[tilespmem:$0x3E80] =	vst v63  }
0x27: {  	p0 =	sge.u32 s31, s7  }
.Ltmp2:
0x28: {  	_ = 	snop;
	(pc) =	sbr.rel @p0 .LBB2_5-.Ltmp2, $1  }
0x29: {  	_ =	sdelay $0x3  }
0x2a: {  	s14 =	sand.u32 $0x1, s12  }
0x2b: {  	_ =	swait.ge [sflag:s6], $0xFA0;
	p0 =	seq.s32 s14, $0x1;
	s14 =	simm.s32 $0xFA0  }
0x2c: {  	[sflag:s6] =	ssyncset.done $0x0;
	s14 =	simm.s32 @!p0 $0x0  }
0x2d: {  	[sflag:s6] =	ssyncadd.s32 $0xFFFFF060;
	(ifvalue) =	ssetifvalue $0x7FFFFFFF;
	v0 =	vld.msk [tilespmem:s14+$0x0 ss:$0x1], $0xffff;
	_ =	sdelay $0x4  }
0x2e: {  	s15 =	sadd.s32 $0x10, s14;
	vm1 =	vgt.s32 v0, $0x0  }
0x2f: {  	v2 =	vld.msk [tilespmem:s15+$0x0 ss:$0x1], $0xffff;
	v1 =	vnsel vm1, $0x0, v0  }
0x30: {  	v1 =	vmin.u32 v1, $0x270FF;
	_ =	sdelay $0x2  }
0x31: {  	s17 =	simm.s32 $0x20;
	s14 =	sadd.s32 $0x1F40, s14;
	s16 =	sadd.s32 $0x10, s15  }
0x32: {  	s15 =	sadd.s32 $0x10, s14;
	s18 =	smov.u32 s14;
	v0 =	vld.msk [tilespmem:s16+$0x0 ss:$0x1], $0xffff;
	vm1 =	vgt.s32 v2, $0x0;
	(ifvalue) =	ssetifvalue $0x7FFFFFFF  }
.LBB2_3:
0x33: {  	[tilespmem:s18], [sflag:$0x1] =	stream.indirect_vreg.gather [hbm4b:s2+s10], $0x1, v1, vm0, $0x4038;
	[tilespmem:$0x3E80] =	vst v63  }
0x34: {  	s17 =	sadd.s32 $0x10, s17  }
0x35: {  	v2 =	vnsel vm1, $0x0, v2;
	p0 =	slt.u32 s17, $0xF90  }
.Ltmp3:
0x36: {  	s18 =	smov.u32 s15;
	v1 =	vmin.u32 v2, $0x270FF;
	(pc) =	sbr.rel @p0 .LBB2_3-.Ltmp3, $3  }
0x37: {  	_ =	sdelay $0x1  }
0x38: {  	s16 =	sadd.s32 $0x10, s16  }
0x39: {  	vm1 =	vgt.s32 v0, $0x0;
	s15 =	sadd.s32 $0x10, s15;
	v2 =	vmov v0;
	(ifvalue) =	ssetifvalue $0x7FFFFFFF;
	v0 =	vld.msk [tilespmem:s16+$0x0 ss:$0x1], $0xffff  }
.Ltmp4:
0x3a: {  	_ = 	snop;
	(pc) =	sbr.rel .LBB2_4-.Ltmp4, $1  }
0x3b: {  	_ =	sdelay $0x3  }
.LBB2_6:
0x3c: {  	_ =	sfence.sel $0x180000  }
0x3d: {  	s2 =	simm.s32 $0x2;
	[bflag:$0x0] =	sbarrier.arrive $0xFFFF  }
0x3e: {  	s30 =	simm.s32 $0x3;
	[sflag:s2] =	ssyncpa.u1 $0x1  }
0x3f: {  	s31 =	simm.s32 $0x1;
	[sflag:s30] =	ssyncpa.u1 $0x1  }
0x40: {  	[sflag:s31] =	ssyncpa.u1 $0x1  }
0x41: {  	p0 =	sne.s32 s1, $0x0;
	_ =	strace $0x9000004A  }
0x42: {  	s0 =	sadd.s32 @!p0 $0x100000, s0;
	[bflag:$0x2] =	sbarrier.arrive $0xFFFF  }
0x43: {  	[sflag:s0] =	ssyncadd.tile.s32 @!p0 $0x1;
	_ =	shalt  }
.Lfunc_end2:
_tile_overlayer_lowered:
.L_overlay_start_2:
0x44: {  	(tag) =	ssettag $0x2  }
0x45: {  	s0 =	rddreg [dreg:$0x0];
	s2 =	stileid.u32  }
0x46: {  	s1 =	rddreg [dreg:$0x1];
	p0 =	sne.s32 s2, $0x0  }
0x47: {  	s3 =	rddreg [dreg:$0x2];
	[bflag:$0x3] =	sbarrier.arrive $0xFFFF;
	s2 =	simm.s32 @!p0 $0x1C01  }
0x48: {  	[timem:s3], [sflag:s2] =	dma.local @!p0 [hbm:s0], s1  }
0x49: {  	s0 =	simm.s32 @!p0 $0x1  }
0x4a: {  	_ =	swait.ge @!p0 [sflag:s0], s1  }
0x4b: {  	s1 =	ssub.s32 @!p0 $0x0, s1;
	[sflag:s0] =	ssyncset.done @!p0 $0x0  }
0x4c: {  	[sflag:s0] =	ssyncadd.s32 @!p0 s1  }
0x4d: {  	[bflag:$0x3] =	sbarrier.arrive $0xFFFF  }
0x4e: {  	_ =	shalt  }

// kernel: kernel.21.cloned.1.call-start
scs
__scs_entry_jumppad:
0x0: {  	(pc) =	sbr.rel $0x88, $3  }
0x1: {  	(tag) =	ssettag $0x0;
	lr =	simm.s32 $0x1  }
0x2: {  	[smem:$0x3F78] =	sst lr;
	_ =	strace $0xD0000000  }
0x3: {  	_ = 	snop  }
0x4: {  	_ = 	snop  }
0x5: {  	_ = 	snop  }
0x6: {  	_ = 	snop  }
0x7: {  	_ = 	snop  }
__scs_overlays_trampoline_lowered:
0x8: {  	[smem:$0x3F87] =	sst s0  }
0x9: {  	[smem:$0x3F88] =	sst s1  }
0xa: {  	[smem:$0x3F89] =	sst s2  }
0xb: {  	[smem:$0x3F8A] =	sst s3  }
0xc: {  	[smem:$0x3F8B] =	sst s4  }
0xd: {  	[smem:$0x3F8C] =	sst s5  }
0xe: {  	[smem:$0x3F8D] =	sst s6  }
0xf: {  	[smem:$0x3F8E] =	sst s7  }
0x10: {  	[smem:$0x3F8F] =	sst s8  }
0x11: {  	[smem:$0x3F90] =	sst s9;
	s0 =	simm.s32 @!p0 $0x0  }
0x12: {  	s1 =	sld [smem:$0x3F76];
	s0 =	simm.s32 @p0 $0x1  }
0x13: {  	[smem:$0x3F91] =	sst s0;
	s0 =	simm.s32 @!p1 $0x0  }
0x14: {  	s2 =	sld [smem:$0x3F75];
	s0 =	simm.s32 @p1 $0x1  }
0x15: {  	[smem:$0x3F92] =	sst s0;
	s0 =	simm.s32 @!p2 $0x0  }
0x16: {  	s3 =	sld [smem:$0x3FDB];
	s0 =	simm.s32 @p2 $0x1  }
0x17: {  	s4 =	simm.s32 $0x1BF5;
	[smem:$0x3F94] =	sst s0  }
0x18: {  	s0 =	sld [smem:$0x3F77];
	_ =	swait.ge [sflag:s4], $0x0  }
0x19: {  	s7 =	sld [smem:$0x3F78]  }
0x1a: {  	s8 =	sadd.s32 $0xFFFFE003, lr  }
0x1b: {  	s9 =	sadd.s32 $0xFFFFFEF7, lr;
	s5 =	simm.s32 $0xFFFFFFFF;
	p2 =	slt.u32 s8, $0xFFFFF086  }
0x1c: {  	p1 =	slt.u32 s9, $0xF7A;
	s5 =	simm.s32 @!p2 $0x0  }
0x1d: {  	s5 =	simm.s32 @p1 $0x1;
	p0 =	seq.s32 s7, s2  }
0x1e: {  	s7 =	smul.u32 @!p0 $0xF7A, s2;
	p2 =	seq.s32 @!p0 s5, $0x0  }
0x1f: {  	s9 =	smul.u32 $0xF7A, s1;
	s8 =	simm.s32 @!p0 $0x1BF5;
	p2 =	por !p2, p0  }
0x20: {  	[sflag:s8] =	ssyncset.s32 @!p0 $0xFFFFF086;
	s6 =	sadd.s32 @!p0 s3, s7;
	s7 =	simm.s32 @!p0 $0x108  }
0x21: {  	s3 =	sadd.s32 s3, s9;
	s6 =	sadd.s32 @!p0 $0x88, s6;
	s7 =	simm.s32 @p2 $0x1082  }
0x22: {  	[simem:s7], [sflag:s8] =	dma.local @!p0 [hbm:s6], $0xF7A  }
0x23: {  	s9 =	sor.u32 $0xD0000000, s2;
	s6 =	simm.s32 $0x108;
	_ =	swait.ge @!p0 [sflag:s8], $0x0  }
0x24: {  	s3 =	sadd.s32 $0x88, s3;
	s6 =	simm.s32 @!p1 $0x1082;
	[sflag:s4] =	ssyncset.s32 $0xFFFFF086  }
0x25: {  	[simem:s6], [sflag:s4] =	dma.local [hbm:s3], $0xF7A  }
0x26: {  	[smem:$0x3F78] =	sst s1;
	(tag) =	ssettag s2;
	_ =	strace s9  }
0x27: {  	s1 =	sld [smem:$0x3F88]  }
0x28: {  	s2 =	sld [smem:$0x3F89]  }
0x29: {  	s4 =	sld [smem:$0x3F8B]  }
0x2a: {  	p0 =	seq.s32 s5, $0x0;
	s5 =	sld [smem:$0x3F8C]  }
0x2b: {  	s6 =	sld [smem:$0x3F8D]  }
0x2c: {  	s7 =	sld [smem:$0x3F8E]  }
0x2d: {  	s3 =	simm.s32 $0x108;
	s8 =	sld [smem:$0x3F8F]  }
0x2e: {  	s3 =	simm.s32 @!p0 $0x1082;
	s9 =	sld [smem:$0x3F90]  }
0x2f: {  	lr =	sadd.s32 s0, s3;
	s0 =	sld [smem:$0x3F87]  }
0x30: {  	s3 =	sld [smem:$0x3F8A]  }
0x31: {  	[smem:$0x3F93] =	sst s10  }
0x32: {  	s10 =	sld [smem:$0x3F91];
	_ =	sdelay $0x3  }
0x33: {  	p0 =	seq.s32 s10, $0x1;
	s10 =	sld [smem:$0x3F93];
	_ =	sdelay $0x3  }
0x34: {  	[smem:$0x3F93] =	sst s10  }
0x35: {  	s10 =	sld [smem:$0x3F92];
	_ =	sdelay $0x3  }
0x36: {  	p1 =	seq.s32 s10, $0x1;
	s10 =	sld [smem:$0x3F93];
	_ =	sdelay $0x3  }
0x37: {  	[smem:$0x3F93] =	sst s10  }
0x38: {  	s10 =	sld [smem:$0x3F94]  }
0x39: {  	_ = 	snop;
	(pc) =	sbr.ind lr, $3  }
0x3a: {  	_ = 	snop  }
0x3b: {  	_ = 	snop  }
0x3c: {  	p2 =	seq.s32 s10, $0x1;
	s10 =	sld [smem:$0x3F93]  }
0x3d: {  	_ =	shalt  }
0x3e: {  	_ =	shalt  }
0x3f: {  	_ =	shalt  }
0x40: {  	_ =	shalt  }
0x41: {  	_ =	shalt  }
0x42: {  	_ =	shalt  }
0x43: {  	_ =	shalt  }
0x44: {  	_ =	shalt  }
0x45: {  	_ =	shalt  }
0x46: {  	_ =	shalt  }
0x47: {  	_ =	shalt  }
0x48: {  	_ =	shalt  }
0x49: {  	_ =	shalt  }
0x4a: {  	_ =	shalt  }
0x4b: {  	_ =	shalt  }
0x4c: {  	_ =	shalt  }
0x4d: {  	_ =	shalt  }
0x4e: {  	_ =	shalt  }
0x4f: {  	_ =	shalt  }
0x50: {  	_ =	shalt  }
0x51: {  	_ =	shalt  }
0x52: {  	_ =	shalt  }
0x53: {  	_ =	shalt  }
0x54: {  	_ =	shalt  }
0x55: {  	_ =	shalt  }
0x56: {  	_ =	shalt  }
0x57: {  	_ =	shalt  }
0x58: {  	_ =	shalt  }
0x59: {  	_ =	shalt  }
0x5a: {  	_ =	shalt  }
0x5b: {  	_ =	shalt  }
0x5c: {  	_ =	shalt  }
0x5d: {  	_ =	shalt  }
0x5e: {  	_ =	shalt  }
0x5f: {  	_ =	shalt  }
0x60: {  	_ =	shalt  }
0x61: {  	_ =	shalt  }
0x62: {  	_ =	shalt  }
0x63: {  	_ =	shalt  }
0x64: {  	_ =	shalt  }
0x65: {  	_ =	shalt  }
0x66: {  	_ =	shalt  }
0x67: {  	_ =	shalt  }
0x68: {  	_ =	shalt  }
0x69: {  	_ =	shalt  }
0x6a: {  	_ =	shalt  }
0x6b: {  	_ =	shalt  }
0x6c: {  	_ =	shalt  }
0x6d: {  	_ =	shalt  }
0x6e: {  	_ =	shalt  }
0x6f: {  	_ =	shalt  }
0x70: {  	_ =	shalt  }
0x71: {  	_ =	shalt  }
0x72: {  	_ =	shalt  }
0x73: {  	_ =	shalt  }
0x74: {  	_ =	shalt  }
0x75: {  	_ =	shalt  }
0x76: {  	_ =	shalt  }
0x77: {  	_ =	shalt  }
0x78: {  	_ =	shalt  }
0x79: {  	_ =	shalt  }
0x7a: {  	_ =	shalt  }
0x7b: {  	_ =	shalt  }
0x7c: {  	_ =	shalt  }
0x7d: {  	_ =	shalt  }
0x7e: {  	_ =	shalt  }
0x7f: {  	_ =	shalt  }
0x80: {  	_ =	shalt  }
0x81: {  	_ =	shalt  }
0x82: {  	_ =	shalt  }
0x83: {  	_ =	shalt  }
0x84: {  	_ =	shalt  }
0x85: {  	_ =	shalt  }
0x86: {  	_ =	shalt  }
0x87: {  	_ =	shalt  }
.Lfunc_end0:
.L_simem_size_0:
called_computation.2_lowered:
.L_overlay_start_0:
0x88: {  	s2 =	sld [smem:$0x3FD9]  }
0x89: {  	s3 =	sld [smem:$0x3FFE];
	_ =	sdelay $0x1  }
0x8a: {  	s1 =	srdreg.scid  }
0x8b: {  	s0 =	sand.u32 $0x1, s1  }
0x8c: {  	s17 =	sshll.u32 s0, $0xA;
	s2 =	sadd.s32 s3, s2  }
0x8d: {  	s2 =	sadd.s32 s2, s17  }
0x8e: {  	[smem:$0x3F9F] =	sst s2  }
0x8f: {  	_ = 	snop  }
0x90: {  	(tm) =	ssettm $0x1  }
0x91: {  	s18 =	sld [smem:$0x3FFB];
	_ =	sdelay $0x3  }
0x92: {  	_ =	strace s18  }
0x93: {  	s2 =	sld [smem:$0x3FFC];
	_ =	sdelay $0x3  }
0x94: {  	_ =	strace s2  }
0x95: {  	s2 =	sld [smem:$0x3FFD];
	_ =	sdelay $0x3  }
0x96: {  	_ =	strace s2  }
0x97: {  	_ =	strace $0x8FFFFFFF  }
0x98: {  	s19 =	sld [smem:$0x3FDB];
	_ =	sdelay $0x1  }
0x99: {  	s20 =	simm.s32 $_scs_section_size  }
0x9a: {  	s4 =	simm.s32 $_size__tile_overlayer_lowered;
	s5 =	simm.s32 $_tile_overlayer_lowered  }
0x9b: {  	s6 =	simm.s32 $0x1BFF;
	s21 =	sshll.u32 s5, $0x1;
	s3 =	sadd.s32 s20, s19  }
0x9c: {  	s22 =	simm.s32 $0x0;
	s4 =	sshll.u32 s4, $0x1;
	s5 =	sadd.s32 s21, s3  }
0x9d: {  	[timem:s22], [sflag:s6] =	dma.local [hbm:s5], s4  }
0x9e: {  	_ =	swait.ge [sflag:s6], s4  }
0x9f: {  	s4 =	ssub.s32 $0x0, s4;
	[sflag:s6] =	ssyncset.done $0x0  }
0xa0: {  	[sflag:s6] =	ssyncadd.s32 s4;
	_ =	sdelay $0x1  }
0xa1: {  	s23 =	simm.s32 $0x1B8B  }
0xa2: {  	_ =	swait.ge [sflag:s23], $0x1  }
0xa3: {  	[sflag:s23] =	ssyncset.done $0x0  }
0xa4: {  	[sflag:s23] =	ssyncadd.s32 $0xFFFFFFFF  }
0xa5: {  	s4 =	sld [smem:$0x0]  }
0xa6: {  	s5 =	sand.u32 $0xFFFFFFFE, s1  }
0xa7: {  	p0 =	sne.s32 s1, s5  }
0xa8: {  	s5 =	sshll.u32 @p0 s5, $0xE  }
0xa9: {  	s5 =	sadd.s32 @p0 $0x11B8D, s5;
	s6 =	sshll.u32 @p0 s4, $0x11  }
0xaa: {  	s5 =	sor.u32 @p0 s6, s5  }
0xab: {  	[sflag:s5] =	ssyncadd.remote.s32 @p0 $0x1;
	_ =	sdelay $0x1  }
0xac: {  	s5 =	simm.s32 @p0 $0x1B8D  }
0xad: {  	_ =	swait.eq @p0 [sflag:s5], $0x1  }
0xae: {  	[sflag:s5] =	ssyncadd.s32 @p0 $0xFFFFFFFF  }
0xaf: {  	s6 =	sshll.u32 @!p0 s1, $0xE  }
0xb0: {  	s6 =	sor.u32 @!p0 $0x4000, s6;
	s5 =	simm.s32 @!p0 $0x1B8D  }
0xb1: {  	s4 =	sshll.u32 @!p0 s4, $0x11;
	s6 =	sadd.s32 @!p0 $0x11B8D, s6;
	_ =	swait.eq @!p0 [sflag:s5], $0x1  }
0xb2: {  	s4 =	sor.u32 @!p0 s4, s6;
	[sflag:s5] =	ssyncadd.s32 @!p0 $0xFFFFFFFF  }
0xb3: {  	s25 =	simm.s32 $0x1B8E;
	s24 =	sld [smem:$0x3FFE];
	[sflag:s4] =	ssyncadd.remote.s32 @!p0 $0x1  }
0xb4: {  	s26 =	simm.s32 $execute0_lowered;
	[smem:$0x3FD2] =	sst s25  }
0xb5: {  	s5 =	sshll.u32 s26, $0x1;
	_ =	strace $0x8000004C;
	[dreg:$0x1] =	wrdreg $0xFFFFFFFF  }
0xb6: {  	s28 =	simm.s32 $_size_execute0_lowered;
	s3 =	sadd.s32 s3, s5;
	[dreg:$0x0] =	wrdreg $0x0  }
0xb7: {  	s5 =	sshll.u32 s28, $0x1;
	[dreg:$0x2] =	wrdreg s3  }
0xb8: {  	[dreg:$0x3] =	wrdreg s5  }
0xb9: {  	[dreg:$0x4] =	wrdreg $0xC0  }
0xba: {  	_ =	task [dreg:s22], $0x5FFFF  }
0xbb: {  	[dreg:$0x1] =	wrdreg $0xFFFFFFFF  }
0xbc: {  	[dreg:$0x0] =	wrdreg $0x60  }
0xbd: {  	[dreg:$0x2] =	wrdreg s24  }
0xbe: {  	[dreg:$0x3] =	wrdreg $0xA  }
0xbf: {  	_ =	task.clear_ibuf [dreg:s22], $0x4FFFF;
	_ =	strace $0x9000004C  }
0xc0: {  	s29 =	simm.s32 $0xA;
	_ =	strace $0x8000004E  }
0xc1: {  	_ =	swait.ge [sflag:s29], $0x1  }
0xc2: {  	[sflag:s29] =	ssyncadd.s32 $0xFFFFFFFF  }
0xc3: {  	_ =	strace $0x9000004E  }
0xc4: {  	_ =	sfence  }
0xc5: {  	s30 =	sld [smem:$0x0];
	_ =	sdelay $0x2  }
0xc6: {  	s31 =	sshll.u32 s1, $0xD;
	s1 =	sshrl.u32 s1, $0x2  }
0xc7: {  	s4 =	sand.u32 $0x4000, s31;
	s1 =	sadd.s32 s1, s30  }
0xc8: {  	s0 =	sor.u32 s4, s0;
	s1 =	sshll.u32 s1, $0x11  }
0xc9: {  	s0 =	sor.u32 s1, s0  }
0xca: {  	s0 =	sadd.s32 $0x8F2B, s0  }
0xcb: {  	[sflag:s0] =	ssyncadd.remote.s32 $0x1  }
0xcc: {  	_ =	sfence.sel $0xFFFF  }
0xcd: {  	[dreg:$0x0] =	wrdreg $0xFFFFFFFF;
	(pc) =	sbr.abs _section_cstart, $3  }
0xce: {  	[dreg:$0x1] =	wrdreg $0xFFFFFFFF  }
0xcf: {  	_ =	task.clear_ibuf [dreg:s22], $0x2FFFF;
	_ =	strace $0x9FFFFFFF  }
0xd0: {  	(tm) =	ssettm $0x7FFFFFFF  }
0xd1: {  	_ =	shalt  }
tec
execute0_lowered:
.L_overlay_start_1:
0x0: {  	(tag) =	ssettag $0x1  }
0x1: {  	s0 =	rddreg [dreg:$0x0]  }
0x2: {  	s1 =	srdreg.scid;
	s11 =	stileid.u32;
	s2 =	simm.s32 $0x0  }
0x3: {  	s24 =	simm.s32 $0x900;
	s25 =	simm.s32 $0x1100;
	s26 =	simm.s32 $0x1900  }
0x4: {  	s12 =	simm.s32 $0x3100;
	s13 =	simm.s32 $0x3900;
	s14 =	simm.s32 $0x4100  }
0x5: {  	s15 =	simm.s32 $0x4900;
	s16 =	simm.s32 $0x5100;
	s17 =	simm.s32 $0x5900  }
0x6: {  	s18 =	simm.s32 $0x6100;
	s19 =	simm.s32 $0x6900;
	s20 =	simm.s32 $0x7100  }
0x7: {  	s28 =	simm.s32 $0xA900;
	s29 =	simm.s32 $0xB100;
	s30 =	simm.s32 $0xB900  }
0x8: {  	s31 =	simm.s32 $0xC100;
	s1 =	sand.u32 $0x1, s1;
	s3 =	sshll.u32 s11, $0x1  }
0x9: {  	[smem:$0x7FF] =	sst s2;
	s5 =	sadd.s32 $0x18400, s0;
	s7 =	smul.u32 $0x2730, s11  }
0xa: {  	s22 =	smul.u32 $0x4E600, s11;
	s11 =	simm.s32 $0x2900;
	s3 =	sor.u32 s1, s3  }
0xb: {  	_ =	strace $0x8000004D;
	s10 =	smul.u32 $0x1398, s1;
	[dreg:$0x3] =	wrdreg s24  }
0xc: {  	s6 =	ssub.s32 $0x2, s1;
	s1 =	smul.u32 $0x27300, s1;
	[dreg:$0x4] =	wrdreg s25  }
0xd: {  	[dreg:$0x5] =	wrdreg s26;
	s24 =	simm.s32 $0x9100;
	s25 =	simm.s32 $0x9900  }
0xe: {  	s26 =	simm.s32 $0xA100;
	s4 =	smul.u32 $0x1398, s3;
	s8 =	sshrl.u32 s6, $0x1  }
0xf: {  	s3 =	sadd.s32 $0x298400, s0;
	s0 =	sadd.s32 $0x77A400, s0;
	s6 =	ssub.s32 s6, s8  }
0x10: {  	s7 =	sadd.s32 s10, s7;
	s8 =	simm.s32 $0x2;
	s10 =	simm.s32 $0x2100  }
0x11: {  	s4 =	sadd.s32 $0x1388, s4;
	s23 =	sshrl.u32 s7, $0x3;
	s6 =	smax.u32 s6, $0x1  }
0x12: {  	s9 =	sshrl.u32 s4, $0x3;
	s4 =	sshll.u32 s4, $0x5;
	[dreg:$0x8] =	wrdreg s6  }
0x13: {  	s21 =	sadd.s32 s5, s9;
	s4 =	sadd.s32 s0, s4;
	s0 =	sadd.s32 s22, s0  }
0x14: {  	s9 =	simm.s32 $0x100;
	s22 =	simm.s32 $0x8100;
	[dreg:$0x6] =	wrdreg s21  }
0x15: {  	v2 =	vlaneseq.u32;
	[dreg:$0x7] =	wrdreg s4;
	s4 =	sadd.s32 s23, s5;
	s0 =	sadd.s32 s1, s0  }
0x16: {  	vm0 =	vmmov $0xffff;
	v1 =	vshrl.u32 v2, $0x3;
	s21 =	simm.s32 $0x7900;
	s23 =	simm.s32 $0x8900;
	[dreg:$0x9] =	wrdreg s0  }
0x17: {  	v0 =	vand.u32 $0x7, v2;
	v2 =	vor.u32 $0x8, v2;
	v1 =	vmul.u32 $0x8, v1;
	[dreg:$0x2] =	wrdreg s4;
	s0 =	simm.s32 $0x1;
	s4 =	simm.s32 $0x0  }
.LBB2_1:
0x18: {  	s7 =	rddreg [dreg:$0x9];
	s6 =	simm.s32 $0x0  }
.LBB2_2:
0x19: {  	s5 =	rddreg [dreg:$0x2]  }
0x1a: {  	s5 =	sadd.s32 s6, s5  }
0x1b: {  	[tilespmem:s2], [sflag:$0x2] =	stream.linear.gather [hbm4b:s5+s2], $0xC8, $0x38;
	[tilespmem:$0xD980] =	vst v63  }
0x1c: {  	_ =	swait.ge [sflag:s8], $0xC8  }
0x1d: {  	[sflag:s8] =	ssyncset.done $0x0  }
0x1e: {  	[sflag:s8] =	ssyncadd.s32 $0xFFFFFF38  }
0x1f: {  	v3 =	vld [tilespmem:$0x0];
	_ =	sdelay $0x4  }
0x20: {  	v4 =	vshll.u32 v3, $0x1  }
0x21: {  	v3 =	vand.u32 $0x7, v3;
	v4 =	vand.u32 $0xFFFFFFF0, v4  }
0x22: {  	v3 =	vor.u32 v3, v4  }
0x23: {  	v4 =	vperm.xlane v3, v0;
	_ =	sdelay $0x1  }
0x24: {  	v3 =	vperm.xlane v3, v2;
	v4 =	vadd.s32 v1, v4;
	_ =	sdelay $0x1  }
0x25: {  	v3 =	vadd.s32 v1, v3;
	_ =	sdelay $0x2  }
0x26: {  	[tilespmem:s9], [sflag:$0x1] =	stream.indirect_vreg.gather [hbm4b:s3+s2], $0x80, v4, vm0, $0xb8;
	[tilespmem:$0xD980] =	vst v63  }
0x27: {  	s1 =	rddreg [dreg:$0x3]  }
0x28: {  	[tilespmem:s1], [sflag:$0x1] =	stream.indirect_vreg.gather [hbm4b:s3+s2], $0x80, v3, vm0, $0xb8;
	[tilespmem:$0xD980] =	vst v63  }
0x29: {  	v3 =	vld [tilespmem:$0x10];
	_ =	sdelay $0x4  }
0x2a: {  	v52 =	vshll.u32 v3, $0x1  }
0x2b: {  	v3 =	vand.u32 $0x7, v3;
	v4 =	vand.u32 $0xFFFFFFF0, v52  }
0x2c: {  	v3 =	vor.u32 v3, v4  }
0x2d: {  	v4 =	vperm.xlane v3, v0;
	_ =	sdelay $0x1  }
0x2e: {  	v3 =	vperm.xlane v3, v2;
	v4 =	vadd.s32 v1, v4;
	_ =	sdelay $0x1  }
0x2f: {  	v3 =	vadd.s32 v1, v3;
	_ =	sdelay $0x1  }
0x30: {  	s5 =	rddreg [dreg:$0x4]  }
0x31: {  	[tilespmem:s5], [sflag:$0x1] =	stream.indirect_vreg.gather [hbm4b:s3+s2], $0x80, v4, vm0, $0xb8;
	[tilespmem:$0xD980] =	vst v63  }
0x32: {  	s1 =	rddreg [dreg:$0x5]  }
0x33: {  	[tilespmem:s1], [sflag:$0x1] =	stream.indirect_vreg.gather [hbm4b:s3+s2], $0x80, v3, vm0, $0xb8;
	[tilespmem:$0xD980] =	vst v63  }
0x34: {  	v3 =	vld [tilespmem:$0x20];
	_ =	sdelay $0x4  }
0x35: {  	v53 =	vshll.u32 v3, $0x1  }
0x36: {  	v3 =	vand.u32 $0x7, v3;
	v4 =	vand.u32 $0xFFFFFFF0, v53  }
0x37: {  	v3 =	vor.u32 v3, v4  }
0x38: {  	v4 =	vperm.xlane v3, v0;
	_ =	sdelay $0x1  }
0x39: {  	v3 =	vperm.xlane v3, v2;
	v4 =	vadd.s32 v1, v4;
	_ =	sdelay $0x1  }
0x3a: {  	v3 =	vadd.s32 v1, v3;
	_ =	sdelay $0x2  }
0x3b: {  	[tilespmem:s10], [sflag:$0x1] =	stream.indirect_vreg.gather [hbm4b:s3+s2], $0x80, v4, vm0, $0xb8;
	[tilespmem:$0xD980] =	vst v63  }
0x3c: {  	_ = 	snop  }
0x3d: {  	[tilespmem:s11], [sflag:$0x1] =	stream.indirect_vreg.gather [hbm4b:s3+s2], $0x80, v3, vm0, $0xb8;
	[tilespmem:$0xD980] =	vst v63  }
0x3e: {  	v3 =	vld [tilespmem:$0x30];
	_ =	sdelay $0x4  }
0x3f: {  	v54 =	vshll.u32 v3, $0x1  }
0x40: {  	v3 =	vand.u32 $0x7, v3;
	v4 =	vand.u32 $0xFFFFFFF0, v54  }
0x41: {  	v3 =	vor.u32 v3, v4  }
0x42: {  	v4 =	vperm.xlane v3, v0;
	_ =	sdelay $0x1  }
0x43: {  	v3 =	vperm.xlane v3, v2;
	v4 =	vadd.s32 v1, v4;
	_ =	sdelay $0x1  }
0x44: {  	v3 =	vadd.s32 v1, v3;
	_ =	sdelay $0x2  }
0x45: {  	[tilespmem:s12], [sflag:$0x1] =	stream.indirect_vreg.gather [hbm4b:s3+s2], $0x80, v4, vm0, $0xb8;
	[tilespmem:$0xD980] =	vst v63  }
0x46: {  	_ = 	snop  }
0x47: {  	[tilespmem:s13], [sflag:$0x1] =	stream.indirect_vreg.gather [hbm4b:s3+s2], $0x80, v3, vm0, $0xb8;
	[tilespmem:$0xD980] =	vst v63  }
0x48: {  	v3 =	vld [tilespmem:$0x40];
	_ =	sdelay $0x4  }
0x49: {  	v55 =	vshll.u32 v3, $0x1  }
0x4a: {  	v3 =	vand.u32 $0x7, v3;
	v4 =	vand.u32 $0xFFFFFFF0, v55  }
0x4b: {  	v3 =	vor.u32 v3, v4  }
0x4c: {  	v4 =	vperm.xlane v3, v0;
	_ =	sdelay $0x1  }
0x4d: {  	v3 =	vperm.xlane v3, v2;
	v4 =	vadd.s32 v1, v4;
	_ =	sdelay $0x1  }
0x4e: {  	v3 =	vadd.s32 v1, v3;
	_ =	sdelay $0x2  }
0x4f: {  	[tilespmem:s14], [sflag:$0x1] =	stream.indirect_vreg.gather [hbm4b:s3+s2], $0x80, v4, vm0, $0xb8;
	[tilespmem:$0xD980] =	vst v63  }
0x50: {  	_ = 	snop  }
0x51: {  	[tilespmem:s15], [sflag:$0x1] =	stream.indirect_vreg.gather [hbm4b:s3+s2], $0x80, v3, vm0, $0xb8;
	[tilespmem:$0xD980] =	vst v63  }
0x52: {  	v3 =	vld [tilespmem:$0x50];
	_ =	sdelay $0x4  }
0x53: {  	v56 =	vshll.u32 v3, $0x1  }
0x54: {  	v3 =	vand.u32 $0x7, v3;
	v4 =	vand.u32 $0xFFFFFFF0, v56  }
0x55: {  	v3 =	vor.u32 v3, v4  }
0x56: {  	v4 =	vperm.xlane v3, v0;
	_ =	sdelay $0x1  }
0x57: {  	v3 =	vperm.xlane v3, v2;
	v4 =	vadd.s32 v1, v4;
	_ =	sdelay $0x1  }
0x58: {  	v3 =	vadd.s32 v1, v3;
	_ =	sdelay $0x2  }
0x59: {  	[tilespmem:s16], [sflag:$0x1] =	stream.indirect_vreg.gather [hbm4b:s3+s2], $0x80, v4, vm0, $0xb8;
	[tilespmem:$0xD980] =	vst v63  }
0x5a: {  	_ = 	snop  }
0x5b: {  	[tilespmem:s17], [sflag:$0x1] =	stream.indirect_vreg.gather [hbm4b:s3+s2], $0x80, v3, vm0, $0xb8;
	[tilespmem:$0xD980] =	vst v63  }
0x5c: {  	v3 =	vld [tilespmem:$0x60];
	_ =	sdelay $0x4  }
0x5d: {  	v57 =	vshll.u32 v3, $0x1  }
0x5e: {  	v3 =	vand.u32 $0x7, v3;
	v4 =	vand.u32 $0xFFFFFFF0, v57  }
0x5f: {  	v3 =	vor.u32 v3, v4  }
0x60: {  	v4 =	vperm.xlane v3, v0;
	_ =	sdelay $0x1  }
0x61: {  	v3 =	vperm.xlane v3, v2;
	v4 =	vadd.s32 v1, v4;
	_ =	sdelay $0x1  }
0x62: {  	v3 =	vadd.s32 v1, v3;
	_ =	sdelay $0x2  }
0x63: {  	[tilespmem:s18], [sflag:$0x1] =	stream.indirect_vreg.gather [hbm4b:s3+s2], $0x80, v4, vm0, $0xb8;
	[tilespmem:$0xD980] =	vst v63  }
0x64: {  	_ = 	snop  }
0x65: {  	[tilespmem:s19], [sflag:$0x1] =	stream.indirect_vreg.gather [hbm4b:s3+s2], $0x80, v3, vm0, $0xb8;
	[tilespmem:$0xD980] =	vst v63  }
0x66: {  	v3 =	vld [tilespmem:$0x70];
	_ =	sdelay $0x4  }
0x67: {  	v58 =	vshll.u32 v3, $0x1  }
0x68: {  	v3 =	vand.u32 $0x7, v3;
	v4 =	vand.u32 $0xFFFFFFF0, v58  }
0x69: {  	v3 =	vor.u32 v3, v4  }
0x6a: {  	v4 =	vperm.xlane v3, v0;
	_ =	sdelay $0x1  }
0x6b: {  	v3 =	vperm.xlane v3, v2;
	v4 =	vadd.s32 v1, v4;
	_ =	sdelay $0x1  }
0x6c: {  	v3 =	vadd.s32 v1, v3;
	_ =	sdelay $0x2  }
0x6d: {  	[tilespmem:s20], [sflag:$0x1] =	stream.indirect_vreg.gather [hbm4b:s3+s2], $0x80, v4, vm0, $0xb8;
	[tilespmem:$0xD980] =	vst v63  }
0x6e: {  	_ = 	snop  }
0x6f: {  	[tilespmem:s21], [sflag:$0x1] =	stream.indirect_vreg.gather [hbm4b:s3+s2], $0x80, v3, vm0, $0xb8;
	[tilespmem:$0xD980] =	vst v63  }
0x70: {  	v3 =	vld [tilespmem:$0x80];
	_ =	sdelay $0x4  }
0x71: {  	v59 =	vshll.u32 v3, $0x1  }
0x72: {  	v3 =	vand.u32 $0x7, v3;
	v4 =	vand.u32 $0xFFFFFFF0, v59  }
0x73: {  	v3 =	vor.u32 v3, v4  }
0x74: {  	v4 =	vperm.xlane v3, v0;
	_ =	sdelay $0x1  }
0x75: {  	v3 =	vperm.xlane v3, v2;
	v4 =	vadd.s32 v1, v4;
	_ =	sdelay $0x1  }
0x76: {  	v3 =	vadd.s32 v1, v3;
	_ =	sdelay $0x2  }
0x77: {  	[tilespmem:s22], [sflag:$0x1] =	stream.indirect_vreg.gather [hbm4b:s3+s2], $0x80, v4, vm0, $0xb8;
	[tilespmem:$0xD980] =	vst v63  }
0x78: {  	_ = 	snop  }
0x79: {  	[tilespmem:s23], [sflag:$0x1] =	stream.indirect_vreg.gather [hbm4b:s3+s2], $0x80, v3, vm0, $0xb8;
	[tilespmem:$0xD980] =	vst v63  }
0x7a: {  	v3 =	vld [tilespmem:$0x90];
	_ =	sdelay $0x4  }
0x7b: {  	v60 =	vshll.u32 v3, $0x1  }
0x7c: {  	v3 =	vand.u32 $0x7, v3;
	v4 =	vand.u32 $0xFFFFFFF0, v60  }
0x7d: {  	v3 =	vor.u32 v3, v4  }
0x7e: {  	v4 =	vperm.xlane v3, v0;
	_ =	sdelay $0x1  }
0x7f: {  	v3 =	vperm.xlane v3, v2;
	v4 =	vadd.s32 v1, v4;
	_ =	sdelay $0x1  }
0x80: {  	v3 =	vadd.s32 v1, v3;
	_ =	sdelay $0x2  }
0x81: {  	[tilespmem:s24], [sflag:$0x1] =	stream.indirect_vreg.gather [hbm4b:s3+s2], $0x80, v4, vm0, $0xb8;
	[tilespmem:$0xD980] =	vst v63  }
0x82: {  	_ = 	snop  }
0x83: {  	[tilespmem:s25], [sflag:$0x1] =	stream.indirect_vreg.gather [hbm4b:s3+s2], $0x80, v3, vm0, $0xb8;
	[tilespmem:$0xD980] =	vst v63  }
0x84: {  	v3 =	vld [tilespmem:$0xA0];
	_ =	sdelay $0x4  }
0x85: {  	v61 =	vshll.u32 v3, $0x1  }
0x86: {  	v3 =	vand.u32 $0x7, v3;
	v4 =	vand.u32 $0xFFFFFFF0, v61  }
0x87: {  	v3 =	vor.u32 v3, v4  }
0x88: {  	v4 =	vperm.xlane v3, v0;
	_ =	sdelay $0x1  }
0x89: {  	v3 =	vperm.xlane v3, v2;
	v4 =	vadd.s32 v1, v4;
	_ =	sdelay $0x1  }
0x8a: {  	v3 =	vadd.s32 v1, v3;
	_ =	sdelay $0x2  }
0x8b: {  	[tilespmem:s26], [sflag:$0x1] =	stream.indirect_vreg.gather [hbm4b:s3+s2], $0x80, v4, vm0, $0xb8;
	[tilespmem:$0xD980] =	vst v63  }
0x8c: {  	_ = 	snop  }
0x8d: {  	[tilespmem:s28], [sflag:$0x1] =	stream.indirect_vreg.gather [hbm4b:s3+s2], $0x80, v3, vm0, $0xb8;
	[tilespmem:$0xD980] =	vst v63  }
0x8e: {  	v3 =	vld [tilespmem:$0xB0];
	_ =	sdelay $0x4  }
0x8f: {  	v62 =	vshll.u32 v3, $0x1  }
0x90: {  	v3 =	vand.u32 $0x7, v3;
	v4 =	vand.u32 $0xFFFFFFF0, v62  }
0x91: {  	v3 =	vor.u32 v3, v4  }
0x92: {  	v4 =	vperm.xlane v3, v0;
	_ =	sdelay $0x1  }
0x93: {  	v3 =	vperm.xlane v3, v2;
	v4 =	vadd.s32 v1, v4;
	_ =	sdelay $0x1  }
0x94: {  	v3 =	vadd.s32 v1, v3;
	_ =	sdelay $0x2  }
0x95: {  	[tilespmem:s29], [sflag:$0x1] =	stream.indirect_vreg.gather [hbm4b:s3+s2], $0x80, v4, vm0, $0xb8;
	[tilespmem:$0xD980] =	vst v63  }
0x96: {  	_ = 	snop  }
0x97: {  	[tilespmem:s30], [sflag:$0x1] =	stream.indirect_vreg.gather [hbm4b:s3+s2], $0x80, v3, vm0, $0xb8;
	[tilespmem:$0xD980] =	vst v63  }
0x98: {  	v3 =	vld.msk [tilespmem:$0xC0], $0xff;
	_ =	sdelay $0x4  }
0x99: {  	v63 =	vshll.u32 v3, $0x1  }
0x9a: {  	v3 =	vand.u32 $0x7, v3;
	v4 =	vand.u32 $0xFFFFFFF0, v63  }
0x9b: {  	v3 =	vor.u32 v3, v4  }
0x9c: {  	v3 =	vperm.xlane v3, v0;
	_ =	sdelay $0x1  }
0x9d: {  	v3 =	vadd.s32 v1, v3;
	_ =	sdelay $0x4  }
0x9e: {  	[tilespmem:s31], [sflag:$0x1] =	stream.indirect_vreg.gather [hbm4b:s3+s2], $0x80, v3, vm0, $0xb8;
	[tilespmem:$0xD980] =	vst v63  }
0x9f: {  	_ =	swait.ge [sflag:s0], $0xC800  }
0xa0: {  	p0 =	sne.s32 s6, $0x258;
	[sflag:s0] =	ssyncset.done $0x0  }
.Ltmp0:
0xa1: {  	[sflag:s0] =	ssyncadd.s32 $0xFFFF3800;
	(pc) =	sbr.rel @p0 .LBB2_2-.Ltmp0, $4  }
0xa2: {  	[hbm4b:s7+s2] =	stream.linear.scatter [tilespmem:s9], [sflag:$0x2], $0xC800, $0x38;
	[tilespmem:$0xD980] =	vst v63  }
0xa3: {  	_ =	swait.ge [sflag:s8], $0xC800  }
0xa4: {  	[sflag:s8] =	ssyncset.done $0x0  }
0xa5: {  	s6 =	sadd.s32 $0x19, s6;
	s7 =	sadd.s32 $0x1900, s7;
	[sflag:s8] =	ssyncadd.s32 $0xFFFF3800  }
0xa6: {  	s1 =	rddreg [dreg:$0x6];
	s5 =	simm.s32 $0xC900  }
0xa7: {  	[tilespmem:s5], [sflag:$0x2] =	stream.linear.gather [hbm4b:s1+s2], $0x10, $0x38;
	[tilespmem:$0xD980] =	vst v63  }
0xa8: {  	_ =	swait.ge [sflag:s8], $0x10  }
0xa9: {  	[sflag:s8] =	ssyncset.done $0x0  }
0xaa: {  	[sflag:s8] =	ssyncadd.s32 $0xFFFFFFF0  }
0xab: {  	v3 =	vld [tilespmem:$0xC900];
	_ =	sdelay $0x4  }
0xac: {  	v4 =	vshll.u32 v3, $0x1  }
0xad: {  	v3 =	vand.u32 $0x7, v3;
	v4 =	vand.u32 $0xFFFFFFF0, v4  }
0xae: {  	v3 =	vor.u32 v3, v4  }
0xaf: {  	v4 =	vperm.xlane v3, v0;
	_ =	sdelay $0x1  }
0xb0: {  	v3 =	vperm.xlane v3, v2;
	v4 =	vadd.s32 v1, v4;
	_ =	sdelay $0x1  }
0xb1: {  	v3 =	vadd.s32 v1, v3;
	_ =	sdelay $0x1  }
0xb2: {  	s5 =	simm.s32 $0xC980  }
0xb3: {  	[tilespmem:s5], [sflag:$0x1] =	stream.indirect_vreg.gather [hbm4b:s3+s2], $0x80, v4, vm0, $0xb8;
	[tilespmem:$0xD980] =	vst v63  }
0xb4: {  	s7 =	simm.s32 $0xD180  }
0xb5: {  	[tilespmem:s7], [sflag:$0x1] =	stream.indirect_vreg.gather [hbm4b:s3+s2], $0x80, v3, vm0, $0xb8;
	[tilespmem:$0xD980] =	vst v63  }
0xb6: {  	_ =	swait.ge [sflag:s0], $0x1000  }
0xb7: {  	[sflag:s0] =	ssyncset.done $0x0  }
0xb8: {  	s6 =	rddreg [dreg:$0x7];
	[sflag:s0] =	ssyncadd.s32 $0xFFFFF000  }
0xb9: {  	[hbm4b:s6+s2] =	stream.linear.scatter [tilespmem:s5], [sflag:$0x2], $0x1000, $0x38;
	[tilespmem:$0xD980] =	vst v63  }
0xba: {  	_ =	swait.ge [sflag:s8], $0x1000  }
0xbb: {  	s4 =	sadd.s32 $0x1, s4;
	s7 =	rddreg [dreg:$0x8]  }
0xbc: {  	p0 =	sne.s32 s4, s7  }
.Ltmp1:
0xbd: {  	_ = 	snop;
	(pc) =	sbr.rel @p0 .LBB2_1-.Ltmp1, $3  }
0xbe: {  	_ =	sdelay $0x1  }
0xbf: {  	[sflag:s8] =	ssyncset.done $0x0  }
0xc0: {  	[sflag:s8] =	ssyncadd.s32 $0xFFFFF000  }
0xc1: {  	_ =	sfence.sel $0x180000  }
0xc2: {  	[bflag:$0x0] =	sbarrier.arrive $0xFFFF  }
0xc3: {  	_ =	strace $0x9000004D  }
0xc4: {  	s0 =	stileid.u32;
	[bflag:$0x2] =	sbarrier.arrive $0xFFFF  }
0xc5: {  	p0 =	sne.s32 s0, $0x0;
	s0 =	rddreg [dreg:$0x1]  }
0xc6: {  	s0 =	sadd.s32 @!p0 $0x100000, s0  }
0xc7: {  	[sflag:s0] =	ssyncadd.tile.s32 @!p0 $0x1;
	_ =	shalt  }
.Lfunc_end2:
_tile_overlayer_lowered:
.L_overlay_start_2:
0xc8: {  	(tag) =	ssettag $0x2  }
0xc9: {  	s0 =	rddreg [dreg:$0x0];
	s2 =	stileid.u32  }
0xca: {  	s1 =	rddreg [dreg:$0x1];
	p0 =	sne.s32 s2, $0x0  }
0xcb: {  	s3 =	rddreg [dreg:$0x2];
	[bflag:$0x3] =	sbarrier.arrive $0xFFFF;
	s2 =	simm.s32 @!p0 $0x1C02  }
0xcc: {  	[timem:s3], [sflag:s2] =	dma.local @!p0 [hbm:s0], s1  }
0xcd: {  	s0 =	simm.s32 @!p0 $0x2  }
0xce: {  	_ =	swait.ge @!p0 [sflag:s0], s1  }
0xcf: {  	s1 =	ssub.s32 @!p0 $0x0, s1;
	[sflag:s0] =	ssyncset.done @!p0 $0x0  }
0xd0: {  	[sflag:s0] =	ssyncadd.s32 @!p0 s1  }
0xd1: {  	[bflag:$0x3] =	sbarrier.arrive $0xFFFF  }
0xd2: {  	_ =	shalt  }

// kernel: kernel.24.cloned.1.call-start
scs
__scs_entry_jumppad:
0x0: {  	(pc) =	sbr.rel $0x88, $3  }
0x1: {  	(tag) =	ssettag $0x0;
	lr =	simm.s32 $0x1  }
0x2: {  	[smem:$0x3F78] =	sst lr;
	_ =	strace $0xD0000000  }
0x3: {  	_ = 	snop  }
0x4: {  	_ = 	snop  }
0x5: {  	_ = 	snop  }
0x6: {  	_ = 	snop  }
0x7: {  	_ = 	snop  }
__scs_overlays_trampoline_lowered:
0x8: {  	[smem:$0x3F87] =	sst s0  }
0x9: {  	[smem:$0x3F88] =	sst s1  }
0xa: {  	[smem:$0x3F89] =	sst s2  }
0xb: {  	[smem:$0x3F8A] =	sst s3  }
0xc: {  	[smem:$0x3F8B] =	sst s4  }
0xd: {  	[smem:$0x3F8C] =	sst s5  }
0xe: {  	[smem:$0x3F8D] =	sst s6  }
0xf: {  	[smem:$0x3F8E] =	sst s7  }
0x10: {  	[smem:$0x3F8F] =	sst s8  }
0x11: {  	[smem:$0x3F90] =	sst s9;
	s0 =	simm.s32 @!p0 $0x0  }
0x12: {  	s1 =	sld [smem:$0x3F76];
	s0 =	simm.s32 @p0 $0x1  }
0x13: {  	[smem:$0x3F91] =	sst s0;
	s0 =	simm.s32 @!p1 $0x0  }
0x14: {  	s2 =	sld [smem:$0x3F75];
	s0 =	simm.s32 @p1 $0x1  }
0x15: {  	[smem:$0x3F92] =	sst s0;
	s0 =	simm.s32 @!p2 $0x0  }
0x16: {  	s3 =	sld [smem:$0x3FDB];
	s0 =	simm.s32 @p2 $0x1  }
0x17: {  	s4 =	simm.s32 $0x1BF5;
	[smem:$0x3F94] =	sst s0  }
0x18: {  	s0 =	sld [smem:$0x3F77];
	_ =	swait.ge [sflag:s4], $0x0  }
0x19: {  	s7 =	sld [smem:$0x3F78]  }
0x1a: {  	s8 =	sadd.s32 $0xFFFFE003, lr  }
0x1b: {  	s9 =	sadd.s32 $0xFFFFFEF7, lr;
	s5 =	simm.s32 $0xFFFFFFFF;
	p2 =	slt.u32 s8, $0xFFFFF086  }
0x1c: {  	p1 =	slt.u32 s9, $0xF7A;
	s5 =	simm.s32 @!p2 $0x0  }
0x1d: {  	s5 =	simm.s32 @p1 $0x1;
	p0 =	seq.s32 s7, s2  }
0x1e: {  	s7 =	smul.u32 @!p0 $0xF7A, s2;
	p2 =	seq.s32 @!p0 s5, $0x0  }
0x1f: {  	s9 =	smul.u32 $0xF7A, s1;
	s8 =	simm.s32 @!p0 $0x1BF5;
	p2 =	por !p2, p0  }
0x20: {  	[sflag:s8] =	ssyncset.s32 @!p0 $0xFFFFF086;
	s6 =	sadd.s32 @!p0 s3, s7;
	s7 =	simm.s32 @!p0 $0x108  }
0x21: {  	s3 =	sadd.s32 s3, s9;
	s6 =	sadd.s32 @!p0 $0x88, s6;
	s7 =	simm.s32 @p2 $0x1082  }
0x22: {  	[simem:s7], [sflag:s8] =	dma.local @!p0 [hbm:s6], $0xF7A  }
0x23: {  	s9 =	sor.u32 $0xD0000000, s2;
	s6 =	simm.s32 $0x108;
	_ =	swait.ge @!p0 [sflag:s8], $0x0  }
0x24: {  	s3 =	sadd.s32 $0x88, s3;
	s6 =	simm.s32 @!p1 $0x1082;
	[sflag:s4] =	ssyncset.s32 $0xFFFFF086  }
0x25: {  	[simem:s6], [sflag:s4] =	dma.local [hbm:s3], $0xF7A  }
0x26: {  	[smem:$0x3F78] =	sst s1;
	(tag) =	ssettag s2;
	_ =	strace s9  }
0x27: {  	s1 =	sld [smem:$0x3F88]  }
0x28: {  	s2 =	sld [smem:$0x3F89]  }
0x29: {  	s4 =	sld [smem:$0x3F8B]  }
0x2a: {  	p0 =	seq.s32 s5, $0x0;
	s5 =	sld [smem:$0x3F8C]  }
0x2b: {  	s6 =	sld [smem:$0x3F8D]  }
0x2c: {  	s7 =	sld [smem:$0x3F8E]  }
0x2d: {  	s3 =	simm.s32 $0x108;
	s8 =	sld [smem:$0x3F8F]  }
0x2e: {  	s3 =	simm.s32 @!p0 $0x1082;
	s9 =	sld [smem:$0x3F90]  }
0x2f: {  	lr =	sadd.s32 s0, s3;
	s0 =	sld [smem:$0x3F87]  }
0x30: {  	s3 =	sld [smem:$0x3F8A]  }
0x31: {  	[smem:$0x3F93] =	sst s10  }
0x32: {  	s10 =	sld [smem:$0x3F91];
	_ =	sdelay $0x3  }
0x33: {  	p0 =	seq.s32 s10, $0x1;
	s10 =	sld [smem:$0x3F93];
	_ =	sdelay $0x3  }
0x34: {  	[smem:$0x3F93] =	sst s10  }
0x35: {  	s10 =	sld [smem:$0x3F92];
	_ =	sdelay $0x3  }
0x36: {  	p1 =	seq.s32 s10, $0x1;
	s10 =	sld [smem:$0x3F93];
	_ =	sdelay $0x3  }
0x37: {  	[smem:$0x3F93] =	sst s10  }
0x38: {  	s10 =	sld [smem:$0x3F94]  }
0x39: {  	_ = 	snop;
	(pc) =	sbr.ind lr, $3  }
0x3a: {  	_ = 	snop  }
0x3b: {  	_ = 	snop  }
0x3c: {  	p2 =	seq.s32 s10, $0x1;
	s10 =	sld [smem:$0x3F93]  }
0x3d: {  	_ =	shalt  }
0x3e: {  	_ =	shalt  }
0x3f: {  	_ =	shalt  }
0x40: {  	_ =	shalt  }
0x41: {  	_ =	shalt  }
0x42: {  	_ =	shalt  }
0x43: {  	_ =	shalt  }
0x44: {  	_ =	shalt  }
0x45: {  	_ =	shalt  }
0x46: {  	_ =	shalt  }
0x47: {  	_ =	shalt  }
0x48: {  	_ =	shalt  }
0x49: {  	_ =	shalt  }
0x4a: {  	_ =	shalt  }
0x4b: {  	_ =	shalt  }
0x4c: {  	_ =	shalt  }
0x4d: {  	_ =	shalt  }
0x4e: {  	_ =	shalt  }
0x4f: {  	_ =	shalt  }
0x50: {  	_ =	shalt  }
0x51: {  	_ =	shalt  }
0x52: {  	_ =	shalt  }
0x53: {  	_ =	shalt  }
0x54: {  	_ =	shalt  }
0x55: {  	_ =	shalt  }
0x56: {  	_ =	shalt  }
0x57: {  	_ =	shalt  }
0x58: {  	_ =	shalt  }
0x59: {  	_ =	shalt  }
0x5a: {  	_ =	shalt  }
0x5b: {  	_ =	shalt  }
0x5c: {  	_ =	shalt  }
0x5d: {  	_ =	shalt  }
0x5e: {  	_ =	shalt  }
0x5f: {  	_ =	shalt  }
0x60: {  	_ =	shalt  }
0x61: {  	_ =	shalt  }
0x62: {  	_ =	shalt  }
0x63: {  	_ =	shalt  }
0x64: {  	_ =	shalt  }
0x65: {  	_ =	shalt  }
0x66: {  	_ =	shalt  }
0x67: {  	_ =	shalt  }
0x68: {  	_ =	shalt  }
0x69: {  	_ =	shalt  }
0x6a: {  	_ =	shalt  }
0x6b: {  	_ =	shalt  }
0x6c: {  	_ =	shalt  }
0x6d: {  	_ =	shalt  }
0x6e: {  	_ =	shalt  }
0x6f: {  	_ =	shalt  }
0x70: {  	_ =	shalt  }
0x71: {  	_ =	shalt  }
0x72: {  	_ =	shalt  }
0x73: {  	_ =	shalt  }
0x74: {  	_ =	shalt  }
0x75: {  	_ =	shalt  }
0x76: {  	_ =	shalt  }
0x77: {  	_ =	shalt  }
0x78: {  	_ =	shalt  }
0x79: {  	_ =	shalt  }
0x7a: {  	_ =	shalt  }
0x7b: {  	_ =	shalt  }
0x7c: {  	_ =	shalt  }
0x7d: {  	_ =	shalt  }
0x7e: {  	_ =	shalt  }
0x7f: {  	_ =	shalt  }
0x80: {  	_ =	shalt  }
0x81: {  	_ =	shalt  }
0x82: {  	_ =	shalt  }
0x83: {  	_ =	shalt  }
0x84: {  	_ =	shalt  }
0x85: {  	_ =	shalt  }
0x86: {  	_ =	shalt  }
0x87: {  	_ =	shalt  }
.Lfunc_end0:
.L_simem_size_0:
called_computation.3_lowered:
.L_overlay_start_0:
0x88: {  	s2 =	sld [smem:$0x3FD9]  }
0x89: {  	s3 =	sld [smem:$0x3FFE];
	_ =	sdelay $0x1  }
0x8a: {  	s1 =	srdreg.scid  }
0x8b: {  	s0 =	sand.u32 $0x1, s1  }
0x8c: {  	s17 =	sshll.u32 s0, $0xA;
	s2 =	sadd.s32 s3, s2  }
0x8d: {  	s2 =	sadd.s32 s2, s17  }
0x8e: {  	[smem:$0x3F9F] =	sst s2  }
0x8f: {  	_ = 	snop  }
0x90: {  	s18 =	sld [smem:$0x3FD0];
	(tm) =	ssettm $0x1  }
0x91: {  	s19 =	sld [smem:$0x3FFB];
	_ =	sdelay $0x3  }
0x92: {  	_ =	strace s19  }
0x93: {  	s2 =	sld [smem:$0x3FFC];
	_ =	sdelay $0x3  }
0x94: {  	_ =	strace s2  }
0x95: {  	s2 =	sld [smem:$0x3FFD];
	_ =	sdelay $0x3  }
0x96: {  	_ =	strace s2  }
0x97: {  	_ =	strace $0x8FFFFFFF  }
0x98: {  	s20 =	sld [smem:$0x3FDB];
	_ =	sdelay $0x1  }
0x99: {  	s4 =	simm.s32 $_scs_section_size  }
0x9a: {  	s5 =	simm.s32 $_size__tile_overlayer_lowered;
	s6 =	simm.s32 $_tile_overlayer_lowered  }
0x9b: {  	s7 =	simm.s32 $0x1BFF;
	s21 =	sshll.u32 s6, $0x1;
	s4 =	sadd.s32 s4, s20  }
0x9c: {  	s22 =	simm.s32 $0x0;
	s5 =	sshll.u32 s5, $0x1;
	s6 =	sadd.s32 s21, s4  }
0x9d: {  	[timem:s22], [sflag:s7] =	dma.local [hbm:s6], s5  }
0x9e: {  	_ =	swait.ge [sflag:s7], s5  }
0x9f: {  	s5 =	ssub.s32 $0x0, s5;
	[sflag:s7] =	ssyncset.done $0x0  }
0xa0: {  	[sflag:s7] =	ssyncadd.s32 s5;
	_ =	sdelay $0x1  }
0xa1: {  	s23 =	simm.s32 $0x1B8B  }
0xa2: {  	_ =	swait.ge [sflag:s23], $0x1  }
0xa3: {  	[sflag:s23] =	ssyncset.done $0x0  }
0xa4: {  	[sflag:s23] =	ssyncadd.s32 $0xFFFFFFFF  }
0xa5: {  	s5 =	sld [smem:$0x0]  }
0xa6: {  	s6 =	sand.u32 $0xFFFFFFFE, s1  }
0xa7: {  	p0 =	sne.s32 s1, s6  }
0xa8: {  	s6 =	sshll.u32 @p0 s6, $0xE  }
0xa9: {  	s6 =	sadd.s32 @p0 $0x11B8D, s6;
	s7 =	sshll.u32 @p0 s5, $0x11  }
0xaa: {  	s6 =	sor.u32 @p0 s7, s6  }
0xab: {  	[sflag:s6] =	ssyncadd.remote.s32 @p0 $0x1;
	_ =	sdelay $0x1  }
0xac: {  	s6 =	simm.s32 @p0 $0x1B8D  }
0xad: {  	_ =	swait.eq @p0 [sflag:s6], $0x1  }
0xae: {  	[sflag:s6] =	ssyncadd.s32 @p0 $0xFFFFFFFF  }
0xaf: {  	s7 =	sshll.u32 @!p0 s1, $0xE  }
0xb0: {  	s7 =	sor.u32 @!p0 $0x4000, s7;
	s6 =	simm.s32 @!p0 $0x1B8D  }
0xb1: {  	s5 =	sshll.u32 @!p0 s5, $0x11;
	s7 =	sadd.s32 @!p0 $0x11B8D, s7;
	_ =	swait.eq @!p0 [sflag:s6], $0x1  }
0xb2: {  	s5 =	sor.u32 @!p0 s5, s7;
	[sflag:s6] =	ssyncadd.s32 @!p0 $0xFFFFFFFF  }
0xb3: {  	s25 =	simm.s32 $0x1B8E;
	s24 =	sld [smem:$0x3FFE];
	[sflag:s5] =	ssyncadd.remote.s32 @!p0 $0x1  }
0xb4: {  	s26 =	simm.s32 $execute0_lowered;
	[smem:$0x3FD2] =	sst s25  }
0xb5: {  	s6 =	sshll.u32 s26, $0x1;
	_ =	strace $0x8000004F;
	[dreg:$0x1] =	wrdreg $0xFFFFFFFF  }
0xb6: {  	s28 =	simm.s32 $_size_execute0_lowered;
	s4 =	sadd.s32 s4, s6;
	[dreg:$0x0] =	wrdreg $0x0  }
0xb7: {  	s6 =	sshll.u32 s28, $0x1;
	[dreg:$0x2] =	wrdreg s4  }
0xb8: {  	[dreg:$0x3] =	wrdreg s6  }
0xb9: {  	[dreg:$0x4] =	wrdreg $0xC0  }
0xba: {  	_ =	task [dreg:s22], $0x5FFFF  }
0xbb: {  	[dreg:$0x1] =	wrdreg $0xFFFFFFFF  }
0xbc: {  	[dreg:$0x0] =	wrdreg $0x60  }
0xbd: {  	[dreg:$0x2] =	wrdreg s18  }
0xbe: {  	[dreg:$0x3] =	wrdreg s24  }
0xbf: {  	[dreg:$0x4] =	wrdreg $0xB  }
0xc0: {  	_ =	task.clear_ibuf [dreg:s22], $0x5FFFF;
	_ =	strace $0x9000004F  }
0xc1: {  	s29 =	simm.s32 $0xB;
	_ =	strace $0x80000051  }
0xc2: {  	_ =	swait.ge [sflag:s29], $0x1  }
0xc3: {  	[sflag:s29] =	ssyncadd.s32 $0xFFFFFFFF  }
0xc4: {  	_ =	strace $0x90000051  }
0xc5: {  	_ =	sfence  }
0xc6: {  	s30 =	sld [smem:$0x0];
	_ =	sdelay $0x2  }
0xc7: {  	s31 =	sshll.u32 s1, $0xD;
	s1 =	sshrl.u32 s1, $0x2  }
0xc8: {  	s4 =	sand.u32 $0x4000, s31;
	s1 =	sadd.s32 s1, s30  }
0xc9: {  	s0 =	sor.u32 s4, s0;
	s1 =	sshll.u32 s1, $0x11  }
0xca: {  	s0 =	sor.u32 s1, s0  }
0xcb: {  	s0 =	sadd.s32 $0x8F2B, s0  }
0xcc: {  	[sflag:s0] =	ssyncadd.remote.s32 $0x1  }
0xcd: {  	_ =	sfence.sel $0xFFFF  }
0xce: {  	[dreg:$0x0] =	wrdreg $0xFFFFFFFF;
	(pc) =	sbr.abs _section_cstart, $3  }
0xcf: {  	[dreg:$0x1] =	wrdreg $0xFFFFFFFF  }
0xd0: {  	_ =	task.clear_ibuf [dreg:s22], $0x2FFFF;
	_ =	strace $0x9FFFFFFF  }
0xd1: {  	(tm) =	ssettm $0x7FFFFFFF  }
tec
execute0_lowered:
.L_overlay_start_1:
0x0: {  	(tag) =	ssettag $0x1  }
0x1: {  	s2 =	rddreg [dreg:$0x0]  }
0x2: {  	s4 =	rddreg [dreg:$0x1]  }
0x3: {  	s0 =	rddreg [dreg:$0x2];
	s5 =	srdreg.scid  }
0x4: {  	s1 =	stileid.u32;
	s3 =	simm.s32 $0x0;
	s14 =	simm.s32 $0x10  }
0x5: {  	s15 =	simm.s32 $0x6580;
	s16 =	simm.s32 $0x0;
	s5 =	sand.u32 $0x1, s5  }
0x6: {  	s6 =	sshll.u32 s1, $0x1;
	[smem:$0x7FF] =	sst s3;
	s9 =	smul.u32 $0x27300, s1  }
0x7: {  	s8 =	sadd.s32 $0x9400, s4;
	s11 =	smul.u32 $0x2730, s1;
	s6 =	sor.u32 s5, s6  }
0x8: {  	s7 =	sadd.s32 $0x1D400, s4;
	s29 =	ssub.s32 $0x2, s5;
	s6 =	smul.u32 $0x1398, s6  }
0x9: {  	_ =	strace $0x80000050;
	s12 =	smul.u32 $0x1398, s5;
	s10 =	sshrl.u32 s29, $0x1  }
0xa: {  	s13 =	smul.u32 $0x13980, s5;
	s10 =	ssub.s32 s29, s10;
	s6 =	sadd.s32 $0x1388, s6  }
0xb: {  	s31 =	sadd.s32 s12, s11;
	s11 =	simm.s32 $0x100;
	s30 =	sshrl.u32 s6, $0x3  }
0xc: {  	s12 =	simm.s32 $0x1;
	s6 =	sshll.u32 s6, $0x4;
	s4 =	sadd.s32 s8, s30  }
0xd: {  	s5 =	sadd.s32 s7, s6;
	s7 =	sadd.s32 s9, s7;
	s6 =	smax.u32 s10, $0x1  }
0xe: {  	s9 =	sshrl.u32 s31, $0x3;
	s10 =	simm.s32 $0xC8;
	s7 =	sadd.s32 s13, s7  }
0xf: {  	s8 =	sadd.s32 s9, s8;
	s9 =	simm.s32 $0x2;
	s13 =	simm.s32 $0x6500  }
.LBB2_1:
0x10: {  	s17 =	sadd.s32 $0x0, s8  }
0x11: {  	[tilespmem:s3], [sflag:$0x2] =	stream.linear.gather [hbm4b:s17+s3], $0xC8, $0x38;
	[tilespmem:$0x6D80] =	vst v63  }
0x12: {  	_ =	swait.ge [sflag:s9], $0xC8  }
0x13: {  	[sflag:s9] =	ssyncset.done $0x0  }
0x14: {  	[sflag:s9] =	ssyncadd.s32 $0xFFFFFF38  }
0x15: {  	[tilespmem:s11], [sflag:$0x1] =	stream.indirect.gather [hbm4b:s2+s10], $0x80, s3, s10, $0xb8;
	[tilespmem:$0x6D80] =	vst v63  }
0x16: {  	_ =	swait.ge [sflag:s12], $0x6400  }
0x17: {  	[sflag:s12] =	ssyncset.done $0x0  }
0x18: {  	[sflag:s12] =	ssyncadd.s32 $0xFFFF9C00  }
0x19: {  	[hbm4b:s7+s3] =	stream.linear.scatter [tilespmem:s11], [sflag:$0x2], $0x6400, $0x38;
	[tilespmem:$0x6D80] =	vst v63  }
0x1a: {  	s18 =	simm.s32 $0x19;
	_ =	swait.ge [sflag:s9], $0x6400  }
0x1b: {  	s19 =	simm.s32 $0x32;
	s17 =	sadd.s32 $0xC80, s7;
	[sflag:s9] =	ssyncset.done $0x0  }
.LBB2_2:
0x1c: {  	s20 =	sadd.s32 s18, s8  }
0x1d: {  	[sflag:s9] =	ssyncadd.s32 $0xFFFF9C00;
	s18 =	smov.u32 s19;
	s21 =	sadd.s32 $0x19, s19  }
0x1e: {  	[tilespmem:s3], [sflag:$0x2] =	stream.linear.gather [hbm4b:s20+s3], $0xC8, $0x38;
	[tilespmem:$0x6D80] =	vst v63  }
0x1f: {  	p0 =	sne.s32 s19, $0x258;
	_ =	swait.ge [sflag:s9], $0xC8  }
0x20: {  	[sflag:s9] =	ssyncset.done $0x0  }
0x21: {  	[sflag:s9] =	ssyncadd.s32 $0xFFFFFF38  }
0x22: {  	[tilespmem:s11], [sflag:$0x1] =	stream.indirect.gather [hbm4b:s2+s10], $0x80, s3, s10, $0xb8;
	[tilespmem:$0x6D80] =	vst v63  }
0x23: {  	_ =	swait.ge [sflag:s12], $0x6400  }
.Ltmp0:
0x24: {  	[sflag:s12] =	ssyncset.done $0x0;
	(pc) =	sbr.rel @p0 .LBB2_2-.Ltmp0, $4  }
0x25: {  	[sflag:s12] =	ssyncadd.s32 $0xFFFF9C00  }
0x26: {  	[hbm4b:s17+s3] =	stream.linear.scatter [tilespmem:s11], [sflag:$0x2], $0x6400, $0x38;
	[tilespmem:$0x6D80] =	vst v63  }
0x27: {  	_ =	swait.ge [sflag:s9], $0x6400  }
0x28: {  	s19 =	smov.u32 s21;
	s17 =	sadd.s32 $0xC80, s17;
	[sflag:s9] =	ssyncset.done $0x0  }
0x29: {  	s18 =	sadd.s32 s18, s8;
	[sflag:s9] =	ssyncadd.s32 $0xFFFF9C00  }
0x2a: {  	[tilespmem:s3], [sflag:$0x2] =	stream.linear.gather [hbm4b:s18+s3], $0xC8, $0x38;
	[tilespmem:$0x6D80] =	vst v63  }
0x2b: {  	_ =	swait.ge [sflag:s9], $0xC8  }
0x2c: {  	[sflag:s9] =	ssyncset.done $0x0  }
0x2d: {  	[sflag:s9] =	ssyncadd.s32 $0xFFFFFF38  }
0x2e: {  	[tilespmem:s11], [sflag:$0x1] =	stream.indirect.gather [hbm4b:s2+s10], $0x80, s3, s10, $0xb8;
	[tilespmem:$0x6D80] =	vst v63  }
0x2f: {  	_ =	swait.ge [sflag:s12], $0x6400  }
0x30: {  	[sflag:s12] =	ssyncset.done $0x0  }
0x31: {  	[sflag:s12] =	ssyncadd.s32 $0xFFFF9C00  }
0x32: {  	[hbm4b:s17+s3] =	stream.linear.scatter [tilespmem:s11], [sflag:$0x2], $0x6400, $0x38;
	[tilespmem:$0x6D80] =	vst v63  }
0x33: {  	_ =	swait.ge [sflag:s9], $0x6400  }
0x34: {  	[sflag:s9] =	ssyncset.done $0x0  }
0x35: {  	[sflag:s9] =	ssyncadd.s32 $0xFFFF9C00  }
0x36: {  	[tilespmem:s13], [sflag:$0x2] =	stream.linear.gather [hbm4b:s4+s3], $0x10, $0x38;
	[tilespmem:$0x6D80] =	vst v63  }
0x37: {  	_ =	swait.ge [sflag:s9], $0x10  }
0x38: {  	[sflag:s9] =	ssyncset.done $0x0  }
0x39: {  	[sflag:s9] =	ssyncadd.s32 $0xFFFFFFF0  }
0x3a: {  	[tilespmem:s15], [sflag:$0x1] =	stream.indirect.gather [hbm4b:s2+s14], $0x80, s13, s14, $0xb8;
	[tilespmem:$0x6D80] =	vst v63  }
0x3b: {  	s16 =	sadd.s32 $0x1, s16;
	_ =	swait.ge [sflag:s12], $0x800  }
0x3c: {  	p0 =	sne.s32 s16, s6;
	[sflag:s12] =	ssyncset.done $0x0  }
.Ltmp1:
0x3d: {  	[sflag:s12] =	ssyncadd.s32 $0xFFFFF800;
	(pc) =	sbr.rel @p0 .LBB2_1-.Ltmp1, $4  }
0x3e: {  	[hbm4b:s5+s3] =	stream.linear.scatter [tilespmem:s15], [sflag:$0x2], $0x800, $0x38;
	[tilespmem:$0x6D80] =	vst v63  }
0x3f: {  	_ =	swait.ge [sflag:s9], $0x800  }
0x40: {  	[sflag:s9] =	ssyncset.done $0x0  }
0x41: {  	[sflag:s9] =	ssyncadd.s32 $0xFFFFF800  }
0x42: {  	_ =	sfence.sel $0x180000  }
0x43: {  	[bflag:$0x0] =	sbarrier.arrive $0xFFFF  }
0x44: {  	p0 =	sne.s32 s1, $0x0;
	_ =	strace $0x90000050  }
0x45: {  	s0 =	sadd.s32 @!p0 $0x100000, s0;
	[bflag:$0x2] =	sbarrier.arrive $0xFFFF  }
0x46: {  	[sflag:s0] =	ssyncadd.tile.s32 @!p0 $0x1;
	_ =	shalt  }
.Lfunc_end2:
_tile_overlayer_lowered:
.L_overlay_start_2:
0x47: {  	(tag) =	ssettag $0x2  }
0x48: {  	s0 =	rddreg [dreg:$0x0];
	s2 =	stileid.u32  }
0x49: {  	s1 =	rddreg [dreg:$0x1];
	p0 =	sne.s32 s2, $0x0  }
0x4a: {  	s3 =	rddreg [dreg:$0x2];
	[bflag:$0x3] =	sbarrier.arrive $0xFFFF;
	s2 =	simm.s32 @!p0 $0x1C02  }
0x4b: {  	[timem:s3], [sflag:s2] =	dma.local @!p0 [hbm:s0], s1  }
0x4c: {  	s0 =	simm.s32 @!p0 $0x2  }
0x4d: {  	_ =	swait.ge @!p0 [sflag:s0], s1  }
0x4e: {  	s1 =	ssub.s32 @!p0 $0x0, s1;
	[sflag:s0] =	ssyncset.done @!p0 $0x0  }
0x4f: {  	[sflag:s0] =	ssyncadd.s32 @!p0 s1  }
0x50: {  	[bflag:$0x3] =	sbarrier.arrive $0xFFFF  }
0x51: {  	_ =	shalt  }

// kernel: kernel.27.cloned.1.call-start
scs
__scs_entry_jumppad:
0x0: {  	(pc) =	sbr.rel $0x88, $3  }
0x1: {  	(tag) =	ssettag $0x0;
	lr =	simm.s32 $0x1  }
0x2: {  	[smem:$0x3F78] =	sst lr;
	_ =	strace $0xD0000000  }
0x3: {  	_ = 	snop  }
0x4: {  	_ = 	snop  }
0x5: {  	_ = 	snop  }
0x6: {  	_ = 	snop  }
0x7: {  	_ = 	snop  }
__scs_overlays_trampoline_lowered:
0x8: {  	[smem:$0x3F87] =	sst s0  }
0x9: {  	[smem:$0x3F88] =	sst s1  }
0xa: {  	[smem:$0x3F89] =	sst s2  }
0xb: {  	[smem:$0x3F8A] =	sst s3  }
0xc: {  	[smem:$0x3F8B] =	sst s4  }
0xd: {  	[smem:$0x3F8C] =	sst s5  }
0xe: {  	[smem:$0x3F8D] =	sst s6  }
0xf: {  	[smem:$0x3F8E] =	sst s7  }
0x10: {  	[smem:$0x3F8F] =	sst s8  }
0x11: {  	[smem:$0x3F90] =	sst s9;
	s0 =	simm.s32 @!p0 $0x0  }
0x12: {  	s1 =	sld [smem:$0x3F76];
	s0 =	simm.s32 @p0 $0x1  }
0x13: {  	[smem:$0x3F91] =	sst s0;
	s0 =	simm.s32 @!p1 $0x0  }
0x14: {  	s2 =	sld [smem:$0x3F75];
	s0 =	simm.s32 @p1 $0x1  }
0x15: {  	[smem:$0x3F92] =	sst s0;
	s0 =	simm.s32 @!p2 $0x0  }
0x16: {  	s3 =	sld [smem:$0x3FDB];
	s0 =	simm.s32 @p2 $0x1  }
0x17: {  	s4 =	simm.s32 $0x1BF5;
	[smem:$0x3F94] =	sst s0  }
0x18: {  	s0 =	sld [smem:$0x3F77];
	_ =	swait.ge [sflag:s4], $0x0  }
0x19: {  	s7 =	sld [smem:$0x3F78]  }
0x1a: {  	s8 =	sadd.s32 $0xFFFFE003, lr  }
0x1b: {  	s9 =	sadd.s32 $0xFFFFFEF7, lr;
	s5 =	simm.s32 $0xFFFFFFFF;
	p2 =	slt.u32 s8, $0xFFFFF086  }
0x1c: {  	p1 =	slt.u32 s9, $0xF7A;
	s5 =	simm.s32 @!p2 $0x0  }
0x1d: {  	s5 =	simm.s32 @p1 $0x1;
	p0 =	seq.s32 s7, s2  }
0x1e: {  	s7 =	smul.u32 @!p0 $0xF7A, s2;
	p2 =	seq.s32 @!p0 s5, $0x0  }
0x1f: {  	s9 =	smul.u32 $0xF7A, s1;
	s8 =	simm.s32 @!p0 $0x1BF5;
	p2 =	por !p2, p0  }
0x20: {  	[sflag:s8] =	ssyncset.s32 @!p0 $0xFFFFF086;
	s6 =	sadd.s32 @!p0 s3, s7;
	s7 =	simm.s32 @!p0 $0x108  }
0x21: {  	s3 =	sadd.s32 s3, s9;
	s6 =	sadd.s32 @!p0 $0x88, s6;
	s7 =	simm.s32 @p2 $0x1082  }
0x22: {  	[simem:s7], [sflag:s8] =	dma.local @!p0 [hbm:s6], $0xF7A  }
0x23: {  	s9 =	sor.u32 $0xD0000000, s2;
	s6 =	simm.s32 $0x108;
	_ =	swait.ge @!p0 [sflag:s8], $0x0  }
0x24: {  	s3 =	sadd.s32 $0x88, s3;
	s6 =	simm.s32 @!p1 $0x1082;
	[sflag:s4] =	ssyncset.s32 $0xFFFFF086  }
0x25: {  	[simem:s6], [sflag:s4] =	dma.local [hbm:s3], $0xF7A  }
0x26: {  	[smem:$0x3F78] =	sst s1;
	(tag) =	ssettag s2;
	_ =	strace s9  }
0x27: {  	s1 =	sld [smem:$0x3F88]  }
0x28: {  	s2 =	sld [smem:$0x3F89]  }
0x29: {  	s4 =	sld [smem:$0x3F8B]  }
0x2a: {  	p0 =	seq.s32 s5, $0x0;
	s5 =	sld [smem:$0x3F8C]  }
0x2b: {  	s6 =	sld [smem:$0x3F8D]  }
0x2c: {  	s7 =	sld [smem:$0x3F8E]  }
0x2d: {  	s3 =	simm.s32 $0x108;
	s8 =	sld [smem:$0x3F8F]  }
0x2e: {  	s3 =	simm.s32 @!p0 $0x1082;
	s9 =	sld [smem:$0x3F90]  }
0x2f: {  	lr =	sadd.s32 s0, s3;
	s0 =	sld [smem:$0x3F87]  }
0x30: {  	s3 =	sld [smem:$0x3F8A]  }
0x31: {  	[smem:$0x3F93] =	sst s10  }
0x32: {  	s10 =	sld [smem:$0x3F91];
	_ =	sdelay $0x3  }
0x33: {  	p0 =	seq.s32 s10, $0x1;
	s10 =	sld [smem:$0x3F93];
	_ =	sdelay $0x3  }
0x34: {  	[smem:$0x3F93] =	sst s10  }
0x35: {  	s10 =	sld [smem:$0x3F92];
	_ =	sdelay $0x3  }
0x36: {  	p1 =	seq.s32 s10, $0x1;
	s10 =	sld [smem:$0x3F93];
	_ =	sdelay $0x3  }
0x37: {  	[smem:$0x3F93] =	sst s10  }
0x38: {  	s10 =	sld [smem:$0x3F94]  }
0x39: {  	_ = 	snop;
	(pc) =	sbr.ind lr, $3  }
0x3a: {  	_ = 	snop  }
0x3b: {  	_ = 	snop  }
0x3c: {  	p2 =	seq.s32 s10, $0x1;
	s10 =	sld [smem:$0x3F93]  }
0x3d: {  	_ =	shalt  }
0x3e: {  	_ =	shalt  }
0x3f: {  	_ =	shalt  }
0x40: {  	_ =	shalt  }
0x41: {  	_ =	shalt  }
0x42: {  	_ =	shalt  }
0x43: {  	_ =	shalt  }
0x44: {  	_ =	shalt  }
0x45: {  	_ =	shalt  }
0x46: {  	_ =	shalt  }
0x47: {  	_ =	shalt  }
0x48: {  	_ =	shalt  }
0x49: {  	_ =	shalt  }
0x4a: {  	_ =	shalt  }
0x4b: {  	_ =	shalt  }
0x4c: {  	_ =	shalt  }
0x4d: {  	_ =	shalt  }
0x4e: {  	_ =	shalt  }
0x4f: {  	_ =	shalt  }
0x50: {  	_ =	shalt  }
0x51: {  	_ =	shalt  }
0x52: {  	_ =	shalt  }
0x53: {  	_ =	shalt  }
0x54: {  	_ =	shalt  }
0x55: {  	_ =	shalt  }
0x56: {  	_ =	shalt  }
0x57: {  	_ =	shalt  }
0x58: {  	_ =	shalt  }
0x59: {  	_ =	shalt  }
0x5a: {  	_ =	shalt  }
0x5b: {  	_ =	shalt  }
0x5c: {  	_ =	shalt  }
0x5d: {  	_ =	shalt  }
0x5e: {  	_ =	shalt  }
0x5f: {  	_ =	shalt  }
0x60: {  	_ =	shalt  }
0x61: {  	_ =	shalt  }
0x62: {  	_ =	shalt  }
0x63: {  	_ =	shalt  }
0x64: {  	_ =	shalt  }
0x65: {  	_ =	shalt  }
0x66: {  	_ =	shalt  }
0x67: {  	_ =	shalt  }
0x68: {  	_ =	shalt  }
0x69: {  	_ =	shalt  }
0x6a: {  	_ =	shalt  }
0x6b: {  	_ =	shalt  }
0x6c: {  	_ =	shalt  }
0x6d: {  	_ =	shalt  }
0x6e: {  	_ =	shalt  }
0x6f: {  	_ =	shalt  }
0x70: {  	_ =	shalt  }
0x71: {  	_ =	shalt  }
0x72: {  	_ =	shalt  }
0x73: {  	_ =	shalt  }
0x74: {  	_ =	shalt  }
0x75: {  	_ =	shalt  }
0x76: {  	_ =	shalt  }
0x77: {  	_ =	shalt  }
0x78: {  	_ =	shalt  }
0x79: {  	_ =	shalt  }
0x7a: {  	_ =	shalt  }
0x7b: {  	_ =	shalt  }
0x7c: {  	_ =	shalt  }
0x7d: {  	_ =	shalt  }
0x7e: {  	_ =	shalt  }
0x7f: {  	_ =	shalt  }
0x80: {  	_ =	shalt  }
0x81: {  	_ =	shalt  }
0x82: {  	_ =	shalt  }
0x83: {  	_ =	shalt  }
0x84: {  	_ =	shalt  }
0x85: {  	_ =	shalt  }
0x86: {  	_ =	shalt  }
0x87: {  	_ =	shalt  }
.Lfunc_end0:
.L_simem_size_0:
called_computation.4_lowered:
.L_overlay_start_0:
0x88: {  	s2 =	sld [smem:$0x3FD9]  }
0x89: {  	s3 =	sld [smem:$0x3FFE];
	_ =	sdelay $0x1  }
0x8a: {  	s1 =	srdreg.scid  }
0x8b: {  	s0 =	sand.u32 $0x1, s1  }
0x8c: {  	s17 =	sshll.u32 s0, $0xA;
	s2 =	sadd.s32 s3, s2  }
0x8d: {  	s2 =	sadd.s32 s2, s17  }
0x8e: {  	[smem:$0x3F9F] =	sst s2  }
0x8f: {  	_ = 	snop  }
0x90: {  	(tm) =	ssettm $0x1  }
0x91: {  	s18 =	sld [smem:$0x3FFB];
	_ =	sdelay $0x3  }
0x92: {  	_ =	strace s18  }
0x93: {  	s2 =	sld [smem:$0x3FFC];
	_ =	sdelay $0x3  }
0x94: {  	_ =	strace s2  }
0x95: {  	s2 =	sld [smem:$0x3FFD];
	_ =	sdelay $0x3  }
0x96: {  	_ =	strace s2  }
0x97: {  	_ =	strace $0x8FFFFFFF  }
0x98: {  	s19 =	sld [smem:$0x3FDB];
	_ =	sdelay $0x1  }
0x99: {  	s20 =	simm.s32 $_scs_section_size  }
0x9a: {  	s4 =	simm.s32 $_size__tile_overlayer_lowered;
	s5 =	simm.s32 $_tile_overlayer_lowered  }
0x9b: {  	s6 =	simm.s32 $0x1BFF;
	s21 =	sshll.u32 s5, $0x1;
	s3 =	sadd.s32 s20, s19  }
0x9c: {  	s22 =	simm.s32 $0x0;
	s4 =	sshll.u32 s4, $0x1;
	s5 =	sadd.s32 s21, s3  }
0x9d: {  	[timem:s22], [sflag:s6] =	dma.local [hbm:s5], s4  }
0x9e: {  	_ =	swait.ge [sflag:s6], s4  }
0x9f: {  	s4 =	ssub.s32 $0x0, s4;
	[sflag:s6] =	ssyncset.done $0x0  }
0xa0: {  	[sflag:s6] =	ssyncadd.s32 s4;
	_ =	sdelay $0x1  }
0xa1: {  	s23 =	simm.s32 $0x1B8B  }
0xa2: {  	_ =	swait.ge [sflag:s23], $0x1  }
0xa3: {  	[sflag:s23] =	ssyncset.done $0x0  }
0xa4: {  	[sflag:s23] =	ssyncadd.s32 $0xFFFFFFFF  }
0xa5: {  	s4 =	sld [smem:$0x0]  }
0xa6: {  	s5 =	sand.u32 $0xFFFFFFFE, s1  }
0xa7: {  	p0 =	sne.s32 s1, s5  }
0xa8: {  	s5 =	sshll.u32 @p0 s5, $0xE  }
0xa9: {  	s5 =	sadd.s32 @p0 $0x11B8D, s5;
	s6 =	sshll.u32 @p0 s4, $0x11  }
0xaa: {  	s5 =	sor.u32 @p0 s6, s5  }
0xab: {  	[sflag:s5] =	ssyncadd.remote.s32 @p0 $0x1;
	_ =	sdelay $0x1  }
0xac: {  	s5 =	simm.s32 @p0 $0x1B8D  }
0xad: {  	_ =	swait.eq @p0 [sflag:s5], $0x1  }
0xae: {  	[sflag:s5] =	ssyncadd.s32 @p0 $0xFFFFFFFF  }
0xaf: {  	s6 =	sshll.u32 @!p0 s1, $0xE  }
0xb0: {  	s6 =	sor.u32 @!p0 $0x4000, s6;
	s5 =	simm.s32 @!p0 $0x1B8D  }
0xb1: {  	s4 =	sshll.u32 @!p0 s4, $0x11;
	s6 =	sadd.s32 @!p0 $0x11B8D, s6;
	_ =	swait.eq @!p0 [sflag:s5], $0x1  }
0xb2: {  	s4 =	sor.u32 @!p0 s4, s6;
	[sflag:s5] =	ssyncadd.s32 @!p0 $0xFFFFFFFF  }
0xb3: {  	s25 =	simm.s32 $0x1B8E;
	s24 =	sld [smem:$0x3FFE];
	[sflag:s4] =	ssyncadd.remote.s32 @!p0 $0x1  }
0xb4: {  	s26 =	simm.s32 $execute0_lowered;
	[smem:$0x3FD2] =	sst s25  }
0xb5: {  	s5 =	sshll.u32 s26, $0x1;
	_ =	strace $0x80000052;
	[dreg:$0x1] =	wrdreg $0xFFFFFFFF  }
0xb6: {  	s28 =	simm.s32 $_size_execute0_lowered;
	s3 =	sadd.s32 s3, s5;
	[dreg:$0x0] =	wrdreg $0x0  }
0xb7: {  	s5 =	sshll.u32 s28, $0x1;
	[dreg:$0x2] =	wrdreg s3  }
0xb8: {  	[dreg:$0x3] =	wrdreg s5  }
0xb9: {  	[dreg:$0x4] =	wrdreg $0xC0  }
0xba: {  	_ =	task [dreg:s22], $0x5FFFF  }
0xbb: {  	[dreg:$0x1] =	wrdreg $0xFFFFFFFF  }
0xbc: {  	[dreg:$0x0] =	wrdreg $0x60  }
0xbd: {  	[dreg:$0x2] =	wrdreg s24  }
0xbe: {  	[dreg:$0x3] =	wrdreg $0xC  }
0xbf: {  	_ =	task.clear_ibuf [dreg:s22], $0x4FFFF;
	_ =	strace $0x90000052  }
0xc0: {  	s29 =	simm.s32 $0xC;
	_ =	strace $0x80000054  }
0xc1: {  	_ =	swait.ge [sflag:s29], $0x1  }
0xc2: {  	[sflag:s29] =	ssyncadd.s32 $0xFFFFFFFF  }
0xc3: {  	_ =	strace $0x90000054  }
0xc4: {  	_ =	sfence  }
0xc5: {  	s30 =	sld [smem:$0x0];
	_ =	sdelay $0x2  }
0xc6: {  	s31 =	sshll.u32 s1, $0xD;
	s1 =	sshrl.u32 s1, $0x2  }
0xc7: {  	s4 =	sand.u32 $0x4000, s31;
	s1 =	sadd.s32 s1, s30  }
0xc8: {  	s0 =	sor.u32 s4, s0;
	s1 =	sshll.u32 s1, $0x11  }
0xc9: {  	s0 =	sor.u32 s1, s0  }
0xca: {  	s0 =	sadd.s32 $0x8F2B, s0  }
0xcb: {  	[sflag:s0] =	ssyncadd.remote.s32 $0x1  }
0xcc: {  	_ =	sfence.sel $0xFFFF  }
0xcd: {  	[dreg:$0x0] =	wrdreg $0xFFFFFFFF;
	(pc) =	sbr.abs _section_cstart, $3  }
0xce: {  	[dreg:$0x1] =	wrdreg $0xFFFFFFFF  }
0xcf: {  	_ =	task.clear_ibuf [dreg:s22], $0x2FFFF;
	_ =	strace $0x9FFFFFFF  }
0xd0: {  	(tm) =	ssettm $0x7FFFFFFF  }
0xd1: {  	_ =	shalt  }
tec
execute0_lowered:
.L_overlay_start_1:
0x0: {  	(tag) =	ssettag $0x1  }
0x1: {  	s4 =	rddreg [dreg:$0x0];
	s2 =	simm.s32 $0x0  }
0x2: {  	s11 =	simm.s32 $0x900;
	[smem:$0x7FF] =	sst s2  }
0x3: {  	s12 =	simm.s32 $0x1100;
	_ =	strace $0x80000053;
	[dreg:$0x3] =	wrdreg s11  }
0x4: {  	s13 =	simm.s32 $0x1900;
	[dreg:$0x4] =	wrdreg s12  }
0x5: {  	s14 =	simm.s32 $0x2100;
	[dreg:$0x5] =	wrdreg s13  }
0x6: {  	s15 =	simm.s32 $0x2900;
	[dreg:$0x6] =	wrdreg s14  }
0x7: {  	s16 =	simm.s32 $0x3100;
	[dreg:$0x7] =	wrdreg s15  }
0x8: {  	s17 =	simm.s32 $0x3900;
	[dreg:$0x8] =	wrdreg s16  }
0x9: {  	s18 =	simm.s32 $0x4100;
	[dreg:$0x9] =	wrdreg s17  }
0xa: {  	s19 =	simm.s32 $0x4900;
	[dreg:$0xa] =	wrdreg s18  }
0xb: {  	s20 =	simm.s32 $0x5100;
	[dreg:$0xb] =	wrdreg s19  }
0xc: {  	s21 =	simm.s32 $0x5900;
	[dreg:$0xc] =	wrdreg s20  }
0xd: {  	s22 =	simm.s32 $0x6100;
	[dreg:$0xd] =	wrdreg s21  }
0xe: {  	s23 =	simm.s32 $0x6900;
	[dreg:$0xe] =	wrdreg s22  }
0xf: {  	s0 =	srdreg.scid;
	s24 =	simm.s32 $0x7100;
	[dreg:$0xf] =	wrdreg s23  }
0x10: {  	s10 =	stileid.u32;
	s25 =	simm.s32 $0x7900;
	[dreg:$0x10] =	wrdreg s24  }
0x11: {  	s9 =	simm.s32 $0x8100;
	s28 =	simm.s32 $0x17100;
	[dreg:$0x11] =	wrdreg s25  }
0x12: {  	s29 =	simm.s32 $0x17900;
	[dreg:$0x12] =	wrdreg s9;
	s11 =	simm.s32 $0x8900  }
0x13: {  	s30 =	simm.s32 $0x18100;
	s12 =	simm.s32 $0x9100;
	[dreg:$0x13] =	wrdreg s11  }
0x14: {  	s31 =	simm.s32 $0x18900;
	s13 =	simm.s32 $0x9900;
	[dreg:$0x14] =	wrdreg s12  }
0x15: {  	s0 =	sand.u32 $0x1, s0;
	s14 =	simm.s32 $0xA100;
	[dreg:$0x15] =	wrdreg s13  }
0x16: {  	s1 =	smul.u32 $0x2730, s10;
	s15 =	simm.s32 $0xA900;
	[dreg:$0x16] =	wrdreg s14  }
0x17: {  	s5 =	sadd.s32 $0x9400, s4;
	s16 =	simm.s32 $0xB100;
	[dreg:$0x17] =	wrdreg s15  }
0x18: {  	s6 =	sadd.s32 $0xED1400, s4;
	s18 =	simm.s32 $0xB900;
	[dreg:$0x18] =	wrdreg s16  }
0x19: {  	s26 =	sshll.u32 s10, $0x1;
	s19 =	simm.s32 $0xC100;
	[dreg:$0x19] =	wrdreg s18  }
0x1a: {  	s3 =	smul.u32 $0x1398, s0;
	s21 =	simm.s32 $0xC900;
	[dreg:$0x1a] =	wrdreg s19  }
0x1b: {  	s7 =	ssub.s32 $0x2, s0;
	s23 =	simm.s32 $0xD100;
	[dreg:$0x1b] =	wrdreg s21  }
0x1c: {  	s22 =	smul.u32 $0x9CC00, s10;
	s24 =	simm.s32 $0xD900;
	[dreg:$0x1c] =	wrdreg s23  }
0x1d: {  	s25 =	simm.s32 $0xE100;
	s10 =	simm.s32 $0x100;
	[dreg:$0x1d] =	wrdreg s24  }
0x1e: {  	s8 =	sshrl.u32 s7, $0x1;
	[dreg:$0x1e] =	wrdreg s25;
	s11 =	simm.s32 $0xF100  }
0x1f: {  	s12 =	simm.s32 $0xF900;
	s13 =	simm.s32 $0x10100;
	s14 =	simm.s32 $0x10900  }
0x20: {  	s15 =	simm.s32 $0x11100;
	s16 =	simm.s32 $0x11900;
	s18 =	simm.s32 $0x12900  }
0x21: {  	s19 =	simm.s32 $0x13100;
	s21 =	simm.s32 $0x14100;
	s23 =	simm.s32 $0x15100  }
0x22: {  	s24 =	simm.s32 $0x15900;
	s1 =	sadd.s32 s3, s1;
	s3 =	sadd.s32 $0xC60400, s4  }
0x23: {  	s7 =	ssub.s32 s7, s8;
	s8 =	sor.u32 s0, s26;
	s0 =	smul.u32 $0x4E600, s0  }
0x24: {  	s25 =	simm.s32 $0x16100;
	s4 =	sadd.s32 $0xC60500, s4;
	s8 =	smul.u32 $0x1398, s8  }
0x25: {  	s26 =	simm.s32 $0xE900;
	s1 =	sshrl.u32 s1, $0x3;
	s20 =	smax.u32 s7, $0x1  }
0x26: {  	[dreg:$0x1f] =	wrdreg s26;
	s26 =	simm.s32 $0x16900;
	s8 =	sadd.s32 $0x1388, s8  }
0x27: {  	s1 =	sadd.s32 s1, s5;
	[smem:$0x7FC] =	sst s20;
	s9 =	sshrl.u32 s8, $0x3  }
0x28: {  	[dreg:$0x2] =	wrdreg s1;
	s17 =	sshll.u32 s8, $0x6;
	s5 =	sadd.s32 s5, s9  }
0x29: {  	s20 =	simm.s32 $0x13900;
	[smem:$0x7FA] =	sst s5;
	s5 =	sadd.s32 s6, s17  }
0x2a: {  	v2 =	vlaneseq.u32;
	s1 =	simm.s32 $0x1;
	[smem:$0x7FB] =	sst s5;
	s5 =	sadd.s32 s22, s6  }
0x2b: {  	vm0 =	vmmov $0xffff;
	v1 =	vshrl.u32 v2, $0x3;
	s9 =	simm.s32 $0x2;
	s17 =	simm.s32 $0x12100;
	s0 =	sadd.s32 s0, s5  }
0x2c: {  	v0 =	vand.u32 $0x7, v2;
	v2 =	vor.u32 $0x8, v2;
	v1 =	vmul.u32 $0x8, v1;
	s22 =	simm.s32 $0x14900;
	s5 =	simm.s32 $0x0;
	[smem:$0x7FD] =	sst s0  }
.LBB2_1:
0x2d: {  	s8 =	sld [smem:$0x7FD];
	s7 =	simm.s32 $0x0  }
.LBB2_2:
0x2e: {  	s6 =	rddreg [dreg:$0x2]  }
0x2f: {  	s6 =	sadd.s32 s7, s6  }
0x30: {  	[tilespmem:s2], [sflag:$0x2] =	stream.linear.gather [hbm4b:s6+s2], $0xC8, $0x38;
	[tilespmem:$0x1B180] =	vst v63  }
0x31: {  	_ =	swait.ge [sflag:s9], $0xC8  }
0x32: {  	[sflag:s9] =	ssyncset.done $0x0  }
0x33: {  	[sflag:s9] =	ssyncadd.s32 $0xFFFFFF38  }
0x34: {  	v3 =	vld [tilespmem:$0x0];
	_ =	sdelay $0x4  }
0x35: {  	v4 =	vshll.u32 v3, $0x2  }
0x36: {  	v3 =	vand.u32 $0x7, v3;
	v4 =	vand.u32 $0xFFFFFFE0, v4  }
0x37: {  	v3 =	vor.u32 v3, v4  }
0x38: {  	v4 =	vperm.xlane v3, v0;
	_ =	sdelay $0x1  }
0x39: {  	v4 =	vadd.s32 v1, v4;
	_ =	sdelay $0x1  }
0x3a: {  	v3 =	vperm.xlane v3, v2;
	_ =	sdelay $0x1  }
0x3b: {  	v3 =	vadd.s32 v1, v3  }
0x3c: {  	[tilespmem:s10], [sflag:$0x1] =	stream.indirect_vreg.gather [hbm4b:s3+s2], $0x80, v4, vm0, $0xb8;
	[tilespmem:$0x1B180] =	vst v63  }
0x3d: {  	s6 =	rddreg [dreg:$0x3]  }
0x3e: {  	[tilespmem:s6], [sflag:$0x1] =	stream.indirect_vreg.gather [hbm4b:s4+s2], $0x80, v4, vm0, $0xb8;
	[tilespmem:$0x1B180] =	vst v63  }
0x3f: {  	s0 =	rddreg [dreg:$0x4]  }
0x40: {  	[tilespmem:s0], [sflag:$0x1] =	stream.indirect_vreg.gather [hbm4b:s3+s2], $0x80, v3, vm0, $0xb8;
	[tilespmem:$0x1B180] =	vst v63  }
0x41: {  	s6 =	rddreg [dreg:$0x5]  }
0x42: {  	[tilespmem:s6], [sflag:$0x1] =	stream.indirect_vreg.gather [hbm4b:s4+s2], $0x80, v3, vm0, $0xb8;
	[tilespmem:$0x1B180] =	vst v63  }
0x43: {  	v3 =	vld [tilespmem:$0x10];
	_ =	sdelay $0x4  }
0x44: {  	v52 =	vshll.u32 v3, $0x2  }
0x45: {  	v3 =	vand.u32 $0x7, v3;
	v4 =	vand.u32 $0xFFFFFFE0, v52  }
0x46: {  	v3 =	vor.u32 v3, v4  }
0x47: {  	v4 =	vperm.xlane v3, v0;
	_ =	sdelay $0x1  }
0x48: {  	v4 =	vadd.s32 v1, v4;
	_ =	sdelay $0x1  }
0x49: {  	v3 =	vperm.xlane v3, v2;
	_ =	sdelay $0x1  }
0x4a: {  	s0 =	rddreg [dreg:$0x6];
	v3 =	vadd.s32 v1, v3  }
0x4b: {  	[tilespmem:s0], [sflag:$0x1] =	stream.indirect_vreg.gather [hbm4b:s3+s2], $0x80, v4, vm0, $0xb8;
	[tilespmem:$0x1B180] =	vst v63  }
0x4c: {  	s6 =	rddreg [dreg:$0x7]  }
0x4d: {  	[tilespmem:s6], [sflag:$0x1] =	stream.indirect_vreg.gather [hbm4b:s4+s2], $0x80, v4, vm0, $0xb8;
	[tilespmem:$0x1B180] =	vst v63  }
0x4e: {  	s0 =	rddreg [dreg:$0x8]  }
0x4f: {  	[tilespmem:s0], [sflag:$0x1] =	stream.indirect_vreg.gather [hbm4b:s3+s2], $0x80, v3, vm0, $0xb8;
	[tilespmem:$0x1B180] =	vst v63  }
0x50: {  	s6 =	rddreg [dreg:$0x9]  }
0x51: {  	[tilespmem:s6], [sflag:$0x1] =	stream.indirect_vreg.gather [hbm4b:s4+s2], $0x80, v3, vm0, $0xb8;
	[tilespmem:$0x1B180] =	vst v63  }
0x52: {  	v3 =	vld [tilespmem:$0x20];
	_ =	sdelay $0x4  }
0x53: {  	v53 =	vshll.u32 v3, $0x2  }
0x54: {  	v3 =	vand.u32 $0x7, v3;
	v4 =	vand.u32 $0xFFFFFFE0, v53  }
0x55: {  	v3 =	vor.u32 v3, v4  }
0x56: {  	v4 =	vperm.xlane v3, v0;
	_ =	sdelay $0x1  }
0x57: {  	v4 =	vadd.s32 v1, v4;
	_ =	sdelay $0x1  }
0x58: {  	v3 =	vperm.xlane v3, v2;
	_ =	sdelay $0x1  }
0x59: {  	s0 =	rddreg [dreg:$0xa];
	v3 =	vadd.s32 v1, v3  }
0x5a: {  	[tilespmem:s0], [sflag:$0x1] =	stream.indirect_vreg.gather [hbm4b:s3+s2], $0x80, v4, vm0, $0xb8;
	[tilespmem:$0x1B180] =	vst v63  }
0x5b: {  	s6 =	rddreg [dreg:$0xb]  }
0x5c: {  	[tilespmem:s6], [sflag:$0x1] =	stream.indirect_vreg.gather [hbm4b:s4+s2], $0x80, v4, vm0, $0xb8;
	[tilespmem:$0x1B180] =	vst v63  }
0x5d: {  	s0 =	rddreg [dreg:$0xc]  }
0x5e: {  	[tilespmem:s0], [sflag:$0x1] =	stream.indirect_vreg.gather [hbm4b:s3+s2], $0x80, v3, vm0, $0xb8;
	[tilespmem:$0x1B180] =	vst v63  }
0x5f: {  	s6 =	rddreg [dreg:$0xd]  }
0x60: {  	[tilespmem:s6], [sflag:$0x1] =	stream.indirect_vreg.gather [hbm4b:s4+s2], $0x80, v3, vm0, $0xb8;
	[tilespmem:$0x1B180] =	vst v63  }
0x61: {  	v3 =	vld [tilespmem:$0x30];
	_ =	sdelay $0x4  }
0x62: {  	v54 =	vshll.u32 v3, $0x2  }
0x63: {  	v3 =	vand.u32 $0x7, v3;
	v4 =	vand.u32 $0xFFFFFFE0, v54  }
0x64: {  	v3 =	vor.u32 v3, v4  }
0x65: {  	v4 =	vperm.xlane v3, v0;
	_ =	sdelay $0x1  }
0x66: {  	v4 =	vadd.s32 v1, v4;
	_ =	sdelay $0x1  }
0x67: {  	v3 =	vperm.xlane v3, v2;
	_ =	sdelay $0x1  }
0x68: {  	s0 =	rddreg [dreg:$0xe];
	v3 =	vadd.s32 v1, v3  }
0x69: {  	[tilespmem:s0], [sflag:$0x1] =	stream.indirect_vreg.gather [hbm4b:s3+s2], $0x80, v4, vm0, $0xb8;
	[tilespmem:$0x1B180] =	vst v63  }
0x6a: {  	s6 =	rddreg [dreg:$0xf]  }
0x6b: {  	[tilespmem:s6], [sflag:$0x1] =	stream.indirect_vreg.gather [hbm4b:s4+s2], $0x80, v4, vm0, $0xb8;
	[tilespmem:$0x1B180] =	vst v63  }
0x6c: {  	s0 =	rddreg [dreg:$0x10]  }
0x6d: {  	[tilespmem:s0], [sflag:$0x1] =	stream.indirect_vreg.gather [hbm4b:s3+s2], $0x80, v3, vm0, $0xb8;
	[tilespmem:$0x1B180] =	vst v63  }
0x6e: {  	s6 =	rddreg [dreg:$0x11]  }
0x6f: {  	[tilespmem:s6], [sflag:$0x1] =	stream.indirect_vreg.gather [hbm4b:s4+s2], $0x80, v3, vm0, $0xb8;
	[tilespmem:$0x1B180] =	vst v63  }
0x70: {  	v3 =	vld [tilespmem:$0x40];
	_ =	sdelay $0x4  }
0x71: {  	v55 =	vshll.u32 v3, $0x2  }
0x72: {  	v3 =	vand.u32 $0x7, v3;
	v4 =	vand.u32 $0xFFFFFFE0, v55  }
0x73: {  	v3 =	vor.u32 v3, v4  }
0x74: {  	v4 =	vperm.xlane v3, v0;
	_ =	sdelay $0x1  }
0x75: {  	v4 =	vadd.s32 v1, v4;
	_ =	sdelay $0x1  }
0x76: {  	v3 =	vperm.xlane v3, v2;
	_ =	sdelay $0x1  }
0x77: {  	s0 =	rddreg [dreg:$0x12];
	v3 =	vadd.s32 v1, v3  }
0x78: {  	[tilespmem:s0], [sflag:$0x1] =	stream.indirect_vreg.gather [hbm4b:s3+s2], $0x80, v4, vm0, $0xb8;
	[tilespmem:$0x1B180] =	vst v63  }
0x79: {  	s6 =	rddreg [dreg:$0x13]  }
0x7a: {  	[tilespmem:s6], [sflag:$0x1] =	stream.indirect_vreg.gather [hbm4b:s4+s2], $0x80, v4, vm0, $0xb8;
	[tilespmem:$0x1B180] =	vst v63  }
0x7b: {  	s0 =	rddreg [dreg:$0x14]  }
0x7c: {  	[tilespmem:s0], [sflag:$0x1] =	stream.indirect_vreg.gather [hbm4b:s3+s2], $0x80, v3, vm0, $0xb8;
	[tilespmem:$0x1B180] =	vst v63  }
0x7d: {  	s6 =	rddreg [dreg:$0x15]  }
0x7e: {  	[tilespmem:s6], [sflag:$0x1] =	stream.indirect_vreg.gather [hbm4b:s4+s2], $0x80, v3, vm0, $0xb8;
	[tilespmem:$0x1B180] =	vst v63  }
0x7f: {  	v3 =	vld [tilespmem:$0x50];
	_ =	sdelay $0x4  }
0x80: {  	v56 =	vshll.u32 v3, $0x2  }
0x81: {  	v3 =	vand.u32 $0x7, v3;
	v4 =	vand.u32 $0xFFFFFFE0, v56  }
0x82: {  	v3 =	vor.u32 v3, v4  }
0x83: {  	v4 =	vperm.xlane v3, v0;
	_ =	sdelay $0x1  }
0x84: {  	v4 =	vadd.s32 v1, v4;
	_ =	sdelay $0x1  }
0x85: {  	v3 =	vperm.xlane v3, v2;
	_ =	sdelay $0x1  }
0x86: {  	s0 =	rddreg [dreg:$0x16];
	v3 =	vadd.s32 v1, v3  }
0x87: {  	[tilespmem:s0], [sflag:$0x1] =	stream.indirect_vreg.gather [hbm4b:s3+s2], $0x80, v4, vm0, $0xb8;
	[tilespmem:$0x1B180] =	vst v63  }
0x88: {  	s6 =	rddreg [dreg:$0x17]  }
0x89: {  	[tilespmem:s6], [sflag:$0x1] =	stream.indirect_vreg.gather [hbm4b:s4+s2], $0x80, v4, vm0, $0xb8;
	[tilespmem:$0x1B180] =	vst v63  }
0x8a: {  	s0 =	rddreg [dreg:$0x18]  }
0x8b: {  	[tilespmem:s0], [sflag:$0x1] =	stream.indirect_vreg.gather [hbm4b:s3+s2], $0x80, v3, vm0, $0xb8;
	[tilespmem:$0x1B180] =	vst v63  }
0x8c: {  	s6 =	rddreg [dreg:$0x19]  }
0x8d: {  	[tilespmem:s6], [sflag:$0x1] =	stream.indirect_vreg.gather [hbm4b:s4+s2], $0x80, v3, vm0, $0xb8;
	[tilespmem:$0x1B180] =	vst v63  }
0x8e: {  	v3 =	vld [tilespmem:$0x60];
	_ =	sdelay $0x4  }
0x8f: {  	v57 =	vshll.u32 v3, $0x2  }
0x90: {  	v3 =	vand.u32 $0x7, v3;
	v4 =	vand.u32 $0xFFFFFFE0, v57  }
0x91: {  	v3 =	vor.u32 v3, v4  }
0x92: {  	v4 =	vperm.xlane v3, v0;
	_ =	sdelay $0x1  }
0x93: {  	v4 =	vadd.s32 v1, v4;
	_ =	sdelay $0x1  }
0x94: {  	v3 =	vperm.xlane v3, v2;
	_ =	sdelay $0x1  }
0x95: {  	s0 =	rddreg [dreg:$0x1a];
	v3 =	vadd.s32 v1, v3  }
0x96: {  	[tilespmem:s0], [sflag:$0x1] =	stream.indirect_vreg.gather [hbm4b:s3+s2], $0x80, v4, vm0, $0xb8;
	[tilespmem:$0x1B180] =	vst v63  }
0x97: {  	s6 =	rddreg [dreg:$0x1b]  }
0x98: {  	[tilespmem:s6], [sflag:$0x1] =	stream.indirect_vreg.gather [hbm4b:s4+s2], $0x80, v4, vm0, $0xb8;
	[tilespmem:$0x1B180] =	vst v63  }
0x99: {  	s0 =	rddreg [dreg:$0x1c]  }
0x9a: {  	[tilespmem:s0], [sflag:$0x1] =	stream.indirect_vreg.gather [hbm4b:s3+s2], $0x80, v3, vm0, $0xb8;
	[tilespmem:$0x1B180] =	vst v63  }
0x9b: {  	s6 =	rddreg [dreg:$0x1d]  }
0x9c: {  	[tilespmem:s6], [sflag:$0x1] =	stream.indirect_vreg.gather [hbm4b:s4+s2], $0x80, v3, vm0, $0xb8;
	[tilespmem:$0x1B180] =	vst v63  }
0x9d: {  	v3 =	vld [tilespmem:$0x70];
	_ =	sdelay $0x4  }
0x9e: {  	v58 =	vshll.u32 v3, $0x2  }
0x9f: {  	v3 =	vand.u32 $0x7, v3;
	v4 =	vand.u32 $0xFFFFFFE0, v58  }
0xa0: {  	v3 =	vor.u32 v3, v4  }
0xa1: {  	v4 =	vperm.xlane v3, v0;
	_ =	sdelay $0x1  }
0xa2: {  	v4 =	vadd.s32 v1, v4;
	_ =	sdelay $0x1  }
0xa3: {  	v3 =	vperm.xlane v3, v2;
	_ =	sdelay $0x1  }
0xa4: {  	s0 =	rddreg [dreg:$0x1e];
	v3 =	vadd.s32 v1, v3  }
0xa5: {  	[tilespmem:s0], [sflag:$0x1] =	stream.indirect_vreg.gather [hbm4b:s3+s2], $0x80, v4, vm0, $0xb8;
	[tilespmem:$0x1B180] =	vst v63  }
0xa6: {  	s6 =	rddreg [dreg:$0x1f]  }
0xa7: {  	[tilespmem:s6], [sflag:$0x1] =	stream.indirect_vreg.gather [hbm4b:s4+s2], $0x80, v4, vm0, $0xb8;
	[tilespmem:$0x1B180] =	vst v63  }
0xa8: {  	_ = 	snop  }
0xa9: {  	[tilespmem:s11], [sflag:$0x1] =	stream.indirect_vreg.gather [hbm4b:s3+s2], $0x80, v3, vm0, $0xb8;
	[tilespmem:$0x1B180] =	vst v63  }
0xaa: {  	_ = 	snop  }
0xab: {  	[tilespmem:s12], [sflag:$0x1] =	stream.indirect_vreg.gather [hbm4b:s4+s2], $0x80, v3, vm0, $0xb8;
	[tilespmem:$0x1B180] =	vst v63  }
0xac: {  	v3 =	vld [tilespmem:$0x80];
	_ =	sdelay $0x4  }
0xad: {  	v59 =	vshll.u32 v3, $0x2  }
0xae: {  	v3 =	vand.u32 $0x7, v3;
	v4 =	vand.u32 $0xFFFFFFE0, v59  }
0xaf: {  	v3 =	vor.u32 v3, v4  }
0xb0: {  	v4 =	vperm.xlane v3, v0;
	_ =	sdelay $0x1  }
0xb1: {  	v4 =	vadd.s32 v1, v4;
	_ =	sdelay $0x1  }
0xb2: {  	v3 =	vperm.xlane v3, v2;
	_ =	sdelay $0x1  }
0xb3: {  	v3 =	vadd.s32 v1, v3  }
0xb4: {  	[tilespmem:s13], [sflag:$0x1] =	stream.indirect_vreg.gather [hbm4b:s3+s2], $0x80, v4, vm0, $0xb8;
	[tilespmem:$0x1B180] =	vst v63  }
0xb5: {  	_ = 	snop  }
0xb6: {  	[tilespmem:s14], [sflag:$0x1] =	stream.indirect_vreg.gather [hbm4b:s4+s2], $0x80, v4, vm0, $0xb8;
	[tilespmem:$0x1B180] =	vst v63  }
0xb7: {  	_ = 	snop  }
0xb8: {  	[tilespmem:s15], [sflag:$0x1] =	stream.indirect_vreg.gather [hbm4b:s3+s2], $0x80, v3, vm0, $0xb8;
	[tilespmem:$0x1B180] =	vst v63  }
0xb9: {  	_ = 	snop  }
0xba: {  	[tilespmem:s16], [sflag:$0x1] =	stream.indirect_vreg.gather [hbm4b:s4+s2], $0x80, v3, vm0, $0xb8;
	[tilespmem:$0x1B180] =	vst v63  }
0xbb: {  	v3 =	vld [tilespmem:$0x90];
	_ =	sdelay $0x4  }
0xbc: {  	v60 =	vshll.u32 v3, $0x2  }
0xbd: {  	v3 =	vand.u32 $0x7, v3;
	v4 =	vand.u32 $0xFFFFFFE0, v60  }
0xbe: {  	v3 =	vor.u32 v3, v4  }
0xbf: {  	v4 =	vperm.xlane v3, v0;
	_ =	sdelay $0x1  }
0xc0: {  	v4 =	vadd.s32 v1, v4;
	_ =	sdelay $0x1  }
0xc1: {  	v3 =	vperm.xlane v3, v2;
	_ =	sdelay $0x1  }
0xc2: {  	v3 =	vadd.s32 v1, v3  }
0xc3: {  	[tilespmem:s17], [sflag:$0x1] =	stream.indirect_vreg.gather [hbm4b:s3+s2], $0x80, v4, vm0, $0xb8;
	[tilespmem:$0x1B180] =	vst v63  }
0xc4: {  	_ = 	snop  }
0xc5: {  	[tilespmem:s18], [sflag:$0x1] =	stream.indirect_vreg.gather [hbm4b:s4+s2], $0x80, v4, vm0, $0xb8;
	[tilespmem:$0x1B180] =	vst v63  }
0xc6: {  	_ = 	snop  }
0xc7: {  	[tilespmem:s19], [sflag:$0x1] =	stream.indirect_vreg.gather [hbm4b:s3+s2], $0x80, v3, vm0, $0xb8;
	[tilespmem:$0x1B180] =	vst v63  }
0xc8: {  	_ = 	snop  }
0xc9: {  	[tilespmem:s20], [sflag:$0x1] =	stream.indirect_vreg.gather [hbm4b:s4+s2], $0x80, v3, vm0, $0xb8;
	[tilespmem:$0x1B180] =	vst v63  }
0xca: {  	v3 =	vld [tilespmem:$0xA0];
	_ =	sdelay $0x4  }
0xcb: {  	v61 =	vshll.u32 v3, $0x2  }
0xcc: {  	v3 =	vand.u32 $0x7, v3;
	v4 =	vand.u32 $0xFFFFFFE0, v61  }
0xcd: {  	v3 =	vor.u32 v3, v4  }
0xce: {  	v4 =	vperm.xlane v3, v0;
	_ =	sdelay $0x1  }
0xcf: {  	v4 =	vadd.s32 v1, v4;
	_ =	sdelay $0x1  }
0xd0: {  	v3 =	vperm.xlane v3, v2;
	_ =	sdelay $0x1  }
0xd1: {  	v3 =	vadd.s32 v1, v3  }
0xd2: {  	[tilespmem:s21], [sflag:$0x1] =	stream.indirect_vreg.gather [hbm4b:s3+s2], $0x80, v4, vm0, $0xb8;
	[tilespmem:$0x1B180] =	vst v63  }
0xd3: {  	_ = 	snop  }
0xd4: {  	[tilespmem:s22], [sflag:$0x1] =	stream.indirect_vreg.gather [hbm4b:s4+s2], $0x80, v4, vm0, $0xb8;
	[tilespmem:$0x1B180] =	vst v63  }
0xd5: {  	_ = 	snop  }
0xd6: {  	[tilespmem:s23], [sflag:$0x1] =	stream.indirect_vreg.gather [hbm4b:s3+s2], $0x80, v3, vm0, $0xb8;
	[tilespmem:$0x1B180] =	vst v63  }
0xd7: {  	_ = 	snop  }
0xd8: {  	[tilespmem:s24], [sflag:$0x1] =	stream.indirect_vreg.gather [hbm4b:s4+s2], $0x80, v3, vm0, $0xb8;
	[tilespmem:$0x1B180] =	vst v63  }
0xd9: {  	v3 =	vld [tilespmem:$0xB0];
	_ =	sdelay $0x4  }
0xda: {  	v62 =	vshll.u32 v3, $0x2  }
0xdb: {  	v3 =	vand.u32 $0x7, v3;
	v4 =	vand.u32 $0xFFFFFFE0, v62  }
0xdc: {  	v3 =	vor.u32 v3, v4  }
0xdd: {  	v4 =	vperm.xlane v3, v0;
	_ =	sdelay $0x1  }
0xde: {  	v4 =	vadd.s32 v1, v4;
	_ =	sdelay $0x1  }
0xdf: {  	v3 =	vperm.xlane v3, v2;
	_ =	sdelay $0x1  }
0xe0: {  	v3 =	vadd.s32 v1, v3  }
0xe1: {  	[tilespmem:s25], [sflag:$0x1] =	stream.indirect_vreg.gather [hbm4b:s3+s2], $0x80, v4, vm0, $0xb8;
	[tilespmem:$0x1B180] =	vst v63  }
0xe2: {  	_ = 	snop  }
0xe3: {  	[tilespmem:s26], [sflag:$0x1] =	stream.indirect_vreg.gather [hbm4b:s4+s2], $0x80, v4, vm0, $0xb8;
	[tilespmem:$0x1B180] =	vst v63  }
0xe4: {  	_ = 	snop  }
0xe5: {  	[tilespmem:s28], [sflag:$0x1] =	stream.indirect_vreg.gather [hbm4b:s3+s2], $0x80, v3, vm0, $0xb8;
	[tilespmem:$0x1B180] =	vst v63  }
0xe6: {  	_ = 	snop  }
0xe7: {  	[tilespmem:s29], [sflag:$0x1] =	stream.indirect_vreg.gather [hbm4b:s4+s2], $0x80, v3, vm0, $0xb8;
	[tilespmem:$0x1B180] =	vst v63  }
0xe8: {  	v3 =	vld.msk [tilespmem:$0xC0], $0xff;
	_ =	sdelay $0x4  }
0xe9: {  	v63 =	vshll.u32 v3, $0x2  }
0xea: {  	v3 =	vand.u32 $0x7, v3;
	v4 =	vand.u32 $0xFFFFFFE0, v63  }
0xeb: {  	v3 =	vor.u32 v3, v4  }
0xec: {  	v3 =	vperm.xlane v3, v0;
	_ =	sdelay $0x1  }
0xed: {  	v3 =	vadd.s32 v1, v3;
	_ =	sdelay $0x4  }
0xee: {  	[tilespmem:s30], [sflag:$0x1] =	stream.indirect_vreg.gather [hbm4b:s3+s2], $0x80, v3, vm0, $0xb8;
	[tilespmem:$0x1B180] =	vst v63  }
0xef: {  	_ = 	snop  }
0xf0: {  	[tilespmem:s31], [sflag:$0x1] =	stream.indirect_vreg.gather [hbm4b:s4+s2], $0x80, v3, vm0, $0xb8;
	[tilespmem:$0x1B180] =	vst v63  }
0xf1: {  	_ =	swait.ge [sflag:s1], $0x19000  }
0xf2: {  	p0 =	sne.s32 s7, $0x258;
	[sflag:s1] =	ssyncset.done $0x0  }
.Ltmp0:
0xf3: {  	[sflag:s1] =	ssyncadd.s32 $0xFFFE7000;
	(pc) =	sbr.rel @p0 .LBB2_2-.Ltmp0, $4  }
0xf4: {  	[hbm4b:s8+s2] =	stream.linear.scatter [tilespmem:s10], [sflag:$0x2], $0x19000, $0x38;
	[tilespmem:$0x1B180] =	vst v63  }
0xf5: {  	_ =	swait.ge [sflag:s9], $0x19000  }
0xf6: {  	[sflag:s9] =	ssyncset.done $0x0  }
0xf7: {  	s7 =	sadd.s32 $0x19, s7;
	s8 =	sadd.s32 $0x3200, s8;
	[sflag:s9] =	ssyncadd.s32 $0xFFFE7000  }
0xf8: {  	s0 =	sld [smem:$0x7FA];
	_ =	sdelay $0x1  }
0xf9: {  	s6 =	simm.s32 $0x19100  }
0xfa: {  	[tilespmem:s6], [sflag:$0x2] =	stream.linear.gather [hbm4b:s0+s2], $0x10, $0x38;
	[tilespmem:$0x1B180] =	vst v63  }
0xfb: {  	_ =	swait.ge [sflag:s9], $0x10  }
0xfc: {  	[sflag:s9] =	ssyncset.done $0x0  }
0xfd: {  	[sflag:s9] =	ssyncadd.s32 $0xFFFFFFF0  }
0xfe: {  	v3 =	vld [tilespmem:$0x19100];
	_ =	sdelay $0x4  }
0xff: {  	v4 =	vshll.u32 v3, $0x2  }
0x100: {  	v3 =	vand.u32 $0x7, v3;
	v4 =	vand.u32 $0xFFFFFFE0, v4  }
0x101: {  	v3 =	vor.u32 v3, v4  }
0x102: {  	v4 =	vperm.xlane v3, v0;
	_ =	sdelay $0x1  }
0x103: {  	v4 =	vadd.s32 v1, v4;
	_ =	sdelay $0x1  }
0x104: {  	v3 =	vperm.xlane v3, v2;
	_ =	sdelay $0x1  }
0x105: {  	s6 =	simm.s32 $0x19180;
	v3 =	vadd.s32 v1, v3  }
0x106: {  	[tilespmem:s6], [sflag:$0x1] =	stream.indirect_vreg.gather [hbm4b:s3+s2], $0x80, v4, vm0, $0xb8;
	[tilespmem:$0x1B180] =	vst v63  }
0x107: {  	s8 =	simm.s32 $0x19980  }
0x108: {  	[tilespmem:s8], [sflag:$0x1] =	stream.indirect_vreg.gather [hbm4b:s4+s2], $0x80, v4, vm0, $0xb8;
	[tilespmem:$0x1B180] =	vst v63  }
0x109: {  	s7 =	simm.s32 $0x1A180  }
0x10a: {  	[tilespmem:s7], [sflag:$0x1] =	stream.indirect_vreg.gather [hbm4b:s3+s2], $0x80, v3, vm0, $0xb8;
	[tilespmem:$0x1B180] =	vst v63  }
0x10b: {  	s8 =	simm.s32 $0x1A980  }
0x10c: {  	[tilespmem:s8], [sflag:$0x1] =	stream.indirect_vreg.gather [hbm4b:s4+s2], $0x80, v3, vm0, $0xb8;
	[tilespmem:$0x1B180] =	vst v63  }
0x10d: {  	_ =	swait.ge [sflag:s1], $0x2000  }
0x10e: {  	s7 =	sld [smem:$0x7FB]  }
0x10f: {  	[sflag:s1] =	ssyncset.done $0x0  }
0x110: {  	[sflag:s1] =	ssyncadd.s32 $0xFFFFE000  }
0x111: {  	[hbm4b:s7+s2] =	stream.linear.scatter [tilespmem:s6], [sflag:$0x2], $0x2000, $0x38;
	[tilespmem:$0x1B180] =	vst v63  }
0x112: {  	_ =	swait.ge [sflag:s9], $0x2000  }
0x113: {  	s8 =	sld [smem:$0x7FC];
	_ =	sdelay $0x1  }
0x114: {  	s5 =	sadd.s32 $0x1, s5  }
0x115: {  	p0 =	sne.s32 s5, s8  }
.Ltmp1:
0x116: {  	_ = 	snop;
	(pc) =	sbr.rel @p0 .LBB2_1-.Ltmp1, $3  }
0x117: {  	_ =	sdelay $0x1  }
0x118: {  	[sflag:s9] =	ssyncset.done $0x0  }
0x119: {  	[sflag:s9] =	ssyncadd.s32 $0xFFFFE000  }
0x11a: {  	_ =	sfence.sel $0x180000  }
0x11b: {  	[bflag:$0x0] =	sbarrier.arrive $0xFFFF  }
0x11c: {  	_ =	strace $0x90000053  }
0x11d: {  	s0 =	stileid.u32;
	[bflag:$0x2] =	sbarrier.arrive $0xFFFF  }
0x11e: {  	p0 =	sne.s32 s0, $0x0;
	s0 =	rddreg [dreg:$0x1]  }
0x11f: {  	s0 =	sadd.s32 @!p0 $0x100000, s0  }
0x120: {  	[sflag:s0] =	ssyncadd.tile.s32 @!p0 $0x1;
	_ =	shalt  }
.Lfunc_end2:
_tile_overlayer_lowered:
.L_overlay_start_2:
0x121: {  	(tag) =	ssettag $0x2  }
0x122: {  	s0 =	rddreg [dreg:$0x0];
	s2 =	stileid.u32  }
0x123: {  	s1 =	rddreg [dreg:$0x1];
	p0 =	sne.s32 s2, $0x0  }
0x124: {  	s3 =	rddreg [dreg:$0x2];
	[bflag:$0x3] =	sbarrier.arrive $0xFFFF;
	s2 =	simm.s32 @!p0 $0x1C02  }
0x125: {  	[timem:s3], [sflag:s2] =	dma.local @!p0 [hbm:s0], s1  }
0x126: {  	s0 =	simm.s32 @!p0 $0x2  }
0x127: {  	_ =	swait.ge @!p0 [sflag:s0], s1  }
0x128: {  	s1 =	ssub.s32 @!p0 $0x0, s1;
	[sflag:s0] =	ssyncset.done @!p0 $0x0  }
0x129: {  	[sflag:s0] =	ssyncadd.s32 @!p0 s1  }
0x12a: {  	[bflag:$0x3] =	sbarrier.arrive $0xFFFF  }
0x12b: {  	_ =	shalt  }

// kernel: kernel.30.cloned.1.call-start
scs
__scs_entry_jumppad:
0x0: {  	(pc) =	sbr.rel $0x88, $3  }
0x1: {  	(tag) =	ssettag $0x0;
	lr =	simm.s32 $0x1  }
0x2: {  	[smem:$0x3F78] =	sst lr;
	_ =	strace $0xD0000000  }
0x3: {  	_ = 	snop  }
0x4: {  	_ = 	snop  }
0x5: {  	_ = 	snop  }
0x6: {  	_ = 	snop  }
0x7: {  	_ = 	snop  }
__scs_overlays_trampoline_lowered:
0x8: {  	[smem:$0x3F87] =	sst s0  }
0x9: {  	[smem:$0x3F88] =	sst s1  }
0xa: {  	[smem:$0x3F89] =	sst s2  }
0xb: {  	[smem:$0x3F8A] =	sst s3  }
0xc: {  	[smem:$0x3F8B] =	sst s4  }
0xd: {  	[smem:$0x3F8C] =	sst s5  }
0xe: {  	[smem:$0x3F8D] =	sst s6  }
0xf: {  	[smem:$0x3F8E] =	sst s7  }
0x10: {  	[smem:$0x3F8F] =	sst s8  }
0x11: {  	[smem:$0x3F90] =	sst s9;
	s0 =	simm.s32 @!p0 $0x0  }
0x12: {  	s1 =	sld [smem:$0x3F76];
	s0 =	simm.s32 @p0 $0x1  }
0x13: {  	[smem:$0x3F91] =	sst s0;
	s0 =	simm.s32 @!p1 $0x0  }
0x14: {  	s2 =	sld [smem:$0x3F75];
	s0 =	simm.s32 @p1 $0x1  }
0x15: {  	[smem:$0x3F92] =	sst s0;
	s0 =	simm.s32 @!p2 $0x0  }
0x16: {  	s3 =	sld [smem:$0x3FDB];
	s0 =	simm.s32 @p2 $0x1  }
0x17: {  	s4 =	simm.s32 $0x1BF5;
	[smem:$0x3F94] =	sst s0  }
0x18: {  	s0 =	sld [smem:$0x3F77];
	_ =	swait.ge [sflag:s4], $0x0  }
0x19: {  	s7 =	sld [smem:$0x3F78]  }
0x1a: {  	s8 =	sadd.s32 $0xFFFFE003, lr  }
0x1b: {  	s9 =	sadd.s32 $0xFFFFFEF7, lr;
	s5 =	simm.s32 $0xFFFFFFFF;
	p2 =	slt.u32 s8, $0xFFFFF086  }
0x1c: {  	p1 =	slt.u32 s9, $0xF7A;
	s5 =	simm.s32 @!p2 $0x0  }
0x1d: {  	s5 =	simm.s32 @p1 $0x1;
	p0 =	seq.s32 s7, s2  }
0x1e: {  	s7 =	smul.u32 @!p0 $0xF7A, s2;
	p2 =	seq.s32 @!p0 s5, $0x0  }
0x1f: {  	s9 =	smul.u32 $0xF7A, s1;
	s8 =	simm.s32 @!p0 $0x1BF5;
	p2 =	por !p2, p0  }
0x20: {  	[sflag:s8] =	ssyncset.s32 @!p0 $0xFFFFF086;
	s6 =	sadd.s32 @!p0 s3, s7;
	s7 =	simm.s32 @!p0 $0x108  }
0x21: {  	s3 =	sadd.s32 s3, s9;
	s6 =	sadd.s32 @!p0 $0x88, s6;
	s7 =	simm.s32 @p2 $0x1082  }
0x22: {  	[simem:s7], [sflag:s8] =	dma.local @!p0 [hbm:s6], $0xF7A  }
0x23: {  	s9 =	sor.u32 $0xD0000000, s2;
	s6 =	simm.s32 $0x108;
	_ =	swait.ge @!p0 [sflag:s8], $0x0  }
0x24: {  	s3 =	sadd.s32 $0x88, s3;
	s6 =	simm.s32 @!p1 $0x1082;
	[sflag:s4] =	ssyncset.s32 $0xFFFFF086  }
0x25: {  	[simem:s6], [sflag:s4] =	dma.local [hbm:s3], $0xF7A  }
0x26: {  	[smem:$0x3F78] =	sst s1;
	(tag) =	ssettag s2;
	_ =	strace s9  }
0x27: {  	s1 =	sld [smem:$0x3F88]  }
0x28: {  	s2 =	sld [smem:$0x3F89]  }
0x29: {  	s4 =	sld [smem:$0x3F8B]  }
0x2a: {  	p0 =	seq.s32 s5, $0x0;
	s5 =	sld [smem:$0x3F8C]  }
0x2b: {  	s6 =	sld [smem:$0x3F8D]  }
0x2c: {  	s7 =	sld [smem:$0x3F8E]  }
0x2d: {  	s3 =	simm.s32 $0x108;
	s8 =	sld [smem:$0x3F8F]  }
0x2e: {  	s3 =	simm.s32 @!p0 $0x1082;
	s9 =	sld [smem:$0x3F90]  }
0x2f: {  	lr =	sadd.s32 s0, s3;
	s0 =	sld [smem:$0x3F87]  }
0x30: {  	s3 =	sld [smem:$0x3F8A]  }
0x31: {  	[smem:$0x3F93] =	sst s10  }
0x32: {  	s10 =	sld [smem:$0x3F91];
	_ =	sdelay $0x3  }
0x33: {  	p0 =	seq.s32 s10, $0x1;
	s10 =	sld [smem:$0x3F93];
	_ =	sdelay $0x3  }
0x34: {  	[smem:$0x3F93] =	sst s10  }
0x35: {  	s10 =	sld [smem:$0x3F92];
	_ =	sdelay $0x3  }
0x36: {  	p1 =	seq.s32 s10, $0x1;
	s10 =	sld [smem:$0x3F93];
	_ =	sdelay $0x3  }
0x37: {  	[smem:$0x3F93] =	sst s10  }
0x38: {  	s10 =	sld [smem:$0x3F94]  }
0x39: {  	_ = 	snop;
	(pc) =	sbr.ind lr, $3  }
0x3a: {  	_ = 	snop  }
0x3b: {  	_ = 	snop  }
0x3c: {  	p2 =	seq.s32 s10, $0x1;
	s10 =	sld [smem:$0x3F93]  }
0x3d: {  	_ =	shalt  }
0x3e: {  	_ =	shalt  }
0x3f: {  	_ =	shalt  }
0x40: {  	_ =	shalt  }
0x41: {  	_ =	shalt  }
0x42: {  	_ =	shalt  }
0x43: {  	_ =	shalt  }
0x44: {  	_ =	shalt  }
0x45: {  	_ =	shalt  }
0x46: {  	_ =	shalt  }
0x47: {  	_ =	shalt  }
0x48: {  	_ =	shalt  }
0x49: {  	_ =	shalt  }
0x4a: {  	_ =	shalt  }
0x4b: {  	_ =	shalt  }
0x4c: {  	_ =	shalt  }
0x4d: {  	_ =	shalt  }
0x4e: {  	_ =	shalt  }
0x4f: {  	_ =	shalt  }
0x50: {  	_ =	shalt  }
0x51: {  	_ =	shalt  }
0x52: {  	_ =	shalt  }
0x53: {  	_ =	shalt  }
0x54: {  	_ =	shalt  }
0x55: {  	_ =	shalt  }
0x56: {  	_ =	shalt  }
0x57: {  	_ =	shalt  }
0x58: {  	_ =	shalt  }
0x59: {  	_ =	shalt  }
0x5a: {  	_ =	shalt  }
0x5b: {  	_ =	shalt  }
0x5c: {  	_ =	shalt  }
0x5d: {  	_ =	shalt  }
0x5e: {  	_ =	shalt  }
0x5f: {  	_ =	shalt  }
0x60: {  	_ =	shalt  }
0x61: {  	_ =	shalt  }
0x62: {  	_ =	shalt  }
0x63: {  	_ =	shalt  }
0x64: {  	_ =	shalt  }
0x65: {  	_ =	shalt  }
0x66: {  	_ =	shalt  }
0x67: {  	_ =	shalt  }
0x68: {  	_ =	shalt  }
0x69: {  	_ =	shalt  }
0x6a: {  	_ =	shalt  }
0x6b: {  	_ =	shalt  }
0x6c: {  	_ =	shalt  }
0x6d: {  	_ =	shalt  }
0x6e: {  	_ =	shalt  }
0x6f: {  	_ =	shalt  }
0x70: {  	_ =	shalt  }
0x71: {  	_ =	shalt  }
0x72: {  	_ =	shalt  }
0x73: {  	_ =	shalt  }
0x74: {  	_ =	shalt  }
0x75: {  	_ =	shalt  }
0x76: {  	_ =	shalt  }
0x77: {  	_ =	shalt  }
0x78: {  	_ =	shalt  }
0x79: {  	_ =	shalt  }
0x7a: {  	_ =	shalt  }
0x7b: {  	_ =	shalt  }
0x7c: {  	_ =	shalt  }
0x7d: {  	_ =	shalt  }
0x7e: {  	_ =	shalt  }
0x7f: {  	_ =	shalt  }
0x80: {  	_ =	shalt  }
0x81: {  	_ =	shalt  }
0x82: {  	_ =	shalt  }
0x83: {  	_ =	shalt  }
0x84: {  	_ =	shalt  }
0x85: {  	_ =	shalt  }
0x86: {  	_ =	shalt  }
0x87: {  	_ =	shalt  }
.Lfunc_end0:
.L_simem_size_0:
called_computation.5_lowered:
.L_overlay_start_0:
0x88: {  	s2 =	sld [smem:$0x3FD9]  }
0x89: {  	s3 =	sld [smem:$0x3FFE];
	_ =	sdelay $0x1  }
0x8a: {  	s1 =	srdreg.scid  }
0x8b: {  	s0 =	sand.u32 $0x1, s1  }
0x8c: {  	s17 =	sshll.u32 s0, $0xA;
	s2 =	sadd.s32 s3, s2  }
0x8d: {  	s2 =	sadd.s32 s2, s17  }
0x8e: {  	[smem:$0x3F9F] =	sst s2  }
0x8f: {  	_ = 	snop  }
0x90: {  	(tm) =	ssettm $0x1  }
0x91: {  	s18 =	sld [smem:$0x3FFB];
	_ =	sdelay $0x3  }
0x92: {  	_ =	strace s18  }
0x93: {  	s2 =	sld [smem:$0x3FFC];
	_ =	sdelay $0x3  }
0x94: {  	_ =	strace s2  }
0x95: {  	s2 =	sld [smem:$0x3FFD];
	_ =	sdelay $0x3  }
0x96: {  	_ =	strace s2  }
0x97: {  	_ =	strace $0x8FFFFFFF  }
0x98: {  	s19 =	sld [smem:$0x3FDB];
	_ =	sdelay $0x1  }
0x99: {  	s20 =	simm.s32 $_scs_section_size  }
0x9a: {  	s4 =	simm.s32 $_size__tile_overlayer_lowered;
	s5 =	simm.s32 $_tile_overlayer_lowered  }
0x9b: {  	s6 =	simm.s32 $0x1BFF;
	s21 =	sshll.u32 s5, $0x1;
	s3 =	sadd.s32 s20, s19  }
0x9c: {  	s22 =	simm.s32 $0x0;
	s4 =	sshll.u32 s4, $0x1;
	s5 =	sadd.s32 s21, s3  }
0x9d: {  	[timem:s22], [sflag:s6] =	dma.local [hbm:s5], s4  }
0x9e: {  	_ =	swait.ge [sflag:s6], s4  }
0x9f: {  	s4 =	ssub.s32 $0x0, s4;
	[sflag:s6] =	ssyncset.done $0x0  }
0xa0: {  	[sflag:s6] =	ssyncadd.s32 s4;
	_ =	sdelay $0x1  }
0xa1: {  	s23 =	simm.s32 $0x1B8B  }
0xa2: {  	_ =	swait.ge [sflag:s23], $0x1  }
0xa3: {  	[sflag:s23] =	ssyncset.done $0x0  }
0xa4: {  	[sflag:s23] =	ssyncadd.s32 $0xFFFFFFFF  }
0xa5: {  	s4 =	sld [smem:$0x0]  }
0xa6: {  	s5 =	sand.u32 $0xFFFFFFFE, s1  }
0xa7: {  	p0 =	sne.s32 s1, s5  }
0xa8: {  	s5 =	sshll.u32 @p0 s5, $0xE  }
0xa9: {  	s5 =	sadd.s32 @p0 $0x11B8D, s5;
	s6 =	sshll.u32 @p0 s4, $0x11  }
0xaa: {  	s5 =	sor.u32 @p0 s6, s5  }
0xab: {  	[sflag:s5] =	ssyncadd.remote.s32 @p0 $0x1;
	_ =	sdelay $0x1  }
0xac: {  	s5 =	simm.s32 @p0 $0x1B8D  }
0xad: {  	_ =	swait.eq @p0 [sflag:s5], $0x1  }
0xae: {  	[sflag:s5] =	ssyncadd.s32 @p0 $0xFFFFFFFF  }
0xaf: {  	s6 =	sshll.u32 @!p0 s1, $0xE  }
0xb0: {  	s6 =	sor.u32 @!p0 $0x4000, s6;
	s5 =	simm.s32 @!p0 $0x1B8D  }
0xb1: {  	s4 =	sshll.u32 @!p0 s4, $0x11;
	s6 =	sadd.s32 @!p0 $0x11B8D, s6;
	_ =	swait.eq @!p0 [sflag:s5], $0x1  }
0xb2: {  	s4 =	sor.u32 @!p0 s4, s6;
	[sflag:s5] =	ssyncadd.s32 @!p0 $0xFFFFFFFF  }
0xb3: {  	s25 =	simm.s32 $0x1B8E;
	s24 =	sld [smem:$0x3FFE];
	[sflag:s4] =	ssyncadd.remote.s32 @!p0 $0x1  }
0xb4: {  	s26 =	simm.s32 $execute0_lowered;
	[smem:$0x3FD2] =	sst s25  }
0xb5: {  	s5 =	sshll.u32 s26, $0x1;
	_ =	strace $0x80000055;
	[dreg:$0x1] =	wrdreg $0xFFFFFFFF  }
0xb6: {  	s28 =	simm.s32 $_size_execute0_lowered;
	s3 =	sadd.s32 s3, s5;
	[dreg:$0x0] =	wrdreg $0x0  }
0xb7: {  	s5 =	sshll.u32 s28, $0x1;
	[dreg:$0x2] =	wrdreg s3  }
0xb8: {  	[dreg:$0x3] =	wrdreg s5  }
0xb9: {  	[dreg:$0x4] =	wrdreg $0xC0  }
0xba: {  	_ =	task [dreg:s22], $0x5FFFF  }
0xbb: {  	[dreg:$0x1] =	wrdreg $0xFFFFFFFF  }
0xbc: {  	[dreg:$0x0] =	wrdreg $0x60  }
0xbd: {  	[dreg:$0x2] =	wrdreg s24  }
0xbe: {  	[dreg:$0x3] =	wrdreg $0xD  }
0xbf: {  	_ =	task.clear_ibuf [dreg:s22], $0x4FFFF;
	_ =	strace $0x90000055  }
0xc0: {  	s29 =	simm.s32 $0xD;
	_ =	strace $0x80000057  }
0xc1: {  	_ =	swait.ge [sflag:s29], $0x1  }
0xc2: {  	[sflag:s29] =	ssyncadd.s32 $0xFFFFFFFF  }
0xc3: {  	_ =	strace $0x90000057  }
0xc4: {  	_ =	sfence  }
0xc5: {  	s30 =	sld [smem:$0x0];
	_ =	sdelay $0x2  }
0xc6: {  	s31 =	sshll.u32 s1, $0xD;
	s1 =	sshrl.u32 s1, $0x2  }
0xc7: {  	s4 =	sand.u32 $0x4000, s31;
	s1 =	sadd.s32 s1, s30  }
0xc8: {  	s0 =	sor.u32 s4, s0;
	s1 =	sshll.u32 s1, $0x11  }
0xc9: {  	s0 =	sor.u32 s1, s0  }
0xca: {  	s0 =	sadd.s32 $0x8F2B, s0  }
0xcb: {  	[sflag:s0] =	ssyncadd.remote.s32 $0x1  }
0xcc: {  	_ =	sfence.sel $0xFFFF  }
0xcd: {  	[dreg:$0x0] =	wrdreg $0xFFFFFFFF;
	(pc) =	sbr.abs _section_cstart, $3  }
0xce: {  	[dreg:$0x1] =	wrdreg $0xFFFFFFFF  }
0xcf: {  	_ =	task.clear_ibuf [dreg:s22], $0x2FFFF;
	_ =	strace $0x9FFFFFFF  }
0xd0: {  	(tm) =	ssettm $0x7FFFFFFF  }
0xd1: {  	_ =	shalt  }
tec
execute0_lowered:
.L_overlay_start_1:
0x0: {  	(tag) =	ssettag $0x1  }
0x1: {  	s4 =	rddreg [dreg:$0x0];
	s2 =	simm.s32 $0x0  }
0x2: {  	s11 =	simm.s32 $0x900;
	[smem:$0x7FF] =	sst s2  }
0x3: {  	s12 =	simm.s32 $0x1100;
	_ =	strace $0x80000056;
	[dreg:$0x3] =	wrdreg s11  }
0x4: {  	s13 =	simm.s32 $0x1900;
	[dreg:$0x4] =	wrdreg s12  }
0x5: {  	s14 =	simm.s32 $0x2100;
	[dreg:$0x5] =	wrdreg s13  }
0x6: {  	s15 =	simm.s32 $0x2900;
	[dreg:$0x6] =	wrdreg s14  }
0x7: {  	s16 =	simm.s32 $0x3100;
	[dreg:$0x7] =	wrdreg s15  }
0x8: {  	s17 =	simm.s32 $0x3900;
	[dreg:$0x8] =	wrdreg s16  }
0x9: {  	s18 =	simm.s32 $0x4100;
	[dreg:$0x9] =	wrdreg s17  }
0xa: {  	s19 =	simm.s32 $0x4900;
	[dreg:$0xa] =	wrdreg s18  }
0xb: {  	s20 =	simm.s32 $0x5100;
	[dreg:$0xb] =	wrdreg s19  }
0xc: {  	s21 =	simm.s32 $0x5900;
	[dreg:$0xc] =	wrdreg s20  }
0xd: {  	s22 =	simm.s32 $0x6100;
	[dreg:$0xd] =	wrdreg s21  }
0xe: {  	s23 =	simm.s32 $0x6900;
	[dreg:$0xe] =	wrdreg s22  }
0xf: {  	s0 =	srdreg.scid;
	s24 =	simm.s32 $0x7100;
	[dreg:$0xf] =	wrdreg s23  }
0x10: {  	s10 =	stileid.u32;
	s25 =	simm.s32 $0x7900;
	[dreg:$0x10] =	wrdreg s24  }
0x11: {  	s9 =	simm.s32 $0x8100;
	s28 =	simm.s32 $0x17100;
	[dreg:$0x11] =	wrdreg s25  }
0x12: {  	s29 =	simm.s32 $0x17900;
	[dreg:$0x12] =	wrdreg s9;
	s11 =	simm.s32 $0x8900  }
0x13: {  	s30 =	simm.s32 $0x18100;
	s12 =	simm.s32 $0x9100;
	[dreg:$0x13] =	wrdreg s11  }
0x14: {  	s31 =	simm.s32 $0x18900;
	s13 =	simm.s32 $0x9900;
	[dreg:$0x14] =	wrdreg s12  }
0x15: {  	s0 =	sand.u32 $0x1, s0;
	s14 =	simm.s32 $0xA100;
	[dreg:$0x15] =	wrdreg s13  }
0x16: {  	s1 =	smul.u32 $0x2730, s10;
	s15 =	simm.s32 $0xA900;
	[dreg:$0x16] =	wrdreg s14  }
0x17: {  	s5 =	sadd.s32 $0x9400, s4;
	s16 =	simm.s32 $0xB100;
	[dreg:$0x17] =	wrdreg s15  }
0x18: {  	s6 =	sadd.s32 $0x189D400, s4;
	s18 =	simm.s32 $0xB900;
	[dreg:$0x18] =	wrdreg s16  }
0x19: {  	s26 =	sshll.u32 s10, $0x1;
	s19 =	simm.s32 $0xC100;
	[dreg:$0x19] =	wrdreg s18  }
0x1a: {  	s3 =	smul.u32 $0x1398, s0;
	s21 =	simm.s32 $0xC900;
	[dreg:$0x1a] =	wrdreg s19  }
0x1b: {  	s7 =	ssub.s32 $0x2, s0;
	s23 =	simm.s32 $0xD100;
	[dreg:$0x1b] =	wrdreg s21  }
0x1c: {  	s22 =	smul.u32 $0x9CC00, s10;
	s24 =	simm.s32 $0xD900;
	[dreg:$0x1c] =	wrdreg s23  }
0x1d: {  	s25 =	simm.s32 $0xE100;
	s10 =	simm.s32 $0x100;
	[dreg:$0x1d] =	wrdreg s24  }
0x1e: {  	s8 =	sshrl.u32 s7, $0x1;
	[dreg:$0x1e] =	wrdreg s25;
	s11 =	simm.s32 $0xF100  }
0x1f: {  	s12 =	simm.s32 $0xF900;
	s13 =	simm.s32 $0x10100;
	s14 =	simm.s32 $0x10900  }
0x20: {  	s15 =	simm.s32 $0x11100;
	s16 =	simm.s32 $0x11900;
	s18 =	simm.s32 $0x12900  }
0x21: {  	s19 =	simm.s32 $0x13100;
	s21 =	simm.s32 $0x14100;
	s23 =	simm.s32 $0x15100  }
0x22: {  	s24 =	simm.s32 $0x15900;
	s1 =	sadd.s32 s3, s1;
	s3 =	sadd.s32 $0xCFC800, s4  }
0x23: {  	s7 =	ssub.s32 s7, s8;
	s8 =	sor.u32 s0, s26;
	s0 =	smul.u32 $0x4E600, s0  }
0x24: {  	s25 =	simm.s32 $0x16100;
	s4 =	sadd.s32 $0xCFC900, s4;
	s8 =	smul.u32 $0x1398, s8  }
0x25: {  	s26 =	simm.s32 $0xE900;
	s1 =	sshrl.u32 s1, $0x3;
	s20 =	smax.u32 s7, $0x1  }
0x26: {  	[dreg:$0x1f] =	wrdreg s26;
	s26 =	simm.s32 $0x16900;
	s8 =	sadd.s32 $0x1388, s8  }
0x27: {  	s1 =	sadd.s32 s1, s5;
	[smem:$0x7FC] =	sst s20;
	s9 =	sshrl.u32 s8, $0x3  }
0x28: {  	[dreg:$0x2] =	wrdreg s1;
	s17 =	sshll.u32 s8, $0x6;
	s5 =	sadd.s32 s5, s9  }
0x29: {  	s20 =	simm.s32 $0x13900;
	[smem:$0x7FA] =	sst s5;
	s5 =	sadd.s32 s6, s17  }
0x2a: {  	v2 =	vlaneseq.u32;
	s1 =	simm.s32 $0x1;
	[smem:$0x7FB] =	sst s5;
	s5 =	sadd.s32 s22, s6  }
0x2b: {  	vm0 =	vmmov $0xffff;
	v1 =	vshrl.u32 v2, $0x3;
	s9 =	simm.s32 $0x2;
	s17 =	simm.s32 $0x12100;
	s0 =	sadd.s32 s0, s5  }
0x2c: {  	v0 =	vand.u32 $0x7, v2;
	v2 =	vor.u32 $0x8, v2;
	v1 =	vmul.u32 $0x8, v1;
	s22 =	simm.s32 $0x14900;
	s5 =	simm.s32 $0x0;
	[smem:$0x7FD] =	sst s0  }
.LBB2_1:
0x2d: {  	s8 =	sld [smem:$0x7FD];
	s7 =	simm.s32 $0x0  }
.LBB2_2:
0x2e: {  	s6 =	rddreg [dreg:$0x2]  }
0x2f: {  	s6 =	sadd.s32 s7, s6  }
0x30: {  	[tilespmem:s2], [sflag:$0x2] =	stream.linear.gather [hbm4b:s6+s2], $0xC8, $0x38;
	[tilespmem:$0x1B180] =	vst v63  }
0x31: {  	_ =	swait.ge [sflag:s9], $0xC8  }
0x32: {  	[sflag:s9] =	ssyncset.done $0x0  }
0x33: {  	[sflag:s9] =	ssyncadd.s32 $0xFFFFFF38  }
0x34: {  	v3 =	vld [tilespmem:$0x0];
	_ =	sdelay $0x4  }
0x35: {  	v4 =	vshll.u32 v3, $0x2  }
0x36: {  	v3 =	vand.u32 $0x7, v3;
	v4 =	vand.u32 $0xFFFFFFE0, v4  }
0x37: {  	v3 =	vor.u32 v3, v4  }
0x38: {  	v4 =	vperm.xlane v3, v0;
	_ =	sdelay $0x1  }
0x39: {  	v4 =	vadd.s32 v1, v4;
	_ =	sdelay $0x1  }
0x3a: {  	v3 =	vperm.xlane v3, v2;
	_ =	sdelay $0x1  }
0x3b: {  	v3 =	vadd.s32 v1, v3  }
0x3c: {  	[tilespmem:s10], [sflag:$0x1] =	stream.indirect_vreg.gather [hbm4b:s3+s2], $0x80, v4, vm0, $0xb8;
	[tilespmem:$0x1B180] =	vst v63  }
0x3d: {  	s6 =	rddreg [dreg:$0x3]  }
0x3e: {  	[tilespmem:s6], [sflag:$0x1] =	stream.indirect_vreg.gather [hbm4b:s4+s2], $0x80, v4, vm0, $0xb8;
	[tilespmem:$0x1B180] =	vst v63  }
0x3f: {  	s0 =	rddreg [dreg:$0x4]  }
0x40: {  	[tilespmem:s0], [sflag:$0x1] =	stream.indirect_vreg.gather [hbm4b:s3+s2], $0x80, v3, vm0, $0xb8;
	[tilespmem:$0x1B180] =	vst v63  }
0x41: {  	s6 =	rddreg [dreg:$0x5]  }
0x42: {  	[tilespmem:s6], [sflag:$0x1] =	stream.indirect_vreg.gather [hbm4b:s4+s2], $0x80, v3, vm0, $0xb8;
	[tilespmem:$0x1B180] =	vst v63  }
0x43: {  	v3 =	vld [tilespmem:$0x10];
	_ =	sdelay $0x4  }
0x44: {  	v52 =	vshll.u32 v3, $0x2  }
0x45: {  	v3 =	vand.u32 $0x7, v3;
	v4 =	vand.u32 $0xFFFFFFE0, v52  }
0x46: {  	v3 =	vor.u32 v3, v4  }
0x47: {  	v4 =	vperm.xlane v3, v0;
	_ =	sdelay $0x1  }
0x48: {  	v4 =	vadd.s32 v1, v4;
	_ =	sdelay $0x1  }
0x49: {  	v3 =	vperm.xlane v3, v2;
	_ =	sdelay $0x1  }
0x4a: {  	s0 =	rddreg [dreg:$0x6];
	v3 =	vadd.s32 v1, v3  }
0x4b: {  	[tilespmem:s0], [sflag:$0x1] =	stream.indirect_vreg.gather [hbm4b:s3+s2], $0x80, v4, vm0, $0xb8;
	[tilespmem:$0x1B180] =	vst v63  }
0x4c: {  	s6 =	rddreg [dreg:$0x7]  }
0x4d: {  	[tilespmem:s6], [sflag:$0x1] =	stream.indirect_vreg.gather [hbm4b:s4+s2], $0x80, v4, vm0, $0xb8;
	[tilespmem:$0x1B180] =	vst v63  }
0x4e: {  	s0 =	rddreg [dreg:$0x8]  }
0x4f: {  	[tilespmem:s0], [sflag:$0x1] =	stream.indirect_vreg.gather [hbm4b:s3+s2], $0x80, v3, vm0, $0xb8;
	[tilespmem:$0x1B180] =	vst v63  }
0x50: {  	s6 =	rddreg [dreg:$0x9]  }
0x51: {  	[tilespmem:s6], [sflag:$0x1] =	stream.indirect_vreg.gather [hbm4b:s4+s2], $0x80, v3, vm0, $0xb8;
	[tilespmem:$0x1B180] =	vst v63  }
0x52: {  	v3 =	vld [tilespmem:$0x20];
	_ =	sdelay $0x4  }
0x53: {  	v53 =	vshll.u32 v3, $0x2  }
0x54: {  	v3 =	vand.u32 $0x7, v3;
	v4 =	vand.u32 $0xFFFFFFE0, v53  }
0x55: {  	v3 =	vor.u32 v3, v4  }
0x56: {  	v4 =	vperm.xlane v3, v0;
	_ =	sdelay $0x1  }
0x57: {  	v4 =	vadd.s32 v1, v4;
	_ =	sdelay $0x1  }
0x58: {  	v3 =	vperm.xlane v3, v2;
	_ =	sdelay $0x1  }
0x59: {  	s0 =	rddreg [dreg:$0xa];
	v3 =	vadd.s32 v1, v3  }
0x5a: {  	[tilespmem:s0], [sflag:$0x1] =	stream.indirect_vreg.gather [hbm4b:s3+s2], $0x80, v4, vm0, $0xb8;
	[tilespmem:$0x1B180] =	vst v63  }
0x5b: {  	s6 =	rddreg [dreg:$0xb]  }
0x5c: {  	[tilespmem:s6], [sflag:$0x1] =	stream.indirect_vreg.gather [hbm4b:s4+s2], $0x80, v4, vm0, $0xb8;
	[tilespmem:$0x1B180] =	vst v63  }
0x5d: {  	s0 =	rddreg [dreg:$0xc]  }
0x5e: {  	[tilespmem:s0], [sflag:$0x1] =	stream.indirect_vreg.gather [hbm4b:s3+s2], $0x80, v3, vm0, $0xb8;
	[tilespmem:$0x1B180] =	vst v63  }
0x5f: {  	s6 =	rddreg [dreg:$0xd]  }
0x60: {  	[tilespmem:s6], [sflag:$0x1] =	stream.indirect_vreg.gather [hbm4b:s4+s2], $0x80, v3, vm0, $0xb8;
	[tilespmem:$0x1B180] =	vst v63  }
0x61: {  	v3 =	vld [tilespmem:$0x30];
	_ =	sdelay $0x4  }
0x62: {  	v54 =	vshll.u32 v3, $0x2  }
0x63: {  	v3 =	vand.u32 $0x7, v3;
	v4 =	vand.u32 $0xFFFFFFE0, v54  }
0x64: {  	v3 =	vor.u32 v3, v4  }
0x65: {  	v4 =	vperm.xlane v3, v0;
	_ =	sdelay $0x1  }
0x66: {  	v4 =	vadd.s32 v1, v4;
	_ =	sdelay $0x1  }
0x67: {  	v3 =	vperm.xlane v3, v2;
	_ =	sdelay $0x1  }
0x68: {  	s0 =	rddreg [dreg:$0xe];
	v3 =	vadd.s32 v1, v3  }
0x69: {  	[tilespmem:s0], [sflag:$0x1] =	stream.indirect_vreg.gather [hbm4b:s3+s2], $0x80, v4, vm0, $0xb8;
	[tilespmem:$0x1B180] =	vst v63  }
0x6a: {  	s6 =	rddreg [dreg:$0xf]  }
0x6b: {  	[tilespmem:s6], [sflag:$0x1] =	stream.indirect_vreg.gather [hbm4b:s4+s2], $0x80, v4, vm0, $0xb8;
	[tilespmem:$0x1B180] =	vst v63  }
0x6c: {  	s0 =	rddreg [dreg:$0x10]  }
0x6d: {  	[tilespmem:s0], [sflag:$0x1] =	stream.indirect_vreg.gather [hbm4b:s3+s2], $0x80, v3, vm0, $0xb8;
	[tilespmem:$0x1B180] =	vst v63  }
0x6e: {  	s6 =	rddreg [dreg:$0x11]  }
0x6f: {  	[tilespmem:s6], [sflag:$0x1] =	stream.indirect_vreg.gather [hbm4b:s4+s2], $0x80, v3, vm0, $0xb8;
	[tilespmem:$0x1B180] =	vst v63  }
0x70: {  	v3 =	vld [tilespmem:$0x40];
	_ =	sdelay $0x4  }
0x71: {  	v55 =	vshll.u32 v3, $0x2  }
0x72: {  	v3 =	vand.u32 $0x7, v3;
	v4 =	vand.u32 $0xFFFFFFE0, v55  }
0x73: {  	v3 =	vor.u32 v3, v4  }
0x74: {  	v4 =	vperm.xlane v3, v0;
	_ =	sdelay $0x1  }
0x75: {  	v4 =	vadd.s32 v1, v4;
	_ =	sdelay $0x1  }
0x76: {  	v3 =	vperm.xlane v3, v2;
	_ =	sdelay $0x1  }
0x77: {  	s0 =	rddreg [dreg:$0x12];
	v3 =	vadd.s32 v1, v3  }
0x78: {  	[tilespmem:s0], [sflag:$0x1] =	stream.indirect_vreg.gather [hbm4b:s3+s2], $0x80, v4, vm0, $0xb8;
	[tilespmem:$0x1B180] =	vst v63  }
0x79: {  	s6 =	rddreg [dreg:$0x13]  }
0x7a: {  	[tilespmem:s6], [sflag:$0x1] =	stream.indirect_vreg.gather [hbm4b:s4+s2], $0x80, v4, vm0, $0xb8;
	[tilespmem:$0x1B180] =	vst v63  }
0x7b: {  	s0 =	rddreg [dreg:$0x14]  }
0x7c: {  	[tilespmem:s0], [sflag:$0x1] =	stream.indirect_vreg.gather [hbm4b:s3+s2], $0x80, v3, vm0, $0xb8;
	[tilespmem:$0x1B180] =	vst v63  }
0x7d: {  	s6 =	rddreg [dreg:$0x15]  }
0x7e: {  	[tilespmem:s6], [sflag:$0x1] =	stream.indirect_vreg.gather [hbm4b:s4+s2], $0x80, v3, vm0, $0xb8;
	[tilespmem:$0x1B180] =	vst v63  }
0x7f: {  	v3 =	vld [tilespmem:$0x50];
	_ =	sdelay $0x4  }
0x80: {  	v56 =	vshll.u32 v3, $0x2  }
0x81: {  	v3 =	vand.u32 $0x7, v3;
	v4 =	vand.u32 $0xFFFFFFE0, v56  }
0x82: {  	v3 =	vor.u32 v3, v4  }
0x83: {  	v4 =	vperm.xlane v3, v0;
	_ =	sdelay $0x1  }
0x84: {  	v4 =	vadd.s32 v1, v4;
	_ =	sdelay $0x1  }
0x85: {  	v3 =	vperm.xlane v3, v2;
	_ =	sdelay $0x1  }
0x86: {  	s0 =	rddreg [dreg:$0x16];
	v3 =	vadd.s32 v1, v3  }
0x87: {  	[tilespmem:s0], [sflag:$0x1] =	stream.indirect_vreg.gather [hbm4b:s3+s2], $0x80, v4, vm0, $0xb8;
	[tilespmem:$0x1B180] =	vst v63  }
0x88: {  	s6 =	rddreg [dreg:$0x17]  }
0x89: {  	[tilespmem:s6], [sflag:$0x1] =	stream.indirect_vreg.gather [hbm4b:s4+s2], $0x80, v4, vm0, $0xb8;
	[tilespmem:$0x1B180] =	vst v63  }
0x8a: {  	s0 =	rddreg [dreg:$0x18]  }
0x8b: {  	[tilespmem:s0], [sflag:$0x1] =	stream.indirect_vreg.gather [hbm4b:s3+s2], $0x80, v3, vm0, $0xb8;
	[tilespmem:$0x1B180] =	vst v63  }
0x8c: {  	s6 =	rddreg [dreg:$0x19]  }
0x8d: {  	[tilespmem:s6], [sflag:$0x1] =	stream.indirect_vreg.gather [hbm4b:s4+s2], $0x80, v3, vm0, $0xb8;
	[tilespmem:$0x1B180] =	vst v63  }
0x8e: {  	v3 =	vld [tilespmem:$0x60];
	_ =	sdelay $0x4  }
0x8f: {  	v57 =	vshll.u32 v3, $0x2  }
0x90: {  	v3 =	vand.u32 $0x7, v3;
	v4 =	vand.u32 $0xFFFFFFE0, v57  }
0x91: {  	v3 =	vor.u32 v3, v4  }
0x92: {  	v4 =	vperm.xlane v3, v0;
	_ =	sdelay $0x1  }
0x93: {  	v4 =	vadd.s32 v1, v4;
	_ =	sdelay $0x1  }
0x94: {  	v3 =	vperm.xlane v3, v2;
	_ =	sdelay $0x1  }
0x95: {  	s0 =	rddreg [dreg:$0x1a];
	v3 =	vadd.s32 v1, v3  }
0x96: {  	[tilespmem:s0], [sflag:$0x1] =	stream.indirect_vreg.gather [hbm4b:s3+s2], $0x80, v4, vm0, $0xb8;
	[tilespmem:$0x1B180] =	vst v63  }
0x97: {  	s6 =	rddreg [dreg:$0x1b]  }
0x98: {  	[tilespmem:s6], [sflag:$0x1] =	stream.indirect_vreg.gather [hbm4b:s4+s2], $0x80, v4, vm0, $0xb8;
	[tilespmem:$0x1B180] =	vst v63  }
0x99: {  	s0 =	rddreg [dreg:$0x1c]  }
0x9a: {  	[tilespmem:s0], [sflag:$0x1] =	stream.indirect_vreg.gather [hbm4b:s3+s2], $0x80, v3, vm0, $0xb8;
	[tilespmem:$0x1B180] =	vst v63  }
0x9b: {  	s6 =	rddreg [dreg:$0x1d]  }
0x9c: {  	[tilespmem:s6], [sflag:$0x1] =	stream.indirect_vreg.gather [hbm4b:s4+s2], $0x80, v3, vm0, $0xb8;
	[tilespmem:$0x1B180] =	vst v63  }
0x9d: {  	v3 =	vld [tilespmem:$0x70];
	_ =	sdelay $0x4  }
0x9e: {  	v58 =	vshll.u32 v3, $0x2  }
0x9f: {  	v3 =	vand.u32 $0x7, v3;
	v4 =	vand.u32 $0xFFFFFFE0, v58  }
0xa0: {  	v3 =	vor.u32 v3, v4  }
0xa1: {  	v4 =	vperm.xlane v3, v0;
	_ =	sdelay $0x1  }
0xa2: {  	v4 =	vadd.s32 v1, v4;
	_ =	sdelay $0x1  }
0xa3: {  	v3 =	vperm.xlane v3, v2;
	_ =	sdelay $0x1  }
0xa4: {  	s0 =	rddreg [dreg:$0x1e];
	v3 =	vadd.s32 v1, v3  }
0xa5: {  	[tilespmem:s0], [sflag:$0x1] =	stream.indirect_vreg.gather [hbm4b:s3+s2], $0x80, v4, vm0, $0xb8;
	[tilespmem:$0x1B180] =	vst v63  }
0xa6: {  	s6 =	rddreg [dreg:$0x1f]  }
0xa7: {  	[tilespmem:s6], [sflag:$0x1] =	stream.indirect_vreg.gather [hbm4b:s4+s2], $0x80, v4, vm0, $0xb8;
	[tilespmem:$0x1B180] =	vst v63  }
0xa8: {  	_ = 	snop  }
0xa9: {  	[tilespmem:s11], [sflag:$0x1] =	stream.indirect_vreg.gather [hbm4b:s3+s2], $0x80, v3, vm0, $0xb8;
	[tilespmem:$0x1B180] =	vst v63  }
0xaa: {  	_ = 	snop  }
0xab: {  	[tilespmem:s12], [sflag:$0x1] =	stream.indirect_vreg.gather [hbm4b:s4+s2], $0x80, v3, vm0, $0xb8;
	[tilespmem:$0x1B180] =	vst v63  }
0xac: {  	v3 =	vld [tilespmem:$0x80];
	_ =	sdelay $0x4  }
0xad: {  	v59 =	vshll.u32 v3, $0x2  }
0xae: {  	v3 =	vand.u32 $0x7, v3;
	v4 =	vand.u32 $0xFFFFFFE0, v59  }
0xaf: {  	v3 =	vor.u32 v3, v4  }
0xb0: {  	v4 =	vperm.xlane v3, v0;
	_ =	sdelay $0x1  }
0xb1: {  	v4 =	vadd.s32 v1, v4;
	_ =	sdelay $0x1  }
0xb2: {  	v3 =	vperm.xlane v3, v2;
	_ =	sdelay $0x1  }
0xb3: {  	v3 =	vadd.s32 v1, v3  }
0xb4: {  	[tilespmem:s13], [sflag:$0x1] =	stream.indirect_vreg.gather [hbm4b:s3+s2], $0x80, v4, vm0, $0xb8;
	[tilespmem:$0x1B180] =	vst v63  }
0xb5: {  	_ = 	snop  }
0xb6: {  	[tilespmem:s14], [sflag:$0x1] =	stream.indirect_vreg.gather [hbm4b:s4+s2], $0x80, v4, vm0, $0xb8;
	[tilespmem:$0x1B180] =	vst v63  }
0xb7: {  	_ = 	snop  }
0xb8: {  	[tilespmem:s15], [sflag:$0x1] =	stream.indirect_vreg.gather [hbm4b:s3+s2], $0x80, v3, vm0, $0xb8;
	[tilespmem:$0x1B180] =	vst v63  }
0xb9: {  	_ = 	snop  }
0xba: {  	[tilespmem:s16], [sflag:$0x1] =	stream.indirect_vreg.gather [hbm4b:s4+s2], $0x80, v3, vm0, $0xb8;
	[tilespmem:$0x1B180] =	vst v63  }
0xbb: {  	v3 =	vld [tilespmem:$0x90];
	_ =	sdelay $0x4  }
0xbc: {  	v60 =	vshll.u32 v3, $0x2  }
0xbd: {  	v3 =	vand.u32 $0x7, v3;
	v4 =	vand.u32 $0xFFFFFFE0, v60  }
0xbe: {  	v3 =	vor.u32 v3, v4  }
0xbf: {  	v4 =	vperm.xlane v3, v0;
	_ =	sdelay $0x1  }
0xc0: {  	v4 =	vadd.s32 v1, v4;
	_ =	sdelay $0x1  }
0xc1: {  	v3 =	vperm.xlane v3, v2;
	_ =	sdelay $0x1  }
0xc2: {  	v3 =	vadd.s32 v1, v3  }
0xc3: {  	[tilespmem:s17], [sflag:$0x1] =	stream.indirect_vreg.gather [hbm4b:s3+s2], $0x80, v4, vm0, $0xb8;
	[tilespmem:$0x1B180] =	vst v63  }
0xc4: {  	_ = 	snop  }
0xc5: {  	[tilespmem:s18], [sflag:$0x1] =	stream.indirect_vreg.gather [hbm4b:s4+s2], $0x80, v4, vm0, $0xb8;
	[tilespmem:$0x1B180] =	vst v63  }
0xc6: {  	_ = 	snop  }
0xc7: {  	[tilespmem:s19], [sflag:$0x1] =	stream.indirect_vreg.gather [hbm4b:s3+s2], $0x80, v3, vm0, $0xb8;
	[tilespmem:$0x1B180] =	vst v63  }
0xc8: {  	_ = 	snop  }
0xc9: {  	[tilespmem:s20], [sflag:$0x1] =	stream.indirect_vreg.gather [hbm4b:s4+s2], $0x80, v3, vm0, $0xb8;
	[tilespmem:$0x1B180] =	vst v63  }
0xca: {  	v3 =	vld [tilespmem:$0xA0];
	_ =	sdelay $0x4  }
0xcb: {  	v61 =	vshll.u32 v3, $0x2  }
0xcc: {  	v3 =	vand.u32 $0x7, v3;
	v4 =	vand.u32 $0xFFFFFFE0, v61  }
0xcd: {  	v3 =	vor.u32 v3, v4  }
0xce: {  	v4 =	vperm.xlane v3, v0;
	_ =	sdelay $0x1  }
0xcf: {  	v4 =	vadd.s32 v1, v4;
	_ =	sdelay $0x1  }
0xd0: {  	v3 =	vperm.xlane v3, v2;
	_ =	sdelay $0x1  }
0xd1: {  	v3 =	vadd.s32 v1, v3  }
0xd2: {  	[tilespmem:s21], [sflag:$0x1] =	stream.indirect_vreg.gather [hbm4b:s3+s2], $0x80, v4, vm0, $0xb8;
	[tilespmem:$0x1B180] =	vst v63  }
0xd3: {  	_ = 	snop  }
0xd4: {  	[tilespmem:s22], [sflag:$0x1] =	stream.indirect_vreg.gather [hbm4b:s4+s2], $0x80, v4, vm0, $0xb8;
	[tilespmem:$0x1B180] =	vst v63  }
0xd5: {  	_ = 	snop  }
0xd6: {  	[tilespmem:s23], [sflag:$0x1] =	stream.indirect_vreg.gather [hbm4b:s3+s2], $0x80, v3, vm0, $0xb8;
	[tilespmem:$0x1B180] =	vst v63  }
0xd7: {  	_ = 	snop  }
0xd8: {  	[tilespmem:s24], [sflag:$0x1] =	stream.indirect_vreg.gather [hbm4b:s4+s2], $0x80, v3, vm0, $0xb8;
	[tilespmem:$0x1B180] =	vst v63  }
0xd9: {  	v3 =	vld [tilespmem:$0xB0];
	_ =	sdelay $0x4  }
0xda: {  	v62 =	vshll.u32 v3, $0x2  }
0xdb: {  	v3 =	vand.u32 $0x7, v3;
	v4 =	vand.u32 $0xFFFFFFE0, v62  }
0xdc: {  	v3 =	vor.u32 v3, v4  }
0xdd: {  	v4 =	vperm.xlane v3, v0;
	_ =	sdelay $0x1  }
0xde: {  	v4 =	vadd.s32 v1, v4;
	_ =	sdelay $0x1  }
0xdf: {  	v3 =	vperm.xlane v3, v2;
	_ =	sdelay $0x1  }
0xe0: {  	v3 =	vadd.s32 v1, v3  }
0xe1: {  	[tilespmem:s25], [sflag:$0x1] =	stream.indirect_vreg.gather [hbm4b:s3+s2], $0x80, v4, vm0, $0xb8;
	[tilespmem:$0x1B180] =	vst v63  }
0xe2: {  	_ = 	snop  }
0xe3: {  	[tilespmem:s26], [sflag:$0x1] =	stream.indirect_vreg.gather [hbm4b:s4+s2], $0x80, v4, vm0, $0xb8;
	[tilespmem:$0x1B180] =	vst v63  }
0xe4: {  	_ = 	snop  }
0xe5: {  	[tilespmem:s28], [sflag:$0x1] =	stream.indirect_vreg.gather [hbm4b:s3+s2], $0x80, v3, vm0, $0xb8;
	[tilespmem:$0x1B180] =	vst v63  }
0xe6: {  	_ = 	snop  }
0xe7: {  	[tilespmem:s29], [sflag:$0x1] =	stream.indirect_vreg.gather [hbm4b:s4+s2], $0x80, v3, vm0, $0xb8;
	[tilespmem:$0x1B180] =	vst v63  }
0xe8: {  	v3 =	vld.msk [tilespmem:$0xC0], $0xff;
	_ =	sdelay $0x4  }
0xe9: {  	v63 =	vshll.u32 v3, $0x2  }
0xea: {  	v3 =	vand.u32 $0x7, v3;
	v4 =	vand.u32 $0xFFFFFFE0, v63  }
0xeb: {  	v3 =	vor.u32 v3, v4  }
0xec: {  	v3 =	vperm.xlane v3, v0;
	_ =	sdelay $0x1  }
0xed: {  	v3 =	vadd.s32 v1, v3;
	_ =	sdelay $0x4  }
0xee: {  	[tilespmem:s30], [sflag:$0x1] =	stream.indirect_vreg.gather [hbm4b:s3+s2], $0x80, v3, vm0, $0xb8;
	[tilespmem:$0x1B180] =	vst v63  }
0xef: {  	_ = 	snop  }
0xf0: {  	[tilespmem:s31], [sflag:$0x1] =	stream.indirect_vreg.gather [hbm4b:s4+s2], $0x80, v3, vm0, $0xb8;
	[tilespmem:$0x1B180] =	vst v63  }
0xf1: {  	_ =	swait.ge [sflag:s1], $0x19000  }
0xf2: {  	p0 =	sne.s32 s7, $0x258;
	[sflag:s1] =	ssyncset.done $0x0  }
.Ltmp0:
0xf3: {  	[sflag:s1] =	ssyncadd.s32 $0xFFFE7000;
	(pc) =	sbr.rel @p0 .LBB2_2-.Ltmp0, $4  }
0xf4: {  	[hbm4b:s8+s2] =	stream.linear.scatter [tilespmem:s10], [sflag:$0x2], $0x19000, $0x38;
	[tilespmem:$0x1B180] =	vst v63  }
0xf5: {  	_ =	swait.ge [sflag:s9], $0x19000  }
0xf6: {  	[sflag:s9] =	ssyncset.done $0x0  }
0xf7: {  	s7 =	sadd.s32 $0x19, s7;
	s8 =	sadd.s32 $0x3200, s8;
	[sflag:s9] =	ssyncadd.s32 $0xFFFE7000  }
0xf8: {  	s0 =	sld [smem:$0x7FA];
	_ =	sdelay $0x1  }
0xf9: {  	s6 =	simm.s32 $0x19100  }
0xfa: {  	[tilespmem:s6], [sflag:$0x2] =	stream.linear.gather [hbm4b:s0+s2], $0x10, $0x38;
	[tilespmem:$0x1B180] =	vst v63  }
0xfb: {  	_ =	swait.ge [sflag:s9], $0x10  }
0xfc: {  	[sflag:s9] =	ssyncset.done $0x0  }
0xfd: {  	[sflag:s9] =	ssyncadd.s32 $0xFFFFFFF0  }
0xfe: {  	v3 =	vld [tilespmem:$0x19100];
	_ =	sdelay $0x4  }
0xff: {  	v4 =	vshll.u32 v3, $0x2  }
0x100: {  	v3 =	vand.u32 $0x7, v3;
	v4 =	vand.u32 $0xFFFFFFE0, v4  }
0x101: {  	v3 =	vor.u32 v3, v4  }
0x102: {  	v4 =	vperm.xlane v3, v0;
	_ =	sdelay $0x1  }
0x103: {  	v4 =	vadd.s32 v1, v4;
	_ =	sdelay $0x1  }
0x104: {  	v3 =	vperm.xlane v3, v2;
	_ =	sdelay $0x1  }
0x105: {  	s6 =	simm.s32 $0x19180;
	v3 =	vadd.s32 v1, v3  }
0x106: {  	[tilespmem:s6], [sflag:$0x1] =	stream.indirect_vreg.gather [hbm4b:s3+s2], $0x80, v4, vm0, $0xb8;
	[tilespmem:$0x1B180] =	vst v63  }
0x107: {  	s8 =	simm.s32 $0x19980  }
0x108: {  	[tilespmem:s8], [sflag:$0x1] =	stream.indirect_vreg.gather [hbm4b:s4+s2], $0x80, v4, vm0, $0xb8;
	[tilespmem:$0x1B180] =	vst v63  }
0x109: {  	s7 =	simm.s32 $0x1A180  }
0x10a: {  	[tilespmem:s7], [sflag:$0x1] =	stream.indirect_vreg.gather [hbm4b:s3+s2], $0x80, v3, vm0, $0xb8;
	[tilespmem:$0x1B180] =	vst v63  }
0x10b: {  	s8 =	simm.s32 $0x1A980  }
0x10c: {  	[tilespmem:s8], [sflag:$0x1] =	stream.indirect_vreg.gather [hbm4b:s4+s2], $0x80, v3, vm0, $0xb8;
	[tilespmem:$0x1B180] =	vst v63  }
0x10d: {  	_ =	swait.ge [sflag:s1], $0x2000  }
0x10e: {  	s7 =	sld [smem:$0x7FB]  }
0x10f: {  	[sflag:s1] =	ssyncset.done $0x0  }
0x110: {  	[sflag:s1] =	ssyncadd.s32 $0xFFFFE000  }
0x111: {  	[hbm4b:s7+s2] =	stream.linear.scatter [tilespmem:s6], [sflag:$0x2], $0x2000, $0x38;
	[tilespmem:$0x1B180] =	vst v63  }
0x112: {  	_ =	swait.ge [sflag:s9], $0x2000  }
0x113: {  	s8 =	sld [smem:$0x7FC];
	_ =	sdelay $0x1  }
0x114: {  	s5 =	sadd.s32 $0x1, s5  }
0x115: {  	p0 =	sne.s32 s5, s8  }
.Ltmp1:
0x116: {  	_ = 	snop;
	(pc) =	sbr.rel @p0 .LBB2_1-.Ltmp1, $3  }
0x117: {  	_ =	sdelay $0x1  }
0x118: {  	[sflag:s9] =	ssyncset.done $0x0  }
0x119: {  	[sflag:s9] =	ssyncadd.s32 $0xFFFFE000  }
0x11a: {  	_ =	sfence.sel $0x180000  }
0x11b: {  	[bflag:$0x0] =	sbarrier.arrive $0xFFFF  }
0x11c: {  	_ =	strace $0x90000056  }
0x11d: {  	s0 =	stileid.u32;
	[bflag:$0x2] =	sbarrier.arrive $0xFFFF  }
0x11e: {  	p0 =	sne.s32 s0, $0x0;
	s0 =	rddreg [dreg:$0x1]  }
0x11f: {  	s0 =	sadd.s32 @!p0 $0x100000, s0  }
0x120: {  	[sflag:s0] =	ssyncadd.tile.s32 @!p0 $0x1;
	_ =	shalt  }
.Lfunc_end2:
_tile_overlayer_lowered:
.L_overlay_start_2:
0x121: {  	(tag) =	ssettag $0x2  }
0x122: {  	s0 =	rddreg [dreg:$0x0];
	s2 =	stileid.u32  }
0x123: {  	s1 =	rddreg [dreg:$0x1];
	p0 =	sne.s32 s2, $0x0  }
0x124: {  	s3 =	rddreg [dreg:$0x2];
	[bflag:$0x3] =	sbarrier.arrive $0xFFFF;
	s2 =	simm.s32 @!p0 $0x1C02  }
0x125: {  	[timem:s3], [sflag:s2] =	dma.local @!p0 [hbm:s0], s1  }
0x126: {  	s0 =	simm.s32 @!p0 $0x2  }
0x127: {  	_ =	swait.ge @!p0 [sflag:s0], s1  }
0x128: {  	s1 =	ssub.s32 @!p0 $0x0, s1;
	[sflag:s0] =	ssyncset.done @!p0 $0x0  }
0x129: {  	[sflag:s0] =	ssyncadd.s32 @!p0 s1  }
0x12a: {  	[bflag:$0x3] =	sbarrier.arrive $0xFFFF  }
0x12b: {  	_ =	shalt  }

// kernel: kernel.33.cloned.1.call-start
scs
__scs_entry_jumppad:
0x0: {  	(pc) =	sbr.rel $0x88, $3  }
0x1: {  	(tag) =	ssettag $0x0;
	lr =	simm.s32 $0x1  }
0x2: {  	[smem:$0x3F78] =	sst lr;
	_ =	strace $0xD0000000  }
0x3: {  	_ = 	snop  }
0x4: {  	_ = 	snop  }
0x5: {  	_ = 	snop  }
0x6: {  	_ = 	snop  }
0x7: {  	_ = 	snop  }
__scs_overlays_trampoline_lowered:
0x8: {  	[smem:$0x3F87] =	sst s0  }
0x9: {  	[smem:$0x3F88] =	sst s1  }
0xa: {  	[smem:$0x3F89] =	sst s2  }
0xb: {  	[smem:$0x3F8A] =	sst s3  }
0xc: {  	[smem:$0x3F8B] =	sst s4  }
0xd: {  	[smem:$0x3F8C] =	sst s5  }
0xe: {  	[smem:$0x3F8D] =	sst s6  }
0xf: {  	[smem:$0x3F8E] =	sst s7  }
0x10: {  	[smem:$0x3F8F] =	sst s8  }
0x11: {  	[smem:$0x3F90] =	sst s9;
	s0 =	simm.s32 @!p0 $0x0  }
0x12: {  	s1 =	sld [smem:$0x3F76];
	s0 =	simm.s32 @p0 $0x1  }
0x13: {  	[smem:$0x3F91] =	sst s0;
	s0 =	simm.s32 @!p1 $0x0  }
0x14: {  	s2 =	sld [smem:$0x3F75];
	s0 =	simm.s32 @p1 $0x1  }
0x15: {  	[smem:$0x3F92] =	sst s0;
	s0 =	simm.s32 @!p2 $0x0  }
0x16: {  	s3 =	sld [smem:$0x3FDB];
	s0 =	simm.s32 @p2 $0x1  }
0x17: {  	s4 =	simm.s32 $0x1BF5;
	[smem:$0x3F94] =	sst s0  }
0x18: {  	s0 =	sld [smem:$0x3F77];
	_ =	swait.ge [sflag:s4], $0x0  }
0x19: {  	s7 =	sld [smem:$0x3F78]  }
0x1a: {  	s8 =	sadd.s32 $0xFFFFE003, lr  }
0x1b: {  	s9 =	sadd.s32 $0xFFFFFEF7, lr;
	s5 =	simm.s32 $0xFFFFFFFF;
	p2 =	slt.u32 s8, $0xFFFFF086  }
0x1c: {  	p1 =	slt.u32 s9, $0xF7A;
	s5 =	simm.s32 @!p2 $0x0  }
0x1d: {  	s5 =	simm.s32 @p1 $0x1;
	p0 =	seq.s32 s7, s2  }
0x1e: {  	s7 =	smul.u32 @!p0 $0xF7A, s2;
	p2 =	seq.s32 @!p0 s5, $0x0  }
0x1f: {  	s9 =	smul.u32 $0xF7A, s1;
	s8 =	simm.s32 @!p0 $0x1BF5;
	p2 =	por !p2, p0  }
0x20: {  	[sflag:s8] =	ssyncset.s32 @!p0 $0xFFFFF086;
	s6 =	sadd.s32 @!p0 s3, s7;
	s7 =	simm.s32 @!p0 $0x108  }
0x21: {  	s3 =	sadd.s32 s3, s9;
	s6 =	sadd.s32 @!p0 $0x88, s6;
	s7 =	simm.s32 @p2 $0x1082  }
0x22: {  	[simem:s7], [sflag:s8] =	dma.local @!p0 [hbm:s6], $0xF7A  }
0x23: {  	s9 =	sor.u32 $0xD0000000, s2;
	s6 =	simm.s32 $0x108;
	_ =	swait.ge @!p0 [sflag:s8], $0x0  }
0x24: {  	s3 =	sadd.s32 $0x88, s3;
	s6 =	simm.s32 @!p1 $0x1082;
	[sflag:s4] =	ssyncset.s32 $0xFFFFF086  }
0x25: {  	[simem:s6], [sflag:s4] =	dma.local [hbm:s3], $0xF7A  }
0x26: {  	[smem:$0x3F78] =	sst s1;
	(tag) =	ssettag s2;
	_ =	strace s9  }
0x27: {  	s1 =	sld [smem:$0x3F88]  }
0x28: {  	s2 =	sld [smem:$0x3F89]  }
0x29: {  	s4 =	sld [smem:$0x3F8B]  }
0x2a: {  	p0 =	seq.s32 s5, $0x0;
	s5 =	sld [smem:$0x3F8C]  }
0x2b: {  	s6 =	sld [smem:$0x3F8D]  }
0x2c: {  	s7 =	sld [smem:$0x3F8E]  }
0x2d: {  	s3 =	simm.s32 $0x108;
	s8 =	sld [smem:$0x3F8F]  }
0x2e: {  	s3 =	simm.s32 @!p0 $0x1082;
	s9 =	sld [smem:$0x3F90]  }
0x2f: {  	lr =	sadd.s32 s0, s3;
	s0 =	sld [smem:$0x3F87]  }
0x30: {  	s3 =	sld [smem:$0x3F8A]  }
0x31: {  	[smem:$0x3F93] =	sst s10  }
0x32: {  	s10 =	sld [smem:$0x3F91];
	_ =	sdelay $0x3  }
0x33: {  	p0 =	seq.s32 s10, $0x1;
	s10 =	sld [smem:$0x3F93];
	_ =	sdelay $0x3  }
0x34: {  	[smem:$0x3F93] =	sst s10  }
0x35: {  	s10 =	sld [smem:$0x3F92];
	_ =	sdelay $0x3  }
0x36: {  	p1 =	seq.s32 s10, $0x1;
	s10 =	sld [smem:$0x3F93];
	_ =	sdelay $0x3  }
0x37: {  	[smem:$0x3F93] =	sst s10  }
0x38: {  	s10 =	sld [smem:$0x3F94]  }
0x39: {  	_ = 	snop;
	(pc) =	sbr.ind lr, $3  }
0x3a: {  	_ = 	snop  }
0x3b: {  	_ = 	snop  }
0x3c: {  	p2 =	seq.s32 s10, $0x1;
	s10 =	sld [smem:$0x3F93]  }
0x3d: {  	_ =	shalt  }
0x3e: {  	_ =	shalt  }
0x3f: {  	_ =	shalt  }
0x40: {  	_ =	shalt  }
0x41: {  	_ =	shalt  }
0x42: {  	_ =	shalt  }
0x43: {  	_ =	shalt  }
0x44: {  	_ =	shalt  }
0x45: {  	_ =	shalt  }
0x46: {  	_ =	shalt  }
0x47: {  	_ =	shalt  }
0x48: {  	_ =	shalt  }
0x49: {  	_ =	shalt  }
0x4a: {  	_ =	shalt  }
0x4b: {  	_ =	shalt  }
0x4c: {  	_ =	shalt  }
0x4d: {  	_ =	shalt  }
0x4e: {  	_ =	shalt  }
0x4f: {  	_ =	shalt  }
0x50: {  	_ =	shalt  }
0x51: {  	_ =	shalt  }
0x52: {  	_ =	shalt  }
0x53: {  	_ =	shalt  }
0x54: {  	_ =	shalt  }
0x55: {  	_ =	shalt  }
0x56: {  	_ =	shalt  }
0x57: {  	_ =	shalt  }
0x58: {  	_ =	shalt  }
0x59: {  	_ =	shalt  }
0x5a: {  	_ =	shalt  }
0x5b: {  	_ =	shalt  }
0x5c: {  	_ =	shalt  }
0x5d: {  	_ =	shalt  }
0x5e: {  	_ =	shalt  }
0x5f: {  	_ =	shalt  }
0x60: {  	_ =	shalt  }
0x61: {  	_ =	shalt  }
0x62: {  	_ =	shalt  }
0x63: {  	_ =	shalt  }
0x64: {  	_ =	shalt  }
0x65: {  	_ =	shalt  }
0x66: {  	_ =	shalt  }
0x67: {  	_ =	shalt  }
0x68: {  	_ =	shalt  }
0x69: {  	_ =	shalt  }
0x6a: {  	_ =	shalt  }
0x6b: {  	_ =	shalt  }
0x6c: {  	_ =	shalt  }
0x6d: {  	_ =	shalt  }
0x6e: {  	_ =	shalt  }
0x6f: {  	_ =	shalt  }
0x70: {  	_ =	shalt  }
0x71: {  	_ =	shalt  }
0x72: {  	_ =	shalt  }
0x73: {  	_ =	shalt  }
0x74: {  	_ =	shalt  }
0x75: {  	_ =	shalt  }
0x76: {  	_ =	shalt  }
0x77: {  	_ =	shalt  }
0x78: {  	_ =	shalt  }
0x79: {  	_ =	shalt  }
0x7a: {  	_ =	shalt  }
0x7b: {  	_ =	shalt  }
0x7c: {  	_ =	shalt  }
0x7d: {  	_ =	shalt  }
0x7e: {  	_ =	shalt  }
0x7f: {  	_ =	shalt  }
0x80: {  	_ =	shalt  }
0x81: {  	_ =	shalt  }
0x82: {  	_ =	shalt  }
0x83: {  	_ =	shalt  }
0x84: {  	_ =	shalt  }
0x85: {  	_ =	shalt  }
0x86: {  	_ =	shalt  }
0x87: {  	_ =	shalt  }
.Lfunc_end0:
.L_simem_size_0:
called_computation.6_lowered:
.L_overlay_start_0:
0x88: {  	s2 =	sld [smem:$0x3FD9]  }
0x89: {  	s3 =	sld [smem:$0x3FFE];
	_ =	sdelay $0x1  }
0x8a: {  	s1 =	srdreg.scid  }
0x8b: {  	s0 =	sand.u32 $0x1, s1  }
0x8c: {  	s17 =	sshll.u32 s0, $0xA;
	s2 =	sadd.s32 s3, s2  }
0x8d: {  	s2 =	sadd.s32 s2, s17  }
0x8e: {  	[smem:$0x3F9F] =	sst s2  }
0x8f: {  	_ = 	snop  }
0x90: {  	(tm) =	ssettm $0x1  }
0x91: {  	s18 =	sld [smem:$0x3FFB];
	_ =	sdelay $0x3  }
0x92: {  	_ =	strace s18  }
0x93: {  	s2 =	sld [smem:$0x3FFC];
	_ =	sdelay $0x3  }
0x94: {  	_ =	strace s2  }
0x95: {  	s2 =	sld [smem:$0x3FFD];
	_ =	sdelay $0x3  }
0x96: {  	_ =	strace s2  }
0x97: {  	_ =	strace $0x8FFFFFFF  }
0x98: {  	s19 =	sld [smem:$0x3FDB];
	_ =	sdelay $0x1  }
0x99: {  	s20 =	simm.s32 $_scs_section_size  }
0x9a: {  	s4 =	simm.s32 $_size__tile_overlayer_lowered;
	s5 =	simm.s32 $_tile_overlayer_lowered  }
0x9b: {  	s6 =	simm.s32 $0x1BFF;
	s21 =	sshll.u32 s5, $0x1;
	s3 =	sadd.s32 s20, s19  }
0x9c: {  	s22 =	simm.s32 $0x0;
	s4 =	sshll.u32 s4, $0x1;
	s5 =	sadd.s32 s21, s3  }
0x9d: {  	[timem:s22], [sflag:s6] =	dma.local [hbm:s5], s4  }
0x9e: {  	_ =	swait.ge [sflag:s6], s4  }
0x9f: {  	s4 =	ssub.s32 $0x0, s4;
	[sflag:s6] =	ssyncset.done $0x0  }
0xa0: {  	[sflag:s6] =	ssyncadd.s32 s4;
	_ =	sdelay $0x1  }
0xa1: {  	s23 =	simm.s32 $0x1B8B  }
0xa2: {  	_ =	swait.ge [sflag:s23], $0x1  }
0xa3: {  	[sflag:s23] =	ssyncset.done $0x0  }
0xa4: {  	[sflag:s23] =	ssyncadd.s32 $0xFFFFFFFF  }
0xa5: {  	s4 =	sld [smem:$0x0]  }
0xa6: {  	s5 =	sand.u32 $0xFFFFFFFE, s1  }
0xa7: {  	p0 =	sne.s32 s1, s5  }
0xa8: {  	s5 =	sshll.u32 @p0 s5, $0xE  }
0xa9: {  	s5 =	sadd.s32 @p0 $0x11B8D, s5;
	s6 =	sshll.u32 @p0 s4, $0x11  }
0xaa: {  	s5 =	sor.u32 @p0 s6, s5  }
0xab: {  	[sflag:s5] =	ssyncadd.remote.s32 @p0 $0x1;
	_ =	sdelay $0x1  }
0xac: {  	s5 =	simm.s32 @p0 $0x1B8D  }
0xad: {  	_ =	swait.eq @p0 [sflag:s5], $0x1  }
0xae: {  	[sflag:s5] =	ssyncadd.s32 @p0 $0xFFFFFFFF  }
0xaf: {  	s6 =	sshll.u32 @!p0 s1, $0xE  }
0xb0: {  	s6 =	sor.u32 @!p0 $0x4000, s6;
	s5 =	simm.s32 @!p0 $0x1B8D  }
0xb1: {  	s4 =	sshll.u32 @!p0 s4, $0x11;
	s6 =	sadd.s32 @!p0 $0x11B8D, s6;
	_ =	swait.eq @!p0 [sflag:s5], $0x1  }
0xb2: {  	s4 =	sor.u32 @!p0 s4, s6;
	[sflag:s5] =	ssyncadd.s32 @!p0 $0xFFFFFFFF  }
0xb3: {  	s25 =	simm.s32 $0x1B8E;
	s24 =	sld [smem:$0x3FFE];
	[sflag:s4] =	ssyncadd.remote.s32 @!p0 $0x1  }
0xb4: {  	s26 =	simm.s32 $execute0_lowered;
	[smem:$0x3FD2] =	sst s25  }
0xb5: {  	s5 =	sshll.u32 s26, $0x1;
	_ =	strace $0x8000005B;
	[dreg:$0x1] =	wrdreg $0xFFFFFFFF  }
0xb6: {  	s28 =	simm.s32 $_size_execute0_lowered;
	s3 =	sadd.s32 s3, s5;
	[dreg:$0x0] =	wrdreg $0x0  }
0xb7: {  	s5 =	sshll.u32 s28, $0x1;
	[dreg:$0x2] =	wrdreg s3  }
0xb8: {  	[dreg:$0x3] =	wrdreg s5  }
0xb9: {  	[dreg:$0x4] =	wrdreg $0xC0  }
0xba: {  	_ =	task [dreg:s22], $0x5FFFF  }
0xbb: {  	[dreg:$0x1] =	wrdreg $0xFFFFFFFF  }
0xbc: {  	[dreg:$0x0] =	wrdreg $0x60  }
0xbd: {  	[dreg:$0x2] =	wrdreg s24  }
0xbe: {  	[dreg:$0x3] =	wrdreg $0x9  }
0xbf: {  	_ =	task.clear_ibuf [dreg:s22], $0x4FFFF;
	_ =	strace $0x9000005B  }
0xc0: {  	s29 =	simm.s32 $0x9;
	_ =	strace $0x8000005D  }
0xc1: {  	_ =	swait.ge [sflag:s29], $0x1  }
0xc2: {  	[sflag:s29] =	ssyncadd.s32 $0xFFFFFFFF  }
0xc3: {  	_ =	strace $0x9000005D  }
0xc4: {  	_ =	sfence  }
0xc5: {  	s30 =	sld [smem:$0x0];
	_ =	sdelay $0x2  }
0xc6: {  	s31 =	sshll.u32 s1, $0xD;
	s1 =	sshrl.u32 s1, $0x2  }
0xc7: {  	s4 =	sand.u32 $0x4000, s31;
	s1 =	sadd.s32 s1, s30  }
0xc8: {  	s0 =	sor.u32 s4, s0;
	s1 =	sshll.u32 s1, $0x11  }
0xc9: {  	s0 =	sor.u32 s1, s0  }
0xca: {  	s0 =	sadd.s32 $0x8F2B, s0  }
0xcb: {  	[sflag:s0] =	ssyncadd.remote.s32 $0x1  }
0xcc: {  	_ =	sfence.sel $0xFFFF  }
0xcd: {  	[dreg:$0x0] =	wrdreg $0xFFFFFFFF;
	(pc) =	sbr.abs _section_cstart, $3  }
0xce: {  	[dreg:$0x1] =	wrdreg $0xFFFFFFFF  }
0xcf: {  	_ =	task.clear_ibuf [dreg:s22], $0x2FFFF;
	_ =	strace $0x9FFFFFFF  }
0xd0: {  	(tm) =	ssettm $0x7FFFFFFF  }
0xd1: {  	_ =	shalt  }
tec
execute0_lowered:
.L_overlay_start_1:
0x0: {  	(tag) =	ssettag $0x1  }
0x1: {  	s4 =	rddreg [dreg:$0x0];
	s2 =	simm.s32 $0x0  }
0x2: {  	s11 =	simm.s32 $0x900;
	[smem:$0x7FF] =	sst s2  }
0x3: {  	s12 =	simm.s32 $0x1100;
	_ =	strace $0x8000005C;
	[dreg:$0x3] =	wrdreg s11  }
0x4: {  	s13 =	simm.s32 $0x1900;
	[dreg:$0x4] =	wrdreg s12  }
0x5: {  	s14 =	simm.s32 $0x2100;
	[dreg:$0x5] =	wrdreg s13  }
0x6: {  	s15 =	simm.s32 $0x2900;
	[dreg:$0x6] =	wrdreg s14  }
0x7: {  	s16 =	simm.s32 $0x3100;
	[dreg:$0x7] =	wrdreg s15  }
0x8: {  	s17 =	simm.s32 $0x3900;
	[dreg:$0x8] =	wrdreg s16  }
0x9: {  	s18 =	simm.s32 $0x4100;
	[dreg:$0x9] =	wrdreg s17  }
0xa: {  	s19 =	simm.s32 $0x4900;
	[dreg:$0xa] =	wrdreg s18  }
0xb: {  	s20 =	simm.s32 $0x5100;
	[dreg:$0xb] =	wrdreg s19  }
0xc: {  	s21 =	simm.s32 $0x5900;
	[dreg:$0xc] =	wrdreg s20  }
0xd: {  	s22 =	simm.s32 $0x6100;
	[dreg:$0xd] =	wrdreg s21  }
0xe: {  	s23 =	simm.s32 $0x6900;
	[dreg:$0xe] =	wrdreg s22  }
0xf: {  	s0 =	srdreg.scid;
	s24 =	simm.s32 $0x7100;
	[dreg:$0xf] =	wrdreg s23  }
0x10: {  	s10 =	stileid.u32;
	s25 =	simm.s32 $0x7900;
	[dreg:$0x10] =	wrdreg s24  }
0x11: {  	s9 =	simm.s32 $0x8100;
	s28 =	simm.s32 $0x17100;
	[dreg:$0x11] =	wrdreg s25  }
0x12: {  	s29 =	simm.s32 $0x17900;
	[dreg:$0x12] =	wrdreg s9;
	s11 =	simm.s32 $0x8900  }
0x13: {  	s30 =	simm.s32 $0x18100;
	s12 =	simm.s32 $0x9100;
	[dreg:$0x13] =	wrdreg s11  }
0x14: {  	s31 =	simm.s32 $0x18900;
	s13 =	simm.s32 $0x9900;
	[dreg:$0x14] =	wrdreg s12  }
0x15: {  	s0 =	sand.u32 $0x1, s0;
	s14 =	simm.s32 $0xA100;
	[dreg:$0x15] =	wrdreg s13  }
0x16: {  	s1 =	smul.u32 $0x2730, s10;
	s15 =	simm.s32 $0xA900;
	[dreg:$0x16] =	wrdreg s14  }
0x17: {  	s5 =	sadd.s32 $0x9400, s4;
	s16 =	simm.s32 $0xB100;
	[dreg:$0x17] =	wrdreg s15  }
0x18: {  	s6 =	sadd.s32 $0x162C400, s4;
	s18 =	simm.s32 $0xB900;
	[dreg:$0x18] =	wrdreg s16  }
0x19: {  	s26 =	sshll.u32 s10, $0x1;
	s19 =	simm.s32 $0xC100;
	[dreg:$0x19] =	wrdreg s18  }
0x1a: {  	s3 =	smul.u32 $0x1398, s0;
	s21 =	simm.s32 $0xC900;
	[dreg:$0x1a] =	wrdreg s19  }
0x1b: {  	s7 =	ssub.s32 $0x2, s0;
	s23 =	simm.s32 $0xD100;
	[dreg:$0x1b] =	wrdreg s21  }
0x1c: {  	s22 =	smul.u32 $0x9CC00, s10;
	s24 =	simm.s32 $0xD900;
	[dreg:$0x1c] =	wrdreg s23  }
0x1d: {  	s25 =	simm.s32 $0xE100;
	s10 =	simm.s32 $0x100;
	[dreg:$0x1d] =	wrdreg s24  }
0x1e: {  	s8 =	sshrl.u32 s7, $0x1;
	[dreg:$0x1e] =	wrdreg s25;
	s11 =	simm.s32 $0xF100  }
0x1f: {  	s12 =	simm.s32 $0xF900;
	s13 =	simm.s32 $0x10100;
	s14 =	simm.s32 $0x10900  }
0x20: {  	s15 =	simm.s32 $0x11100;
	s16 =	simm.s32 $0x11900;
	s18 =	simm.s32 $0x12900  }
0x21: {  	s19 =	simm.s32 $0x13100;
	s21 =	simm.s32 $0x14100;
	s23 =	simm.s32 $0x15100  }
0x22: {  	s24 =	simm.s32 $0x15900;
	s25 =	simm.s32 $0x16100;
	s1 =	sadd.s32 s3, s1  }
0x23: {  	s7 =	ssub.s32 s7, s8;
	s8 =	sor.u32 s0, s26;
	s0 =	smul.u32 $0x4E600, s0  }
0x24: {  	s3 =	sadd.s32 $0x417000, s4;
	s4 =	sadd.s32 $0x417100, s4;
	s8 =	smul.u32 $0x1398, s8  }
0x25: {  	s26 =	simm.s32 $0xE900;
	s1 =	sshrl.u32 s1, $0x3;
	s20 =	smax.u32 s7, $0x1  }
0x26: {  	[dreg:$0x1f] =	wrdreg s26;
	s26 =	simm.s32 $0x16900;
	s8 =	sadd.s32 $0x1388, s8  }
0x27: {  	s1 =	sadd.s32 s1, s5;
	[smem:$0x7FC] =	sst s20;
	s9 =	sshrl.u32 s8, $0x3  }
0x28: {  	[dreg:$0x2] =	wrdreg s1;
	s17 =	sshll.u32 s8, $0x6;
	s5 =	sadd.s32 s5, s9  }
0x29: {  	s20 =	simm.s32 $0x13900;
	[smem:$0x7FA] =	sst s5;
	s5 =	sadd.s32 s6, s17  }
0x2a: {  	v2 =	vlaneseq.u32;
	s1 =	simm.s32 $0x1;
	[smem:$0x7FB] =	sst s5;
	s5 =	sadd.s32 s22, s6  }
0x2b: {  	vm0 =	vmmov $0xffff;
	v1 =	vshrl.u32 v2, $0x3;
	s9 =	simm.s32 $0x2;
	s17 =	simm.s32 $0x12100;
	s0 =	sadd.s32 s0, s5  }
0x2c: {  	v0 =	vand.u32 $0x7, v2;
	v2 =	vor.u32 $0x8, v2;
	v1 =	vmul.u32 $0x8, v1;
	s22 =	simm.s32 $0x14900;
	s5 =	simm.s32 $0x0;
	[smem:$0x7FD] =	sst s0  }
.LBB2_1:
0x2d: {  	s8 =	sld [smem:$0x7FD];
	s7 =	simm.s32 $0x0  }
.LBB2_2:
0x2e: {  	s6 =	rddreg [dreg:$0x2]  }
0x2f: {  	s6 =	sadd.s32 s7, s6  }
0x30: {  	[tilespmem:s2], [sflag:$0x2] =	stream.linear.gather [hbm4b:s6+s2], $0xC8, $0x38;
	[tilespmem:$0x1B180] =	vst v63  }
0x31: {  	_ =	swait.ge [sflag:s9], $0xC8  }
0x32: {  	[sflag:s9] =	ssyncset.done $0x0  }
0x33: {  	[sflag:s9] =	ssyncadd.s32 $0xFFFFFF38  }
0x34: {  	v3 =	vld [tilespmem:$0x0];
	_ =	sdelay $0x4  }
0x35: {  	v4 =	vshll.u32 v3, $0x2  }
0x36: {  	v3 =	vand.u32 $0x7, v3;
	v4 =	vand.u32 $0xFFFFFFE0, v4  }
0x37: {  	v3 =	vor.u32 v3, v4  }
0x38: {  	v4 =	vperm.xlane v3, v0;
	_ =	sdelay $0x1  }
0x39: {  	v4 =	vadd.s32 v1, v4;
	_ =	sdelay $0x1  }
0x3a: {  	v3 =	vperm.xlane v3, v2;
	_ =	sdelay $0x1  }
0x3b: {  	v3 =	vadd.s32 v1, v3  }
0x3c: {  	[tilespmem:s10], [sflag:$0x1] =	stream.indirect_vreg.gather [hbm4b:s3+s2], $0x80, v4, vm0, $0xb8;
	[tilespmem:$0x1B180] =	vst v63  }
0x3d: {  	s6 =	rddreg [dreg:$0x3]  }
0x3e: {  	[tilespmem:s6], [sflag:$0x1] =	stream.indirect_vreg.gather [hbm4b:s4+s2], $0x80, v4, vm0, $0xb8;
	[tilespmem:$0x1B180] =	vst v63  }
0x3f: {  	s0 =	rddreg [dreg:$0x4]  }
0x40: {  	[tilespmem:s0], [sflag:$0x1] =	stream.indirect_vreg.gather [hbm4b:s3+s2], $0x80, v3, vm0, $0xb8;
	[tilespmem:$0x1B180] =	vst v63  }
0x41: {  	s6 =	rddreg [dreg:$0x5]  }
0x42: {  	[tilespmem:s6], [sflag:$0x1] =	stream.indirect_vreg.gather [hbm4b:s4+s2], $0x80, v3, vm0, $0xb8;
	[tilespmem:$0x1B180] =	vst v63  }
0x43: {  	v3 =	vld [tilespmem:$0x10];
	_ =	sdelay $0x4  }
0x44: {  	v52 =	vshll.u32 v3, $0x2  }
0x45: {  	v3 =	vand.u32 $0x7, v3;
	v4 =	vand.u32 $0xFFFFFFE0, v52  }
0x46: {  	v3 =	vor.u32 v3, v4  }
0x47: {  	v4 =	vperm.xlane v3, v0;
	_ =	sdelay $0x1  }
0x48: {  	v4 =	vadd.s32 v1, v4;
	_ =	sdelay $0x1  }
0x49: {  	v3 =	vperm.xlane v3, v2;
	_ =	sdelay $0x1  }
0x4a: {  	s0 =	rddreg [dreg:$0x6];
	v3 =	vadd.s32 v1, v3  }
0x4b: {  	[tilespmem:s0], [sflag:$0x1] =	stream.indirect_vreg.gather [hbm4b:s3+s2], $0x80, v4, vm0, $0xb8;
	[tilespmem:$0x1B180] =	vst v63  }
0x4c: {  	s6 =	rddreg [dreg:$0x7]  }
0x4d: {  	[tilespmem:s6], [sflag:$0x1] =	stream.indirect_vreg.gather [hbm4b:s4+s2], $0x80, v4, vm0, $0xb8;
	[tilespmem:$0x1B180] =	vst v63  }
0x4e: {  	s0 =	rddreg [dreg:$0x8]  }
0x4f: {  	[tilespmem:s0], [sflag:$0x1] =	stream.indirect_vreg.gather [hbm4b:s3+s2], $0x80, v3, vm0, $0xb8;
	[tilespmem:$0x1B180] =	vst v63  }
0x50: {  	s6 =	rddreg [dreg:$0x9]  }
0x51: {  	[tilespmem:s6], [sflag:$0x1] =	stream.indirect_vreg.gather [hbm4b:s4+s2], $0x80, v3, vm0, $0xb8;
	[tilespmem:$0x1B180] =	vst v63  }
0x52: {  	v3 =	vld [tilespmem:$0x20];
	_ =	sdelay $0x4  }
0x53: {  	v53 =	vshll.u32 v3, $0x2  }
0x54: {  	v3 =	vand.u32 $0x7, v3;
	v4 =	vand.u32 $0xFFFFFFE0, v53  }
0x55: {  	v3 =	vor.u32 v3, v4  }
0x56: {  	v4 =	vperm.xlane v3, v0;
	_ =	sdelay $0x1  }
0x57: {  	v4 =	vadd.s32 v1, v4;
	_ =	sdelay $0x1  }
0x58: {  	v3 =	vperm.xlane v3, v2;
	_ =	sdelay $0x1  }
0x59: {  	s0 =	rddreg [dreg:$0xa];
	v3 =	vadd.s32 v1, v3  }
0x5a: {  	[tilespmem:s0], [sflag:$0x1] =	stream.indirect_vreg.gather [hbm4b:s3+s2], $0x80, v4, vm0, $0xb8;
	[tilespmem:$0x1B180] =	vst v63  }
0x5b: {  	s6 =	rddreg [dreg:$0xb]  }
0x5c: {  	[tilespmem:s6], [sflag:$0x1] =	stream.indirect_vreg.gather [hbm4b:s4+s2], $0x80, v4, vm0, $0xb8;
	[tilespmem:$0x1B180] =	vst v63  }
0x5d: {  	s0 =	rddreg [dreg:$0xc]  }
0x5e: {  	[tilespmem:s0], [sflag:$0x1] =	stream.indirect_vreg.gather [hbm4b:s3+s2], $0x80, v3, vm0, $0xb8;
	[tilespmem:$0x1B180] =	vst v63  }
0x5f: {  	s6 =	rddreg [dreg:$0xd]  }
0x60: {  	[tilespmem:s6], [sflag:$0x1] =	stream.indirect_vreg.gather [hbm4b:s4+s2], $0x80, v3, vm0, $0xb8;
	[tilespmem:$0x1B180] =	vst v63  }
0x61: {  	v3 =	vld [tilespmem:$0x30];
	_ =	sdelay $0x4  }
0x62: {  	v54 =	vshll.u32 v3, $0x2  }
0x63: {  	v3 =	vand.u32 $0x7, v3;
	v4 =	vand.u32 $0xFFFFFFE0, v54  }
0x64: {  	v3 =	vor.u32 v3, v4  }
0x65: {  	v4 =	vperm.xlane v3, v0;
	_ =	sdelay $0x1  }
0x66: {  	v4 =	vadd.s32 v1, v4;
	_ =	sdelay $0x1  }
0x67: {  	v3 =	vperm.xlane v3, v2;
	_ =	sdelay $0x1  }
0x68: {  	s0 =	rddreg [dreg:$0xe];
	v3 =	vadd.s32 v1, v3  }
0x69: {  	[tilespmem:s0], [sflag:$0x1] =	stream.indirect_vreg.gather [hbm4b:s3+s2], $0x80, v4, vm0, $0xb8;
	[tilespmem:$0x1B180] =	vst v63  }
0x6a: {  	s6 =	rddreg [dreg:$0xf]  }
0x6b: {  	[tilespmem:s6], [sflag:$0x1] =	stream.indirect_vreg.gather [hbm4b:s4+s2], $0x80, v4, vm0, $0xb8;
	[tilespmem:$0x1B180] =	vst v63  }
0x6c: {  	s0 =	rddreg [dreg:$0x10]  }
0x6d: {  	[tilespmem:s0], [sflag:$0x1] =	stream.indirect_vreg.gather [hbm4b:s3+s2], $0x80, v3, vm0, $0xb8;
	[tilespmem:$0x1B180] =	vst v63  }
0x6e: {  	s6 =	rddreg [dreg:$0x11]  }
0x6f: {  	[tilespmem:s6], [sflag:$0x1] =	stream.indirect_vreg.gather [hbm4b:s4+s2], $0x80, v3, vm0, $0xb8;
	[tilespmem:$0x1B180] =	vst v63  }
0x70: {  	v3 =	vld [tilespmem:$0x40];
	_ =	sdelay $0x4  }
0x71: {  	v55 =	vshll.u32 v3, $0x2  }
0x72: {  	v3 =	vand.u32 $0x7, v3;
	v4 =	vand.u32 $0xFFFFFFE0, v55  }
0x73: {  	v3 =	vor.u32 v3, v4  }
0x74: {  	v4 =	vperm.xlane v3, v0;
	_ =	sdelay $0x1  }
0x75: {  	v4 =	vadd.s32 v1, v4;
	_ =	sdelay $0x1  }
0x76: {  	v3 =	vperm.xlane v3, v2;
	_ =	sdelay $0x1  }
0x77: {  	s0 =	rddreg [dreg:$0x12];
	v3 =	vadd.s32 v1, v3  }
0x78: {  	[tilespmem:s0], [sflag:$0x1] =	stream.indirect_vreg.gather [hbm4b:s3+s2], $0x80, v4, vm0, $0xb8;
	[tilespmem:$0x1B180] =	vst v63  }
0x79: {  	s6 =	rddreg [dreg:$0x13]  }
0x7a: {  	[tilespmem:s6], [sflag:$0x1] =	stream.indirect_vreg.gather [hbm4b:s4+s2], $0x80, v4, vm0, $0xb8;
	[tilespmem:$0x1B180] =	vst v63  }
0x7b: {  	s0 =	rddreg [dreg:$0x14]  }
0x7c: {  	[tilespmem:s0], [sflag:$0x1] =	stream.indirect_vreg.gather [hbm4b:s3+s2], $0x80, v3, vm0, $0xb8;
	[tilespmem:$0x1B180] =	vst v63  }
0x7d: {  	s6 =	rddreg [dreg:$0x15]  }
0x7e: {  	[tilespmem:s6], [sflag:$0x1] =	stream.indirect_vreg.gather [hbm4b:s4+s2], $0x80, v3, vm0, $0xb8;
	[tilespmem:$0x1B180] =	vst v63  }
0x7f: {  	v3 =	vld [tilespmem:$0x50];
	_ =	sdelay $0x4  }
0x80: {  	v56 =	vshll.u32 v3, $0x2  }
0x81: {  	v3 =	vand.u32 $0x7, v3;
	v4 =	vand.u32 $0xFFFFFFE0, v56  }
0x82: {  	v3 =	vor.u32 v3, v4  }
0x83: {  	v4 =	vperm.xlane v3, v0;
	_ =	sdelay $0x1  }
0x84: {  	v4 =	vadd.s32 v1, v4;
	_ =	sdelay $0x1  }
0x85: {  	v3 =	vperm.xlane v3, v2;
	_ =	sdelay $0x1  }
0x86: {  	s0 =	rddreg [dreg:$0x16];
	v3 =	vadd.s32 v1, v3  }
0x87: {  	[tilespmem:s0], [sflag:$0x1] =	stream.indirect_vreg.gather [hbm4b:s3+s2], $0x80, v4, vm0, $0xb8;
	[tilespmem:$0x1B180] =	vst v63  }
0x88: {  	s6 =	rddreg [dreg:$0x17]  }
0x89: {  	[tilespmem:s6], [sflag:$0x1] =	stream.indirect_vreg.gather [hbm4b:s4+s2], $0x80, v4, vm0, $0xb8;
	[tilespmem:$0x1B180] =	vst v63  }
0x8a: {  	s0 =	rddreg [dreg:$0x18]  }
0x8b: {  	[tilespmem:s0], [sflag:$0x1] =	stream.indirect_vreg.gather [hbm4b:s3+s2], $0x80, v3, vm0, $0xb8;
	[tilespmem:$0x1B180] =	vst v63  }
0x8c: {  	s6 =	rddreg [dreg:$0x19]  }
0x8d: {  	[tilespmem:s6], [sflag:$0x1] =	stream.indirect_vreg.gather [hbm4b:s4+s2], $0x80, v3, vm0, $0xb8;
	[tilespmem:$0x1B180] =	vst v63  }
0x8e: {  	v3 =	vld [tilespmem:$0x60];
	_ =	sdelay $0x4  }
0x8f: {  	v57 =	vshll.u32 v3, $0x2  }
0x90: {  	v3 =	vand.u32 $0x7, v3;
	v4 =	vand.u32 $0xFFFFFFE0, v57  }
0x91: {  	v3 =	vor.u32 v3, v4  }
0x92: {  	v4 =	vperm.xlane v3, v0;
	_ =	sdelay $0x1  }
0x93: {  	v4 =	vadd.s32 v1, v4;
	_ =	sdelay $0x1  }
0x94: {  	v3 =	vperm.xlane v3, v2;
	_ =	sdelay $0x1  }
0x95: {  	s0 =	rddreg [dreg:$0x1a];
	v3 =	vadd.s32 v1, v3  }
0x96: {  	[tilespmem:s0], [sflag:$0x1] =	stream.indirect_vreg.gather [hbm4b:s3+s2], $0x80, v4, vm0, $0xb8;
	[tilespmem:$0x1B180] =	vst v63  }
0x97: {  	s6 =	rddreg [dreg:$0x1b]  }
0x98: {  	[tilespmem:s6], [sflag:$0x1] =	stream.indirect_vreg.gather [hbm4b:s4+s2], $0x80, v4, vm0, $0xb8;
	[tilespmem:$0x1B180] =	vst v63  }
0x99: {  	s0 =	rddreg [dreg:$0x1c]  }
0x9a: {  	[tilespmem:s0], [sflag:$0x1] =	stream.indirect_vreg.gather [hbm4b:s3+s2], $0x80, v3, vm0, $0xb8;
	[tilespmem:$0x1B180] =	vst v63  }
0x9b: {  	s6 =	rddreg [dreg:$0x1d]  }
0x9c: {  	[tilespmem:s6], [sflag:$0x1] =	stream.indirect_vreg.gather [hbm4b:s4+s2], $0x80, v3, vm0, $0xb8;
	[tilespmem:$0x1B180] =	vst v63  }
0x9d: {  	v3 =	vld [tilespmem:$0x70];
	_ =	sdelay $0x4  }
0x9e: {  	v58 =	vshll.u32 v3, $0x2  }
0x9f: {  	v3 =	vand.u32 $0x7, v3;
	v4 =	vand.u32 $0xFFFFFFE0, v58  }
0xa0: {  	v3 =	vor.u32 v3, v4  }
0xa1: {  	v4 =	vperm.xlane v3, v0;
	_ =	sdelay $0x1  }
0xa2: {  	v4 =	vadd.s32 v1, v4;
	_ =	sdelay $0x1  }
0xa3: {  	v3 =	vperm.xlane v3, v2;
	_ =	sdelay $0x1  }
0xa4: {  	s0 =	rddreg [dreg:$0x1e];
	v3 =	vadd.s32 v1, v3  }
0xa5: {  	[tilespmem:s0], [sflag:$0x1] =	stream.indirect_vreg.gather [hbm4b:s3+s2], $0x80, v4, vm0, $0xb8;
	[tilespmem:$0x1B180] =	vst v63  }
0xa6: {  	s6 =	rddreg [dreg:$0x1f]  }
0xa7: {  	[tilespmem:s6], [sflag:$0x1] =	stream.indirect_vreg.gather [hbm4b:s4+s2], $0x80, v4, vm0, $0xb8;
	[tilespmem:$0x1B180] =	vst v63  }
0xa8: {  	_ = 	snop  }
0xa9: {  	[tilespmem:s11], [sflag:$0x1] =	stream.indirect_vreg.gather [hbm4b:s3+s2], $0x80, v3, vm0, $0xb8;
	[tilespmem:$0x1B180] =	vst v63  }
0xaa: {  	_ = 	snop  }
0xab: {  	[tilespmem:s12], [sflag:$0x1] =	stream.indirect_vreg.gather [hbm4b:s4+s2], $0x80, v3, vm0, $0xb8;
	[tilespmem:$0x1B180] =	vst v63  }
0xac: {  	v3 =	vld [tilespmem:$0x80];
	_ =	sdelay $0x4  }
0xad: {  	v59 =	vshll.u32 v3, $0x2  }
0xae: {  	v3 =	vand.u32 $0x7, v3;
	v4 =	vand.u32 $0xFFFFFFE0, v59  }
0xaf: {  	v3 =	vor.u32 v3, v4  }
0xb0: {  	v4 =	vperm.xlane v3, v0;
	_ =	sdelay $0x1  }
0xb1: {  	v4 =	vadd.s32 v1, v4;
	_ =	sdelay $0x1  }
0xb2: {  	v3 =	vperm.xlane v3, v2;
	_ =	sdelay $0x1  }
0xb3: {  	v3 =	vadd.s32 v1, v3  }
0xb4: {  	[tilespmem:s13], [sflag:$0x1] =	stream.indirect_vreg.gather [hbm4b:s3+s2], $0x80, v4, vm0, $0xb8;
	[tilespmem:$0x1B180] =	vst v63  }
0xb5: {  	_ = 	snop  }
0xb6: {  	[tilespmem:s14], [sflag:$0x1] =	stream.indirect_vreg.gather [hbm4b:s4+s2], $0x80, v4, vm0, $0xb8;
	[tilespmem:$0x1B180] =	vst v63  }
0xb7: {  	_ = 	snop  }
0xb8: {  	[tilespmem:s15], [sflag:$0x1] =	stream.indirect_vreg.gather [hbm4b:s3+s2], $0x80, v3, vm0, $0xb8;
	[tilespmem:$0x1B180] =	vst v63  }
0xb9: {  	_ = 	snop  }
0xba: {  	[tilespmem:s16], [sflag:$0x1] =	stream.indirect_vreg.gather [hbm4b:s4+s2], $0x80, v3, vm0, $0xb8;
	[tilespmem:$0x1B180] =	vst v63  }
0xbb: {  	v3 =	vld [tilespmem:$0x90];
	_ =	sdelay $0x4  }
0xbc: {  	v60 =	vshll.u32 v3, $0x2  }
0xbd: {  	v3 =	vand.u32 $0x7, v3;
	v4 =	vand.u32 $0xFFFFFFE0, v60  }
0xbe: {  	v3 =	vor.u32 v3, v4  }
0xbf: {  	v4 =	vperm.xlane v3, v0;
	_ =	sdelay $0x1  }
0xc0: {  	v4 =	vadd.s32 v1, v4;
	_ =	sdelay $0x1  }
0xc1: {  	v3 =	vperm.xlane v3, v2;
	_ =	sdelay $0x1  }
0xc2: {  	v3 =	vadd.s32 v1, v3  }
0xc3: {  	[tilespmem:s17], [sflag:$0x1] =	stream.indirect_vreg.gather [hbm4b:s3+s2], $0x80, v4, vm0, $0xb8;
	[tilespmem:$0x1B180] =	vst v63  }
0xc4: {  	_ = 	snop  }
0xc5: {  	[tilespmem:s18], [sflag:$0x1] =	stream.indirect_vreg.gather [hbm4b:s4+s2], $0x80, v4, vm0, $0xb8;
	[tilespmem:$0x1B180] =	vst v63  }
0xc6: {  	_ = 	snop  }
0xc7: {  	[tilespmem:s19], [sflag:$0x1] =	stream.indirect_vreg.gather [hbm4b:s3+s2], $0x80, v3, vm0, $0xb8;
	[tilespmem:$0x1B180] =	vst v63  }
0xc8: {  	_ = 	snop  }
0xc9: {  	[tilespmem:s20], [sflag:$0x1] =	stream.indirect_vreg.gather [hbm4b:s4+s2], $0x80, v3, vm0, $0xb8;
	[tilespmem:$0x1B180] =	vst v63  }
0xca: {  	v3 =	vld [tilespmem:$0xA0];
	_ =	sdelay $0x4  }
0xcb: {  	v61 =	vshll.u32 v3, $0x2  }
0xcc: {  	v3 =	vand.u32 $0x7, v3;
	v4 =	vand.u32 $0xFFFFFFE0, v61  }
0xcd: {  	v3 =	vor.u32 v3, v4  }
0xce: {  	v4 =	vperm.xlane v3, v0;
	_ =	sdelay $0x1  }
0xcf: {  	v4 =	vadd.s32 v1, v4;
	_ =	sdelay $0x1  }
0xd0: {  	v3 =	vperm.xlane v3, v2;
	_ =	sdelay $0x1  }
0xd1: {  	v3 =	vadd.s32 v1, v3  }
0xd2: {  	[tilespmem:s21], [sflag:$0x1] =	stream.indirect_vreg.gather [hbm4b:s3+s2], $0x80, v4, vm0, $0xb8;
	[tilespmem:$0x1B180] =	vst v63  }
0xd3: {  	_ = 	snop  }
0xd4: {  	[tilespmem:s22], [sflag:$0x1] =	stream.indirect_vreg.gather [hbm4b:s4+s2], $0x80, v4, vm0, $0xb8;
	[tilespmem:$0x1B180] =	vst v63  }
0xd5: {  	_ = 	snop  }
0xd6: {  	[tilespmem:s23], [sflag:$0x1] =	stream.indirect_vreg.gather [hbm4b:s3+s2], $0x80, v3, vm0, $0xb8;
	[tilespmem:$0x1B180] =	vst v63  }
0xd7: {  	_ = 	snop  }
0xd8: {  	[tilespmem:s24], [sflag:$0x1] =	stream.indirect_vreg.gather [hbm4b:s4+s2], $0x80, v3, vm0, $0xb8;
	[tilespmem:$0x1B180] =	vst v63  }
0xd9: {  	v3 =	vld [tilespmem:$0xB0];
	_ =	sdelay $0x4  }
0xda: {  	v62 =	vshll.u32 v3, $0x2  }
0xdb: {  	v3 =	vand.u32 $0x7, v3;
	v4 =	vand.u32 $0xFFFFFFE0, v62  }
0xdc: {  	v3 =	vor.u32 v3, v4  }
0xdd: {  	v4 =	vperm.xlane v3, v0;
	_ =	sdelay $0x1  }
0xde: {  	v4 =	vadd.s32 v1, v4;
	_ =	sdelay $0x1  }
0xdf: {  	v3 =	vperm.xlane v3, v2;
	_ =	sdelay $0x1  }
0xe0: {  	v3 =	vadd.s32 v1, v3  }
0xe1: {  	[tilespmem:s25], [sflag:$0x1] =	stream.indirect_vreg.gather [hbm4b:s3+s2], $0x80, v4, vm0, $0xb8;
	[tilespmem:$0x1B180] =	vst v63  }
0xe2: {  	_ = 	snop  }
0xe3: {  	[tilespmem:s26], [sflag:$0x1] =	stream.indirect_vreg.gather [hbm4b:s4+s2], $0x80, v4, vm0, $0xb8;
	[tilespmem:$0x1B180] =	vst v63  }
0xe4: {  	_ = 	snop  }
0xe5: {  	[tilespmem:s28], [sflag:$0x1] =	stream.indirect_vreg.gather [hbm4b:s3+s2], $0x80, v3, vm0, $0xb8;
	[tilespmem:$0x1B180] =	vst v63  }
0xe6: {  	_ = 	snop  }
0xe7: {  	[tilespmem:s29], [sflag:$0x1] =	stream.indirect_vreg.gather [hbm4b:s4+s2], $0x80, v3, vm0, $0xb8;
	[tilespmem:$0x1B180] =	vst v63  }
0xe8: {  	v3 =	vld.msk [tilespmem:$0xC0], $0xff;
	_ =	sdelay $0x4  }
0xe9: {  	v63 =	vshll.u32 v3, $0x2  }
0xea: {  	v3 =	vand.u32 $0x7, v3;
	v4 =	vand.u32 $0xFFFFFFE0, v63  }
0xeb: {  	v3 =	vor.u32 v3, v4  }
0xec: {  	v3 =	vperm.xlane v3, v0;
	_ =	sdelay $0x1  }
0xed: {  	v3 =	vadd.s32 v1, v3;
	_ =	sdelay $0x4  }
0xee: {  	[tilespmem:s30], [sflag:$0x1] =	stream.indirect_vreg.gather [hbm4b:s3+s2], $0x80, v3, vm0, $0xb8;
	[tilespmem:$0x1B180] =	vst v63  }
0xef: {  	_ = 	snop  }
0xf0: {  	[tilespmem:s31], [sflag:$0x1] =	stream.indirect_vreg.gather [hbm4b:s4+s2], $0x80, v3, vm0, $0xb8;
	[tilespmem:$0x1B180] =	vst v63  }
0xf1: {  	_ =	swait.ge [sflag:s1], $0x19000  }
0xf2: {  	p0 =	sne.s32 s7, $0x258;
	[sflag:s1] =	ssyncset.done $0x0  }
.Ltmp0:
0xf3: {  	[sflag:s1] =	ssyncadd.s32 $0xFFFE7000;
	(pc) =	sbr.rel @p0 .LBB2_2-.Ltmp0, $4  }
0xf4: {  	[hbm4b:s8+s2] =	stream.linear.scatter [tilespmem:s10], [sflag:$0x2], $0x19000, $0x38;
	[tilespmem:$0x1B180] =	vst v63  }
0xf5: {  	_ =	swait.ge [sflag:s9], $0x19000  }
0xf6: {  	[sflag:s9] =	ssyncset.done $0x0  }
0xf7: {  	s7 =	sadd.s32 $0x19, s7;
	s8 =	sadd.s32 $0x3200, s8;
	[sflag:s9] =	ssyncadd.s32 $0xFFFE7000  }
0xf8: {  	s0 =	sld [smem:$0x7FA];
	_ =	sdelay $0x1  }
0xf9: {  	s6 =	simm.s32 $0x19100  }
0xfa: {  	[tilespmem:s6], [sflag:$0x2] =	stream.linear.gather [hbm4b:s0+s2], $0x10, $0x38;
	[tilespmem:$0x1B180] =	vst v63  }
0xfb: {  	_ =	swait.ge [sflag:s9], $0x10  }
0xfc: {  	[sflag:s9] =	ssyncset.done $0x0  }
0xfd: {  	[sflag:s9] =	ssyncadd.s32 $0xFFFFFFF0  }
0xfe: {  	v3 =	vld [tilespmem:$0x19100];
	_ =	sdelay $0x4  }
0xff: {  	v4 =	vshll.u32 v3, $0x2  }
0x100: {  	v3 =	vand.u32 $0x7, v3;
	v4 =	vand.u32 $0xFFFFFFE0, v4  }
0x101: {  	v3 =	vor.u32 v3, v4  }
0x102: {  	v4 =	vperm.xlane v3, v0;
	_ =	sdelay $0x1  }
0x103: {  	v4 =	vadd.s32 v1, v4;
	_ =	sdelay $0x1  }
0x104: {  	v3 =	vperm.xlane v3, v2;
	_ =	sdelay $0x1  }
0x105: {  	s6 =	simm.s32 $0x19180;
	v3 =	vadd.s32 v1, v3  }
0x106: {  	[tilespmem:s6], [sflag:$0x1] =	stream.indirect_vreg.gather [hbm4b:s3+s2], $0x80, v4, vm0, $0xb8;
	[tilespmem:$0x1B180] =	vst v63  }
0x107: {  	s8 =	simm.s32 $0x19980  }
0x108: {  	[tilespmem:s8], [sflag:$0x1] =	stream.indirect_vreg.gather [hbm4b:s4+s2], $0x80, v4, vm0, $0xb8;
	[tilespmem:$0x1B180] =	vst v63  }
0x109: {  	s7 =	simm.s32 $0x1A180  }
0x10a: {  	[tilespmem:s7], [sflag:$0x1] =	stream.indirect_vreg.gather [hbm4b:s3+s2], $0x80, v3, vm0, $0xb8;
	[tilespmem:$0x1B180] =	vst v63  }
0x10b: {  	s8 =	simm.s32 $0x1A980  }
0x10c: {  	[tilespmem:s8], [sflag:$0x1] =	stream.indirect_vreg.gather [hbm4b:s4+s2], $0x80, v3, vm0, $0xb8;
	[tilespmem:$0x1B180] =	vst v63  }
0x10d: {  	_ =	swait.ge [sflag:s1], $0x2000  }
0x10e: {  	s7 =	sld [smem:$0x7FB]  }
0x10f: {  	[sflag:s1] =	ssyncset.done $0x0  }
0x110: {  	[sflag:s1] =	ssyncadd.s32 $0xFFFFE000  }
0x111: {  	[hbm4b:s7+s2] =	stream.linear.scatter [tilespmem:s6], [sflag:$0x2], $0x2000, $0x38;
	[tilespmem:$0x1B180] =	vst v63  }
0x112: {  	_ =	swait.ge [sflag:s9], $0x2000  }
0x113: {  	s8 =	sld [smem:$0x7FC];
	_ =	sdelay $0x1  }
0x114: {  	s5 =	sadd.s32 $0x1, s5  }
0x115: {  	p0 =	sne.s32 s5, s8  }
.Ltmp1:
0x116: {  	_ = 	snop;
	(pc) =	sbr.rel @p0 .LBB2_1-.Ltmp1, $3  }
0x117: {  	_ =	sdelay $0x1  }
0x118: {  	[sflag:s9] =	ssyncset.done $0x0  }
0x119: {  	[sflag:s9] =	ssyncadd.s32 $0xFFFFE000  }
0x11a: {  	_ =	sfence.sel $0x180000  }
0x11b: {  	[bflag:$0x0] =	sbarrier.arrive $0xFFFF  }
0x11c: {  	_ =	strace $0x9000005C  }
0x11d: {  	s0 =	stileid.u32;
	[bflag:$0x2] =	sbarrier.arrive $0xFFFF  }
0x11e: {  	p0 =	sne.s32 s0, $0x0;
	s0 =	rddreg [dreg:$0x1]  }
0x11f: {  	s0 =	sadd.s32 @!p0 $0x100000, s0  }
0x120: {  	[sflag:s0] =	ssyncadd.tile.s32 @!p0 $0x1;
	_ =	shalt  }
.Lfunc_end2:
_tile_overlayer_lowered:
.L_overlay_start_2:
0x121: {  	(tag) =	ssettag $0x2  }
0x122: {  	s0 =	rddreg [dreg:$0x0];
	s2 =	stileid.u32  }
0x123: {  	s1 =	rddreg [dreg:$0x1];
	p0 =	sne.s32 s2, $0x0  }
0x124: {  	s3 =	rddreg [dreg:$0x2];
	[bflag:$0x3] =	sbarrier.arrive $0xFFFF;
	s2 =	simm.s32 @!p0 $0x1C02  }
0x125: {  	[timem:s3], [sflag:s2] =	dma.local @!p0 [hbm:s0], s1  }
0x126: {  	s0 =	simm.s32 @!p0 $0x2  }
0x127: {  	_ =	swait.ge @!p0 [sflag:s0], s1  }
0x128: {  	s1 =	ssub.s32 @!p0 $0x0, s1;
	[sflag:s0] =	ssyncset.done @!p0 $0x0  }
0x129: {  	[sflag:s0] =	ssyncadd.s32 @!p0 s1  }
0x12a: {  	[bflag:$0x3] =	sbarrier.arrive $0xFFFF  }
0x12b: {  	_ =	shalt  }

// kernel: kernel.36.cloned.1.call-start
scs
__scs_entry_jumppad:
0x0: {  	(pc) =	sbr.rel $0x88, $3  }
0x1: {  	(tag) =	ssettag $0x0;
	lr =	simm.s32 $0x1  }
0x2: {  	[smem:$0x3F78] =	sst lr;
	_ =	strace $0xD0000000  }
0x3: {  	_ = 	snop  }
0x4: {  	_ = 	snop  }
0x5: {  	_ = 	snop  }
0x6: {  	_ = 	snop  }
0x7: {  	_ = 	snop  }
__scs_overlays_trampoline_lowered:
0x8: {  	[smem:$0x3F87] =	sst s0  }
0x9: {  	[smem:$0x3F88] =	sst s1  }
0xa: {  	[smem:$0x3F89] =	sst s2  }
0xb: {  	[smem:$0x3F8A] =	sst s3  }
0xc: {  	[smem:$0x3F8B] =	sst s4  }
0xd: {  	[smem:$0x3F8C] =	sst s5  }
0xe: {  	[smem:$0x3F8D] =	sst s6  }
0xf: {  	[smem:$0x3F8E] =	sst s7  }
0x10: {  	[smem:$0x3F8F] =	sst s8  }
0x11: {  	[smem:$0x3F90] =	sst s9;
	s0 =	simm.s32 @!p0 $0x0  }
0x12: {  	s1 =	sld [smem:$0x3F76];
	s0 =	simm.s32 @p0 $0x1  }
0x13: {  	[smem:$0x3F91] =	sst s0;
	s0 =	simm.s32 @!p1 $0x0  }
0x14: {  	s2 =	sld [smem:$0x3F75];
	s0 =	simm.s32 @p1 $0x1  }
0x15: {  	[smem:$0x3F92] =	sst s0;
	s0 =	simm.s32 @!p2 $0x0  }
0x16: {  	s3 =	sld [smem:$0x3FDB];
	s0 =	simm.s32 @p2 $0x1  }
0x17: {  	s4 =	simm.s32 $0x1BF5;
	[smem:$0x3F94] =	sst s0  }
0x18: {  	s0 =	sld [smem:$0x3F77];
	_ =	swait.ge [sflag:s4], $0x0  }
0x19: {  	s7 =	sld [smem:$0x3F78]  }
0x1a: {  	s8 =	sadd.s32 $0xFFFFE003, lr  }
0x1b: {  	s9 =	sadd.s32 $0xFFFFFEF7, lr;
	s5 =	simm.s32 $0xFFFFFFFF;
	p2 =	slt.u32 s8, $0xFFFFF086  }
0x1c: {  	p1 =	slt.u32 s9, $0xF7A;
	s5 =	simm.s32 @!p2 $0x0  }
0x1d: {  	s5 =	simm.s32 @p1 $0x1;
	p0 =	seq.s32 s7, s2  }
0x1e: {  	s7 =	smul.u32 @!p0 $0xF7A, s2;
	p2 =	seq.s32 @!p0 s5, $0x0  }
0x1f: {  	s9 =	smul.u32 $0xF7A, s1;
	s8 =	simm.s32 @!p0 $0x1BF5;
	p2 =	por !p2, p0  }
0x20: {  	[sflag:s8] =	ssyncset.s32 @!p0 $0xFFFFF086;
	s6 =	sadd.s32 @!p0 s3, s7;
	s7 =	simm.s32 @!p0 $0x108  }
0x21: {  	s3 =	sadd.s32 s3, s9;
	s6 =	sadd.s32 @!p0 $0x88, s6;
	s7 =	simm.s32 @p2 $0x1082  }
0x22: {  	[simem:s7], [sflag:s8] =	dma.local @!p0 [hbm:s6], $0xF7A  }
0x23: {  	s9 =	sor.u32 $0xD0000000, s2;
	s6 =	simm.s32 $0x108;
	_ =	swait.ge @!p0 [sflag:s8], $0x0  }
0x24: {  	s3 =	sadd.s32 $0x88, s3;
	s6 =	simm.s32 @!p1 $0x1082;
	[sflag:s4] =	ssyncset.s32 $0xFFFFF086  }
0x25: {  	[simem:s6], [sflag:s4] =	dma.local [hbm:s3], $0xF7A  }
0x26: {  	[smem:$0x3F78] =	sst s1;
	(tag) =	ssettag s2;
	_ =	strace s9  }
0x27: {  	s1 =	sld [smem:$0x3F88]  }
0x28: {  	s2 =	sld [smem:$0x3F89]  }
0x29: {  	s4 =	sld [smem:$0x3F8B]  }
0x2a: {  	p0 =	seq.s32 s5, $0x0;
	s5 =	sld [smem:$0x3F8C]  }
0x2b: {  	s6 =	sld [smem:$0x3F8D]  }
0x2c: {  	s7 =	sld [smem:$0x3F8E]  }
0x2d: {  	s3 =	simm.s32 $0x108;
	s8 =	sld [smem:$0x3F8F]  }
0x2e: {  	s3 =	simm.s32 @!p0 $0x1082;
	s9 =	sld [smem:$0x3F90]  }
0x2f: {  	lr =	sadd.s32 s0, s3;
	s0 =	sld [smem:$0x3F87]  }
0x30: {  	s3 =	sld [smem:$0x3F8A]  }
0x31: {  	[smem:$0x3F93] =	sst s10  }
0x32: {  	s10 =	sld [smem:$0x3F91];
	_ =	sdelay $0x3  }
0x33: {  	p0 =	seq.s32 s10, $0x1;
	s10 =	sld [smem:$0x3F93];
	_ =	sdelay $0x3  }
0x34: {  	[smem:$0x3F93] =	sst s10  }
0x35: {  	s10 =	sld [smem:$0x3F92];
	_ =	sdelay $0x3  }
0x36: {  	p1 =	seq.s32 s10, $0x1;
	s10 =	sld [smem:$0x3F93];
	_ =	sdelay $0x3  }
0x37: {  	[smem:$0x3F93] =	sst s10  }
0x38: {  	s10 =	sld [smem:$0x3F94]  }
0x39: {  	_ = 	snop;
	(pc) =	sbr.ind lr, $3  }
0x3a: {  	_ = 	snop  }
0x3b: {  	_ = 	snop  }
0x3c: {  	p2 =	seq.s32 s10, $0x1;
	s10 =	sld [smem:$0x3F93]  }
0x3d: {  	_ =	shalt  }
0x3e: {  	_ =	shalt  }
0x3f: {  	_ =	shalt  }
0x40: {  	_ =	shalt  }
0x41: {  	_ =	shalt  }
0x42: {  	_ =	shalt  }
0x43: {  	_ =	shalt  }
0x44: {  	_ =	shalt  }
0x45: {  	_ =	shalt  }
0x46: {  	_ =	shalt  }
0x47: {  	_ =	shalt  }
0x48: {  	_ =	shalt  }
0x49: {  	_ =	shalt  }
0x4a: {  	_ =	shalt  }
0x4b: {  	_ =	shalt  }
0x4c: {  	_ =	shalt  }
0x4d: {  	_ =	shalt  }
0x4e: {  	_ =	shalt  }
0x4f: {  	_ =	shalt  }
0x50: {  	_ =	shalt  }
0x51: {  	_ =	shalt  }
0x52: {  	_ =	shalt  }
0x53: {  	_ =	shalt  }
0x54: {  	_ =	shalt  }
0x55: {  	_ =	shalt  }
0x56: {  	_ =	shalt  }
0x57: {  	_ =	shalt  }
0x58: {  	_ =	shalt  }
0x59: {  	_ =	shalt  }
0x5a: {  	_ =	shalt  }
0x5b: {  	_ =	shalt  }
0x5c: {  	_ =	shalt  }
0x5d: {  	_ =	shalt  }
0x5e: {  	_ =	shalt  }
0x5f: {  	_ =	shalt  }
0x60: {  	_ =	shalt  }
0x61: {  	_ =	shalt  }
0x62: {  	_ =	shalt  }
0x63: {  	_ =	shalt  }
0x64: {  	_ =	shalt  }
0x65: {  	_ =	shalt  }
0x66: {  	_ =	shalt  }
0x67: {  	_ =	shalt  }
0x68: {  	_ =	shalt  }
0x69: {  	_ =	shalt  }
0x6a: {  	_ =	shalt  }
0x6b: {  	_ =	shalt  }
0x6c: {  	_ =	shalt  }
0x6d: {  	_ =	shalt  }
0x6e: {  	_ =	shalt  }
0x6f: {  	_ =	shalt  }
0x70: {  	_ =	shalt  }
0x71: {  	_ =	shalt  }
0x72: {  	_ =	shalt  }
0x73: {  	_ =	shalt  }
0x74: {  	_ =	shalt  }
0x75: {  	_ =	shalt  }
0x76: {  	_ =	shalt  }
0x77: {  	_ =	shalt  }
0x78: {  	_ =	shalt  }
0x79: {  	_ =	shalt  }
0x7a: {  	_ =	shalt  }
0x7b: {  	_ =	shalt  }
0x7c: {  	_ =	shalt  }
0x7d: {  	_ =	shalt  }
0x7e: {  	_ =	shalt  }
0x7f: {  	_ =	shalt  }
0x80: {  	_ =	shalt  }
0x81: {  	_ =	shalt  }
0x82: {  	_ =	shalt  }
0x83: {  	_ =	shalt  }
0x84: {  	_ =	shalt  }
0x85: {  	_ =	shalt  }
0x86: {  	_ =	shalt  }
0x87: {  	_ =	shalt  }
.Lfunc_end0:
.L_simem_size_0:
called_computation.7_lowered:
.L_overlay_start_0:
0x88: {  	s2 =	sld [smem:$0x3FD9]  }
0x89: {  	s3 =	sld [smem:$0x3FFE];
	_ =	sdelay $0x1  }
0x8a: {  	s1 =	srdreg.scid  }
0x8b: {  	s0 =	sand.u32 $0x1, s1  }
0x8c: {  	s16 =	sshll.u32 s0, $0xA;
	s2 =	sadd.s32 s3, s2  }
0x8d: {  	s2 =	sadd.s32 s2, s16  }
0x8e: {  	[smem:$0x3F9F] =	sst s2  }
0x8f: {  	_ = 	snop  }
0x90: {  	(tm) =	ssettm $0x1  }
0x91: {  	s17 =	sld [smem:$0x3FFB];
	_ =	sdelay $0x3  }
0x92: {  	_ =	strace s17  }
0x93: {  	s2 =	sld [smem:$0x3FFC];
	_ =	sdelay $0x3  }
0x94: {  	_ =	strace s2  }
0x95: {  	s2 =	sld [smem:$0x3FFD];
	_ =	sdelay $0x3  }
0x96: {  	_ =	strace s2  }
0x97: {  	_ =	strace $0x8FFFFFFF  }
0x98: {  	s18 =	sld [smem:$0x3FDB];
	_ =	sdelay $0x1  }
0x99: {  	s19 =	simm.s32 $_scs_section_size  }
0x9a: {  	s4 =	simm.s32 $_size__tile_overlayer_lowered;
	s5 =	simm.s32 $_tile_overlayer_lowered  }
0x9b: {  	s22 =	simm.s32 $0x1BFF;
	s21 =	sshll.u32 s5, $0x1;
	s2 =	sadd.s32 s19, s18  }
0x9c: {  	s6 =	simm.s32 $0x0;
	s20 =	sshll.u32 s4, $0x1;
	s4 =	sadd.s32 s21, s2  }
0x9d: {  	[timem:s6], [sflag:s22] =	dma.local [hbm:s4], s20  }
0x9e: {  	_ =	swait.ge [sflag:s22], s20  }
0x9f: {  	s3 =	ssub.s32 $0x0, s20;
	[sflag:s22] =	ssyncset.done $0x0  }
0xa0: {  	[sflag:s22] =	ssyncadd.s32 s3;
	_ =	sdelay $0x1  }
0xa1: {  	s23 =	simm.s32 $0x1B8B  }
0xa2: {  	_ =	swait.ge [sflag:s23], $0x1  }
0xa3: {  	[sflag:s23] =	ssyncset.done $0x0  }
0xa4: {  	s25 =	simm.s32 $0x1B8E;
	s24 =	sld [smem:$0x3FFE];
	[sflag:s23] =	ssyncadd.s32 $0xFFFFFFFF  }
0xa5: {  	s26 =	simm.s32 $execute0_lowered;
	[smem:$0x3FD2] =	sst s25  }
0xa6: {  	s4 =	sshll.u32 s26, $0x1;
	_ =	strace $0x80000058;
	[dreg:$0x1] =	wrdreg $0xFFFFFFFF  }
0xa7: {  	s28 =	simm.s32 $_size_execute0_lowered;
	s2 =	sadd.s32 s2, s4;
	[dreg:$0x0] =	wrdreg $0x0  }
0xa8: {  	s4 =	sshll.u32 s28, $0x1;
	[dreg:$0x2] =	wrdreg s2  }
0xa9: {  	[dreg:$0x3] =	wrdreg s4  }
0xaa: {  	[dreg:$0x4] =	wrdreg $0xC0  }
0xab: {  	_ =	task [dreg:s6], $0x5FFFF  }
0xac: {  	[dreg:$0x1] =	wrdreg $0xFFFFFFFF  }
0xad: {  	[dreg:$0x0] =	wrdreg $0x60  }
0xae: {  	[dreg:$0x2] =	wrdreg s24  }
0xaf: {  	[dreg:$0x3] =	wrdreg $0xA  }
0xb0: {  	_ =	task.clear_ibuf [dreg:s6], $0x4FFFF;
	_ =	strace $0x90000058  }
0xb1: {  	s29 =	simm.s32 $0xA;
	_ =	strace $0x8000005A  }
0xb2: {  	_ =	swait.ge [sflag:s29], $0x1  }
0xb3: {  	[sflag:s29] =	ssyncadd.s32 $0xFFFFFFFF  }
0xb4: {  	_ =	strace $0x9000005A  }
0xb5: {  	_ =	sfence  }
0xb6: {  	s30 =	sld [smem:$0x0];
	_ =	sdelay $0x2  }
0xb7: {  	s31 =	sshll.u32 s1, $0xD;
	s1 =	sshrl.u32 s1, $0x2  }
0xb8: {  	s3 =	sand.u32 $0x4000, s31;
	s1 =	sadd.s32 s1, s30  }
0xb9: {  	s0 =	sor.u32 s3, s0;
	s1 =	sshll.u32 s1, $0x11  }
0xba: {  	s0 =	sor.u32 s1, s0  }
0xbb: {  	s0 =	sadd.s32 $0x8F2B, s0  }
0xbc: {  	[sflag:s0] =	ssyncadd.remote.s32 $0x1  }
0xbd: {  	_ =	sfence.sel $0xFFFF  }
0xbe: {  	[dreg:$0x0] =	wrdreg $0xFFFFFFFF;
	(pc) =	sbr.abs _section_cstart, $3  }
0xbf: {  	[dreg:$0x1] =	wrdreg $0xFFFFFFFF  }
0xc0: {  	_ =	task.clear_ibuf [dreg:s6], $0x2FFFF;
	_ =	strace $0x9FFFFFFF  }
0xc1: {  	(tm) =	ssettm $0x7FFFFFFF  }
tec
execute0_lowered:
.L_overlay_start_1:
0x0: {  	(tag) =	ssettag $0x1  }
0x1: {  	s4 =	rddreg [dreg:$0x0];
	s2 =	simm.s32 $0x0  }
0x2: {  	s11 =	simm.s32 $0x900;
	[smem:$0x7FF] =	sst s2  }
0x3: {  	s12 =	simm.s32 $0x1100;
	_ =	strace $0x80000059;
	[dreg:$0x3] =	wrdreg s11  }
0x4: {  	s13 =	simm.s32 $0x1900;
	[dreg:$0x4] =	wrdreg s12  }
0x5: {  	s14 =	simm.s32 $0x2100;
	[dreg:$0x5] =	wrdreg s13  }
0x6: {  	s15 =	simm.s32 $0x2900;
	[dreg:$0x6] =	wrdreg s14  }
0x7: {  	s16 =	simm.s32 $0x3100;
	[dreg:$0x7] =	wrdreg s15  }
0x8: {  	s17 =	simm.s32 $0x3900;
	[dreg:$0x8] =	wrdreg s16  }
0x9: {  	s18 =	simm.s32 $0x4100;
	[dreg:$0x9] =	wrdreg s17  }
0xa: {  	s19 =	simm.s32 $0x4900;
	[dreg:$0xa] =	wrdreg s18  }
0xb: {  	s20 =	simm.s32 $0x5100;
	[dreg:$0xb] =	wrdreg s19  }
0xc: {  	s21 =	simm.s32 $0x5900;
	[dreg:$0xc] =	wrdreg s20  }
0xd: {  	s22 =	simm.s32 $0x6100;
	[dreg:$0xd] =	wrdreg s21  }
0xe: {  	s23 =	simm.s32 $0x6900;
	[dreg:$0xe] =	wrdreg s22  }
0xf: {  	s0 =	srdreg.scid;
	s24 =	simm.s32 $0x7100;
	[dreg:$0xf] =	wrdreg s23  }
0x10: {  	s10 =	stileid.u32;
	s25 =	simm.s32 $0x7900;
	[dreg:$0x10] =	wrdreg s24  }
0x11: {  	s9 =	simm.s32 $0x8100;
	s28 =	simm.s32 $0x17100;
	[dreg:$0x11] =	wrdreg s25  }
0x12: {  	s29 =	simm.s32 $0x17900;
	[dreg:$0x12] =	wrdreg s9;
	s11 =	simm.s32 $0x8900  }
0x13: {  	s30 =	simm.s32 $0x18100;
	s12 =	simm.s32 $0x9100;
	[dreg:$0x13] =	wrdreg s11  }
0x14: {  	s31 =	simm.s32 $0x18900;
	s13 =	simm.s32 $0x9900;
	[dreg:$0x14] =	wrdreg s12  }
0x15: {  	s0 =	sand.u32 $0x1, s0;
	s14 =	simm.s32 $0xA100;
	[dreg:$0x15] =	wrdreg s13  }
0x16: {  	s1 =	smul.u32 $0x2730, s10;
	s15 =	simm.s32 $0xA900;
	[dreg:$0x16] =	wrdreg s14  }
0x17: {  	s5 =	sadd.s32 $0x9400, s4;
	s16 =	simm.s32 $0xB100;
	[dreg:$0x17] =	wrdreg s15  }
0x18: {  	s6 =	sadd.s32 $0xC60400, s4;
	s18 =	simm.s32 $0xB900;
	[dreg:$0x18] =	wrdreg s16  }
0x19: {  	s26 =	sshll.u32 s10, $0x1;
	s19 =	simm.s32 $0xC100;
	[dreg:$0x19] =	wrdreg s18  }
0x1a: {  	s3 =	smul.u32 $0x1398, s0;
	s21 =	simm.s32 $0xC900;
	[dreg:$0x1a] =	wrdreg s19  }
0x1b: {  	s7 =	ssub.s32 $0x2, s0;
	s23 =	simm.s32 $0xD100;
	[dreg:$0x1b] =	wrdreg s21  }
0x1c: {  	s22 =	smul.u32 $0x9CC00, s10;
	s24 =	simm.s32 $0xD900;
	[dreg:$0x1c] =	wrdreg s23  }
0x1d: {  	s25 =	simm.s32 $0xE100;
	s10 =	simm.s32 $0x100;
	[dreg:$0x1d] =	wrdreg s24  }
0x1e: {  	s8 =	sshrl.u32 s7, $0x1;
	[dreg:$0x1e] =	wrdreg s25;
	s11 =	simm.s32 $0xF100  }
0x1f: {  	s12 =	simm.s32 $0xF900;
	s13 =	simm.s32 $0x10100;
	s14 =	simm.s32 $0x10900  }
0x20: {  	s15 =	simm.s32 $0x11100;
	s16 =	simm.s32 $0x11900;
	s18 =	simm.s32 $0x12900  }
0x21: {  	s19 =	simm.s32 $0x13100;
	s21 =	simm.s32 $0x14100;
	s23 =	simm.s32 $0x15100  }
0x22: {  	s24 =	simm.s32 $0x15900;
	s1 =	sadd.s32 s3, s1;
	s3 =	sadd.s32 $0x37AC00, s4  }
0x23: {  	s7 =	ssub.s32 s7, s8;
	s8 =	sor.u32 s0, s26;
	s0 =	smul.u32 $0x4E600, s0  }
0x24: {  	s25 =	simm.s32 $0x16100;
	s4 =	sadd.s32 $0x37AD00, s4;
	s8 =	smul.u32 $0x1398, s8  }
0x25: {  	s26 =	simm.s32 $0xE900;
	s1 =	sshrl.u32 s1, $0x3;
	s20 =	smax.u32 s7, $0x1  }
0x26: {  	[dreg:$0x1f] =	wrdreg s26;
	s26 =	simm.s32 $0x16900;
	s8 =	sadd.s32 $0x1388, s8  }
0x27: {  	s1 =	sadd.s32 s1, s5;
	[smem:$0x7FC] =	sst s20;
	s9 =	sshrl.u32 s8, $0x3  }
0x28: {  	[dreg:$0x2] =	wrdreg s1;
	s17 =	sshll.u32 s8, $0x6;
	s5 =	sadd.s32 s5, s9  }
0x29: {  	s20 =	simm.s32 $0x13900;
	[smem:$0x7FA] =	sst s5;
	s5 =	sadd.s32 s6, s17  }
0x2a: {  	v2 =	vlaneseq.u32;
	s1 =	simm.s32 $0x1;
	[smem:$0x7FB] =	sst s5;
	s5 =	sadd.s32 s22, s6  }
0x2b: {  	vm0 =	vmmov $0xffff;
	v1 =	vshrl.u32 v2, $0x3;
	s9 =	simm.s32 $0x2;
	s17 =	simm.s32 $0x12100;
	s0 =	sadd.s32 s0, s5  }
0x2c: {  	v0 =	vand.u32 $0x7, v2;
	v2 =	vor.u32 $0x8, v2;
	v1 =	vmul.u32 $0x8, v1;
	s22 =	simm.s32 $0x14900;
	s5 =	simm.s32 $0x0;
	[smem:$0x7FD] =	sst s0  }
.LBB2_1:
0x2d: {  	s8 =	sld [smem:$0x7FD];
	s7 =	simm.s32 $0x0  }
.LBB2_2:
0x2e: {  	s6 =	rddreg [dreg:$0x2]  }
0x2f: {  	s6 =	sadd.s32 s7, s6  }
0x30: {  	[tilespmem:s2], [sflag:$0x2] =	stream.linear.gather [hbm4b:s6+s2], $0xC8, $0x38;
	[tilespmem:$0x1B180] =	vst v63  }
0x31: {  	_ =	swait.ge [sflag:s9], $0xC8  }
0x32: {  	[sflag:s9] =	ssyncset.done $0x0  }
0x33: {  	[sflag:s9] =	ssyncadd.s32 $0xFFFFFF38  }
0x34: {  	v3 =	vld [tilespmem:$0x0];
	_ =	sdelay $0x4  }
0x35: {  	v4 =	vshll.u32 v3, $0x2  }
0x36: {  	v3 =	vand.u32 $0x7, v3;
	v4 =	vand.u32 $0xFFFFFFE0, v4  }
0x37: {  	v3 =	vor.u32 v3, v4  }
0x38: {  	v4 =	vperm.xlane v3, v0;
	_ =	sdelay $0x1  }
0x39: {  	v4 =	vadd.s32 v1, v4;
	_ =	sdelay $0x1  }
0x3a: {  	v3 =	vperm.xlane v3, v2;
	_ =	sdelay $0x1  }
0x3b: {  	v3 =	vadd.s32 v1, v3  }
0x3c: {  	[tilespmem:s10], [sflag:$0x1] =	stream.indirect_vreg.gather [hbm4b:s3+s2], $0x80, v4, vm0, $0xb8;
	[tilespmem:$0x1B180] =	vst v63  }
0x3d: {  	s6 =	rddreg [dreg:$0x3]  }
0x3e: {  	[tilespmem:s6], [sflag:$0x1] =	stream.indirect_vreg.gather [hbm4b:s4+s2], $0x80, v4, vm0, $0xb8;
	[tilespmem:$0x1B180] =	vst v63  }
0x3f: {  	s0 =	rddreg [dreg:$0x4]  }
0x40: {  	[tilespmem:s0], [sflag:$0x1] =	stream.indirect_vreg.gather [hbm4b:s3+s2], $0x80, v3, vm0, $0xb8;
	[tilespmem:$0x1B180] =	vst v63  }
0x41: {  	s6 =	rddreg [dreg:$0x5]  }
0x42: {  	[tilespmem:s6], [sflag:$0x1] =	stream.indirect_vreg.gather [hbm4b:s4+s2], $0x80, v3, vm0, $0xb8;
	[tilespmem:$0x1B180] =	vst v63  }
0x43: {  	v3 =	vld [tilespmem:$0x10];
	_ =	sdelay $0x4  }
0x44: {  	v52 =	vshll.u32 v3, $0x2  }
0x45: {  	v3 =	vand.u32 $0x7, v3;
	v4 =	vand.u32 $0xFFFFFFE0, v52  }
0x46: {  	v3 =	vor.u32 v3, v4  }
0x47: {  	v4 =	vperm.xlane v3, v0;
	_ =	sdelay $0x1  }
0x48: {  	v4 =	vadd.s32 v1, v4;
	_ =	sdelay $0x1  }
0x49: {  	v3 =	vperm.xlane v3, v2;
	_ =	sdelay $0x1  }
0x4a: {  	s0 =	rddreg [dreg:$0x6];
	v3 =	vadd.s32 v1, v3  }
0x4b: {  	[tilespmem:s0], [sflag:$0x1] =	stream.indirect_vreg.gather [hbm4b:s3+s2], $0x80, v4, vm0, $0xb8;
	[tilespmem:$0x1B180] =	vst v63  }
0x4c: {  	s6 =	rddreg [dreg:$0x7]  }
0x4d: {  	[tilespmem:s6], [sflag:$0x1] =	stream.indirect_vreg.gather [hbm4b:s4+s2], $0x80, v4, vm0, $0xb8;
	[tilespmem:$0x1B180] =	vst v63  }
0x4e: {  	s0 =	rddreg [dreg:$0x8]  }
0x4f: {  	[tilespmem:s0], [sflag:$0x1] =	stream.indirect_vreg.gather [hbm4b:s3+s2], $0x80, v3, vm0, $0xb8;
	[tilespmem:$0x1B180] =	vst v63  }
0x50: {  	s6 =	rddreg [dreg:$0x9]  }
0x51: {  	[tilespmem:s6], [sflag:$0x1] =	stream.indirect_vreg.gather [hbm4b:s4+s2], $0x80, v3, vm0, $0xb8;
	[tilespmem:$0x1B180] =	vst v63  }
0x52: {  	v3 =	vld [tilespmem:$0x20];
	_ =	sdelay $0x4  }
0x53: {  	v53 =	vshll.u32 v3, $0x2  }
0x54: {  	v3 =	vand.u32 $0x7, v3;
	v4 =	vand.u32 $0xFFFFFFE0, v53  }
0x55: {  	v3 =	vor.u32 v3, v4  }
0x56: {  	v4 =	vperm.xlane v3, v0;
	_ =	sdelay $0x1  }
0x57: {  	v4 =	vadd.s32 v1, v4;
	_ =	sdelay $0x1  }
0x58: {  	v3 =	vperm.xlane v3, v2;
	_ =	sdelay $0x1  }
0x59: {  	s0 =	rddreg [dreg:$0xa];
	v3 =	vadd.s32 v1, v3  }
0x5a: {  	[tilespmem:s0], [sflag:$0x1] =	stream.indirect_vreg.gather [hbm4b:s3+s2], $0x80, v4, vm0, $0xb8;
	[tilespmem:$0x1B180] =	vst v63  }
0x5b: {  	s6 =	rddreg [dreg:$0xb]  }
0x5c: {  	[tilespmem:s6], [sflag:$0x1] =	stream.indirect_vreg.gather [hbm4b:s4+s2], $0x80, v4, vm0, $0xb8;
	[tilespmem:$0x1B180] =	vst v63  }
0x5d: {  	s0 =	rddreg [dreg:$0xc]  }
0x5e: {  	[tilespmem:s0], [sflag:$0x1] =	stream.indirect_vreg.gather [hbm4b:s3+s2], $0x80, v3, vm0, $0xb8;
	[tilespmem:$0x1B180] =	vst v63  }
0x5f: {  	s6 =	rddreg [dreg:$0xd]  }
0x60: {  	[tilespmem:s6], [sflag:$0x1] =	stream.indirect_vreg.gather [hbm4b:s4+s2], $0x80, v3, vm0, $0xb8;
	[tilespmem:$0x1B180] =	vst v63  }
0x61: {  	v3 =	vld [tilespmem:$0x30];
	_ =	sdelay $0x4  }
0x62: {  	v54 =	vshll.u32 v3, $0x2  }
0x63: {  	v3 =	vand.u32 $0x7, v3;
	v4 =	vand.u32 $0xFFFFFFE0, v54  }
0x64: {  	v3 =	vor.u32 v3, v4  }
0x65: {  	v4 =	vperm.xlane v3, v0;
	_ =	sdelay $0x1  }
0x66: {  	v4 =	vadd.s32 v1, v4;
	_ =	sdelay $0x1  }
0x67: {  	v3 =	vperm.xlane v3, v2;
	_ =	sdelay $0x1  }
0x68: {  	s0 =	rddreg [dreg:$0xe];
	v3 =	vadd.s32 v1, v3  }
0x69: {  	[tilespmem:s0], [sflag:$0x1] =	stream.indirect_vreg.gather [hbm4b:s3+s2], $0x80, v4, vm0, $0xb8;
	[tilespmem:$0x1B180] =	vst v63  }
0x6a: {  	s6 =	rddreg [dreg:$0xf]  }
0x6b: {  	[tilespmem:s6], [sflag:$0x1] =	stream.indirect_vreg.gather [hbm4b:s4+s2], $0x80, v4, vm0, $0xb8;
	[tilespmem:$0x1B180] =	vst v63  }
0x6c: {  	s0 =	rddreg [dreg:$0x10]  }
0x6d: {  	[tilespmem:s0], [sflag:$0x1] =	stream.indirect_vreg.gather [hbm4b:s3+s2], $0x80, v3, vm0, $0xb8;
	[tilespmem:$0x1B180] =	vst v63  }
0x6e: {  	s6 =	rddreg [dreg:$0x11]  }
0x6f: {  	[tilespmem:s6], [sflag:$0x1] =	stream.indirect_vreg.gather [hbm4b:s4+s2], $0x80, v3, vm0, $0xb8;
	[tilespmem:$0x1B180] =	vst v63  }
0x70: {  	v3 =	vld [tilespmem:$0x40];
	_ =	sdelay $0x4  }
0x71: {  	v55 =	vshll.u32 v3, $0x2  }
0x72: {  	v3 =	vand.u32 $0x7, v3;
	v4 =	vand.u32 $0xFFFFFFE0, v55  }
0x73: {  	v3 =	vor.u32 v3, v4  }
0x74: {  	v4 =	vperm.xlane v3, v0;
	_ =	sdelay $0x1  }
0x75: {  	v4 =	vadd.s32 v1, v4;
	_ =	sdelay $0x1  }
0x76: {  	v3 =	vperm.xlane v3, v2;
	_ =	sdelay $0x1  }
0x77: {  	s0 =	rddreg [dreg:$0x12];
	v3 =	vadd.s32 v1, v3  }
0x78: {  	[tilespmem:s0], [sflag:$0x1] =	stream.indirect_vreg.gather [hbm4b:s3+s2], $0x80, v4, vm0, $0xb8;
	[tilespmem:$0x1B180] =	vst v63  }
0x79: {  	s6 =	rddreg [dreg:$0x13]  }
0x7a: {  	[tilespmem:s6], [sflag:$0x1] =	stream.indirect_vreg.gather [hbm4b:s4+s2], $0x80, v4, vm0, $0xb8;
	[tilespmem:$0x1B180] =	vst v63  }
0x7b: {  	s0 =	rddreg [dreg:$0x14]  }
0x7c: {  	[tilespmem:s0], [sflag:$0x1] =	stream.indirect_vreg.gather [hbm4b:s3+s2], $0x80, v3, vm0, $0xb8;
	[tilespmem:$0x1B180] =	vst v63  }
0x7d: {  	s6 =	rddreg [dreg:$0x15]  }
0x7e: {  	[tilespmem:s6], [sflag:$0x1] =	stream.indirect_vreg.gather [hbm4b:s4+s2], $0x80, v3, vm0, $0xb8;
	[tilespmem:$0x1B180] =	vst v63  }
0x7f: {  	v3 =	vld [tilespmem:$0x50];
	_ =	sdelay $0x4  }
0x80: {  	v56 =	vshll.u32 v3, $0x2  }
0x81: {  	v3 =	vand.u32 $0x7, v3;
	v4 =	vand.u32 $0xFFFFFFE0, v56  }
0x82: {  	v3 =	vor.u32 v3, v4  }
0x83: {  	v4 =	vperm.xlane v3, v0;
	_ =	sdelay $0x1  }
0x84: {  	v4 =	vadd.s32 v1, v4;
	_ =	sdelay $0x1  }
0x85: {  	v3 =	vperm.xlane v3, v2;
	_ =	sdelay $0x1  }
0x86: {  	s0 =	rddreg [dreg:$0x16];
	v3 =	vadd.s32 v1, v3  }
0x87: {  	[tilespmem:s0], [sflag:$0x1] =	stream.indirect_vreg.gather [hbm4b:s3+s2], $0x80, v4, vm0, $0xb8;
	[tilespmem:$0x1B180] =	vst v63  }
0x88: {  	s6 =	rddreg [dreg:$0x17]  }
0x89: {  	[tilespmem:s6], [sflag:$0x1] =	stream.indirect_vreg.gather [hbm4b:s4+s2], $0x80, v4, vm0, $0xb8;
	[tilespmem:$0x1B180] =	vst v63  }
0x8a: {  	s0 =	rddreg [dreg:$0x18]  }
0x8b: {  	[tilespmem:s0], [sflag:$0x1] =	stream.indirect_vreg.gather [hbm4b:s3+s2], $0x80, v3, vm0, $0xb8;
	[tilespmem:$0x1B180] =	vst v63  }
0x8c: {  	s6 =	rddreg [dreg:$0x19]  }
0x8d: {  	[tilespmem:s6], [sflag:$0x1] =	stream.indirect_vreg.gather [hbm4b:s4+s2], $0x80, v3, vm0, $0xb8;
	[tilespmem:$0x1B180] =	vst v63  }
0x8e: {  	v3 =	vld [tilespmem:$0x60];
	_ =	sdelay $0x4  }
0x8f: {  	v57 =	vshll.u32 v3, $0x2  }
0x90: {  	v3 =	vand.u32 $0x7, v3;
	v4 =	vand.u32 $0xFFFFFFE0, v57  }
0x91: {  	v3 =	vor.u32 v3, v4  }
0x92: {  	v4 =	vperm.xlane v3, v0;
	_ =	sdelay $0x1  }
0x93: {  	v4 =	vadd.s32 v1, v4;
	_ =	sdelay $0x1  }
0x94: {  	v3 =	vperm.xlane v3, v2;
	_ =	sdelay $0x1  }
0x95: {  	s0 =	rddreg [dreg:$0x1a];
	v3 =	vadd.s32 v1, v3  }
0x96: {  	[tilespmem:s0], [sflag:$0x1] =	stream.indirect_vreg.gather [hbm4b:s3+s2], $0x80, v4, vm0, $0xb8;
	[tilespmem:$0x1B180] =	vst v63  }
0x97: {  	s6 =	rddreg [dreg:$0x1b]  }
0x98: {  	[tilespmem:s6], [sflag:$0x1] =	stream.indirect_vreg.gather [hbm4b:s4+s2], $0x80, v4, vm0, $0xb8;
	[tilespmem:$0x1B180] =	vst v63  }
0x99: {  	s0 =	rddreg [dreg:$0x1c]  }
0x9a: {  	[tilespmem:s0], [sflag:$0x1] =	stream.indirect_vreg.gather [hbm4b:s3+s2], $0x80, v3, vm0, $0xb8;
	[tilespmem:$0x1B180] =	vst v63  }
0x9b: {  	s6 =	rddreg [dreg:$0x1d]  }
0x9c: {  	[tilespmem:s6], [sflag:$0x1] =	stream.indirect_vreg.gather [hbm4b:s4+s2], $0x80, v3, vm0, $0xb8;
	[tilespmem:$0x1B180] =	vst v63  }
0x9d: {  	v3 =	vld [tilespmem:$0x70];
	_ =	sdelay $0x4  }
0x9e: {  	v58 =	vshll.u32 v3, $0x2  }
0x9f: {  	v3 =	vand.u32 $0x7, v3;
	v4 =	vand.u32 $0xFFFFFFE0, v58  }
0xa0: {  	v3 =	vor.u32 v3, v4  }
0xa1: {  	v4 =	vperm.xlane v3, v0;
	_ =	sdelay $0x1  }
0xa2: {  	v4 =	vadd.s32 v1, v4;
	_ =	sdelay $0x1  }
0xa3: {  	v3 =	vperm.xlane v3, v2;
	_ =	sdelay $0x1  }
0xa4: {  	s0 =	rddreg [dreg:$0x1e];
	v3 =	vadd.s32 v1, v3  }
0xa5: {  	[tilespmem:s0], [sflag:$0x1] =	stream.indirect_vreg.gather [hbm4b:s3+s2], $0x80, v4, vm0, $0xb8;
	[tilespmem:$0x1B180] =	vst v63  }
0xa6: {  	s6 =	rddreg [dreg:$0x1f]  }
0xa7: {  	[tilespmem:s6], [sflag:$0x1] =	stream.indirect_vreg.gather [hbm4b:s4+s2], $0x80, v4, vm0, $0xb8;
	[tilespmem:$0x1B180] =	vst v63  }
0xa8: {  	_ = 	snop  }
0xa9: {  	[tilespmem:s11], [sflag:$0x1] =	stream.indirect_vreg.gather [hbm4b:s3+s2], $0x80, v3, vm0, $0xb8;
	[tilespmem:$0x1B180] =	vst v63  }
0xaa: {  	_ = 	snop  }
0xab: {  	[tilespmem:s12], [sflag:$0x1] =	stream.indirect_vreg.gather [hbm4b:s4+s2], $0x80, v3, vm0, $0xb8;
	[tilespmem:$0x1B180] =	vst v63  }
0xac: {  	v3 =	vld [tilespmem:$0x80];
	_ =	sdelay $0x4  }
0xad: {  	v59 =	vshll.u32 v3, $0x2  }
0xae: {  	v3 =	vand.u32 $0x7, v3;
	v4 =	vand.u32 $0xFFFFFFE0, v59  }
0xaf: {  	v3 =	vor.u32 v3, v4  }
0xb0: {  	v4 =	vperm.xlane v3, v0;
	_ =	sdelay $0x1  }
0xb1: {  	v4 =	vadd.s32 v1, v4;
	_ =	sdelay $0x1  }
0xb2: {  	v3 =	vperm.xlane v3, v2;
	_ =	sdelay $0x1  }
0xb3: {  	v3 =	vadd.s32 v1, v3  }
0xb4: {  	[tilespmem:s13], [sflag:$0x1] =	stream.indirect_vreg.gather [hbm4b:s3+s2], $0x80, v4, vm0, $0xb8;
	[tilespmem:$0x1B180] =	vst v63  }
0xb5: {  	_ = 	snop  }
0xb6: {  	[tilespmem:s14], [sflag:$0x1] =	stream.indirect_vreg.gather [hbm4b:s4+s2], $0x80, v4, vm0, $0xb8;
	[tilespmem:$0x1B180] =	vst v63  }
0xb7: {  	_ = 	snop  }
0xb8: {  	[tilespmem:s15], [sflag:$0x1] =	stream.indirect_vreg.gather [hbm4b:s3+s2], $0x80, v3, vm0, $0xb8;
	[tilespmem:$0x1B180] =	vst v63  }
0xb9: {  	_ = 	snop  }
0xba: {  	[tilespmem:s16], [sflag:$0x1] =	stream.indirect_vreg.gather [hbm4b:s4+s2], $0x80, v3, vm0, $0xb8;
	[tilespmem:$0x1B180] =	vst v63  }
0xbb: {  	v3 =	vld [tilespmem:$0x90];
	_ =	sdelay $0x4  }
0xbc: {  	v60 =	vshll.u32 v3, $0x2  }
0xbd: {  	v3 =	vand.u32 $0x7, v3;
	v4 =	vand.u32 $0xFFFFFFE0, v60  }
0xbe: {  	v3 =	vor.u32 v3, v4  }
0xbf: {  	v4 =	vperm.xlane v3, v0;
	_ =	sdelay $0x1  }
0xc0: {  	v4 =	vadd.s32 v1, v4;
	_ =	sdelay $0x1  }
0xc1: {  	v3 =	vperm.xlane v3, v2;
	_ =	sdelay $0x1  }
0xc2: {  	v3 =	vadd.s32 v1, v3  }
0xc3: {  	[tilespmem:s17], [sflag:$0x1] =	stream.indirect_vreg.gather [hbm4b:s3+s2], $0x80, v4, vm0, $0xb8;
	[tilespmem:$0x1B180] =	vst v63  }
0xc4: {  	_ = 	snop  }
0xc5: {  	[tilespmem:s18], [sflag:$0x1] =	stream.indirect_vreg.gather [hbm4b:s4+s2], $0x80, v4, vm0, $0xb8;
	[tilespmem:$0x1B180] =	vst v63  }
0xc6: {  	_ = 	snop  }
0xc7: {  	[tilespmem:s19], [sflag:$0x1] =	stream.indirect_vreg.gather [hbm4b:s3+s2], $0x80, v3, vm0, $0xb8;
	[tilespmem:$0x1B180] =	vst v63  }
0xc8: {  	_ = 	snop  }
0xc9: {  	[tilespmem:s20], [sflag:$0x1] =	stream.indirect_vreg.gather [hbm4b:s4+s2], $0x80, v3, vm0, $0xb8;
	[tilespmem:$0x1B180] =	vst v63  }
0xca: {  	v3 =	vld [tilespmem:$0xA0];
	_ =	sdelay $0x4  }
0xcb: {  	v61 =	vshll.u32 v3, $0x2  }
0xcc: {  	v3 =	vand.u32 $0x7, v3;
	v4 =	vand.u32 $0xFFFFFFE0, v61  }
0xcd: {  	v3 =	vor.u32 v3, v4  }
0xce: {  	v4 =	vperm.xlane v3, v0;
	_ =	sdelay $0x1  }
0xcf: {  	v4 =	vadd.s32 v1, v4;
	_ =	sdelay $0x1  }
0xd0: {  	v3 =	vperm.xlane v3, v2;
	_ =	sdelay $0x1  }
0xd1: {  	v3 =	vadd.s32 v1, v3  }
0xd2: {  	[tilespmem:s21], [sflag:$0x1] =	stream.indirect_vreg.gather [hbm4b:s3+s2], $0x80, v4, vm0, $0xb8;
	[tilespmem:$0x1B180] =	vst v63  }
0xd3: {  	_ = 	snop  }
0xd4: {  	[tilespmem:s22], [sflag:$0x1] =	stream.indirect_vreg.gather [hbm4b:s4+s2], $0x80, v4, vm0, $0xb8;
	[tilespmem:$0x1B180] =	vst v63  }
0xd5: {  	_ = 	snop  }
0xd6: {  	[tilespmem:s23], [sflag:$0x1] =	stream.indirect_vreg.gather [hbm4b:s3+s2], $0x80, v3, vm0, $0xb8;
	[tilespmem:$0x1B180] =	vst v63  }
0xd7: {  	_ = 	snop  }
0xd8: {  	[tilespmem:s24], [sflag:$0x1] =	stream.indirect_vreg.gather [hbm4b:s4+s2], $0x80, v3, vm0, $0xb8;
	[tilespmem:$0x1B180] =	vst v63  }
0xd9: {  	v3 =	vld [tilespmem:$0xB0];
	_ =	sdelay $0x4  }
0xda: {  	v62 =	vshll.u32 v3, $0x2  }
0xdb: {  	v3 =	vand.u32 $0x7, v3;
	v4 =	vand.u32 $0xFFFFFFE0, v62  }
0xdc: {  	v3 =	vor.u32 v3, v4  }
0xdd: {  	v4 =	vperm.xlane v3, v0;
	_ =	sdelay $0x1  }
0xde: {  	v4 =	vadd.s32 v1, v4;
	_ =	sdelay $0x1  }
0xdf: {  	v3 =	vperm.xlane v3, v2;
	_ =	sdelay $0x1  }
0xe0: {  	v3 =	vadd.s32 v1, v3  }
0xe1: {  	[tilespmem:s25], [sflag:$0x1] =	stream.indirect_vreg.gather [hbm4b:s3+s2], $0x80, v4, vm0, $0xb8;
	[tilespmem:$0x1B180] =	vst v63  }
0xe2: {  	_ = 	snop  }
0xe3: {  	[tilespmem:s26], [sflag:$0x1] =	stream.indirect_vreg.gather [hbm4b:s4+s2], $0x80, v4, vm0, $0xb8;
	[tilespmem:$0x1B180] =	vst v63  }
0xe4: {  	_ = 	snop  }
0xe5: {  	[tilespmem:s28], [sflag:$0x1] =	stream.indirect_vreg.gather [hbm4b:s3+s2], $0x80, v3, vm0, $0xb8;
	[tilespmem:$0x1B180] =	vst v63  }
0xe6: {  	_ = 	snop  }
0xe7: {  	[tilespmem:s29], [sflag:$0x1] =	stream.indirect_vreg.gather [hbm4b:s4+s2], $0x80, v3, vm0, $0xb8;
	[tilespmem:$0x1B180] =	vst v63  }
0xe8: {  	v3 =	vld.msk [tilespmem:$0xC0], $0xff;
	_ =	sdelay $0x4  }
0xe9: {  	v63 =	vshll.u32 v3, $0x2  }
0xea: {  	v3 =	vand.u32 $0x7, v3;
	v4 =	vand.u32 $0xFFFFFFE0, v63  }
0xeb: {  	v3 =	vor.u32 v3, v4  }
0xec: {  	v3 =	vperm.xlane v3, v0;
	_ =	sdelay $0x1  }
0xed: {  	v3 =	vadd.s32 v1, v3;
	_ =	sdelay $0x4  }
0xee: {  	[tilespmem:s30], [sflag:$0x1] =	stream.indirect_vreg.gather [hbm4b:s3+s2], $0x80, v3, vm0, $0xb8;
	[tilespmem:$0x1B180] =	vst v63  }
0xef: {  	_ = 	snop  }
0xf0: {  	[tilespmem:s31], [sflag:$0x1] =	stream.indirect_vreg.gather [hbm4b:s4+s2], $0x80, v3, vm0, $0xb8;
	[tilespmem:$0x1B180] =	vst v63  }
0xf1: {  	_ =	swait.ge [sflag:s1], $0x19000  }
0xf2: {  	p0 =	sne.s32 s7, $0x258;
	[sflag:s1] =	ssyncset.done $0x0  }
.Ltmp0:
0xf3: {  	[sflag:s1] =	ssyncadd.s32 $0xFFFE7000;
	(pc) =	sbr.rel @p0 .LBB2_2-.Ltmp0, $4  }
0xf4: {  	[hbm4b:s8+s2] =	stream.linear.scatter [tilespmem:s10], [sflag:$0x2], $0x19000, $0x38;
	[tilespmem:$0x1B180] =	vst v63  }
0xf5: {  	_ =	swait.ge [sflag:s9], $0x19000  }
0xf6: {  	[sflag:s9] =	ssyncset.done $0x0  }
0xf7: {  	s7 =	sadd.s32 $0x19, s7;
	s8 =	sadd.s32 $0x3200, s8;
	[sflag:s9] =	ssyncadd.s32 $0xFFFE7000  }
0xf8: {  	s0 =	sld [smem:$0x7FA];
	_ =	sdelay $0x1  }
0xf9: {  	s6 =	simm.s32 $0x19100  }
0xfa: {  	[tilespmem:s6], [sflag:$0x2] =	stream.linear.gather [hbm4b:s0+s2], $0x10, $0x38;
	[tilespmem:$0x1B180] =	vst v63  }
0xfb: {  	_ =	swait.ge [sflag:s9], $0x10  }
0xfc: {  	[sflag:s9] =	ssyncset.done $0x0  }
0xfd: {  	[sflag:s9] =	ssyncadd.s32 $0xFFFFFFF0  }
0xfe: {  	v3 =	vld [tilespmem:$0x19100];
	_ =	sdelay $0x4  }
0xff: {  	v4 =	vshll.u32 v3, $0x2  }
0x100: {  	v3 =	vand.u32 $0x7, v3;
	v4 =	vand.u32 $0xFFFFFFE0, v4  }
0x101: {  	v3 =	vor.u32 v3, v4  }
0x102: {  	v4 =	vperm.xlane v3, v0;
	_ =	sdelay $0x1  }
0x103: {  	v4 =	vadd.s32 v1, v4;
	_ =	sdelay $0x1  }
0x104: {  	v3 =	vperm.xlane v3, v2;
	_ =	sdelay $0x1  }
0x105: {  	s6 =	simm.s32 $0x19180;
	v3 =	vadd.s32 v1, v3  }
0x106: {  	[tilespmem:s6], [sflag:$0x1] =	stream.indirect_vreg.gather [hbm4b:s3+s2], $0x80, v4, vm0, $0xb8;
	[tilespmem:$0x1B180] =	vst v63  }
0x107: {  	s8 =	simm.s32 $0x19980  }
0x108: {  	[tilespmem:s8], [sflag:$0x1] =	stream.indirect_vreg.gather [hbm4b:s4+s2], $0x80, v4, vm0, $0xb8;
	[tilespmem:$0x1B180] =	vst v63  }
0x109: {  	s7 =	simm.s32 $0x1A180  }
0x10a: {  	[tilespmem:s7], [sflag:$0x1] =	stream.indirect_vreg.gather [hbm4b:s3+s2], $0x80, v3, vm0, $0xb8;
	[tilespmem:$0x1B180] =	vst v63  }
0x10b: {  	s8 =	simm.s32 $0x1A980  }
0x10c: {  	[tilespmem:s8], [sflag:$0x1] =	stream.indirect_vreg.gather [hbm4b:s4+s2], $0x80, v3, vm0, $0xb8;
	[tilespmem:$0x1B180] =	vst v63  }
0x10d: {  	_ =	swait.ge [sflag:s1], $0x2000  }
0x10e: {  	s7 =	sld [smem:$0x7FB]  }
0x10f: {  	[sflag:s1] =	ssyncset.done $0x0  }
0x110: {  	[sflag:s1] =	ssyncadd.s32 $0xFFFFE000  }
0x111: {  	[hbm4b:s7+s2] =	stream.linear.scatter [tilespmem:s6], [sflag:$0x2], $0x2000, $0x38;
	[tilespmem:$0x1B180] =	vst v63  }
0x112: {  	_ =	swait.ge [sflag:s9], $0x2000  }
0x113: {  	s8 =	sld [smem:$0x7FC];
	_ =	sdelay $0x1  }
0x114: {  	s5 =	sadd.s32 $0x1, s5  }
0x115: {  	p0 =	sne.s32 s5, s8  }
.Ltmp1:
0x116: {  	_ = 	snop;
	(pc) =	sbr.rel @p0 .LBB2_1-.Ltmp1, $3  }
0x117: {  	_ =	sdelay $0x1  }
0x118: {  	[sflag:s9] =	ssyncset.done $0x0  }
0x119: {  	[sflag:s9] =	ssyncadd.s32 $0xFFFFE000  }
0x11a: {  	_ =	sfence.sel $0x180000  }
0x11b: {  	[bflag:$0x0] =	sbarrier.arrive $0xFFFF  }
0x11c: {  	_ =	strace $0x90000059  }
0x11d: {  	s0 =	stileid.u32;
	[bflag:$0x2] =	sbarrier.arrive $0xFFFF  }
0x11e: {  	p0 =	sne.s32 s0, $0x0;
	s0 =	rddreg [dreg:$0x1]  }
0x11f: {  	s0 =	sadd.s32 @!p0 $0x100000, s0  }
0x120: {  	[sflag:s0] =	ssyncadd.tile.s32 @!p0 $0x1;
	_ =	shalt  }
.Lfunc_end2:
_tile_overlayer_lowered:
.L_overlay_start_2:
0x121: {  	(tag) =	ssettag $0x2  }
0x122: {  	s0 =	rddreg [dreg:$0x0];
	s2 =	stileid.u32  }
0x123: {  	s1 =	rddreg [dreg:$0x1];
	p0 =	sne.s32 s2, $0x0  }
0x124: {  	s3 =	rddreg [dreg:$0x2];
	[bflag:$0x3] =	sbarrier.arrive $0xFFFF;
	s2 =	simm.s32 @!p0 $0x1C02  }
0x125: {  	[timem:s3], [sflag:s2] =	dma.local @!p0 [hbm:s0], s1  }
0x126: {  	s0 =	simm.s32 @!p0 $0x2  }
0x127: {  	_ =	swait.ge @!p0 [sflag:s0], s1  }
0x128: {  	s1 =	ssub.s32 @!p0 $0x0, s1;
	[sflag:s0] =	ssyncset.done @!p0 $0x0  }
0x129: {  	[sflag:s0] =	ssyncadd.s32 @!p0 s1  }
0x12a: {  	[bflag:$0x3] =	sbarrier.arrive $0xFFFF  }
0x12b: {  	_ =	shalt  }

// kernel: kernel.39.cloned.1.call-start
scs
__scs_entry_jumppad:
0x0: {  	(pc) =	sbr.rel $0x88, $3  }
0x1: {  	(tag) =	ssettag $0x0;
	lr =	simm.s32 $0x1  }
0x2: {  	[smem:$0x3F78] =	sst lr;
	_ =	strace $0xD0000000  }
0x3: {  	_ = 	snop  }
0x4: {  	_ = 	snop  }
0x5: {  	_ = 	snop  }
0x6: {  	_ = 	snop  }
0x7: {  	_ = 	snop  }
__scs_overlays_trampoline_lowered:
0x8: {  	[smem:$0x3F87] =	sst s0  }
0x9: {  	[smem:$0x3F88] =	sst s1  }
0xa: {  	[smem:$0x3F89] =	sst s2  }
0xb: {  	[smem:$0x3F8A] =	sst s3  }
0xc: {  	[smem:$0x3F8B] =	sst s4  }
0xd: {  	[smem:$0x3F8C] =	sst s5  }
0xe: {  	[smem:$0x3F8D] =	sst s6  }
0xf: {  	[smem:$0x3F8E] =	sst s7  }
0x10: {  	[smem:$0x3F8F] =	sst s8  }
0x11: {  	[smem:$0x3F90] =	sst s9;
	s0 =	simm.s32 @!p0 $0x0  }
0x12: {  	s1 =	sld [smem:$0x3F76];
	s0 =	simm.s32 @p0 $0x1  }
0x13: {  	[smem:$0x3F91] =	sst s0;
	s0 =	simm.s32 @!p1 $0x0  }
0x14: {  	s2 =	sld [smem:$0x3F75];
	s0 =	simm.s32 @p1 $0x1  }
0x15: {  	[smem:$0x3F92] =	sst s0;
	s0 =	simm.s32 @!p2 $0x0  }
0x16: {  	s3 =	sld [smem:$0x3FDB];
	s0 =	simm.s32 @p2 $0x1  }
0x17: {  	s4 =	simm.s32 $0x1BF5;
	[smem:$0x3F94] =	sst s0  }
0x18: {  	s0 =	sld [smem:$0x3F77];
	_ =	swait.ge [sflag:s4], $0x0  }
0x19: {  	s7 =	sld [smem:$0x3F78]  }
0x1a: {  	s8 =	sadd.s32 $0xFFFFE003, lr  }
0x1b: {  	s9 =	sadd.s32 $0xFFFFFEF7, lr;
	s5 =	simm.s32 $0xFFFFFFFF;
	p2 =	slt.u32 s8, $0xFFFFF086  }
0x1c: {  	p1 =	slt.u32 s9, $0xF7A;
	s5 =	simm.s32 @!p2 $0x0  }
0x1d: {  	s5 =	simm.s32 @p1 $0x1;
	p0 =	seq.s32 s7, s2  }
0x1e: {  	s7 =	smul.u32 @!p0 $0xF7A, s2;
	p2 =	seq.s32 @!p0 s5, $0x0  }
0x1f: {  	s9 =	smul.u32 $0xF7A, s1;
	s8 =	simm.s32 @!p0 $0x1BF5;
	p2 =	por !p2, p0  }
0x20: {  	[sflag:s8] =	ssyncset.s32 @!p0 $0xFFFFF086;
	s6 =	sadd.s32 @!p0 s3, s7;
	s7 =	simm.s32 @!p0 $0x108  }
0x21: {  	s3 =	sadd.s32 s3, s9;
	s6 =	sadd.s32 @!p0 $0x88, s6;
	s7 =	simm.s32 @p2 $0x1082  }
0x22: {  	[simem:s7], [sflag:s8] =	dma.local @!p0 [hbm:s6], $0xF7A  }
0x23: {  	s9 =	sor.u32 $0xD0000000, s2;
	s6 =	simm.s32 $0x108;
	_ =	swait.ge @!p0 [sflag:s8], $0x0  }
0x24: {  	s3 =	sadd.s32 $0x88, s3;
	s6 =	simm.s32 @!p1 $0x1082;
	[sflag:s4] =	ssyncset.s32 $0xFFFFF086  }
0x25: {  	[simem:s6], [sflag:s4] =	dma.local [hbm:s3], $0xF7A  }
0x26: {  	[smem:$0x3F78] =	sst s1;
	(tag) =	ssettag s2;
	_ =	strace s9  }
0x27: {  	s1 =	sld [smem:$0x3F88]  }
0x28: {  	s2 =	sld [smem:$0x3F89]  }
0x29: {  	s4 =	sld [smem:$0x3F8B]  }
0x2a: {  	p0 =	seq.s32 s5, $0x0;
	s5 =	sld [smem:$0x3F8C]  }
0x2b: {  	s6 =	sld [smem:$0x3F8D]  }
0x2c: {  	s7 =	sld [smem:$0x3F8E]  }
0x2d: {  	s3 =	simm.s32 $0x108;
	s8 =	sld [smem:$0x3F8F]  }
0x2e: {  	s3 =	simm.s32 @!p0 $0x1082;
	s9 =	sld [smem:$0x3F90]  }
0x2f: {  	lr =	sadd.s32 s0, s3;
	s0 =	sld [smem:$0x3F87]  }
0x30: {  	s3 =	sld [smem:$0x3F8A]  }
0x31: {  	[smem:$0x3F93] =	sst s10  }
0x32: {  	s10 =	sld [smem:$0x3F91];
	_ =	sdelay $0x3  }
0x33: {  	p0 =	seq.s32 s10, $0x1;
	s10 =	sld [smem:$0x3F93];
	_ =	sdelay $0x3  }
0x34: {  	[smem:$0x3F93] =	sst s10  }
0x35: {  	s10 =	sld [smem:$0x3F92];
	_ =	sdelay $0x3  }
0x36: {  	p1 =	seq.s32 s10, $0x1;
	s10 =	sld [smem:$0x3F93];
	_ =	sdelay $0x3  }
0x37: {  	[smem:$0x3F93] =	sst s10  }
0x38: {  	s10 =	sld [smem:$0x3F94]  }
0x39: {  	_ = 	snop;
	(pc) =	sbr.ind lr, $3  }
0x3a: {  	_ = 	snop  }
0x3b: {  	_ = 	snop  }
0x3c: {  	p2 =	seq.s32 s10, $0x1;
	s10 =	sld [smem:$0x3F93]  }
0x3d: {  	_ =	shalt  }
0x3e: {  	_ =	shalt  }
0x3f: {  	_ =	shalt  }
0x40: {  	_ =	shalt  }
0x41: {  	_ =	shalt  }
0x42: {  	_ =	shalt  }
0x43: {  	_ =	shalt  }
0x44: {  	_ =	shalt  }
0x45: {  	_ =	shalt  }
0x46: {  	_ =	shalt  }
0x47: {  	_ =	shalt  }
0x48: {  	_ =	shalt  }
0x49: {  	_ =	shalt  }
0x4a: {  	_ =	shalt  }
0x4b: {  	_ =	shalt  }
0x4c: {  	_ =	shalt  }
0x4d: {  	_ =	shalt  }
0x4e: {  	_ =	shalt  }
0x4f: {  	_ =	shalt  }
0x50: {  	_ =	shalt  }
0x51: {  	_ =	shalt  }
0x52: {  	_ =	shalt  }
0x53: {  	_ =	shalt  }
0x54: {  	_ =	shalt  }
0x55: {  	_ =	shalt  }
0x56: {  	_ =	shalt  }
0x57: {  	_ =	shalt  }
0x58: {  	_ =	shalt  }
0x59: {  	_ =	shalt  }
0x5a: {  	_ =	shalt  }
0x5b: {  	_ =	shalt  }
0x5c: {  	_ =	shalt  }
0x5d: {  	_ =	shalt  }
0x5e: {  	_ =	shalt  }
0x5f: {  	_ =	shalt  }
0x60: {  	_ =	shalt  }
0x61: {  	_ =	shalt  }
0x62: {  	_ =	shalt  }
0x63: {  	_ =	shalt  }
0x64: {  	_ =	shalt  }
0x65: {  	_ =	shalt  }
0x66: {  	_ =	shalt  }
0x67: {  	_ =	shalt  }
0x68: {  	_ =	shalt  }
0x69: {  	_ =	shalt  }
0x6a: {  	_ =	shalt  }
0x6b: {  	_ =	shalt  }
0x6c: {  	_ =	shalt  }
0x6d: {  	_ =	shalt  }
0x6e: {  	_ =	shalt  }
0x6f: {  	_ =	shalt  }
0x70: {  	_ =	shalt  }
0x71: {  	_ =	shalt  }
0x72: {  	_ =	shalt  }
0x73: {  	_ =	shalt  }
0x74: {  	_ =	shalt  }
0x75: {  	_ =	shalt  }
0x76: {  	_ =	shalt  }
0x77: {  	_ =	shalt  }
0x78: {  	_ =	shalt  }
0x79: {  	_ =	shalt  }
0x7a: {  	_ =	shalt  }
0x7b: {  	_ =	shalt  }
0x7c: {  	_ =	shalt  }
0x7d: {  	_ =	shalt  }
0x7e: {  	_ =	shalt  }
0x7f: {  	_ =	shalt  }
0x80: {  	_ =	shalt  }
0x81: {  	_ =	shalt  }
0x82: {  	_ =	shalt  }
0x83: {  	_ =	shalt  }
0x84: {  	_ =	shalt  }
0x85: {  	_ =	shalt  }
0x86: {  	_ =	shalt  }
0x87: {  	_ =	shalt  }
.Lfunc_end0:
.L_simem_size_0:
called_computation.8_lowered:
.L_overlay_start_0:
0x88: {  	s2 =	sld [smem:$0x3FD9]  }
0x89: {  	s3 =	sld [smem:$0x3FFE];
	_ =	sdelay $0x1  }
0x8a: {  	s1 =	srdreg.scid  }
0x8b: {  	s0 =	sand.u32 $0x1, s1  }
0x8c: {  	s17 =	sshll.u32 s0, $0xA;
	s2 =	sadd.s32 s3, s2  }
0x8d: {  	s2 =	sadd.s32 s2, s17  }
0x8e: {  	[smem:$0x3F9F] =	sst s2  }
0x8f: {  	_ = 	snop  }
0x90: {  	(tm) =	ssettm $0x1  }
0x91: {  	s18 =	sld [smem:$0x3FFB];
	_ =	sdelay $0x3  }
0x92: {  	_ =	strace s18  }
0x93: {  	s2 =	sld [smem:$0x3FFC];
	_ =	sdelay $0x3  }
0x94: {  	_ =	strace s2  }
0x95: {  	s2 =	sld [smem:$0x3FFD];
	_ =	sdelay $0x3  }
0x96: {  	_ =	strace s2  }
0x97: {  	_ =	strace $0x8FFFFFFF  }
0x98: {  	s19 =	sld [smem:$0x3FDB];
	_ =	sdelay $0x1  }
0x99: {  	s20 =	simm.s32 $_scs_section_size  }
0x9a: {  	s4 =	simm.s32 $_size__tile_overlayer_lowered;
	s5 =	simm.s32 $_tile_overlayer_lowered  }
0x9b: {  	s6 =	simm.s32 $0x1BFF;
	s21 =	sshll.u32 s5, $0x1;
	s3 =	sadd.s32 s20, s19  }
0x9c: {  	s22 =	simm.s32 $0x0;
	s4 =	sshll.u32 s4, $0x1;
	s5 =	sadd.s32 s21, s3  }
0x9d: {  	[timem:s22], [sflag:s6] =	dma.local [hbm:s5], s4  }
0x9e: {  	_ =	swait.ge [sflag:s6], s4  }
0x9f: {  	s4 =	ssub.s32 $0x0, s4;
	[sflag:s6] =	ssyncset.done $0x0  }
0xa0: {  	[sflag:s6] =	ssyncadd.s32 s4;
	_ =	sdelay $0x1  }
0xa1: {  	s23 =	simm.s32 $0x1B8B  }
0xa2: {  	_ =	swait.ge [sflag:s23], $0x1  }
0xa3: {  	[sflag:s23] =	ssyncset.done $0x0  }
0xa4: {  	[sflag:s23] =	ssyncadd.s32 $0xFFFFFFFF  }
0xa5: {  	s4 =	sld [smem:$0x0]  }
0xa6: {  	s5 =	sand.u32 $0xFFFFFFFE, s1  }
0xa7: {  	p0 =	sne.s32 s1, s5  }
0xa8: {  	s5 =	sshll.u32 @p0 s5, $0xE  }
0xa9: {  	s5 =	sadd.s32 @p0 $0x11B8D, s5;
	s6 =	sshll.u32 @p0 s4, $0x11  }
0xaa: {  	s5 =	sor.u32 @p0 s6, s5  }
0xab: {  	[sflag:s5] =	ssyncadd.remote.s32 @p0 $0x1;
	_ =	sdelay $0x1  }
0xac: {  	s5 =	simm.s32 @p0 $0x1B8D  }
0xad: {  	_ =	swait.eq @p0 [sflag:s5], $0x1  }
0xae: {  	[sflag:s5] =	ssyncadd.s32 @p0 $0xFFFFFFFF  }
0xaf: {  	s6 =	sshll.u32 @!p0 s1, $0xE  }
0xb0: {  	s6 =	sor.u32 @!p0 $0x4000, s6;
	s5 =	simm.s32 @!p0 $0x1B8D  }
0xb1: {  	s4 =	sshll.u32 @!p0 s4, $0x11;
	s6 =	sadd.s32 @!p0 $0x11B8D, s6;
	_ =	swait.eq @!p0 [sflag:s5], $0x1  }
0xb2: {  	s4 =	sor.u32 @!p0 s4, s6;
	[sflag:s5] =	ssyncadd.s32 @!p0 $0xFFFFFFFF  }
0xb3: {  	s25 =	simm.s32 $0x1B8E;
	s24 =	sld [smem:$0x3FFE];
	[sflag:s4] =	ssyncadd.remote.s32 @!p0 $0x1  }
0xb4: {  	s26 =	simm.s32 $execute0_lowered;
	[smem:$0x3FD2] =	sst s25  }
0xb5: {  	s5 =	sshll.u32 s26, $0x1;
	_ =	strace $0x80000061;
	[dreg:$0x1] =	wrdreg $0xFFFFFFFF  }
0xb6: {  	s28 =	simm.s32 $_size_execute0_lowered;
	s3 =	sadd.s32 s3, s5;
	[dreg:$0x0] =	wrdreg $0x0  }
0xb7: {  	s5 =	sshll.u32 s28, $0x1;
	[dreg:$0x2] =	wrdreg s3  }
0xb8: {  	[dreg:$0x3] =	wrdreg s5  }
0xb9: {  	[dreg:$0x4] =	wrdreg $0xC0  }
0xba: {  	_ =	task [dreg:s22], $0x5FFFF  }
0xbb: {  	[dreg:$0x1] =	wrdreg $0xFFFFFFFF  }
0xbc: {  	[dreg:$0x0] =	wrdreg $0x60  }
0xbd: {  	[dreg:$0x2] =	wrdreg s24  }
0xbe: {  	[dreg:$0x3] =	wrdreg $0x9  }
0xbf: {  	_ =	task.clear_ibuf [dreg:s22], $0x4FFFF;
	_ =	strace $0x90000061  }
0xc0: {  	s29 =	simm.s32 $0x9;
	_ =	strace $0x80000063  }
0xc1: {  	_ =	swait.ge [sflag:s29], $0x1  }
0xc2: {  	[sflag:s29] =	ssyncadd.s32 $0xFFFFFFFF  }
0xc3: {  	_ =	strace $0x90000063  }
0xc4: {  	_ =	sfence  }
0xc5: {  	s30 =	sld [smem:$0x0];
	_ =	sdelay $0x2  }
0xc6: {  	s31 =	sshll.u32 s1, $0xD;
	s1 =	sshrl.u32 s1, $0x2  }
0xc7: {  	s4 =	sand.u32 $0x4000, s31;
	s1 =	sadd.s32 s1, s30  }
0xc8: {  	s0 =	sor.u32 s4, s0;
	s1 =	sshll.u32 s1, $0x11  }
0xc9: {  	s0 =	sor.u32 s1, s0  }
0xca: {  	s0 =	sadd.s32 $0x8F2B, s0  }
0xcb: {  	[sflag:s0] =	ssyncadd.remote.s32 $0x1  }
0xcc: {  	_ =	sfence.sel $0xFFFF  }
0xcd: {  	[dreg:$0x0] =	wrdreg $0xFFFFFFFF;
	(pc) =	sbr.abs _section_cstart, $3  }
0xce: {  	[dreg:$0x1] =	wrdreg $0xFFFFFFFF  }
0xcf: {  	_ =	task.clear_ibuf [dreg:s22], $0x2FFFF;
	_ =	strace $0x9FFFFFFF  }
0xd0: {  	(tm) =	ssettm $0x7FFFFFFF  }
0xd1: {  	_ =	shalt  }
tec
execute0_lowered:
.L_overlay_start_1:
0x0: {  	(tag) =	ssettag $0x1  }
0x1: {  	s4 =	rddreg [dreg:$0x0];
	s2 =	simm.s32 $0x0  }
0x2: {  	s11 =	simm.s32 $0x900;
	[smem:$0x7FF] =	sst s2  }
0x3: {  	s12 =	simm.s32 $0x1100;
	_ =	strace $0x80000062;
	[dreg:$0x3] =	wrdreg s11  }
0x4: {  	s13 =	simm.s32 $0x1900;
	[dreg:$0x4] =	wrdreg s12  }
0x5: {  	s14 =	simm.s32 $0x2100;
	[dreg:$0x5] =	wrdreg s13  }
0x6: {  	s15 =	simm.s32 $0x2900;
	[dreg:$0x6] =	wrdreg s14  }
0x7: {  	s16 =	simm.s32 $0x3100;
	[dreg:$0x7] =	wrdreg s15  }
0x8: {  	s17 =	simm.s32 $0x3900;
	[dreg:$0x8] =	wrdreg s16  }
0x9: {  	s18 =	simm.s32 $0x4100;
	[dreg:$0x9] =	wrdreg s17  }
0xa: {  	s19 =	simm.s32 $0x4900;
	[dreg:$0xa] =	wrdreg s18  }
0xb: {  	s20 =	simm.s32 $0x5100;
	[dreg:$0xb] =	wrdreg s19  }
0xc: {  	s21 =	simm.s32 $0x5900;
	[dreg:$0xc] =	wrdreg s20  }
0xd: {  	s22 =	simm.s32 $0x6100;
	[dreg:$0xd] =	wrdreg s21  }
0xe: {  	s23 =	simm.s32 $0x6900;
	[dreg:$0xe] =	wrdreg s22  }
0xf: {  	s0 =	srdreg.scid;
	s24 =	simm.s32 $0x7100;
	[dreg:$0xf] =	wrdreg s23  }
0x10: {  	s10 =	stileid.u32;
	s25 =	simm.s32 $0x7900;
	[dreg:$0x10] =	wrdreg s24  }
0x11: {  	s9 =	simm.s32 $0x8100;
	s28 =	simm.s32 $0x17100;
	[dreg:$0x11] =	wrdreg s25  }
0x12: {  	s29 =	simm.s32 $0x17900;
	[dreg:$0x12] =	wrdreg s9;
	s11 =	simm.s32 $0x8900  }
0x13: {  	s30 =	simm.s32 $0x18100;
	s12 =	simm.s32 $0x9100;
	[dreg:$0x13] =	wrdreg s11  }
0x14: {  	s31 =	simm.s32 $0x18900;
	s13 =	simm.s32 $0x9900;
	[dreg:$0x14] =	wrdreg s12  }
0x15: {  	s0 =	sand.u32 $0x1, s0;
	s14 =	simm.s32 $0xA100;
	[dreg:$0x15] =	wrdreg s13  }
0x16: {  	s1 =	smul.u32 $0x2730, s10;
	s15 =	simm.s32 $0xA900;
	[dreg:$0x16] =	wrdreg s14  }
0x17: {  	s5 =	sadd.s32 $0x9400, s4;
	s16 =	simm.s32 $0xB100;
	[dreg:$0x17] =	wrdreg s15  }
0x18: {  	s6 =	sadd.s32 $0x162C400, s4;
	s18 =	simm.s32 $0xB900;
	[dreg:$0x18] =	wrdreg s16  }
0x19: {  	s26 =	sshll.u32 s10, $0x1;
	s19 =	simm.s32 $0xC100;
	[dreg:$0x19] =	wrdreg s18  }
0x1a: {  	s3 =	smul.u32 $0x1398, s0;
	s21 =	simm.s32 $0xC900;
	[dreg:$0x1a] =	wrdreg s19  }
0x1b: {  	s7 =	ssub.s32 $0x2, s0;
	s23 =	simm.s32 $0xD100;
	[dreg:$0x1b] =	wrdreg s21  }
0x1c: {  	s22 =	smul.u32 $0x9CC00, s10;
	s24 =	simm.s32 $0xD900;
	[dreg:$0x1c] =	wrdreg s23  }
0x1d: {  	s25 =	simm.s32 $0xE100;
	s10 =	simm.s32 $0x100;
	[dreg:$0x1d] =	wrdreg s24  }
0x1e: {  	s8 =	sshrl.u32 s7, $0x1;
	[dreg:$0x1e] =	wrdreg s25;
	s11 =	simm.s32 $0xF100  }
0x1f: {  	s12 =	simm.s32 $0xF900;
	s13 =	simm.s32 $0x10100;
	s14 =	simm.s32 $0x10900  }
0x20: {  	s15 =	simm.s32 $0x11100;
	s16 =	simm.s32 $0x11900;
	s18 =	simm.s32 $0x12900  }
0x21: {  	s19 =	simm.s32 $0x13100;
	s21 =	simm.s32 $0x14100;
	s23 =	simm.s32 $0x15100  }
0x22: {  	s24 =	simm.s32 $0x15900;
	s25 =	simm.s32 $0x16100;
	s1 =	sadd.s32 s3, s1  }
0x23: {  	s7 =	ssub.s32 s7, s8;
	s8 =	sor.u32 s0, s26;
	s0 =	smul.u32 $0x4E600, s0  }
0x24: {  	s3 =	sadd.s32 $0x417000, s4;
	s4 =	sadd.s32 $0x417100, s4;
	s8 =	smul.u32 $0x1398, s8  }
0x25: {  	s26 =	simm.s32 $0xE900;
	s1 =	sshrl.u32 s1, $0x3;
	s20 =	smax.u32 s7, $0x1  }
0x26: {  	[dreg:$0x1f] =	wrdreg s26;
	s26 =	simm.s32 $0x16900;
	s8 =	sadd.s32 $0x1388, s8  }
0x27: {  	s1 =	sadd.s32 s1, s5;
	[smem:$0x7FC] =	sst s20;
	s9 =	sshrl.u32 s8, $0x3  }
0x28: {  	[dreg:$0x2] =	wrdreg s1;
	s17 =	sshll.u32 s8, $0x6;
	s5 =	sadd.s32 s5, s9  }
0x29: {  	s20 =	simm.s32 $0x13900;
	[smem:$0x7FA] =	sst s5;
	s5 =	sadd.s32 s6, s17  }
0x2a: {  	v2 =	vlaneseq.u32;
	s1 =	simm.s32 $0x1;
	[smem:$0x7FB] =	sst s5;
	s5 =	sadd.s32 s22, s6  }
0x2b: {  	vm0 =	vmmov $0xffff;
	v1 =	vshrl.u32 v2, $0x3;
	s9 =	simm.s32 $0x2;
	s17 =	simm.s32 $0x12100;
	s0 =	sadd.s32 s0, s5  }
0x2c: {  	v0 =	vand.u32 $0x7, v2;
	v2 =	vor.u32 $0x8, v2;
	v1 =	vmul.u32 $0x8, v1;
	s22 =	simm.s32 $0x14900;
	s5 =	simm.s32 $0x0;
	[smem:$0x7FD] =	sst s0  }
.LBB2_1:
0x2d: {  	s8 =	sld [smem:$0x7FD];
	s7 =	simm.s32 $0x0  }
.LBB2_2:
0x2e: {  	s6 =	rddreg [dreg:$0x2]  }
0x2f: {  	s6 =	sadd.s32 s7, s6  }
0x30: {  	[tilespmem:s2], [sflag:$0x2] =	stream.linear.gather [hbm4b:s6+s2], $0xC8, $0x38;
	[tilespmem:$0x1B180] =	vst v63  }
0x31: {  	_ =	swait.ge [sflag:s9], $0xC8  }
0x32: {  	[sflag:s9] =	ssyncset.done $0x0  }
0x33: {  	[sflag:s9] =	ssyncadd.s32 $0xFFFFFF38  }
0x34: {  	v3 =	vld [tilespmem:$0x0];
	_ =	sdelay $0x4  }
0x35: {  	v4 =	vshll.u32 v3, $0x2  }
0x36: {  	v3 =	vand.u32 $0x7, v3;
	v4 =	vand.u32 $0xFFFFFFE0, v4  }
0x37: {  	v3 =	vor.u32 v3, v4  }
0x38: {  	v4 =	vperm.xlane v3, v0;
	_ =	sdelay $0x1  }
0x39: {  	v4 =	vadd.s32 v1, v4;
	_ =	sdelay $0x1  }
0x3a: {  	v3 =	vperm.xlane v3, v2;
	_ =	sdelay $0x1  }
0x3b: {  	v3 =	vadd.s32 v1, v3  }
0x3c: {  	[tilespmem:s10], [sflag:$0x1] =	stream.indirect_vreg.gather [hbm4b:s3+s2], $0x80, v4, vm0, $0xb8;
	[tilespmem:$0x1B180] =	vst v63  }
0x3d: {  	s6 =	rddreg [dreg:$0x3]  }
0x3e: {  	[tilespmem:s6], [sflag:$0x1] =	stream.indirect_vreg.gather [hbm4b:s4+s2], $0x80, v4, vm0, $0xb8;
	[tilespmem:$0x1B180] =	vst v63  }
0x3f: {  	s0 =	rddreg [dreg:$0x4]  }
0x40: {  	[tilespmem:s0], [sflag:$0x1] =	stream.indirect_vreg.gather [hbm4b:s3+s2], $0x80, v3, vm0, $0xb8;
	[tilespmem:$0x1B180] =	vst v63  }
0x41: {  	s6 =	rddreg [dreg:$0x5]  }
0x42: {  	[tilespmem:s6], [sflag:$0x1] =	stream.indirect_vreg.gather [hbm4b:s4+s2], $0x80, v3, vm0, $0xb8;
	[tilespmem:$0x1B180] =	vst v63  }
0x43: {  	v3 =	vld [tilespmem:$0x10];
	_ =	sdelay $0x4  }
0x44: {  	v52 =	vshll.u32 v3, $0x2  }
0x45: {  	v3 =	vand.u32 $0x7, v3;
	v4 =	vand.u32 $0xFFFFFFE0, v52  }
0x46: {  	v3 =	vor.u32 v3, v4  }
0x47: {  	v4 =	vperm.xlane v3, v0;
	_ =	sdelay $0x1  }
0x48: {  	v4 =	vadd.s32 v1, v4;
	_ =	sdelay $0x1  }
0x49: {  	v3 =	vperm.xlane v3, v2;
	_ =	sdelay $0x1  }
0x4a: {  	s0 =	rddreg [dreg:$0x6];
	v3 =	vadd.s32 v1, v3  }
0x4b: {  	[tilespmem:s0], [sflag:$0x1] =	stream.indirect_vreg.gather [hbm4b:s3+s2], $0x80, v4, vm0, $0xb8;
	[tilespmem:$0x1B180] =	vst v63  }
0x4c: {  	s6 =	rddreg [dreg:$0x7]  }
0x4d: {  	[tilespmem:s6], [sflag:$0x1] =	stream.indirect_vreg.gather [hbm4b:s4+s2], $0x80, v4, vm0, $0xb8;
	[tilespmem:$0x1B180] =	vst v63  }
0x4e: {  	s0 =	rddreg [dreg:$0x8]  }
0x4f: {  	[tilespmem:s0], [sflag:$0x1] =	stream.indirect_vreg.gather [hbm4b:s3+s2], $0x80, v3, vm0, $0xb8;
	[tilespmem:$0x1B180] =	vst v63  }
0x50: {  	s6 =	rddreg [dreg:$0x9]  }
0x51: {  	[tilespmem:s6], [sflag:$0x1] =	stream.indirect_vreg.gather [hbm4b:s4+s2], $0x80, v3, vm0, $0xb8;
	[tilespmem:$0x1B180] =	vst v63  }
0x52: {  	v3 =	vld [tilespmem:$0x20];
	_ =	sdelay $0x4  }
0x53: {  	v53 =	vshll.u32 v3, $0x2  }
0x54: {  	v3 =	vand.u32 $0x7, v3;
	v4 =	vand.u32 $0xFFFFFFE0, v53  }
0x55: {  	v3 =	vor.u32 v3, v4  }
0x56: {  	v4 =	vperm.xlane v3, v0;
	_ =	sdelay $0x1  }
0x57: {  	v4 =	vadd.s32 v1, v4;
	_ =	sdelay $0x1  }
0x58: {  	v3 =	vperm.xlane v3, v2;
	_ =	sdelay $0x1  }
0x59: {  	s0 =	rddreg [dreg:$0xa];
	v3 =	vadd.s32 v1, v3  }
0x5a: {  	[tilespmem:s0], [sflag:$0x1] =	stream.indirect_vreg.gather [hbm4b:s3+s2], $0x80, v4, vm0, $0xb8;
	[tilespmem:$0x1B180] =	vst v63  }
0x5b: {  	s6 =	rddreg [dreg:$0xb]  }
0x5c: {  	[tilespmem:s6], [sflag:$0x1] =	stream.indirect_vreg.gather [hbm4b:s4+s2], $0x80, v4, vm0, $0xb8;
	[tilespmem:$0x1B180] =	vst v63  }
0x5d: {  	s0 =	rddreg [dreg:$0xc]  }
0x5e: {  	[tilespmem:s0], [sflag:$0x1] =	stream.indirect_vreg.gather [hbm4b:s3+s2], $0x80, v3, vm0, $0xb8;
	[tilespmem:$0x1B180] =	vst v63  }
0x5f: {  	s6 =	rddreg [dreg:$0xd]  }
0x60: {  	[tilespmem:s6], [sflag:$0x1] =	stream.indirect_vreg.gather [hbm4b:s4+s2], $0x80, v3, vm0, $0xb8;
	[tilespmem:$0x1B180] =	vst v63  }
0x61: {  	v3 =	vld [tilespmem:$0x30];
	_ =	sdelay $0x4  }
0x62: {  	v54 =	vshll.u32 v3, $0x2  }
0x63: {  	v3 =	vand.u32 $0x7, v3;
	v4 =	vand.u32 $0xFFFFFFE0, v54  }
0x64: {  	v3 =	vor.u32 v3, v4  }
0x65: {  	v4 =	vperm.xlane v3, v0;
	_ =	sdelay $0x1  }
0x66: {  	v4 =	vadd.s32 v1, v4;
	_ =	sdelay $0x1  }
0x67: {  	v3 =	vperm.xlane v3, v2;
	_ =	sdelay $0x1  }
0x68: {  	s0 =	rddreg [dreg:$0xe];
	v3 =	vadd.s32 v1, v3  }
0x69: {  	[tilespmem:s0], [sflag:$0x1] =	stream.indirect_vreg.gather [hbm4b:s3+s2], $0x80, v4, vm0, $0xb8;
	[tilespmem:$0x1B180] =	vst v63  }
0x6a: {  	s6 =	rddreg [dreg:$0xf]  }
0x6b: {  	[tilespmem:s6], [sflag:$0x1] =	stream.indirect_vreg.gather [hbm4b:s4+s2], $0x80, v4, vm0, $0xb8;
	[tilespmem:$0x1B180] =	vst v63  }
0x6c: {  	s0 =	rddreg [dreg:$0x10]  }
0x6d: {  	[tilespmem:s0], [sflag:$0x1] =	stream.indirect_vreg.gather [hbm4b:s3+s2], $0x80, v3, vm0, $0xb8;
	[tilespmem:$0x1B180] =	vst v63  }
0x6e: {  	s6 =	rddreg [dreg:$0x11]  }
0x6f: {  	[tilespmem:s6], [sflag:$0x1] =	stream.indirect_vreg.gather [hbm4b:s4+s2], $0x80, v3, vm0, $0xb8;
	[tilespmem:$0x1B180] =	vst v63  }
0x70: {  	v3 =	vld [tilespmem:$0x40];
	_ =	sdelay $0x4  }
0x71: {  	v55 =	vshll.u32 v3, $0x2  }
0x72: {  	v3 =	vand.u32 $0x7, v3;
	v4 =	vand.u32 $0xFFFFFFE0, v55  }
0x73: {  	v3 =	vor.u32 v3, v4  }
0x74: {  	v4 =	vperm.xlane v3, v0;
	_ =	sdelay $0x1  }
0x75: {  	v4 =	vadd.s32 v1, v4;
	_ =	sdelay $0x1  }
0x76: {  	v3 =	vperm.xlane v3, v2;
	_ =	sdelay $0x1  }
0x77: {  	s0 =	rddreg [dreg:$0x12];
	v3 =	vadd.s32 v1, v3  }
0x78: {  	[tilespmem:s0], [sflag:$0x1] =	stream.indirect_vreg.gather [hbm4b:s3+s2], $0x80, v4, vm0, $0xb8;
	[tilespmem:$0x1B180] =	vst v63  }
0x79: {  	s6 =	rddreg [dreg:$0x13]  }
0x7a: {  	[tilespmem:s6], [sflag:$0x1] =	stream.indirect_vreg.gather [hbm4b:s4+s2], $0x80, v4, vm0, $0xb8;
	[tilespmem:$0x1B180] =	vst v63  }
0x7b: {  	s0 =	rddreg [dreg:$0x14]  }
0x7c: {  	[tilespmem:s0], [sflag:$0x1] =	stream.indirect_vreg.gather [hbm4b:s3+s2], $0x80, v3, vm0, $0xb8;
	[tilespmem:$0x1B180] =	vst v63  }
0x7d: {  	s6 =	rddreg [dreg:$0x15]  }
0x7e: {  	[tilespmem:s6], [sflag:$0x1] =	stream.indirect_vreg.gather [hbm4b:s4+s2], $0x80, v3, vm0, $0xb8;
	[tilespmem:$0x1B180] =	vst v63  }
0x7f: {  	v3 =	vld [tilespmem:$0x50];
	_ =	sdelay $0x4  }
0x80: {  	v56 =	vshll.u32 v3, $0x2  }
0x81: {  	v3 =	vand.u32 $0x7, v3;
	v4 =	vand.u32 $0xFFFFFFE0, v56  }
0x82: {  	v3 =	vor.u32 v3, v4  }
0x83: {  	v4 =	vperm.xlane v3, v0;
	_ =	sdelay $0x1  }
0x84: {  	v4 =	vadd.s32 v1, v4;
	_ =	sdelay $0x1  }
0x85: {  	v3 =	vperm.xlane v3, v2;
	_ =	sdelay $0x1  }
0x86: {  	s0 =	rddreg [dreg:$0x16];
	v3 =	vadd.s32 v1, v3  }
0x87: {  	[tilespmem:s0], [sflag:$0x1] =	stream.indirect_vreg.gather [hbm4b:s3+s2], $0x80, v4, vm0, $0xb8;
	[tilespmem:$0x1B180] =	vst v63  }
0x88: {  	s6 =	rddreg [dreg:$0x17]  }
0x89: {  	[tilespmem:s6], [sflag:$0x1] =	stream.indirect_vreg.gather [hbm4b:s4+s2], $0x80, v4, vm0, $0xb8;
	[tilespmem:$0x1B180] =	vst v63  }
0x8a: {  	s0 =	rddreg [dreg:$0x18]  }
0x8b: {  	[tilespmem:s0], [sflag:$0x1] =	stream.indirect_vreg.gather [hbm4b:s3+s2], $0x80, v3, vm0, $0xb8;
	[tilespmem:$0x1B180] =	vst v63  }
0x8c: {  	s6 =	rddreg [dreg:$0x19]  }
0x8d: {  	[tilespmem:s6], [sflag:$0x1] =	stream.indirect_vreg.gather [hbm4b:s4+s2], $0x80, v3, vm0, $0xb8;
	[tilespmem:$0x1B180] =	vst v63  }
0x8e: {  	v3 =	vld [tilespmem:$0x60];
	_ =	sdelay $0x4  }
0x8f: {  	v57 =	vshll.u32 v3, $0x2  }
0x90: {  	v3 =	vand.u32 $0x7, v3;
	v4 =	vand.u32 $0xFFFFFFE0, v57  }
0x91: {  	v3 =	vor.u32 v3, v4  }
0x92: {  	v4 =	vperm.xlane v3, v0;
	_ =	sdelay $0x1  }
0x93: {  	v4 =	vadd.s32 v1, v4;
	_ =	sdelay $0x1  }
0x94: {  	v3 =	vperm.xlane v3, v2;
	_ =	sdelay $0x1  }
0x95: {  	s0 =	rddreg [dreg:$0x1a];
	v3 =	vadd.s32 v1, v3  }
0x96: {  	[tilespmem:s0], [sflag:$0x1] =	stream.indirect_vreg.gather [hbm4b:s3+s2], $0x80, v4, vm0, $0xb8;
	[tilespmem:$0x1B180] =	vst v63  }
0x97: {  	s6 =	rddreg [dreg:$0x1b]  }
0x98: {  	[tilespmem:s6], [sflag:$0x1] =	stream.indirect_vreg.gather [hbm4b:s4+s2], $0x80, v4, vm0, $0xb8;
	[tilespmem:$0x1B180] =	vst v63  }
0x99: {  	s0 =	rddreg [dreg:$0x1c]  }
0x9a: {  	[tilespmem:s0], [sflag:$0x1] =	stream.indirect_vreg.gather [hbm4b:s3+s2], $0x80, v3, vm0, $0xb8;
	[tilespmem:$0x1B180] =	vst v63  }
0x9b: {  	s6 =	rddreg [dreg:$0x1d]  }
0x9c: {  	[tilespmem:s6], [sflag:$0x1] =	stream.indirect_vreg.gather [hbm4b:s4+s2], $0x80, v3, vm0, $0xb8;
	[tilespmem:$0x1B180] =	vst v63  }
0x9d: {  	v3 =	vld [tilespmem:$0x70];
	_ =	sdelay $0x4  }
0x9e: {  	v58 =	vshll.u32 v3, $0x2  }
0x9f: {  	v3 =	vand.u32 $0x7, v3;
	v4 =	vand.u32 $0xFFFFFFE0, v58  }
0xa0: {  	v3 =	vor.u32 v3, v4  }
0xa1: {  	v4 =	vperm.xlane v3, v0;
	_ =	sdelay $0x1  }
0xa2: {  	v4 =	vadd.s32 v1, v4;
	_ =	sdelay $0x1  }
0xa3: {  	v3 =	vperm.xlane v3, v2;
	_ =	sdelay $0x1  }
0xa4: {  	s0 =	rddreg [dreg:$0x1e];
	v3 =	vadd.s32 v1, v3  }
0xa5: {  	[tilespmem:s0], [sflag:$0x1] =	stream.indirect_vreg.gather [hbm4b:s3+s2], $0x80, v4, vm0, $0xb8;
	[tilespmem:$0x1B180] =	vst v63  }
0xa6: {  	s6 =	rddreg [dreg:$0x1f]  }
0xa7: {  	[tilespmem:s6], [sflag:$0x1] =	stream.indirect_vreg.gather [hbm4b:s4+s2], $0x80, v4, vm0, $0xb8;
	[tilespmem:$0x1B180] =	vst v63  }
0xa8: {  	_ = 	snop  }
0xa9: {  	[tilespmem:s11], [sflag:$0x1] =	stream.indirect_vreg.gather [hbm4b:s3+s2], $0x80, v3, vm0, $0xb8;
	[tilespmem:$0x1B180] =	vst v63  }
0xaa: {  	_ = 	snop  }
0xab: {  	[tilespmem:s12], [sflag:$0x1] =	stream.indirect_vreg.gather [hbm4b:s4+s2], $0x80, v3, vm0, $0xb8;
	[tilespmem:$0x1B180] =	vst v63  }
0xac: {  	v3 =	vld [tilespmem:$0x80];
	_ =	sdelay $0x4  }
0xad: {  	v59 =	vshll.u32 v3, $0x2  }
0xae: {  	v3 =	vand.u32 $0x7, v3;
	v4 =	vand.u32 $0xFFFFFFE0, v59  }
0xaf: {  	v3 =	vor.u32 v3, v4  }
0xb0: {  	v4 =	vperm.xlane v3, v0;
	_ =	sdelay $0x1  }
0xb1: {  	v4 =	vadd.s32 v1, v4;
	_ =	sdelay $0x1  }
0xb2: {  	v3 =	vperm.xlane v3, v2;
	_ =	sdelay $0x1  }
0xb3: {  	v3 =	vadd.s32 v1, v3  }
0xb4: {  	[tilespmem:s13], [sflag:$0x1] =	stream.indirect_vreg.gather [hbm4b:s3+s2], $0x80, v4, vm0, $0xb8;
	[tilespmem:$0x1B180] =	vst v63  }
0xb5: {  	_ = 	snop  }
0xb6: {  	[tilespmem:s14], [sflag:$0x1] =	stream.indirect_vreg.gather [hbm4b:s4+s2], $0x80, v4, vm0, $0xb8;
	[tilespmem:$0x1B180] =	vst v63  }
0xb7: {  	_ = 	snop  }
0xb8: {  	[tilespmem:s15], [sflag:$0x1] =	stream.indirect_vreg.gather [hbm4b:s3+s2], $0x80, v3, vm0, $0xb8;
	[tilespmem:$0x1B180] =	vst v63  }
0xb9: {  	_ = 	snop  }
0xba: {  	[tilespmem:s16], [sflag:$0x1] =	stream.indirect_vreg.gather [hbm4b:s4+s2], $0x80, v3, vm0, $0xb8;
	[tilespmem:$0x1B180] =	vst v63  }
0xbb: {  	v3 =	vld [tilespmem:$0x90];
	_ =	sdelay $0x4  }
0xbc: {  	v60 =	vshll.u32 v3, $0x2  }
0xbd: {  	v3 =	vand.u32 $0x7, v3;
	v4 =	vand.u32 $0xFFFFFFE0, v60  }
0xbe: {  	v3 =	vor.u32 v3, v4  }
0xbf: {  	v4 =	vperm.xlane v3, v0;
	_ =	sdelay $0x1  }
0xc0: {  	v4 =	vadd.s32 v1, v4;
	_ =	sdelay $0x1  }
0xc1: {  	v3 =	vperm.xlane v3, v2;
	_ =	sdelay $0x1  }
0xc2: {  	v3 =	vadd.s32 v1, v3  }
0xc3: {  	[tilespmem:s17], [sflag:$0x1] =	stream.indirect_vreg.gather [hbm4b:s3+s2], $0x80, v4, vm0, $0xb8;
	[tilespmem:$0x1B180] =	vst v63  }
0xc4: {  	_ = 	snop  }
0xc5: {  	[tilespmem:s18], [sflag:$0x1] =	stream.indirect_vreg.gather [hbm4b:s4+s2], $0x80, v4, vm0, $0xb8;
	[tilespmem:$0x1B180] =	vst v63  }
0xc6: {  	_ = 	snop  }
0xc7: {  	[tilespmem:s19], [sflag:$0x1] =	stream.indirect_vreg.gather [hbm4b:s3+s2], $0x80, v3, vm0, $0xb8;
	[tilespmem:$0x1B180] =	vst v63  }
0xc8: {  	_ = 	snop  }
0xc9: {  	[tilespmem:s20], [sflag:$0x1] =	stream.indirect_vreg.gather [hbm4b:s4+s2], $0x80, v3, vm0, $0xb8;
	[tilespmem:$0x1B180] =	vst v63  }
0xca: {  	v3 =	vld [tilespmem:$0xA0];
	_ =	sdelay $0x4  }
0xcb: {  	v61 =	vshll.u32 v3, $0x2  }
0xcc: {  	v3 =	vand.u32 $0x7, v3;
	v4 =	vand.u32 $0xFFFFFFE0, v61  }
0xcd: {  	v3 =	vor.u32 v3, v4  }
0xce: {  	v4 =	vperm.xlane v3, v0;
	_ =	sdelay $0x1  }
0xcf: {  	v4 =	vadd.s32 v1, v4;
	_ =	sdelay $0x1  }
0xd0: {  	v3 =	vperm.xlane v3, v2;
	_ =	sdelay $0x1  }
0xd1: {  	v3 =	vadd.s32 v1, v3  }
0xd2: {  	[tilespmem:s21], [sflag:$0x1] =	stream.indirect_vreg.gather [hbm4b:s3+s2], $0x80, v4, vm0, $0xb8;
	[tilespmem:$0x1B180] =	vst v63  }
0xd3: {  	_ = 	snop  }
0xd4: {  	[tilespmem:s22], [sflag:$0x1] =	stream.indirect_vreg.gather [hbm4b:s4+s2], $0x80, v4, vm0, $0xb8;
	[tilespmem:$0x1B180] =	vst v63  }
0xd5: {  	_ = 	snop  }
0xd6: {  	[tilespmem:s23], [sflag:$0x1] =	stream.indirect_vreg.gather [hbm4b:s3+s2], $0x80, v3, vm0, $0xb8;
	[tilespmem:$0x1B180] =	vst v63  }
0xd7: {  	_ = 	snop  }
0xd8: {  	[tilespmem:s24], [sflag:$0x1] =	stream.indirect_vreg.gather [hbm4b:s4+s2], $0x80, v3, vm0, $0xb8;
	[tilespmem:$0x1B180] =	vst v63  }
0xd9: {  	v3 =	vld [tilespmem:$0xB0];
	_ =	sdelay $0x4  }
0xda: {  	v62 =	vshll.u32 v3, $0x2  }
0xdb: {  	v3 =	vand.u32 $0x7, v3;
	v4 =	vand.u32 $0xFFFFFFE0, v62  }
0xdc: {  	v3 =	vor.u32 v3, v4  }
0xdd: {  	v4 =	vperm.xlane v3, v0;
	_ =	sdelay $0x1  }
0xde: {  	v4 =	vadd.s32 v1, v4;
	_ =	sdelay $0x1  }
0xdf: {  	v3 =	vperm.xlane v3, v2;
	_ =	sdelay $0x1  }
0xe0: {  	v3 =	vadd.s32 v1, v3  }
0xe1: {  	[tilespmem:s25], [sflag:$0x1] =	stream.indirect_vreg.gather [hbm4b:s3+s2], $0x80, v4, vm0, $0xb8;
	[tilespmem:$0x1B180] =	vst v63  }
0xe2: {  	_ = 	snop  }
0xe3: {  	[tilespmem:s26], [sflag:$0x1] =	stream.indirect_vreg.gather [hbm4b:s4+s2], $0x80, v4, vm0, $0xb8;
	[tilespmem:$0x1B180] =	vst v63  }
0xe4: {  	_ = 	snop  }
0xe5: {  	[tilespmem:s28], [sflag:$0x1] =	stream.indirect_vreg.gather [hbm4b:s3+s2], $0x80, v3, vm0, $0xb8;
	[tilespmem:$0x1B180] =	vst v63  }
0xe6: {  	_ = 	snop  }
0xe7: {  	[tilespmem:s29], [sflag:$0x1] =	stream.indirect_vreg.gather [hbm4b:s4+s2], $0x80, v3, vm0, $0xb8;
	[tilespmem:$0x1B180] =	vst v63  }
0xe8: {  	v3 =	vld.msk [tilespmem:$0xC0], $0xff;
	_ =	sdelay $0x4  }
0xe9: {  	v63 =	vshll.u32 v3, $0x2  }
0xea: {  	v3 =	vand.u32 $0x7, v3;
	v4 =	vand.u32 $0xFFFFFFE0, v63  }
0xeb: {  	v3 =	vor.u32 v3, v4  }
0xec: {  	v3 =	vperm.xlane v3, v0;
	_ =	sdelay $0x1  }
0xed: {  	v3 =	vadd.s32 v1, v3;
	_ =	sdelay $0x4  }
0xee: {  	[tilespmem:s30], [sflag:$0x1] =	stream.indirect_vreg.gather [hbm4b:s3+s2], $0x80, v3, vm0, $0xb8;
	[tilespmem:$0x1B180] =	vst v63  }
0xef: {  	_ = 	snop  }
0xf0: {  	[tilespmem:s31], [sflag:$0x1] =	stream.indirect_vreg.gather [hbm4b:s4+s2], $0x80, v3, vm0, $0xb8;
	[tilespmem:$0x1B180] =	vst v63  }
0xf1: {  	_ =	swait.ge [sflag:s1], $0x19000  }
0xf2: {  	p0 =	sne.s32 s7, $0x258;
	[sflag:s1] =	ssyncset.done $0x0  }
.Ltmp0:
0xf3: {  	[sflag:s1] =	ssyncadd.s32 $0xFFFE7000;
	(pc) =	sbr.rel @p0 .LBB2_2-.Ltmp0, $4  }
0xf4: {  	[hbm4b:s8+s2] =	stream.linear.scatter [tilespmem:s10], [sflag:$0x2], $0x19000, $0x38;
	[tilespmem:$0x1B180] =	vst v63  }
0xf5: {  	_ =	swait.ge [sflag:s9], $0x19000  }
0xf6: {  	[sflag:s9] =	ssyncset.done $0x0  }
0xf7: {  	s7 =	sadd.s32 $0x19, s7;
	s8 =	sadd.s32 $0x3200, s8;
	[sflag:s9] =	ssyncadd.s32 $0xFFFE7000  }
0xf8: {  	s0 =	sld [smem:$0x7FA];
	_ =	sdelay $0x1  }
0xf9: {  	s6 =	simm.s32 $0x19100  }
0xfa: {  	[tilespmem:s6], [sflag:$0x2] =	stream.linear.gather [hbm4b:s0+s2], $0x10, $0x38;
	[tilespmem:$0x1B180] =	vst v63  }
0xfb: {  	_ =	swait.ge [sflag:s9], $0x10  }
0xfc: {  	[sflag:s9] =	ssyncset.done $0x0  }
0xfd: {  	[sflag:s9] =	ssyncadd.s32 $0xFFFFFFF0  }
0xfe: {  	v3 =	vld [tilespmem:$0x19100];
	_ =	sdelay $0x4  }
0xff: {  	v4 =	vshll.u32 v3, $0x2  }
0x100: {  	v3 =	vand.u32 $0x7, v3;
	v4 =	vand.u32 $0xFFFFFFE0, v4  }
0x101: {  	v3 =	vor.u32 v3, v4  }
0x102: {  	v4 =	vperm.xlane v3, v0;
	_ =	sdelay $0x1  }
0x103: {  	v4 =	vadd.s32 v1, v4;
	_ =	sdelay $0x1  }
0x104: {  	v3 =	vperm.xlane v3, v2;
	_ =	sdelay $0x1  }
0x105: {  	s6 =	simm.s32 $0x19180;
	v3 =	vadd.s32 v1, v3  }
0x106: {  	[tilespmem:s6], [sflag:$0x1] =	stream.indirect_vreg.gather [hbm4b:s3+s2], $0x80, v4, vm0, $0xb8;
	[tilespmem:$0x1B180] =	vst v63  }
0x107: {  	s8 =	simm.s32 $0x19980  }
0x108: {  	[tilespmem:s8], [sflag:$0x1] =	stream.indirect_vreg.gather [hbm4b:s4+s2], $0x80, v4, vm0, $0xb8;
	[tilespmem:$0x1B180] =	vst v63  }
0x109: {  	s7 =	simm.s32 $0x1A180  }
0x10a: {  	[tilespmem:s7], [sflag:$0x1] =	stream.indirect_vreg.gather [hbm4b:s3+s2], $0x80, v3, vm0, $0xb8;
	[tilespmem:$0x1B180] =	vst v63  }
0x10b: {  	s8 =	simm.s32 $0x1A980  }
0x10c: {  	[tilespmem:s8], [sflag:$0x1] =	stream.indirect_vreg.gather [hbm4b:s4+s2], $0x80, v3, vm0, $0xb8;
	[tilespmem:$0x1B180] =	vst v63  }
0x10d: {  	_ =	swait.ge [sflag:s1], $0x2000  }
0x10e: {  	s7 =	sld [smem:$0x7FB]  }
0x10f: {  	[sflag:s1] =	ssyncset.done $0x0  }
0x110: {  	[sflag:s1] =	ssyncadd.s32 $0xFFFFE000  }
0x111: {  	[hbm4b:s7+s2] =	stream.linear.scatter [tilespmem:s6], [sflag:$0x2], $0x2000, $0x38;
	[tilespmem:$0x1B180] =	vst v63  }
0x112: {  	_ =	swait.ge [sflag:s9], $0x2000  }
0x113: {  	s8 =	sld [smem:$0x7FC];
	_ =	sdelay $0x1  }
0x114: {  	s5 =	sadd.s32 $0x1, s5  }
0x115: {  	p0 =	sne.s32 s5, s8  }
.Ltmp1:
0x116: {  	_ = 	snop;
	(pc) =	sbr.rel @p0 .LBB2_1-.Ltmp1, $3  }
0x117: {  	_ =	sdelay $0x1  }
0x118: {  	[sflag:s9] =	ssyncset.done $0x0  }
0x119: {  	[sflag:s9] =	ssyncadd.s32 $0xFFFFE000  }
0x11a: {  	_ =	sfence.sel $0x180000  }
0x11b: {  	[bflag:$0x0] =	sbarrier.arrive $0xFFFF  }
0x11c: {  	_ =	strace $0x90000062  }
0x11d: {  	s0 =	stileid.u32;
	[bflag:$0x2] =	sbarrier.arrive $0xFFFF  }
0x11e: {  	p0 =	sne.s32 s0, $0x0;
	s0 =	rddreg [dreg:$0x1]  }
0x11f: {  	s0 =	sadd.s32 @!p0 $0x100000, s0  }
0x120: {  	[sflag:s0] =	ssyncadd.tile.s32 @!p0 $0x1;
	_ =	shalt  }
.Lfunc_end2:
_tile_overlayer_lowered:
.L_overlay_start_2:
0x121: {  	(tag) =	ssettag $0x2  }
0x122: {  	s0 =	rddreg [dreg:$0x0];
	s2 =	stileid.u32  }
0x123: {  	s1 =	rddreg [dreg:$0x1];
	p0 =	sne.s32 s2, $0x0  }
0x124: {  	s3 =	rddreg [dreg:$0x2];
	[bflag:$0x3] =	sbarrier.arrive $0xFFFF;
	s2 =	simm.s32 @!p0 $0x1C02  }
0x125: {  	[timem:s3], [sflag:s2] =	dma.local @!p0 [hbm:s0], s1  }
0x126: {  	s0 =	simm.s32 @!p0 $0x2  }
0x127: {  	_ =	swait.ge @!p0 [sflag:s0], s1  }
0x128: {  	s1 =	ssub.s32 @!p0 $0x0, s1;
	[sflag:s0] =	ssyncset.done @!p0 $0x0  }
0x129: {  	[sflag:s0] =	ssyncadd.s32 @!p0 s1  }
0x12a: {  	[bflag:$0x3] =	sbarrier.arrive $0xFFFF  }
0x12b: {  	_ =	shalt  }

// kernel: kernel.42.cloned.1.call-start
scs
__scs_entry_jumppad:
0x0: {  	(pc) =	sbr.rel $0x88, $3  }
0x1: {  	(tag) =	ssettag $0x0;
	lr =	simm.s32 $0x1  }
0x2: {  	[smem:$0x3F78] =	sst lr;
	_ =	strace $0xD0000000  }
0x3: {  	_ = 	snop  }
0x4: {  	_ = 	snop  }
0x5: {  	_ = 	snop  }
0x6: {  	_ = 	snop  }
0x7: {  	_ = 	snop  }
__scs_overlays_trampoline_lowered:
0x8: {  	[smem:$0x3F87] =	sst s0  }
0x9: {  	[smem:$0x3F88] =	sst s1  }
0xa: {  	[smem:$0x3F89] =	sst s2  }
0xb: {  	[smem:$0x3F8A] =	sst s3  }
0xc: {  	[smem:$0x3F8B] =	sst s4  }
0xd: {  	[smem:$0x3F8C] =	sst s5  }
0xe: {  	[smem:$0x3F8D] =	sst s6  }
0xf: {  	[smem:$0x3F8E] =	sst s7  }
0x10: {  	[smem:$0x3F8F] =	sst s8  }
0x11: {  	[smem:$0x3F90] =	sst s9;
	s0 =	simm.s32 @!p0 $0x0  }
0x12: {  	s1 =	sld [smem:$0x3F76];
	s0 =	simm.s32 @p0 $0x1  }
0x13: {  	[smem:$0x3F91] =	sst s0;
	s0 =	simm.s32 @!p1 $0x0  }
0x14: {  	s2 =	sld [smem:$0x3F75];
	s0 =	simm.s32 @p1 $0x1  }
0x15: {  	[smem:$0x3F92] =	sst s0;
	s0 =	simm.s32 @!p2 $0x0  }
0x16: {  	s3 =	sld [smem:$0x3FDB];
	s0 =	simm.s32 @p2 $0x1  }
0x17: {  	s4 =	simm.s32 $0x1BF5;
	[smem:$0x3F94] =	sst s0  }
0x18: {  	s0 =	sld [smem:$0x3F77];
	_ =	swait.ge [sflag:s4], $0x0  }
0x19: {  	s7 =	sld [smem:$0x3F78]  }
0x1a: {  	s8 =	sadd.s32 $0xFFFFE003, lr  }
0x1b: {  	s9 =	sadd.s32 $0xFFFFFEF7, lr;
	s5 =	simm.s32 $0xFFFFFFFF;
	p2 =	slt.u32 s8, $0xFFFFF086  }
0x1c: {  	p1 =	slt.u32 s9, $0xF7A;
	s5 =	simm.s32 @!p2 $0x0  }
0x1d: {  	s5 =	simm.s32 @p1 $0x1;
	p0 =	seq.s32 s7, s2  }
0x1e: {  	s7 =	smul.u32 @!p0 $0xF7A, s2;
	p2 =	seq.s32 @!p0 s5, $0x0  }
0x1f: {  	s9 =	smul.u32 $0xF7A, s1;
	s8 =	simm.s32 @!p0 $0x1BF5;
	p2 =	por !p2, p0  }
0x20: {  	[sflag:s8] =	ssyncset.s32 @!p0 $0xFFFFF086;
	s6 =	sadd.s32 @!p0 s3, s7;
	s7 =	simm.s32 @!p0 $0x108  }
0x21: {  	s3 =	sadd.s32 s3, s9;
	s6 =	sadd.s32 @!p0 $0x88, s6;
	s7 =	simm.s32 @p2 $0x1082  }
0x22: {  	[simem:s7], [sflag:s8] =	dma.local @!p0 [hbm:s6], $0xF7A  }
0x23: {  	s9 =	sor.u32 $0xD0000000, s2;
	s6 =	simm.s32 $0x108;
	_ =	swait.ge @!p0 [sflag:s8], $0x0  }
0x24: {  	s3 =	sadd.s32 $0x88, s3;
	s6 =	simm.s32 @!p1 $0x1082;
	[sflag:s4] =	ssyncset.s32 $0xFFFFF086  }
0x25: {  	[simem:s6], [sflag:s4] =	dma.local [hbm:s3], $0xF7A  }
0x26: {  	[smem:$0x3F78] =	sst s1;
	(tag) =	ssettag s2;
	_ =	strace s9  }
0x27: {  	s1 =	sld [smem:$0x3F88]  }
0x28: {  	s2 =	sld [smem:$0x3F89]  }
0x29: {  	s4 =	sld [smem:$0x3F8B]  }
0x2a: {  	p0 =	seq.s32 s5, $0x0;
	s5 =	sld [smem:$0x3F8C]  }
0x2b: {  	s6 =	sld [smem:$0x3F8D]  }
0x2c: {  	s7 =	sld [smem:$0x3F8E]  }
0x2d: {  	s3 =	simm.s32 $0x108;
	s8 =	sld [smem:$0x3F8F]  }
0x2e: {  	s3 =	simm.s32 @!p0 $0x1082;
	s9 =	sld [smem:$0x3F90]  }
0x2f: {  	lr =	sadd.s32 s0, s3;
	s0 =	sld [smem:$0x3F87]  }
0x30: {  	s3 =	sld [smem:$0x3F8A]  }
0x31: {  	[smem:$0x3F93] =	sst s10  }
0x32: {  	s10 =	sld [smem:$0x3F91];
	_ =	sdelay $0x3  }
0x33: {  	p0 =	seq.s32 s10, $0x1;
	s10 =	sld [smem:$0x3F93];
	_ =	sdelay $0x3  }
0x34: {  	[smem:$0x3F93] =	sst s10  }
0x35: {  	s10 =	sld [smem:$0x3F92];
	_ =	sdelay $0x3  }
0x36: {  	p1 =	seq.s32 s10, $0x1;
	s10 =	sld [smem:$0x3F93];
	_ =	sdelay $0x3  }
0x37: {  	[smem:$0x3F93] =	sst s10  }
0x38: {  	s10 =	sld [smem:$0x3F94]  }
0x39: {  	_ = 	snop;
	(pc) =	sbr.ind lr, $3  }
0x3a: {  	_ = 	snop  }
0x3b: {  	_ = 	snop  }
0x3c: {  	p2 =	seq.s32 s10, $0x1;
	s10 =	sld [smem:$0x3F93]  }
0x3d: {  	_ =	shalt  }
0x3e: {  	_ =	shalt  }
0x3f: {  	_ =	shalt  }
0x40: {  	_ =	shalt  }
0x41: {  	_ =	shalt  }
0x42: {  	_ =	shalt  }
0x43: {  	_ =	shalt  }
0x44: {  	_ =	shalt  }
0x45: {  	_ =	shalt  }
0x46: {  	_ =	shalt  }
0x47: {  	_ =	shalt  }
0x48: {  	_ =	shalt  }
0x49: {  	_ =	shalt  }
0x4a: {  	_ =	shalt  }
0x4b: {  	_ =	shalt  }
0x4c: {  	_ =	shalt  }
0x4d: {  	_ =	shalt  }
0x4e: {  	_ =	shalt  }
0x4f: {  	_ =	shalt  }
0x50: {  	_ =	shalt  }
0x51: {  	_ =	shalt  }
0x52: {  	_ =	shalt  }
0x53: {  	_ =	shalt  }
0x54: {  	_ =	shalt  }
0x55: {  	_ =	shalt  }
0x56: {  	_ =	shalt  }
0x57: {  	_ =	shalt  }
0x58: {  	_ =	shalt  }
0x59: {  	_ =	shalt  }
0x5a: {  	_ =	shalt  }
0x5b: {  	_ =	shalt  }
0x5c: {  	_ =	shalt  }
0x5d: {  	_ =	shalt  }
0x5e: {  	_ =	shalt  }
0x5f: {  	_ =	shalt  }
0x60: {  	_ =	shalt  }
0x61: {  	_ =	shalt  }
0x62: {  	_ =	shalt  }
0x63: {  	_ =	shalt  }
0x64: {  	_ =	shalt  }
0x65: {  	_ =	shalt  }
0x66: {  	_ =	shalt  }
0x67: {  	_ =	shalt  }
0x68: {  	_ =	shalt  }
0x69: {  	_ =	shalt  }
0x6a: {  	_ =	shalt  }
0x6b: {  	_ =	shalt  }
0x6c: {  	_ =	shalt  }
0x6d: {  	_ =	shalt  }
0x6e: {  	_ =	shalt  }
0x6f: {  	_ =	shalt  }
0x70: {  	_ =	shalt  }
0x71: {  	_ =	shalt  }
0x72: {  	_ =	shalt  }
0x73: {  	_ =	shalt  }
0x74: {  	_ =	shalt  }
0x75: {  	_ =	shalt  }
0x76: {  	_ =	shalt  }
0x77: {  	_ =	shalt  }
0x78: {  	_ =	shalt  }
0x79: {  	_ =	shalt  }
0x7a: {  	_ =	shalt  }
0x7b: {  	_ =	shalt  }
0x7c: {  	_ =	shalt  }
0x7d: {  	_ =	shalt  }
0x7e: {  	_ =	shalt  }
0x7f: {  	_ =	shalt  }
0x80: {  	_ =	shalt  }
0x81: {  	_ =	shalt  }
0x82: {  	_ =	shalt  }
0x83: {  	_ =	shalt  }
0x84: {  	_ =	shalt  }
0x85: {  	_ =	shalt  }
0x86: {  	_ =	shalt  }
0x87: {  	_ =	shalt  }
.Lfunc_end0:
.L_simem_size_0:
called_computation.9_lowered:
.L_overlay_start_0:
0x88: {  	s2 =	sld [smem:$0x3FD9]  }
0x89: {  	s3 =	sld [smem:$0x3FFE];
	_ =	sdelay $0x1  }
0x8a: {  	s1 =	srdreg.scid  }
0x8b: {  	s0 =	sand.u32 $0x1, s1  }
0x8c: {  	s16 =	sshll.u32 s0, $0xA;
	s2 =	sadd.s32 s3, s2  }
0x8d: {  	s2 =	sadd.s32 s2, s16  }
0x8e: {  	[smem:$0x3F9F] =	sst s2  }
0x8f: {  	_ = 	snop  }
0x90: {  	(tm) =	ssettm $0x1  }
0x91: {  	s17 =	sld [smem:$0x3FFB];
	_ =	sdelay $0x3  }
0x92: {  	_ =	strace s17  }
0x93: {  	s2 =	sld [smem:$0x3FFC];
	_ =	sdelay $0x3  }
0x94: {  	_ =	strace s2  }
0x95: {  	s2 =	sld [smem:$0x3FFD];
	_ =	sdelay $0x3  }
0x96: {  	_ =	strace s2  }
0x97: {  	_ =	strace $0x8FFFFFFF  }
0x98: {  	s18 =	sld [smem:$0x3FDB];
	_ =	sdelay $0x1  }
0x99: {  	s19 =	simm.s32 $_scs_section_size  }
0x9a: {  	s4 =	simm.s32 $_size__tile_overlayer_lowered;
	s5 =	simm.s32 $_tile_overlayer_lowered  }
0x9b: {  	s22 =	simm.s32 $0x1BFF;
	s21 =	sshll.u32 s5, $0x1;
	s2 =	sadd.s32 s19, s18  }
0x9c: {  	s6 =	simm.s32 $0x0;
	s20 =	sshll.u32 s4, $0x1;
	s4 =	sadd.s32 s21, s2  }
0x9d: {  	[timem:s6], [sflag:s22] =	dma.local [hbm:s4], s20  }
0x9e: {  	_ =	swait.ge [sflag:s22], s20  }
0x9f: {  	s3 =	ssub.s32 $0x0, s20;
	[sflag:s22] =	ssyncset.done $0x0  }
0xa0: {  	[sflag:s22] =	ssyncadd.s32 s3;
	_ =	sdelay $0x1  }
0xa1: {  	s23 =	simm.s32 $0x1B8B  }
0xa2: {  	_ =	swait.ge [sflag:s23], $0x1  }
0xa3: {  	[sflag:s23] =	ssyncset.done $0x0  }
0xa4: {  	s25 =	simm.s32 $0x1B8E;
	s24 =	sld [smem:$0x3FFE];
	[sflag:s23] =	ssyncadd.s32 $0xFFFFFFFF  }
0xa5: {  	s26 =	simm.s32 $execute0_lowered;
	[smem:$0x3FD2] =	sst s25  }
0xa6: {  	s4 =	sshll.u32 s26, $0x1;
	_ =	strace $0x8000005E;
	[dreg:$0x1] =	wrdreg $0xFFFFFFFF  }
0xa7: {  	s28 =	simm.s32 $_size_execute0_lowered;
	s2 =	sadd.s32 s2, s4;
	[dreg:$0x0] =	wrdreg $0x0  }
0xa8: {  	s4 =	sshll.u32 s28, $0x1;
	[dreg:$0x2] =	wrdreg s2  }
0xa9: {  	[dreg:$0x3] =	wrdreg s4  }
0xaa: {  	[dreg:$0x4] =	wrdreg $0xC0  }
0xab: {  	_ =	task [dreg:s6], $0x5FFFF  }
0xac: {  	[dreg:$0x1] =	wrdreg $0xFFFFFFFF  }
0xad: {  	[dreg:$0x0] =	wrdreg $0x60  }
0xae: {  	[dreg:$0x2] =	wrdreg s24  }
0xaf: {  	[dreg:$0x3] =	wrdreg $0xA  }
0xb0: {  	_ =	task.clear_ibuf [dreg:s6], $0x4FFFF;
	_ =	strace $0x9000005E  }
0xb1: {  	s29 =	simm.s32 $0xA;
	_ =	strace $0x80000060  }
0xb2: {  	_ =	swait.ge [sflag:s29], $0x1  }
0xb3: {  	[sflag:s29] =	ssyncadd.s32 $0xFFFFFFFF  }
0xb4: {  	_ =	strace $0x90000060  }
0xb5: {  	_ =	sfence  }
0xb6: {  	s30 =	sld [smem:$0x0];
	_ =	sdelay $0x2  }
0xb7: {  	s31 =	sshll.u32 s1, $0xD;
	s1 =	sshrl.u32 s1, $0x2  }
0xb8: {  	s3 =	sand.u32 $0x4000, s31;
	s1 =	sadd.s32 s1, s30  }
0xb9: {  	s0 =	sor.u32 s3, s0;
	s1 =	sshll.u32 s1, $0x11  }
0xba: {  	s0 =	sor.u32 s1, s0  }
0xbb: {  	s0 =	sadd.s32 $0x8F2B, s0  }
0xbc: {  	[sflag:s0] =	ssyncadd.remote.s32 $0x1  }
0xbd: {  	_ =	sfence.sel $0xFFFF  }
0xbe: {  	[dreg:$0x0] =	wrdreg $0xFFFFFFFF;
	(pc) =	sbr.abs _section_cstart, $3  }
0xbf: {  	[dreg:$0x1] =	wrdreg $0xFFFFFFFF  }
0xc0: {  	_ =	task.clear_ibuf [dreg:s6], $0x2FFFF;
	_ =	strace $0x9FFFFFFF  }
0xc1: {  	(tm) =	ssettm $0x7FFFFFFF  }
tec
execute0_lowered:
.L_overlay_start_1:
0x0: {  	(tag) =	ssettag $0x1  }
0x1: {  	s4 =	rddreg [dreg:$0x0];
	s2 =	simm.s32 $0x0  }
0x2: {  	s11 =	simm.s32 $0x900;
	[smem:$0x7FF] =	sst s2  }
0x3: {  	s12 =	simm.s32 $0x1100;
	_ =	strace $0x8000005F;
	[dreg:$0x3] =	wrdreg s11  }
0x4: {  	s13 =	simm.s32 $0x1900;
	[dreg:$0x4] =	wrdreg s12  }
0x5: {  	s14 =	simm.s32 $0x2100;
	[dreg:$0x5] =	wrdreg s13  }
0x6: {  	s15 =	simm.s32 $0x2900;
	[dreg:$0x6] =	wrdreg s14  }
0x7: {  	s16 =	simm.s32 $0x3100;
	[dreg:$0x7] =	wrdreg s15  }
0x8: {  	s17 =	simm.s32 $0x3900;
	[dreg:$0x8] =	wrdreg s16  }
0x9: {  	s18 =	simm.s32 $0x4100;
	[dreg:$0x9] =	wrdreg s17  }
0xa: {  	s19 =	simm.s32 $0x4900;
	[dreg:$0xa] =	wrdreg s18  }
0xb: {  	s20 =	simm.s32 $0x5100;
	[dreg:$0xb] =	wrdreg s19  }
0xc: {  	s21 =	simm.s32 $0x5900;
	[dreg:$0xc] =	wrdreg s20  }
0xd: {  	s22 =	simm.s32 $0x6100;
	[dreg:$0xd] =	wrdreg s21  }
0xe: {  	s23 =	simm.s32 $0x6900;
	[dreg:$0xe] =	wrdreg s22  }
0xf: {  	s0 =	srdreg.scid;
	s24 =	simm.s32 $0x7100;
	[dreg:$0xf] =	wrdreg s23  }
0x10: {  	s10 =	stileid.u32;
	s25 =	simm.s32 $0x7900;
	[dreg:$0x10] =	wrdreg s24  }
0x11: {  	s9 =	simm.s32 $0x8100;
	s28 =	simm.s32 $0x17100;
	[dreg:$0x11] =	wrdreg s25  }
0x12: {  	s29 =	simm.s32 $0x17900;
	[dreg:$0x12] =	wrdreg s9;
	s11 =	simm.s32 $0x8900  }
0x13: {  	s30 =	simm.s32 $0x18100;
	s12 =	simm.s32 $0x9100;
	[dreg:$0x13] =	wrdreg s11  }
0x14: {  	s31 =	simm.s32 $0x18900;
	s13 =	simm.s32 $0x9900;
	[dreg:$0x14] =	wrdreg s12  }
0x15: {  	s0 =	sand.u32 $0x1, s0;
	s14 =	simm.s32 $0xA100;
	[dreg:$0x15] =	wrdreg s13  }
0x16: {  	s1 =	smul.u32 $0x2730, s10;
	s15 =	simm.s32 $0xA900;
	[dreg:$0x16] =	wrdreg s14  }
0x17: {  	s5 =	sadd.s32 $0x9400, s4;
	s16 =	simm.s32 $0xB100;
	[dreg:$0x17] =	wrdreg s15  }
0x18: {  	s6 =	sadd.s32 $0xC60400, s4;
	s18 =	simm.s32 $0xB900;
	[dreg:$0x18] =	wrdreg s16  }
0x19: {  	s26 =	sshll.u32 s10, $0x1;
	s19 =	simm.s32 $0xC100;
	[dreg:$0x19] =	wrdreg s18  }
0x1a: {  	s3 =	smul.u32 $0x1398, s0;
	s21 =	simm.s32 $0xC900;
	[dreg:$0x1a] =	wrdreg s19  }
0x1b: {  	s7 =	ssub.s32 $0x2, s0;
	s23 =	simm.s32 $0xD100;
	[dreg:$0x1b] =	wrdreg s21  }
0x1c: {  	s22 =	smul.u32 $0x9CC00, s10;
	s24 =	simm.s32 $0xD900;
	[dreg:$0x1c] =	wrdreg s23  }
0x1d: {  	s25 =	simm.s32 $0xE100;
	s10 =	simm.s32 $0x100;
	[dreg:$0x1d] =	wrdreg s24  }
0x1e: {  	s8 =	sshrl.u32 s7, $0x1;
	[dreg:$0x1e] =	wrdreg s25;
	s11 =	simm.s32 $0xF100  }
0x1f: {  	s12 =	simm.s32 $0xF900;
	s13 =	simm.s32 $0x10100;
	s14 =	simm.s32 $0x10900  }
0x20: {  	s15 =	simm.s32 $0x11100;
	s16 =	simm.s32 $0x11900;
	s18 =	simm.s32 $0x12900  }
0x21: {  	s19 =	simm.s32 $0x13100;
	s21 =	simm.s32 $0x14100;
	s23 =	simm.s32 $0x15100  }
0x22: {  	s24 =	simm.s32 $0x15900;
	s1 =	sadd.s32 s3, s1;
	s3 =	sadd.s32 $0x37AC00, s4  }
0x23: {  	s7 =	ssub.s32 s7, s8;
	s8 =	sor.u32 s0, s26;
	s0 =	smul.u32 $0x4E600, s0  }
0x24: {  	s25 =	simm.s32 $0x16100;
	s4 =	sadd.s32 $0x37AD00, s4;
	s8 =	smul.u32 $0x1398, s8  }
0x25: {  	s26 =	simm.s32 $0xE900;
	s1 =	sshrl.u32 s1, $0x3;
	s20 =	smax.u32 s7, $0x1  }
0x26: {  	[dreg:$0x1f] =	wrdreg s26;
	s26 =	simm.s32 $0x16900;
	s8 =	sadd.s32 $0x1388, s8  }
0x27: {  	s1 =	sadd.s32 s1, s5;
	[smem:$0x7FC] =	sst s20;
	s9 =	sshrl.u32 s8, $0x3  }
0x28: {  	[dreg:$0x2] =	wrdreg s1;
	s17 =	sshll.u32 s8, $0x6;
	s5 =	sadd.s32 s5, s9  }
0x29: {  	s20 =	simm.s32 $0x13900;
	[smem:$0x7FA] =	sst s5;
	s5 =	sadd.s32 s6, s17  }
0x2a: {  	v2 =	vlaneseq.u32;
	s1 =	simm.s32 $0x1;
	[smem:$0x7FB] =	sst s5;
	s5 =	sadd.s32 s22, s6  }
0x2b: {  	vm0 =	vmmov $0xffff;
	v1 =	vshrl.u32 v2, $0x3;
	s9 =	simm.s32 $0x2;
	s17 =	simm.s32 $0x12100;
	s0 =	sadd.s32 s0, s5  }
0x2c: {  	v0 =	vand.u32 $0x7, v2;
	v2 =	vor.u32 $0x8, v2;
	v1 =	vmul.u32 $0x8, v1;
	s22 =	simm.s32 $0x14900;
	s5 =	simm.s32 $0x0;
	[smem:$0x7FD] =	sst s0  }
.LBB2_1:
0x2d: {  	s8 =	sld [smem:$0x7FD];
	s7 =	simm.s32 $0x0  }
.LBB2_2:
0x2e: {  	s6 =	rddreg [dreg:$0x2]  }
0x2f: {  	s6 =	sadd.s32 s7, s6  }
0x30: {  	[tilespmem:s2], [sflag:$0x2] =	stream.linear.gather [hbm4b:s6+s2], $0xC8, $0x38;
	[tilespmem:$0x1B180] =	vst v63  }
0x31: {  	_ =	swait.ge [sflag:s9], $0xC8  }
0x32: {  	[sflag:s9] =	ssyncset.done $0x0  }
0x33: {  	[sflag:s9] =	ssyncadd.s32 $0xFFFFFF38  }
0x34: {  	v3 =	vld [tilespmem:$0x0];
	_ =	sdelay $0x4  }
0x35: {  	v4 =	vshll.u32 v3, $0x2  }
0x36: {  	v3 =	vand.u32 $0x7, v3;
	v4 =	vand.u32 $0xFFFFFFE0, v4  }
0x37: {  	v3 =	vor.u32 v3, v4  }
0x38: {  	v4 =	vperm.xlane v3, v0;
	_ =	sdelay $0x1  }
0x39: {  	v4 =	vadd.s32 v1, v4;
	_ =	sdelay $0x1  }
0x3a: {  	v3 =	vperm.xlane v3, v2;
	_ =	sdelay $0x1  }
0x3b: {  	v3 =	vadd.s32 v1, v3  }
0x3c: {  	[tilespmem:s10], [sflag:$0x1] =	stream.indirect_vreg.gather [hbm4b:s3+s2], $0x80, v4, vm0, $0xb8;
	[tilespmem:$0x1B180] =	vst v63  }
0x3d: {  	s6 =	rddreg [dreg:$0x3]  }
0x3e: {  	[tilespmem:s6], [sflag:$0x1] =	stream.indirect_vreg.gather [hbm4b:s4+s2], $0x80, v4, vm0, $0xb8;
	[tilespmem:$0x1B180] =	vst v63  }
0x3f: {  	s0 =	rddreg [dreg:$0x4]  }
0x40: {  	[tilespmem:s0], [sflag:$0x1] =	stream.indirect_vreg.gather [hbm4b:s3+s2], $0x80, v3, vm0, $0xb8;
	[tilespmem:$0x1B180] =	vst v63  }
0x41: {  	s6 =	rddreg [dreg:$0x5]  }
0x42: {  	[tilespmem:s6], [sflag:$0x1] =	stream.indirect_vreg.gather [hbm4b:s4+s2], $0x80, v3, vm0, $0xb8;
	[tilespmem:$0x1B180] =	vst v63  }
0x43: {  	v3 =	vld [tilespmem:$0x10];
	_ =	sdelay $0x4  }
0x44: {  	v52 =	vshll.u32 v3, $0x2  }
0x45: {  	v3 =	vand.u32 $0x7, v3;
	v4 =	vand.u32 $0xFFFFFFE0, v52  }
0x46: {  	v3 =	vor.u32 v3, v4  }
0x47: {  	v4 =	vperm.xlane v3, v0;
	_ =	sdelay $0x1  }
0x48: {  	v4 =	vadd.s32 v1, v4;
	_ =	sdelay $0x1  }
0x49: {  	v3 =	vperm.xlane v3, v2;
	_ =	sdelay $0x1  }
0x4a: {  	s0 =	rddreg [dreg:$0x6];
	v3 =	vadd.s32 v1, v3  }
0x4b: {  	[tilespmem:s0], [sflag:$0x1] =	stream.indirect_vreg.gather [hbm4b:s3+s2], $0x80, v4, vm0, $0xb8;
	[tilespmem:$0x1B180] =	vst v63  }
0x4c: {  	s6 =	rddreg [dreg:$0x7]  }
0x4d: {  	[tilespmem:s6], [sflag:$0x1] =	stream.indirect_vreg.gather [hbm4b:s4+s2], $0x80, v4, vm0, $0xb8;
	[tilespmem:$0x1B180] =	vst v63  }
0x4e: {  	s0 =	rddreg [dreg:$0x8]  }
0x4f: {  	[tilespmem:s0], [sflag:$0x1] =	stream.indirect_vreg.gather [hbm4b:s3+s2], $0x80, v3, vm0, $0xb8;
	[tilespmem:$0x1B180] =	vst v63  }
0x50: {  	s6 =	rddreg [dreg:$0x9]  }
0x51: {  	[tilespmem:s6], [sflag:$0x1] =	stream.indirect_vreg.gather [hbm4b:s4+s2], $0x80, v3, vm0, $0xb8;
	[tilespmem:$0x1B180] =	vst v63  }
0x52: {  	v3 =	vld [tilespmem:$0x20];
	_ =	sdelay $0x4  }
0x53: {  	v53 =	vshll.u32 v3, $0x2  }
0x54: {  	v3 =	vand.u32 $0x7, v3;
	v4 =	vand.u32 $0xFFFFFFE0, v53  }
0x55: {  	v3 =	vor.u32 v3, v4  }
0x56: {  	v4 =	vperm.xlane v3, v0;
	_ =	sdelay $0x1  }
0x57: {  	v4 =	vadd.s32 v1, v4;
	_ =	sdelay $0x1  }
0x58: {  	v3 =	vperm.xlane v3, v2;
	_ =	sdelay $0x1  }
0x59: {  	s0 =	rddreg [dreg:$0xa];
	v3 =	vadd.s32 v1, v3  }
0x5a: {  	[tilespmem:s0], [sflag:$0x1] =	stream.indirect_vreg.gather [hbm4b:s3+s2], $0x80, v4, vm0, $0xb8;
	[tilespmem:$0x1B180] =	vst v63  }
0x5b: {  	s6 =	rddreg [dreg:$0xb]  }
0x5c: {  	[tilespmem:s6], [sflag:$0x1] =	stream.indirect_vreg.gather [hbm4b:s4+s2], $0x80, v4, vm0, $0xb8;
	[tilespmem:$0x1B180] =	vst v63  }
0x5d: {  	s0 =	rddreg [dreg:$0xc]  }
0x5e: {  	[tilespmem:s0], [sflag:$0x1] =	stream.indirect_vreg.gather [hbm4b:s3+s2], $0x80, v3, vm0, $0xb8;
	[tilespmem:$0x1B180] =	vst v63  }
0x5f: {  	s6 =	rddreg [dreg:$0xd]  }
0x60: {  	[tilespmem:s6], [sflag:$0x1] =	stream.indirect_vreg.gather [hbm4b:s4+s2], $0x80, v3, vm0, $0xb8;
	[tilespmem:$0x1B180] =	vst v63  }
0x61: {  	v3 =	vld [tilespmem:$0x30];
	_ =	sdelay $0x4  }
0x62: {  	v54 =	vshll.u32 v3, $0x2  }
0x63: {  	v3 =	vand.u32 $0x7, v3;
	v4 =	vand.u32 $0xFFFFFFE0, v54  }
0x64: {  	v3 =	vor.u32 v3, v4  }
0x65: {  	v4 =	vperm.xlane v3, v0;
	_ =	sdelay $0x1  }
0x66: {  	v4 =	vadd.s32 v1, v4;
	_ =	sdelay $0x1  }
0x67: {  	v3 =	vperm.xlane v3, v2;
	_ =	sdelay $0x1  }
0x68: {  	s0 =	rddreg [dreg:$0xe];
	v3 =	vadd.s32 v1, v3  }
0x69: {  	[tilespmem:s0], [sflag:$0x1] =	stream.indirect_vreg.gather [hbm4b:s3+s2], $0x80, v4, vm0, $0xb8;
	[tilespmem:$0x1B180] =	vst v63  }
0x6a: {  	s6 =	rddreg [dreg:$0xf]  }
0x6b: {  	[tilespmem:s6], [sflag:$0x1] =	stream.indirect_vreg.gather [hbm4b:s4+s2], $0x80, v4, vm0, $0xb8;
	[tilespmem:$0x1B180] =	vst v63  }
0x6c: {  	s0 =	rddreg [dreg:$0x10]  }
0x6d: {  	[tilespmem:s0], [sflag:$0x1] =	stream.indirect_vreg.gather [hbm4b:s3+s2], $0x80, v3, vm0, $0xb8;
	[tilespmem:$0x1B180] =	vst v63  }
0x6e: {  	s6 =	rddreg [dreg:$0x11]  }
0x6f: {  	[tilespmem:s6], [sflag:$0x1] =	stream.indirect_vreg.gather [hbm4b:s4+s2], $0x80, v3, vm0, $0xb8;
	[tilespmem:$0x1B180] =	vst v63  }
0x70: {  	v3 =	vld [tilespmem:$0x40];
	_ =	sdelay $0x4  }
0x71: {  	v55 =	vshll.u32 v3, $0x2  }
0x72: {  	v3 =	vand.u32 $0x7, v3;
	v4 =	vand.u32 $0xFFFFFFE0, v55  }
0x73: {  	v3 =	vor.u32 v3, v4  }
0x74: {  	v4 =	vperm.xlane v3, v0;
	_ =	sdelay $0x1  }
0x75: {  	v4 =	vadd.s32 v1, v4;
	_ =	sdelay $0x1  }
0x76: {  	v3 =	vperm.xlane v3, v2;
	_ =	sdelay $0x1  }
0x77: {  	s0 =	rddreg [dreg:$0x12];
	v3 =	vadd.s32 v1, v3  }
0x78: {  	[tilespmem:s0], [sflag:$0x1] =	stream.indirect_vreg.gather [hbm4b:s3+s2], $0x80, v4, vm0, $0xb8;
	[tilespmem:$0x1B180] =	vst v63  }
0x79: {  	s6 =	rddreg [dreg:$0x13]  }
0x7a: {  	[tilespmem:s6], [sflag:$0x1] =	stream.indirect_vreg.gather [hbm4b:s4+s2], $0x80, v4, vm0, $0xb8;
	[tilespmem:$0x1B180] =	vst v63  }
0x7b: {  	s0 =	rddreg [dreg:$0x14]  }
0x7c: {  	[tilespmem:s0], [sflag:$0x1] =	stream.indirect_vreg.gather [hbm4b:s3+s2], $0x80, v3, vm0, $0xb8;
	[tilespmem:$0x1B180] =	vst v63  }
0x7d: {  	s6 =	rddreg [dreg:$0x15]  }
0x7e: {  	[tilespmem:s6], [sflag:$0x1] =	stream.indirect_vreg.gather [hbm4b:s4+s2], $0x80, v3, vm0, $0xb8;
	[tilespmem:$0x1B180] =	vst v63  }
0x7f: {  	v3 =	vld [tilespmem:$0x50];
	_ =	sdelay $0x4  }
0x80: {  	v56 =	vshll.u32 v3, $0x2  }
0x81: {  	v3 =	vand.u32 $0x7, v3;
	v4 =	vand.u32 $0xFFFFFFE0, v56  }
0x82: {  	v3 =	vor.u32 v3, v4  }
0x83: {  	v4 =	vperm.xlane v3, v0;
	_ =	sdelay $0x1  }
0x84: {  	v4 =	vadd.s32 v1, v4;
	_ =	sdelay $0x1  }
0x85: {  	v3 =	vperm.xlane v3, v2;
	_ =	sdelay $0x1  }
0x86: {  	s0 =	rddreg [dreg:$0x16];
	v3 =	vadd.s32 v1, v3  }
0x87: {  	[tilespmem:s0], [sflag:$0x1] =	stream.indirect_vreg.gather [hbm4b:s3+s2], $0x80, v4, vm0, $0xb8;
	[tilespmem:$0x1B180] =	vst v63  }
0x88: {  	s6 =	rddreg [dreg:$0x17]  }
0x89: {  	[tilespmem:s6], [sflag:$0x1] =	stream.indirect_vreg.gather [hbm4b:s4+s2], $0x80, v4, vm0, $0xb8;
	[tilespmem:$0x1B180] =	vst v63  }
0x8a: {  	s0 =	rddreg [dreg:$0x18]  }
0x8b: {  	[tilespmem:s0], [sflag:$0x1] =	stream.indirect_vreg.gather [hbm4b:s3+s2], $0x80, v3, vm0, $0xb8;
	[tilespmem:$0x1B180] =	vst v63  }
0x8c: {  	s6 =	rddreg [dreg:$0x19]  }
0x8d: {  	[tilespmem:s6], [sflag:$0x1] =	stream.indirect_vreg.gather [hbm4b:s4+s2], $0x80, v3, vm0, $0xb8;
	[tilespmem:$0x1B180] =	vst v63  }
0x8e: {  	v3 =	vld [tilespmem:$0x60];
	_ =	sdelay $0x4  }
0x8f: {  	v57 =	vshll.u32 v3, $0x2  }
0x90: {  	v3 =	vand.u32 $0x7, v3;
	v4 =	vand.u32 $0xFFFFFFE0, v57  }
0x91: {  	v3 =	vor.u32 v3, v4  }
0x92: {  	v4 =	vperm.xlane v3, v0;
	_ =	sdelay $0x1  }
0x93: {  	v4 =	vadd.s32 v1, v4;
	_ =	sdelay $0x1  }
0x94: {  	v3 =	vperm.xlane v3, v2;
	_ =	sdelay $0x1  }
0x95: {  	s0 =	rddreg [dreg:$0x1a];
	v3 =	vadd.s32 v1, v3  }
0x96: {  	[tilespmem:s0], [sflag:$0x1] =	stream.indirect_vreg.gather [hbm4b:s3+s2], $0x80, v4, vm0, $0xb8;
	[tilespmem:$0x1B180] =	vst v63  }
0x97: {  	s6 =	rddreg [dreg:$0x1b]  }
0x98: {  	[tilespmem:s6], [sflag:$0x1] =	stream.indirect_vreg.gather [hbm4b:s4+s2], $0x80, v4, vm0, $0xb8;
	[tilespmem:$0x1B180] =	vst v63  }
0x99: {  	s0 =	rddreg [dreg:$0x1c]  }
0x9a: {  	[tilespmem:s0], [sflag:$0x1] =	stream.indirect_vreg.gather [hbm4b:s3+s2], $0x80, v3, vm0, $0xb8;
	[tilespmem:$0x1B180] =	vst v63  }
0x9b: {  	s6 =	rddreg [dreg:$0x1d]  }
0x9c: {  	[tilespmem:s6], [sflag:$0x1] =	stream.indirect_vreg.gather [hbm4b:s4+s2], $0x80, v3, vm0, $0xb8;
	[tilespmem:$0x1B180] =	vst v63  }
0x9d: {  	v3 =	vld [tilespmem:$0x70];
	_ =	sdelay $0x4  }
0x9e: {  	v58 =	vshll.u32 v3, $0x2  }
0x9f: {  	v3 =	vand.u32 $0x7, v3;
	v4 =	vand.u32 $0xFFFFFFE0, v58  }
0xa0: {  	v3 =	vor.u32 v3, v4  }
0xa1: {  	v4 =	vperm.xlane v3, v0;
	_ =	sdelay $0x1  }
0xa2: {  	v4 =	vadd.s32 v1, v4;
	_ =	sdelay $0x1  }
0xa3: {  	v3 =	vperm.xlane v3, v2;
	_ =	sdelay $0x1  }
0xa4: {  	s0 =	rddreg [dreg:$0x1e];
	v3 =	vadd.s32 v1, v3  }
0xa5: {  	[tilespmem:s0], [sflag:$0x1] =	stream.indirect_vreg.gather [hbm4b:s3+s2], $0x80, v4, vm0, $0xb8;
	[tilespmem:$0x1B180] =	vst v63  }
0xa6: {  	s6 =	rddreg [dreg:$0x1f]  }
0xa7: {  	[tilespmem:s6], [sflag:$0x1] =	stream.indirect_vreg.gather [hbm4b:s4+s2], $0x80, v4, vm0, $0xb8;
	[tilespmem:$0x1B180] =	vst v63  }
0xa8: {  	_ = 	snop  }
0xa9: {  	[tilespmem:s11], [sflag:$0x1] =	stream.indirect_vreg.gather [hbm4b:s3+s2], $0x80, v3, vm0, $0xb8;
	[tilespmem:$0x1B180] =	vst v63  }
0xaa: {  	_ = 	snop  }
0xab: {  	[tilespmem:s12], [sflag:$0x1] =	stream.indirect_vreg.gather [hbm4b:s4+s2], $0x80, v3, vm0, $0xb8;
	[tilespmem:$0x1B180] =	vst v63  }
0xac: {  	v3 =	vld [tilespmem:$0x80];
	_ =	sdelay $0x4  }
0xad: {  	v59 =	vshll.u32 v3, $0x2  }
0xae: {  	v3 =	vand.u32 $0x7, v3;
	v4 =	vand.u32 $0xFFFFFFE0, v59  }
0xaf: {  	v3 =	vor.u32 v3, v4  }
0xb0: {  	v4 =	vperm.xlane v3, v0;
	_ =	sdelay $0x1  }
0xb1: {  	v4 =	vadd.s32 v1, v4;
	_ =	sdelay $0x1  }
0xb2: {  	v3 =	vperm.xlane v3, v2;
	_ =	sdelay $0x1  }
0xb3: {  	v3 =	vadd.s32 v1, v3  }
0xb4: {  	[tilespmem:s13], [sflag:$0x1] =	stream.indirect_vreg.gather [hbm4b:s3+s2], $0x80, v4, vm0, $0xb8;
	[tilespmem:$0x1B180] =	vst v63  }
0xb5: {  	_ = 	snop  }
0xb6: {  	[tilespmem:s14], [sflag:$0x1] =	stream.indirect_vreg.gather [hbm4b:s4+s2], $0x80, v4, vm0, $0xb8;
	[tilespmem:$0x1B180] =	vst v63  }
0xb7: {  	_ = 	snop  }
0xb8: {  	[tilespmem:s15], [sflag:$0x1] =	stream.indirect_vreg.gather [hbm4b:s3+s2], $0x80, v3, vm0, $0xb8;
	[tilespmem:$0x1B180] =	vst v63  }
0xb9: {  	_ = 	snop  }
0xba: {  	[tilespmem:s16], [sflag:$0x1] =	stream.indirect_vreg.gather [hbm4b:s4+s2], $0x80, v3, vm0, $0xb8;
	[tilespmem:$0x1B180] =	vst v63  }
0xbb: {  	v3 =	vld [tilespmem:$0x90];
	_ =	sdelay $0x4  }
0xbc: {  	v60 =	vshll.u32 v3, $0x2  }
0xbd: {  	v3 =	vand.u32 $0x7, v3;
	v4 =	vand.u32 $0xFFFFFFE0, v60  }
0xbe: {  	v3 =	vor.u32 v3, v4  }
0xbf: {  	v4 =	vperm.xlane v3, v0;
	_ =	sdelay $0x1  }
0xc0: {  	v4 =	vadd.s32 v1, v4;
	_ =	sdelay $0x1  }
0xc1: {  	v3 =	vperm.xlane v3, v2;
	_ =	sdelay $0x1  }
0xc2: {  	v3 =	vadd.s32 v1, v3  }
0xc3: {  	[tilespmem:s17], [sflag:$0x1] =	stream.indirect_vreg.gather [hbm4b:s3+s2], $0x80, v4, vm0, $0xb8;
	[tilespmem:$0x1B180] =	vst v63  }
0xc4: {  	_ = 	snop  }
0xc5: {  	[tilespmem:s18], [sflag:$0x1] =	stream.indirect_vreg.gather [hbm4b:s4+s2], $0x80, v4, vm0, $0xb8;
	[tilespmem:$0x1B180] =	vst v63  }
0xc6: {  	_ = 	snop  }
0xc7: {  	[tilespmem:s19], [sflag:$0x1] =	stream.indirect_vreg.gather [hbm4b:s3+s2], $0x80, v3, vm0, $0xb8;
	[tilespmem:$0x1B180] =	vst v63  }
0xc8: {  	_ = 	snop  }
0xc9: {  	[tilespmem:s20], [sflag:$0x1] =	stream.indirect_vreg.gather [hbm4b:s4+s2], $0x80, v3, vm0, $0xb8;
	[tilespmem:$0x1B180] =	vst v63  }
0xca: {  	v3 =	vld [tilespmem:$0xA0];
	_ =	sdelay $0x4  }
0xcb: {  	v61 =	vshll.u32 v3, $0x2  }
0xcc: {  	v3 =	vand.u32 $0x7, v3;
	v4 =	vand.u32 $0xFFFFFFE0, v61  }
0xcd: {  	v3 =	vor.u32 v3, v4  }
0xce: {  	v4 =	vperm.xlane v3, v0;
	_ =	sdelay $0x1  }
0xcf: {  	v4 =	vadd.s32 v1, v4;
	_ =	sdelay $0x1  }
0xd0: {  	v3 =	vperm.xlane v3, v2;
	_ =	sdelay $0x1  }
0xd1: {  	v3 =	vadd.s32 v1, v3  }
0xd2: {  	[tilespmem:s21], [sflag:$0x1] =	stream.indirect_vreg.gather [hbm4b:s3+s2], $0x80, v4, vm0, $0xb8;
	[tilespmem:$0x1B180] =	vst v63  }
0xd3: {  	_ = 	snop  }
0xd4: {  	[tilespmem:s22], [sflag:$0x1] =	stream.indirect_vreg.gather [hbm4b:s4+s2], $0x80, v4, vm0, $0xb8;
	[tilespmem:$0x1B180] =	vst v63  }
0xd5: {  	_ = 	snop  }
0xd6: {  	[tilespmem:s23], [sflag:$0x1] =	stream.indirect_vreg.gather [hbm4b:s3+s2], $0x80, v3, vm0, $0xb8;
	[tilespmem:$0x1B180] =	vst v63  }
0xd7: {  	_ = 	snop  }
0xd8: {  	[tilespmem:s24], [sflag:$0x1] =	stream.indirect_vreg.gather [hbm4b:s4+s2], $0x80, v3, vm0, $0xb8;
	[tilespmem:$0x1B180] =	vst v63  }
0xd9: {  	v3 =	vld [tilespmem:$0xB0];
	_ =	sdelay $0x4  }
0xda: {  	v62 =	vshll.u32 v3, $0x2  }
0xdb: {  	v3 =	vand.u32 $0x7, v3;
	v4 =	vand.u32 $0xFFFFFFE0, v62  }
0xdc: {  	v3 =	vor.u32 v3, v4  }
0xdd: {  	v4 =	vperm.xlane v3, v0;
	_ =	sdelay $0x1  }
0xde: {  	v4 =	vadd.s32 v1, v4;
	_ =	sdelay $0x1  }
0xdf: {  	v3 =	vperm.xlane v3, v2;
	_ =	sdelay $0x1  }
0xe0: {  	v3 =	vadd.s32 v1, v3  }
0xe1: {  	[tilespmem:s25], [sflag:$0x1] =	stream.indirect_vreg.gather [hbm4b:s3+s2], $0x80, v4, vm0, $0xb8;
	[tilespmem:$0x1B180] =	vst v63  }
0xe2: {  	_ = 	snop  }
0xe3: {  	[tilespmem:s26], [sflag:$0x1] =	stream.indirect_vreg.gather [hbm4b:s4+s2], $0x80, v4, vm0, $0xb8;
	[tilespmem:$0x1B180] =	vst v63  }
0xe4: {  	_ = 	snop  }
0xe5: {  	[tilespmem:s28], [sflag:$0x1] =	stream.indirect_vreg.gather [hbm4b:s3+s2], $0x80, v3, vm0, $0xb8;
	[tilespmem:$0x1B180] =	vst v63  }
0xe6: {  	_ = 	snop  }
0xe7: {  	[tilespmem:s29], [sflag:$0x1] =	stream.indirect_vreg.gather [hbm4b:s4+s2], $0x80, v3, vm0, $0xb8;
	[tilespmem:$0x1B180] =	vst v63  }
0xe8: {  	v3 =	vld.msk [tilespmem:$0xC0], $0xff;
	_ =	sdelay $0x4  }
0xe9: {  	v63 =	vshll.u32 v3, $0x2  }
0xea: {  	v3 =	vand.u32 $0x7, v3;
	v4 =	vand.u32 $0xFFFFFFE0, v63  }
0xeb: {  	v3 =	vor.u32 v3, v4  }
0xec: {  	v3 =	vperm.xlane v3, v0;
	_ =	sdelay $0x1  }
0xed: {  	v3 =	vadd.s32 v1, v3;
	_ =	sdelay $0x4  }
0xee: {  	[tilespmem:s30], [sflag:$0x1] =	stream.indirect_vreg.gather [hbm4b:s3+s2], $0x80, v3, vm0, $0xb8;
	[tilespmem:$0x1B180] =	vst v63  }
0xef: {  	_ = 	snop  }
0xf0: {  	[tilespmem:s31], [sflag:$0x1] =	stream.indirect_vreg.gather [hbm4b:s4+s2], $0x80, v3, vm0, $0xb8;
	[tilespmem:$0x1B180] =	vst v63  }
0xf1: {  	_ =	swait.ge [sflag:s1], $0x19000  }
0xf2: {  	p0 =	sne.s32 s7, $0x258;
	[sflag:s1] =	ssyncset.done $0x0  }
.Ltmp0:
0xf3: {  	[sflag:s1] =	ssyncadd.s32 $0xFFFE7000;
	(pc) =	sbr.rel @p0 .LBB2_2-.Ltmp0, $4  }
0xf4: {  	[hbm4b:s8+s2] =	stream.linear.scatter [tilespmem:s10], [sflag:$0x2], $0x19000, $0x38;
	[tilespmem:$0x1B180] =	vst v63  }
0xf5: {  	_ =	swait.ge [sflag:s9], $0x19000  }
0xf6: {  	[sflag:s9] =	ssyncset.done $0x0  }
0xf7: {  	s7 =	sadd.s32 $0x19, s7;
	s8 =	sadd.s32 $0x3200, s8;
	[sflag:s9] =	ssyncadd.s32 $0xFFFE7000  }
0xf8: {  	s0 =	sld [smem:$0x7FA];
	_ =	sdelay $0x1  }
0xf9: {  	s6 =	simm.s32 $0x19100  }
0xfa: {  	[tilespmem:s6], [sflag:$0x2] =	stream.linear.gather [hbm4b:s0+s2], $0x10, $0x38;
	[tilespmem:$0x1B180] =	vst v63  }
0xfb: {  	_ =	swait.ge [sflag:s9], $0x10  }
0xfc: {  	[sflag:s9] =	ssyncset.done $0x0  }
0xfd: {  	[sflag:s9] =	ssyncadd.s32 $0xFFFFFFF0  }
0xfe: {  	v3 =	vld [tilespmem:$0x19100];
	_ =	sdelay $0x4  }
0xff: {  	v4 =	vshll.u32 v3, $0x2  }
0x100: {  	v3 =	vand.u32 $0x7, v3;
	v4 =	vand.u32 $0xFFFFFFE0, v4  }
0x101: {  	v3 =	vor.u32 v3, v4  }
0x102: {  	v4 =	vperm.xlane v3, v0;
	_ =	sdelay $0x1  }
0x103: {  	v4 =	vadd.s32 v1, v4;
	_ =	sdelay $0x1  }
0x104: {  	v3 =	vperm.xlane v3, v2;
	_ =	sdelay $0x1  }
0x105: {  	s6 =	simm.s32 $0x19180;
	v3 =	vadd.s32 v1, v3  }
0x106: {  	[tilespmem:s6], [sflag:$0x1] =	stream.indirect_vreg.gather [hbm4b:s3+s2], $0x80, v4, vm0, $0xb8;
	[tilespmem:$0x1B180] =	vst v63  }
0x107: {  	s8 =	simm.s32 $0x19980  }
0x108: {  	[tilespmem:s8], [sflag:$0x1] =	stream.indirect_vreg.gather [hbm4b:s4+s2], $0x80, v4, vm0, $0xb8;
	[tilespmem:$0x1B180] =	vst v63  }
0x109: {  	s7 =	simm.s32 $0x1A180  }
0x10a: {  	[tilespmem:s7], [sflag:$0x1] =	stream.indirect_vreg.gather [hbm4b:s3+s2], $0x80, v3, vm0, $0xb8;
	[tilespmem:$0x1B180] =	vst v63  }
0x10b: {  	s8 =	simm.s32 $0x1A980  }
0x10c: {  	[tilespmem:s8], [sflag:$0x1] =	stream.indirect_vreg.gather [hbm4b:s4+s2], $0x80, v3, vm0, $0xb8;
	[tilespmem:$0x1B180] =	vst v63  }
0x10d: {  	_ =	swait.ge [sflag:s1], $0x2000  }
0x10e: {  	s7 =	sld [smem:$0x7FB]  }
0x10f: {  	[sflag:s1] =	ssyncset.done $0x0  }
0x110: {  	[sflag:s1] =	ssyncadd.s32 $0xFFFFE000  }
0x111: {  	[hbm4b:s7+s2] =	stream.linear.scatter [tilespmem:s6], [sflag:$0x2], $0x2000, $0x38;
	[tilespmem:$0x1B180] =	vst v63  }
0x112: {  	_ =	swait.ge [sflag:s9], $0x2000  }
0x113: {  	s8 =	sld [smem:$0x7FC];
	_ =	sdelay $0x1  }
0x114: {  	s5 =	sadd.s32 $0x1, s5  }
0x115: {  	p0 =	sne.s32 s5, s8  }
.Ltmp1:
0x116: {  	_ = 	snop;
	(pc) =	sbr.rel @p0 .LBB2_1-.Ltmp1, $3  }
0x117: {  	_ =	sdelay $0x1  }
0x118: {  	[sflag:s9] =	ssyncset.done $0x0  }
0x119: {  	[sflag:s9] =	ssyncadd.s32 $0xFFFFE000  }
0x11a: {  	_ =	sfence.sel $0x180000  }
0x11b: {  	[bflag:$0x0] =	sbarrier.arrive $0xFFFF  }
0x11c: {  	_ =	strace $0x9000005F  }
0x11d: {  	s0 =	stileid.u32;
	[bflag:$0x2] =	sbarrier.arrive $0xFFFF  }
0x11e: {  	p0 =	sne.s32 s0, $0x0;
	s0 =	rddreg [dreg:$0x1]  }
0x11f: {  	s0 =	sadd.s32 @!p0 $0x100000, s0  }
0x120: {  	[sflag:s0] =	ssyncadd.tile.s32 @!p0 $0x1;
	_ =	shalt  }
.Lfunc_end2:
_tile_overlayer_lowered:
.L_overlay_start_2:
0x121: {  	(tag) =	ssettag $0x2  }
0x122: {  	s0 =	rddreg [dreg:$0x0];
	s2 =	stileid.u32  }
0x123: {  	s1 =	rddreg [dreg:$0x1];
	p0 =	sne.s32 s2, $0x0  }
0x124: {  	s3 =	rddreg [dreg:$0x2];
	[bflag:$0x3] =	sbarrier.arrive $0xFFFF;
	s2 =	simm.s32 @!p0 $0x1C02  }
0x125: {  	[timem:s3], [sflag:s2] =	dma.local @!p0 [hbm:s0], s1  }
0x126: {  	s0 =	simm.s32 @!p0 $0x2  }
0x127: {  	_ =	swait.ge @!p0 [sflag:s0], s1  }
0x128: {  	s1 =	ssub.s32 @!p0 $0x0, s1;
	[sflag:s0] =	ssyncset.done @!p0 $0x0  }
0x129: {  	[sflag:s0] =	ssyncadd.s32 @!p0 s1  }
0x12a: {  	[bflag:$0x3] =	sbarrier.arrive $0xFFFF  }
0x12b: {  	_ =	shalt  }

</sc_bundles>
